<compile_context>
chip_gen: v7x
topology: tpu7x:2x2x1
jax: 0.10.2.dev20260603
libtpu: 0.0.44.dev20260713+nightly
codegen_flags: <defaults>
</compile_context>

<pallas_src>
import jax
import jax.numpy as jnp
from jax import lax
from jax.experimental import pallas as pl
from jax.experimental.pallas import tpu as pltpu
from jax.experimental.pallas import tpu_sc as plsc

VOCAB = 1000000
EMB = 32
IMG_F = 512
OUT = 1000
B = 4096
L = 200

NC = 2
NS = 16
NW = NC * NS
ROWS_PER_W = B // NW
R = 8
NCHUNK = ROWS_PER_W // R
CI = R * L
GW = 128
NG = CI // GW


def _cbow_body(words_lo, words_hi, table, h_out, idxa0, idxb0, idxa1, idxb1,
               rows0, rows1, hbuf, sem0, sem1):
    wid = lax.axis_index("s") * NC + lax.axis_index("c")
    base_row = wid * ROWS_PER_W
    idxa_bufs = (idxa0, idxa1)
    idxb_bufs = (idxb0, idxb1)
    rows_bufs = (rows0, rows1)
    sems = (sem0, sem1)

    def fire(c, buf):
        row0 = base_row + c * R
        pltpu.sync_copy(words_lo.at[pl.ds(row0, R), :], idxa_bufs[buf])
        pltpu.sync_copy(words_hi.at[pl.ds(row0, R), :], idxb_bufs[buf])
        for r in range(R):
            pltpu.async_copy(
                table.at[idxa_bufs[buf].at[r, pl.ds(0, GW)]],
                rows_bufs[buf].at[pl.ds(r * L, GW)],
                sems[buf],
            )
            pltpu.async_copy(
                table.at[idxb_bufs[buf].at[r, pl.ds(0, L - GW)]],
                rows_bufs[buf].at[pl.ds(r * L + GW, L - GW)],
                sems[buf],
            )

    def drain(buf):
        pltpu.make_async_copy(
            table.at[pl.ds(0, CI)], rows_bufs[buf], sems[buf]
        ).wait()

    def process(c, buf):
        rows_v = rows_bufs[buf]
        for r in range(R):
            zf = jnp.zeros((16,), jnp.float32)

            def body(i, accs):
                a0, a1, a2, a3 = accs
                row = r * L + 2 * i
                a0 = a0 + rows_v[row, 0:16]
                a1 = a1 + rows_v[row, 16:32]
                a2 = a2 + rows_v[row + 1, 0:16]
                a3 = a3 + rows_v[row + 1, 16:32]
                return (a0, a1, a2, a3)

            a0, a1, a2, a3 = lax.fori_loop(0, L // 2, body, (zf, zf, zf, zf))
            rloc = c * R + r
            hbuf[rloc, 0:16] = a0 + a2
            hbuf[rloc, 16:32] = a1 + a3

    fire(0, 0)

    def outer(cc, carry):
        c0 = 2 * cc
        fire(c0 + 1, 1)
        drain(0)
        process(c0, 0)
        fire(c0 + 2, 0)
        drain(1)
        process(c0 + 1, 1)
        return carry

    lax.fori_loop(0, NCHUNK // 2 - 1, outer, 0)
    c0 = NCHUNK - 2
    fire(c0 + 1, 1)
    drain(0)
    process(c0, 0)
    drain(1)
    process(c0 + 1, 1)

    pltpu.sync_copy(hbuf, h_out.at[pl.ds(wid * ROWS_PER_W, ROWS_PER_W)])


TBK = 32768
NTBLK = (VOCAB + TBK - 1) // TBK
VPAD = NTBLK * TBK


def _pack_body(t_ref, out_ref):
    row = lax.broadcasted_iota(jnp.int32, (EMB, 128), 0)
    col = lax.broadcasted_iota(jnp.int32, (EMB, 128), 1)
    q = TBK // 4
    acc = None
    for g in range(4):
        x = t_ref[:, q * g:q * (g + 1)]
        eg = (col == 32 * g + row).astype(jnp.float32)
        d = lax.dot_general(x, eg, (((0,), (0,)), ((), ())),
                            preferred_element_type=jnp.float32)
        acc = d if acc is None else acc + d
    out_ref[...] = acc


def _pack_table(table):
    t_t = table.T
    packed = pl.pallas_call(
        _pack_body,
        grid=(NTBLK,),
        in_specs=[pl.BlockSpec((EMB, TBK), lambda i: (0, i))],
        out_specs=pl.BlockSpec((TBK // 4, 128), lambda i: (i, 0)),
        out_shape=jax.ShapeDtypeStruct((VPAD // 4, 128), jnp.float32),
    )(t_t)
    return packed.reshape(VPAD, EMB)


def _remap_words(words):
    hi = (words >> 15) << 15
    lo = (words & 8191) << 2
    mid = (words >> 13) & 3
    return hi + lo + mid


def _cbow_sum(words, table):
    words_q = _remap_words(words)
    words_lo = words_q[:, :GW]
    words_hi = jnp.pad(words_q[:, GW:], ((0, 0), (0, 2 * GW - L)))
    mesh = plsc.VectorSubcoreMesh(core_axis_name="c", subcore_axis_name="s")
    kern = pl.kernel(
        _cbow_body,
        out_type=jax.ShapeDtypeStruct((B, 128), jnp.float32),
        mesh=mesh,
        scratch_types=[
            pltpu.VMEM((R, GW), jnp.int32),
            pltpu.VMEM((R, GW), jnp.int32),
            pltpu.VMEM((R, GW), jnp.int32),
            pltpu.VMEM((R, GW), jnp.int32),
            pltpu.VMEM((CI, EMB), jnp.float32),
            pltpu.VMEM((CI, EMB), jnp.float32),
            pltpu.VMEM((ROWS_PER_W, 128), jnp.float32),
            pltpu.SemaphoreType.DMA,
            pltpu.SemaphoreType.DMA,
        ],
        compiler_params=pltpu.CompilerParams(use_tc_tiling_on_sc=False),
    )
    return kern(words_lo, words_hi, table)


def _mlp_body(image_ref, h_ref, words_ref, t0_ref, w1_ref, b1_ref, out_ref):
    x = image_ref[...]
    cnt = jnp.sum((words_ref[...] == 0).astype(jnp.float32), axis=1,
                  keepdims=True)
    h = h_ref[:, 0:EMB] - cnt * t0_ref[0:1, :]
    wa = w1_ref[:, 0:IMG_F]
    wb = w1_ref[:, IMG_F:IMG_F + EMB]
    acc = lax.dot_general(wa, x, (((1,), (1,)), ((), ())),
                          preferred_element_type=jnp.float32)
    acc = acc + lax.dot_general(wb, h, (((1,), (1,)), ((), ())),
                                preferred_element_type=jnp.float32)
    out_ref[...] = acc + b1_ref[...][:, None]


def _mlp(image, h, words, t0, W1, b1):
    BLK = 1024
    grid = (B // BLK,)
    outT = pl.pallas_call(
        _mlp_body,
        grid=grid,
        in_specs=[
            pl.BlockSpec((BLK, IMG_F), lambda i: (i, 0)),
            pl.BlockSpec((BLK, 128), lambda i: (i, 0)),
            pl.BlockSpec((BLK, L), lambda i: (i, 0)),
            pl.BlockSpec((8, EMB), lambda i: (0, 0)),
            pl.BlockSpec((OUT, IMG_F + EMB), lambda i: (0, 0)),
            pl.BlockSpec((OUT,), lambda i: (0,)),
        ],
        out_specs=pl.BlockSpec((OUT, BLK), lambda i: (0, i)),
        out_shape=jax.ShapeDtypeStruct((OUT, B), jnp.float32),
    )(image, h, words, t0, W1, b1)
    return outT.T


@jax.jit
def kernel(words, image, table, W1, b1):
    words = words.astype(jnp.int32)
    packed = _pack_table(table)
    h = _cbow_sum(words, packed)
    return _mlp(image, h, words, packed[0:8], W1, b1)

# --- scband reference (transcript-rebuilt; emitter-appended) ---
"""Pipeline reference for scband-cbow-45054206935422 (READ-ONLY COPY).

The authoritative reference and input builder live on the scoring server;
editing this copy changes nothing except your own understanding.
"""

import jax, jax.numpy as jnp
import numpy as np

VOCAB = 1000000
EMB = 32
IMG_F = 512
OUT = 1000
B = 4096
L = 200
PAD = 0


def setup_inputs(seed: int = 0) -> dict:
    key = jax.random.key(seed)
    k1, k2, k3, k4 = jax.random.split(key, 4)
    words = jax.random.randint(k1, (B, L), 0, VOCAB)
    image = jax.random.normal(k2, (B, IMG_F), dtype=jnp.float32)
    # learned parameters
    table = jax.random.normal(k3, (VOCAB, EMB), dtype=jnp.float32) * 0.02
    W1 = jax.random.normal(k4, (OUT, IMG_F + EMB), dtype=jnp.float32) * 0.02
    b1 = jnp.zeros((OUT,), dtype=jnp.float32)
    return {"words": words, "image": image, "table": table, "W1": W1, "b1": b1}


def reference(words, image, table, W1, b1):
    # nn.Embedding with padding_idx=PAD: padding row is fixed at zero
    t = table.at[PAD].set(0.0)
    embeds = jnp.take(t, words, axis=0)           # [B, L, EMB] gather
    h = jnp.sum(embeds, axis=1)                    # CBOW sum over context window
    h = jnp.concatenate([image, h], axis=1)        # [B, IMG_F + EMB]
    # num_layers == 0 path: single linear to output_dim
    out = h @ W1.T + b1                            # [B, OUT]
    return out

if __name__ == "__main__":
    import jax
    _d = setup_inputs()
    print(jax.jit(kernel)(*tuple(_d.values())))

</pallas_src>

<mosaic_0001>
#map = affine_map<(d0, d1) -> (0, 0)>
module attributes {stable_mosaic.version = 14 : i64} {
  func.func @_cbow_body(%arg0: i32, %arg1: i32, %arg2: memref<4096x128xi32, #tpu.memory_space<hbm>>, %arg3: memref<4096x128xi32, #tpu.memory_space<hbm>>, %arg4: memref<1015808x32xf32, #tpu.memory_space<hbm>>, %arg5: memref<4096x128xf32, #tpu.memory_space<hbm>>, %arg6: memref<8x128xi32, #tpu.memory_space<vmem>>, %arg7: memref<8x128xi32, #tpu.memory_space<vmem>>, %arg8: memref<8x128xi32, #tpu.memory_space<vmem>>, %arg9: memref<8x128xi32, #tpu.memory_space<vmem>>, %arg10: memref<1600x32xf32, #tpu.memory_space<vmem>>, %arg11: memref<1600x32xf32, #tpu.memory_space<vmem>>, %arg12: memref<128x128xf32, #tpu.memory_space<vmem>>, %arg13: memref<!tpu.dma_semaphore, #tpu.memory_space<semaphore_mem>>, %arg14: memref<!tpu.dma_semaphore, #tpu.memory_space<semaphore_mem>>) attributes {dimension_semantics = [#tpu.dimension_semantics<core_parallel>, #tpu.dimension_semantics<subcore_parallel>], iteration_bounds = array<i64: 2, 16>, scalar_prefetch = 0 : i64, scratch_operands = 9 : i64, tpu.core_type = #tpu.core_type<sc_vector_subcore>, window_params = [{transform_indices = #map}, {transform_indices = #map}, {transform_indices = #map}, {transform_indices = #map}]} {
    %mul3A = arith.constant 2 : i32
    %mul3A_0 = arith.muli %arg1, %mul3A : i32
    %add3A = arith.addi %mul3A_0, %arg0 : i32
    %mul3A_1 = arith.constant 128 : i32
    %mul3A_2 = arith.muli %add3A, %mul3A_1 : i32
    %add3A_3 = arith.constant 0 : i32
    %add3A_4 = arith.addi %mul3A_2, %add3A_3 : i32
    "tpu.region"() ({
      %run_scoped3A = tpu.sem_alloc : memref<!tpu.dma_semaphore, #tpu.memory_space<semaphore_mem>>
      %dma_start3A_694 = arith.constant 0 : i32
      %dma_start3A_695 = tpu.memref_slice %arg2[%add3A_4, %dma_start3A_694] : memref<4096x128xi32, #tpu.memory_space<hbm>> -> memref<8x128xi32, #tpu.memory_space<hbm>>
      %dma_start3A_696 = arith.constant 0 : i32
      %dma_start3A_697 = tpu.memref_slice %arg2[%add3A_4, %dma_start3A_696] : memref<4096x128xi32, #tpu.memory_space<hbm>> -> memref<8x128xi32, #tpu.memory_space<hbm>>
      tpu.enqueue_dma source(%dma_start3A_697 : memref<8x128xi32, #tpu.memory_space<hbm>>) target(%arg6 : memref<8x128xi32, #tpu.memory_space<vmem>>) target_semaphore(%run_scoped3A : memref<!tpu.dma_semaphore, #tpu.memory_space<semaphore_mem>>)
      %dma_wait3A_698 = arith.constant 0 : i32
      %dma_wait3A_699 = tpu.memref_slice %arg2[%add3A_4, %dma_wait3A_698] : memref<4096x128xi32, #tpu.memory_space<hbm>> -> memref<8x128xi32, #tpu.memory_space<hbm>>
      %dma_wait3A_700 = arith.constant 0 : i32
      %dma_wait3A_701 = tpu.memref_slice %arg2[%add3A_4, %dma_wait3A_700] : memref<4096x128xi32, #tpu.memory_space<hbm>> -> memref<8x128xi32, #tpu.memory_space<hbm>>
      tpu.wait_dma2 semaphore(%run_scoped3A : memref<!tpu.dma_semaphore, #tpu.memory_space<semaphore_mem>>) src(%dma_wait3A_701 : memref<8x128xi32, #tpu.memory_space<hbm>>) dst(%arg6 : memref<8x128xi32, #tpu.memory_space<vmem>>)
      tpu.yield
    }) : () -> ()
    "tpu.region"() ({
      %run_scoped3A = tpu.sem_alloc : memref<!tpu.dma_semaphore, #tpu.memory_space<semaphore_mem>>
      %dma_start3A_694 = arith.constant 0 : i32
      %dma_start3A_695 = tpu.memref_slice %arg3[%add3A_4, %dma_start3A_694] : memref<4096x128xi32, #tpu.memory_space<hbm>> -> memref<8x128xi32, #tpu.memory_space<hbm>>
      %dma_start3A_696 = arith.constant 0 : i32
      %dma_start3A_697 = tpu.memref_slice %arg3[%add3A_4, %dma_start3A_696] : memref<4096x128xi32, #tpu.memory_space<hbm>> -> memref<8x128xi32, #tpu.memory_space<hbm>>
      tpu.enqueue_dma source(%dma_start3A_697 : memref<8x128xi32, #tpu.memory_space<hbm>>) target(%arg7 : memref<8x128xi32, #tpu.memory_space<vmem>>) target_semaphore(%run_scoped3A : memref<!tpu.dma_semaphore, #tpu.memory_space<semaphore_mem>>)
      %dma_wait3A_698 = arith.constant 0 : i32
      %dma_wait3A_699 = tpu.memref_slice %arg3[%add3A_4, %dma_wait3A_698] : memref<4096x128xi32, #tpu.memory_space<hbm>> -> memref<8x128xi32, #tpu.memory_space<hbm>>
      %dma_wait3A_700 = arith.constant 0 : i32
      %dma_wait3A_701 = tpu.memref_slice %arg3[%add3A_4, %dma_wait3A_700] : memref<4096x128xi32, #tpu.memory_space<hbm>> -> memref<8x128xi32, #tpu.memory_space<hbm>>
      tpu.wait_dma2 semaphore(%run_scoped3A : memref<!tpu.dma_semaphore, #tpu.memory_space<semaphore_mem>>) src(%dma_wait3A_701 : memref<8x128xi32, #tpu.memory_space<hbm>>) dst(%arg7 : memref<8x128xi32, #tpu.memory_space<vmem>>)
      tpu.yield
    }) : () -> ()
    %dma_start3A = arith.constant 0 : i32
    %dma_start3A_5 = arith.constant 0 : i32
    %dma_start3A_6 = arith.constant 0 : i32
    %dma_start3A_7 = tpu.memref_slice %arg10[%dma_start3A_5, %dma_start3A_6] : memref<1600x32xf32, #tpu.memory_space<vmem>> -> memref<128x32xf32, #tpu.memory_space<vmem>>
    %dma_start3A_8 = arith.constant 0 : i32
    %dma_start3A_9 = tpu.memref_slice %arg6[%dma_start3A, %dma_start3A_8] : memref<8x128xi32, #tpu.memory_space<vmem>> -> memref<1x128xi32, #tpu.memory_space<vmem>>
    %dma_start3A_10 = tpu.memref_squeeze %dma_start3A_9 : memref<1x128xi32, #tpu.memory_space<vmem>> -> memref<128xi32, #tpu.memory_space<vmem>>
    %dma_start3A_11 = arith.constant 0 : i32
    %dma_start3A_12 = arith.constant 0 : i32
    %dma_start3A_13 = tpu.memref_slice %arg4[%dma_start3A_11, %dma_start3A_12] : memref<1015808x32xf32, #tpu.memory_space<hbm>> -> memref<1015808x32xf32, #tpu.memory_space<hbm>>
    tpu.enqueue_indirect_dma source(%dma_start3A_13 : memref<1015808x32xf32, #tpu.memory_space<hbm>>) target(%dma_start3A_7 : memref<128x32xf32, #tpu.memory_space<vmem>>) offsets(%dma_start3A_10 : memref<128xi32, #tpu.memory_space<vmem>>) semaphore(%arg13 : memref<!tpu.dma_semaphore, #tpu.memory_space<semaphore_mem>>)
    %dma_start3A_14 = arith.constant 0 : i32
    %dma_start3A_15 = arith.constant 128 : i32
    %dma_start3A_16 = arith.constant 0 : i32
    %dma_start3A_17 = tpu.memref_slice %arg10[%dma_start3A_15, %dma_start3A_16] : memref<1600x32xf32, #tpu.memory_space<vmem>> -> memref<72x32xf32, #tpu.memory_space<vmem>>
    %dma_start3A_18 = arith.constant 0 : i32
    %dma_start3A_19 = tpu.memref_slice %arg7[%dma_start3A_14, %dma_start3A_18] : memref<8x128xi32, #tpu.memory_space<vmem>> -> memref<1x72xi32, #tpu.memory_space<vmem>>
    %dma_start3A_20 = tpu.memref_squeeze %dma_start3A_19 : memref<1x72xi32, #tpu.memory_space<vmem>> -> memref<72xi32, #tpu.memory_space<vmem>>
    %dma_start3A_21 = arith.constant 0 : i32
    %dma_start3A_22 = arith.constant 0 : i32
    %dma_start3A_23 = tpu.memref_slice %arg4[%dma_start3A_21, %dma_start3A_22] : memref<1015808x32xf32, #tpu.memory_space<hbm>> -> memref<1015808x32xf32, #tpu.memory_space<hbm>>
    tpu.enqueue_indirect_dma source(%dma_start3A_23 : memref<1015808x32xf32, #tpu.memory_space<hbm>>) target(%dma_start3A_17 : memref<72x32xf32, #tpu.memory_space<vmem>>) offsets(%dma_start3A_20 : memref<72xi32, #tpu.memory_space<vmem>>) semaphore(%arg13 : memref<!tpu.dma_semaphore, #tpu.memory_space<semaphore_mem>>)
    %dma_start3A_24 = arith.constant 1 : i32
    %dma_start3A_25 = arith.constant 200 : i32
    %dma_start3A_26 = arith.constant 0 : i32
    %dma_start3A_27 = tpu.memref_slice %arg10[%dma_start3A_25, %dma_start3A_26] : memref<1600x32xf32, #tpu.memory_space<vmem>> -> memref<128x32xf32, #tpu.memory_space<vmem>>
    %dma_start3A_28 = arith.constant 0 : i32
    %dma_start3A_29 = tpu.memref_slice %arg6[%dma_start3A_24, %dma_start3A_28] : memref<8x128xi32, #tpu.memory_space<vmem>> -> memref<1x128xi32, #tpu.memory_space<vmem>>
    %dma_start3A_30 = tpu.memref_squeeze %dma_start3A_29 : memref<1x128xi32, #tpu.memory_space<vmem>> -> memref<128xi32, #tpu.memory_space<vmem>>
    %dma_start3A_31 = arith.constant 0 : i32
    %dma_start3A_32 = arith.constant 0 : i32
    %dma_start3A_33 = tpu.memref_slice %arg4[%dma_start3A_31, %dma_start3A_32] : memref<1015808x32xf32, #tpu.memory_space<hbm>> -> memref<1015808x32xf32, #tpu.memory_space<hbm>>
    tpu.enqueue_indirect_dma source(%dma_start3A_33 : memref<1015808x32xf32, #tpu.memory_space<hbm>>) target(%dma_start3A_27 : memref<128x32xf32, #tpu.memory_space<vmem>>) offsets(%dma_start3A_30 : memref<128xi32, #tpu.memory_space<vmem>>) semaphore(%arg13 : memref<!tpu.dma_semaphore, #tpu.memory_space<semaphore_mem>>)
    %dma_start3A_34 = arith.constant 1 : i32
    %dma_start3A_35 = arith.constant 328 : i32
    %dma_start3A_36 = arith.constant 0 : i32
    %dma_start3A_37 = tpu.memref_slice %arg10[%dma_start3A_35, %dma_start3A_36] : memref<1600x32xf32, #tpu.memory_space<vmem>> -> memref<72x32xf32, #tpu.memory_space<vmem>>
    %dma_start3A_38 = arith.constant 0 : i32
    %dma_start3A_39 = tpu.memref_slice %arg7[%dma_start3A_34, %dma_start3A_38] : memref<8x128xi32, #tpu.memory_space<vmem>> -> memref<1x72xi32, #tpu.memory_space<vmem>>
    %dma_start3A_40 = tpu.memref_squeeze %dma_start3A_39 : memref<1x72xi32, #tpu.memory_space<vmem>> -> memref<72xi32, #tpu.memory_space<vmem>>
    %dma_start3A_41 = arith.constant 0 : i32
    %dma_start3A_42 = arith.constant 0 : i32
    %dma_start3A_43 = tpu.memref_slice %arg4[%dma_start3A_41, %dma_start3A_42] : memref<1015808x32xf32, #tpu.memory_space<hbm>> -> memref<1015808x32xf32, #tpu.memory_space<hbm>>
    tpu.enqueue_indirect_dma source(%dma_start3A_43 : memref<1015808x32xf32, #tpu.memory_space<hbm>>) target(%dma_start3A_37 : memref<72x32xf32, #tpu.memory_space<vmem>>) offsets(%dma_start3A_40 : memref<72xi32, #tpu.memory_space<vmem>>) semaphore(%arg13 : memref<!tpu.dma_semaphore, #tpu.memory_space<semaphore_mem>>)
    %dma_start3A_44 = arith.constant 2 : i32
    %dma_start3A_45 = arith.constant 400 : i32
    %dma_start3A_46 = arith.constant 0 : i32
    %dma_start3A_47 = tpu.memref_slice %arg10[%dma_start3A_45, %dma_start3A_46] : memref<1600x32xf32, #tpu.memory_space<vmem>> -> memref<128x32xf32, #tpu.memory_space<vmem>>
    %dma_start3A_48 = arith.constant 0 : i32
    %dma_start3A_49 = tpu.memref_slice %arg6[%dma_start3A_44, %dma_start3A_48] : memref<8x128xi32, #tpu.memory_space<vmem>> -> memref<1x128xi32, #tpu.memory_space<vmem>>
    %dma_start3A_50 = tpu.memref_squeeze %dma_start3A_49 : memref<1x128xi32, #tpu.memory_space<vmem>> -> memref<128xi32, #tpu.memory_space<vmem>>
    %dma_start3A_51 = arith.constant 0 : i32
    %dma_start3A_52 = arith.constant 0 : i32
    %dma_start3A_53 = tpu.memref_slice %arg4[%dma_start3A_51, %dma_start3A_52] : memref<1015808x32xf32, #tpu.memory_space<hbm>> -> memref<1015808x32xf32, #tpu.memory_space<hbm>>
    tpu.enqueue_indirect_dma source(%dma_start3A_53 : memref<1015808x32xf32, #tpu.memory_space<hbm>>) target(%dma_start3A_47 : memref<128x32xf32, #tpu.memory_space<vmem>>) offsets(%dma_start3A_50 : memref<128xi32, #tpu.memory_space<vmem>>) semaphore(%arg13 : memref<!tpu.dma_semaphore, #tpu.memory_space<semaphore_mem>>)
    %dma_start3A_54 = arith.constant 2 : i32
    %dma_start3A_55 = arith.constant 528 : i32
    %dma_start3A_56 = arith.constant 0 : i32
    %dma_start3A_57 = tpu.memref_slice %arg10[%dma_start3A_55, %dma_start3A_56] : memref<1600x32xf32, #tpu.memory_space<vmem>> -> memref<72x32xf32, #tpu.memory_space<vmem>>
    %dma_start3A_58 = arith.constant 0 : i32
    %dma_start3A_59 = tpu.memref_slice %arg7[%dma_start3A_54, %dma_start3A_58] : memref<8x128xi32, #tpu.memory_space<vmem>> -> memref<1x72xi32, #tpu.memory_space<vmem>>
    %dma_start3A_60 = tpu.memref_squeeze %dma_start3A_59 : memref<1x72xi32, #tpu.memory_space<vmem>> -> memref<72xi32, #tpu.memory_space<vmem>>
    %dma_start3A_61 = arith.constant 0 : i32
    %dma_start3A_62 = arith.constant 0 : i32
    %dma_start3A_63 = tpu.memref_slice %arg4[%dma_start3A_61, %dma_start3A_62] : memref<1015808x32xf32, #tpu.memory_space<hbm>> -> memref<1015808x32xf32, #tpu.memory_space<hbm>>
    tpu.enqueue_indirect_dma source(%dma_start3A_63 : memref<1015808x32xf32, #tpu.memory_space<hbm>>) target(%dma_start3A_57 : memref<72x32xf32, #tpu.memory_space<vmem>>) offsets(%dma_start3A_60 : memref<72xi32, #tpu.memory_space<vmem>>) semaphore(%arg13 : memref<!tpu.dma_semaphore, #tpu.memory_space<semaphore_mem>>)
    %dma_start3A_64 = arith.constant 3 : i32
    %dma_start3A_65 = arith.constant 600 : i32
    %dma_start3A_66 = arith.constant 0 : i32
    %dma_start3A_67 = tpu.memref_slice %arg10[%dma_start3A_65, %dma_start3A_66] : memref<1600x32xf32, #tpu.memory_space<vmem>> -> memref<128x32xf32, #tpu.memory_space<vmem>>
    %dma_start3A_68 = arith.constant 0 : i32
    %dma_start3A_69 = tpu.memref_slice %arg6[%dma_start3A_64, %dma_start3A_68] : memref<8x128xi32, #tpu.memory_space<vmem>> -> memref<1x128xi32, #tpu.memory_space<vmem>>
    %dma_start3A_70 = tpu.memref_squeeze %dma_start3A_69 : memref<1x128xi32, #tpu.memory_space<vmem>> -> memref<128xi32, #tpu.memory_space<vmem>>
    %dma_start3A_71 = arith.constant 0 : i32
    %dma_start3A_72 = arith.constant 0 : i32
    %dma_start3A_73 = tpu.memref_slice %arg4[%dma_start3A_71, %dma_start3A_72] : memref<1015808x32xf32, #tpu.memory_space<hbm>> -> memref<1015808x32xf32, #tpu.memory_space<hbm>>
    tpu.enqueue_indirect_dma source(%dma_start3A_73 : memref<1015808x32xf32, #tpu.memory_space<hbm>>) target(%dma_start3A_67 : memref<128x32xf32, #tpu.memory_space<vmem>>) offsets(%dma_start3A_70 : memref<128xi32, #tpu.memory_space<vmem>>) semaphore(%arg13 : memref<!tpu.dma_semaphore, #tpu.memory_space<semaphore_mem>>)
    %dma_start3A_74 = arith.constant 3 : i32
    %dma_start3A_75 = arith.constant 728 : i32
    %dma_start3A_76 = arith.constant 0 : i32
    %dma_start3A_77 = tpu.memref_slice %arg10[%dma_start3A_75, %dma_start3A_76] : memref<1600x32xf32, #tpu.memory_space<vmem>> -> memref<72x32xf32, #tpu.memory_space<vmem>>
    %dma_start3A_78 = arith.constant 0 : i32
    %dma_start3A_79 = tpu.memref_slice %arg7[%dma_start3A_74, %dma_start3A_78] : memref<8x128xi32, #tpu.memory_space<vmem>> -> memref<1x72xi32, #tpu.memory_space<vmem>>
    %dma_start3A_80 = tpu.memref_squeeze %dma_start3A_79 : memref<1x72xi32, #tpu.memory_space<vmem>> -> memref<72xi32, #tpu.memory_space<vmem>>
    %dma_start3A_81 = arith.constant 0 : i32
    %dma_start3A_82 = arith.constant 0 : i32
    %dma_start3A_83 = tpu.memref_slice %arg4[%dma_start3A_81, %dma_start3A_82] : memref<1015808x32xf32, #tpu.memory_space<hbm>> -> memref<1015808x32xf32, #tpu.memory_space<hbm>>
    tpu.enqueue_indirect_dma source(%dma_start3A_83 : memref<1015808x32xf32, #tpu.memory_space<hbm>>) target(%dma_start3A_77 : memref<72x32xf32, #tpu.memory_space<vmem>>) offsets(%dma_start3A_80 : memref<72xi32, #tpu.memory_space<vmem>>) semaphore(%arg13 : memref<!tpu.dma_semaphore, #tpu.memory_space<semaphore_mem>>)
    %dma_start3A_84 = arith.constant 4 : i32
    %dma_start3A_85 = arith.constant 800 : i32
    %dma_start3A_86 = arith.constant 0 : i32
    %dma_start3A_87 = tpu.memref_slice %arg10[%dma_start3A_85, %dma_start3A_86] : memref<1600x32xf32, #tpu.memory_space<vmem>> -> memref<128x32xf32, #tpu.memory_space<vmem>>
    %dma_start3A_88 = arith.constant 0 : i32
    %dma_start3A_89 = tpu.memref_slice %arg6[%dma_start3A_84, %dma_start3A_88] : memref<8x128xi32, #tpu.memory_space<vmem>> -> memref<1x128xi32, #tpu.memory_space<vmem>>
    %dma_start3A_90 = tpu.memref_squeeze %dma_start3A_89 : memref<1x128xi32, #tpu.memory_space<vmem>> -> memref<128xi32, #tpu.memory_space<vmem>>
    %dma_start3A_91 = arith.constant 0 : i32
    %dma_start3A_92 = arith.constant 0 : i32
    %dma_start3A_93 = tpu.memref_slice %arg4[%dma_start3A_91, %dma_start3A_92] : memref<1015808x32xf32, #tpu.memory_space<hbm>> -> memref<1015808x32xf32, #tpu.memory_space<hbm>>
    tpu.enqueue_indirect_dma source(%dma_start3A_93 : memref<1015808x32xf32, #tpu.memory_space<hbm>>) target(%dma_start3A_87 : memref<128x32xf32, #tpu.memory_space<vmem>>) offsets(%dma_start3A_90 : memref<128xi32, #tpu.memory_space<vmem>>) semaphore(%arg13 : memref<!tpu.dma_semaphore, #tpu.memory_space<semaphore_mem>>)
    %dma_start3A_94 = arith.constant 4 : i32
    %dma_start3A_95 = arith.constant 928 : i32
    %dma_start3A_96 = arith.constant 0 : i32
    %dma_start3A_97 = tpu.memref_slice %arg10[%dma_start3A_95, %dma_start3A_96] : memref<1600x32xf32, #tpu.memory_space<vmem>> -> memref<72x32xf32, #tpu.memory_space<vmem>>
    %dma_start3A_98 = arith.constant 0 : i32
    %dma_start3A_99 = tpu.memref_slice %arg7[%dma_start3A_94, %dma_start3A_98] : memref<8x128xi32, #tpu.memory_space<vmem>> -> memref<1x72xi32, #tpu.memory_space<vmem>>
    %dma_start3A_100 = tpu.memref_squeeze %dma_start3A_99 : memref<1x72xi32, #tpu.memory_space<vmem>> -> memref<72xi32, #tpu.memory_space<vmem>>
    %dma_start3A_101 = arith.constant 0 : i32
    %dma_start3A_102 = arith.constant 0 : i32
    %dma_start3A_103 = tpu.memref_slice %arg4[%dma_start3A_101, %dma_start3A_102] : memref<1015808x32xf32, #tpu.memory_space<hbm>> -> memref<1015808x32xf32, #tpu.memory_space<hbm>>
    tpu.enqueue_indirect_dma source(%dma_start3A_103 : memref<1015808x32xf32, #tpu.memory_space<hbm>>) target(%dma_start3A_97 : memref<72x32xf32, #tpu.memory_space<vmem>>) offsets(%dma_start3A_100 : memref<72xi32, #tpu.memory_space<vmem>>) semaphore(%arg13 : memref<!tpu.dma_semaphore, #tpu.memory_space<semaphore_mem>>)
    %dma_start3A_104 = arith.constant 5 : i32
    %dma_start3A_105 = arith.constant 1000 : i32
    %dma_start3A_106 = arith.constant 0 : i32
    %dma_start3A_107 = tpu.memref_slice %arg10[%dma_start3A_105, %dma_start3A_106] : memref<1600x32xf32, #tpu.memory_space<vmem>> -> memref<128x32xf32, #tpu.memory_space<vmem>>
    %dma_start3A_108 = arith.constant 0 : i32
    %dma_start3A_109 = tpu.memref_slice %arg6[%dma_start3A_104, %dma_start3A_108] : memref<8x128xi32, #tpu.memory_space<vmem>> -> memref<1x128xi32, #tpu.memory_space<vmem>>
    %dma_start3A_110 = tpu.memref_squeeze %dma_start3A_109 : memref<1x128xi32, #tpu.memory_space<vmem>> -> memref<128xi32, #tpu.memory_space<vmem>>
    %dma_start3A_111 = arith.constant 0 : i32
    %dma_start3A_112 = arith.constant 0 : i32
    %dma_start3A_113 = tpu.memref_slice %arg4[%dma_start3A_111, %dma_start3A_112] : memref<1015808x32xf32, #tpu.memory_space<hbm>> -> memref<1015808x32xf32, #tpu.memory_space<hbm>>
    tpu.enqueue_indirect_dma source(%dma_start3A_113 : memref<1015808x32xf32, #tpu.memory_space<hbm>>) target(%dma_start3A_107 : memref<128x32xf32, #tpu.memory_space<vmem>>) offsets(%dma_start3A_110 : memref<128xi32, #tpu.memory_space<vmem>>) semaphore(%arg13 : memref<!tpu.dma_semaphore, #tpu.memory_space<semaphore_mem>>)
    %dma_start3A_114 = arith.constant 5 : i32
    %dma_start3A_115 = arith.constant 1128 : i32
    %dma_start3A_116 = arith.constant 0 : i32
    %dma_start3A_117 = tpu.memref_slice %arg10[%dma_start3A_115, %dma_start3A_116] : memref<1600x32xf32, #tpu.memory_space<vmem>> -> memref<72x32xf32, #tpu.memory_space<vmem>>
    %dma_start3A_118 = arith.constant 0 : i32
    %dma_start3A_119 = tpu.memref_slice %arg7[%dma_start3A_114, %dma_start3A_118] : memref<8x128xi32, #tpu.memory_space<vmem>> -> memref<1x72xi32, #tpu.memory_space<vmem>>
    %dma_start3A_120 = tpu.memref_squeeze %dma_start3A_119 : memref<1x72xi32, #tpu.memory_space<vmem>> -> memref<72xi32, #tpu.memory_space<vmem>>
    %dma_start3A_121 = arith.constant 0 : i32
    %dma_start3A_122 = arith.constant 0 : i32
    %dma_start3A_123 = tpu.memref_slice %arg4[%dma_start3A_121, %dma_start3A_122] : memref<1015808x32xf32, #tpu.memory_space<hbm>> -> memref<1015808x32xf32, #tpu.memory_space<hbm>>
    tpu.enqueue_indirect_dma source(%dma_start3A_123 : memref<1015808x32xf32, #tpu.memory_space<hbm>>) target(%dma_start3A_117 : memref<72x32xf32, #tpu.memory_space<vmem>>) offsets(%dma_start3A_120 : memref<72xi32, #tpu.memory_space<vmem>>) semaphore(%arg13 : memref<!tpu.dma_semaphore, #tpu.memory_space<semaphore_mem>>)
    %dma_start3A_124 = arith.constant 6 : i32
    %dma_start3A_125 = arith.constant 1200 : i32
    %dma_start3A_126 = arith.constant 0 : i32
    %dma_start3A_127 = tpu.memref_slice %arg10[%dma_start3A_125, %dma_start3A_126] : memref<1600x32xf32, #tpu.memory_space<vmem>> -> memref<128x32xf32, #tpu.memory_space<vmem>>
    %dma_start3A_128 = arith.constant 0 : i32
    %dma_start3A_129 = tpu.memref_slice %arg6[%dma_start3A_124, %dma_start3A_128] : memref<8x128xi32, #tpu.memory_space<vmem>> -> memref<1x128xi32, #tpu.memory_space<vmem>>
    %dma_start3A_130 = tpu.memref_squeeze %dma_start3A_129 : memref<1x128xi32, #tpu.memory_space<vmem>> -> memref<128xi32, #tpu.memory_space<vmem>>
    %dma_start3A_131 = arith.constant 0 : i32
    %dma_start3A_132 = arith.constant 0 : i32
    %dma_start3A_133 = tpu.memref_slice %arg4[%dma_start3A_131, %dma_start3A_132] : memref<1015808x32xf32, #tpu.memory_space<hbm>> -> memref<1015808x32xf32, #tpu.memory_space<hbm>>
    tpu.enqueue_indirect_dma source(%dma_start3A_133 : memref<1015808x32xf32, #tpu.memory_space<hbm>>) target(%dma_start3A_127 : memref<128x32xf32, #tpu.memory_space<vmem>>) offsets(%dma_start3A_130 : memref<128xi32, #tpu.memory_space<vmem>>) semaphore(%arg13 : memref<!tpu.dma_semaphore, #tpu.memory_space<semaphore_mem>>)
    %dma_start3A_134 = arith.constant 6 : i32
    %dma_start3A_135 = arith.constant 1328 : i32
    %dma_start3A_136 = arith.constant 0 : i32
    %dma_start3A_137 = tpu.memref_slice %arg10[%dma_start3A_135, %dma_start3A_136] : memref<1600x32xf32, #tpu.memory_space<vmem>> -> memref<72x32xf32, #tpu.memory_space<vmem>>
    %dma_start3A_138 = arith.constant 0 : i32
    %dma_start3A_139 = tpu.memref_slice %arg7[%dma_start3A_134, %dma_start3A_138] : memref<8x128xi32, #tpu.memory_space<vmem>> -> memref<1x72xi32, #tpu.memory_space<vmem>>
    %dma_start3A_140 = tpu.memref_squeeze %dma_start3A_139 : memref<1x72xi32, #tpu.memory_space<vmem>> -> memref<72xi32, #tpu.memory_space<vmem>>
    %dma_start3A_141 = arith.constant 0 : i32
    %dma_start3A_142 = arith.constant 0 : i32
    %dma_start3A_143 = tpu.memref_slice %arg4[%dma_start3A_141, %dma_start3A_142] : memref<1015808x32xf32, #tpu.memory_space<hbm>> -> memref<1015808x32xf32, #tpu.memory_space<hbm>>
    tpu.enqueue_indirect_dma source(%dma_start3A_143 : memref<1015808x32xf32, #tpu.memory_space<hbm>>) target(%dma_start3A_137 : memref<72x32xf32, #tpu.memory_space<vmem>>) offsets(%dma_start3A_140 : memref<72xi32, #tpu.memory_space<vmem>>) semaphore(%arg13 : memref<!tpu.dma_semaphore, #tpu.memory_space<semaphore_mem>>)
    %dma_start3A_144 = arith.constant 7 : i32
    %dma_start3A_145 = arith.constant 1400 : i32
    %dma_start3A_146 = arith.constant 0 : i32
    %dma_start3A_147 = tpu.memref_slice %arg10[%dma_start3A_145, %dma_start3A_146] : memref<1600x32xf32, #tpu.memory_space<vmem>> -> memref<128x32xf32, #tpu.memory_space<vmem>>
    %dma_start3A_148 = arith.constant 0 : i32
    %dma_start3A_149 = tpu.memref_slice %arg6[%dma_start3A_144, %dma_start3A_148] : memref<8x128xi32, #tpu.memory_space<vmem>> -> memref<1x128xi32, #tpu.memory_space<vmem>>
    %dma_start3A_150 = tpu.memref_squeeze %dma_start3A_149 : memref<1x128xi32, #tpu.memory_space<vmem>> -> memref<128xi32, #tpu.memory_space<vmem>>
    %dma_start3A_151 = arith.constant 0 : i32
    %dma_start3A_152 = arith.constant 0 : i32
    %dma_start3A_153 = tpu.memref_slice %arg4[%dma_start3A_151, %dma_start3A_152] : memref<1015808x32xf32, #tpu.memory_space<hbm>> -> memref<1015808x32xf32, #tpu.memory_space<hbm>>
    tpu.enqueue_indirect_dma source(%dma_start3A_153 : memref<1015808x32xf32, #tpu.memory_space<hbm>>) target(%dma_start3A_147 : memref<128x32xf32, #tpu.memory_space<vmem>>) offsets(%dma_start3A_150 : memref<128xi32, #tpu.memory_space<vmem>>) semaphore(%arg13 : memref<!tpu.dma_semaphore, #tpu.memory_space<semaphore_mem>>)
    %dma_start3A_154 = arith.constant 7 : i32
    %dma_start3A_155 = arith.constant 1528 : i32
    %dma_start3A_156 = arith.constant 0 : i32
    %dma_start3A_157 = tpu.memref_slice %arg10[%dma_start3A_155, %dma_start3A_156] : memref<1600x32xf32, #tpu.memory_space<vmem>> -> memref<72x32xf32, #tpu.memory_space<vmem>>
    %dma_start3A_158 = arith.constant 0 : i32
    %dma_start3A_159 = tpu.memref_slice %arg7[%dma_start3A_154, %dma_start3A_158] : memref<8x128xi32, #tpu.memory_space<vmem>> -> memref<1x72xi32, #tpu.memory_space<vmem>>
    %dma_start3A_160 = tpu.memref_squeeze %dma_start3A_159 : memref<1x72xi32, #tpu.memory_space<vmem>> -> memref<72xi32, #tpu.memory_space<vmem>>
    %dma_start3A_161 = arith.constant 0 : i32
    %dma_start3A_162 = arith.constant 0 : i32
    %dma_start3A_163 = tpu.memref_slice %arg4[%dma_start3A_161, %dma_start3A_162] : memref<1015808x32xf32, #tpu.memory_space<hbm>> -> memref<1015808x32xf32, #tpu.memory_space<hbm>>
    tpu.enqueue_indirect_dma source(%dma_start3A_163 : memref<1015808x32xf32, #tpu.memory_space<hbm>>) target(%dma_start3A_157 : memref<72x32xf32, #tpu.memory_space<vmem>>) offsets(%dma_start3A_160 : memref<72xi32, #tpu.memory_space<vmem>>) semaphore(%arg13 : memref<!tpu.dma_semaphore, #tpu.memory_space<semaphore_mem>>)
    %scan3A = arith.constant 0 : i32
    %scan3A_164 = arith.constant 0 : i32
    %scan3A_165 = arith.constant 7 : i32
    %scan3A_166 = arith.addi %scan3A_164, %scan3A_165 : i32
    %scan3A_167 = arith.constant 1 : i32
    scf.for %scan3A_694 = %scan3A_164 to %scan3A_166 step %scan3A_167  : i32 {
      %mul3A_695 = arith.constant 2 : i32
      %mul3A_696 = arith.muli %mul3A_695, %scan3A_694 : i32
      %add3A_697 = arith.constant 1 : i32
      %add3A_698 = arith.addi %mul3A_696, %add3A_697 : i32
      %mul3A_699 = arith.constant 8 : i32
      %mul3A_700 = arith.muli %add3A_698, %mul3A_699 : i32
      %add3A_701 = arith.addi %mul3A_2, %mul3A_700 : i32
      "tpu.region"() ({
        %run_scoped3A = tpu.sem_alloc : memref<!tpu.dma_semaphore, #tpu.memory_space<semaphore_mem>>
        %dma_start3A_1425 = arith.constant 0 : i32
        %dma_start3A_1426 = tpu.memref_slice %arg2[%add3A_701, %dma_start3A_1425] : memref<4096x128xi32, #tpu.memory_space<hbm>> -> memref<8x128xi32, #tpu.memory_space<hbm>>
        %dma_start3A_1427 = arith.constant 0 : i32
        %dma_start3A_1428 = tpu.memref_slice %arg2[%add3A_701, %dma_start3A_1427] : memref<4096x128xi32, #tpu.memory_space<hbm>> -> memref<8x128xi32, #tpu.memory_space<hbm>>
        tpu.enqueue_dma source(%dma_start3A_1428 : memref<8x128xi32, #tpu.memory_space<hbm>>) target(%arg8 : memref<8x128xi32, #tpu.memory_space<vmem>>) target_semaphore(%run_scoped3A : memref<!tpu.dma_semaphore, #tpu.memory_space<semaphore_mem>>)
        %dma_wait3A_1429 = arith.constant 0 : i32
        %dma_wait3A_1430 = tpu.memref_slice %arg2[%add3A_701, %dma_wait3A_1429] : memref<4096x128xi32, #tpu.memory_space<hbm>> -> memref<8x128xi32, #tpu.memory_space<hbm>>
        %dma_wait3A_1431 = arith.constant 0 : i32
        %dma_wait3A_1432 = tpu.memref_slice %arg2[%add3A_701, %dma_wait3A_1431] : memref<4096x128xi32, #tpu.memory_space<hbm>> -> memref<8x128xi32, #tpu.memory_space<hbm>>
        tpu.wait_dma2 semaphore(%run_scoped3A : memref<!tpu.dma_semaphore, #tpu.memory_space<semaphore_mem>>) src(%dma_wait3A_1432 : memref<8x128xi32, #tpu.memory_space<hbm>>) dst(%arg8 : memref<8x128xi32, #tpu.memory_space<vmem>>)
        tpu.yield
      }) : () -> ()
      "tpu.region"() ({
        %run_scoped3A = tpu.sem_alloc : memref<!tpu.dma_semaphore, #tpu.memory_space<semaphore_mem>>
        %dma_start3A_1425 = arith.constant 0 : i32
        %dma_start3A_1426 = tpu.memref_slice %arg3[%add3A_701, %dma_start3A_1425] : memref<4096x128xi32, #tpu.memory_space<hbm>> -> memref<8x128xi32, #tpu.memory_space<hbm>>
        %dma_start3A_1427 = arith.constant 0 : i32
        %dma_start3A_1428 = tpu.memref_slice %arg3[%add3A_701, %dma_start3A_1427] : memref<4096x128xi32, #tpu.memory_space<hbm>> -> memref<8x128xi32, #tpu.memory_space<hbm>>
        tpu.enqueue_dma source(%dma_start3A_1428 : memref<8x128xi32, #tpu.memory_space<hbm>>) target(%arg9 : memref<8x128xi32, #tpu.memory_space<vmem>>) target_semaphore(%run_scoped3A : memref<!tpu.dma_semaphore, #tpu.memory_space<semaphore_mem>>)
        %dma_wait3A_1429 = arith.constant 0 : i32
        %dma_wait3A_1430 = tpu.memref_slice %arg3[%add3A_701, %dma_wait3A_1429] : memref<4096x128xi32, #tpu.memory_space<hbm>> -> memref<8x128xi32, #tpu.memory_space<hbm>>
        %dma_wait3A_1431 = arith.constant 0 : i32
        %dma_wait3A_1432 = tpu.memref_slice %arg3[%add3A_701, %dma_wait3A_1431] : memref<4096x128xi32, #tpu.memory_space<hbm>> -> memref<8x128xi32, #tpu.memory_space<hbm>>
        tpu.wait_dma2 semaphore(%run_scoped3A : memref<!tpu.dma_semaphore, #tpu.memory_space<semaphore_mem>>) src(%dma_wait3A_1432 : memref<8x128xi32, #tpu.memory_space<hbm>>) dst(%arg9 : memref<8x128xi32, #tpu.memory_space<vmem>>)
        tpu.yield
      }) : () -> ()
      %dma_start3A_702 = arith.constant 0 : i32
      %dma_start3A_703 = arith.constant 0 : i32
      %dma_start3A_704 = arith.constant 0 : i32
      %dma_start3A_705 = tpu.memref_slice %arg11[%dma_start3A_703, %dma_start3A_704] : memref<1600x32xf32, #tpu.memory_space<vmem>> -> memref<128x32xf32, #tpu.memory_space<vmem>>
      %dma_start3A_706 = arith.constant 0 : i32
      %dma_start3A_707 = tpu.memref_slice %arg8[%dma_start3A_702, %dma_start3A_706] : memref<8x128xi32, #tpu.memory_space<vmem>> -> memref<1x128xi32, #tpu.memory_space<vmem>>
      %dma_start3A_708 = tpu.memref_squeeze %dma_start3A_707 : memref<1x128xi32, #tpu.memory_space<vmem>> -> memref<128xi32, #tpu.memory_space<vmem>>
      %dma_start3A_709 = arith.constant 0 : i32
      %dma_start3A_710 = arith.constant 0 : i32
      %dma_start3A_711 = tpu.memref_slice %arg4[%dma_start3A_709, %dma_start3A_710] : memref<1015808x32xf32, #tpu.memory_space<hbm>> -> memref<1015808x32xf32, #tpu.memory_space<hbm>>
      tpu.enqueue_indirect_dma source(%dma_start3A_711 : memref<1015808x32xf32, #tpu.memory_space<hbm>>) target(%dma_start3A_705 : memref<128x32xf32, #tpu.memory_space<vmem>>) offsets(%dma_start3A_708 : memref<128xi32, #tpu.memory_space<vmem>>) semaphore(%arg14 : memref<!tpu.dma_semaphore, #tpu.memory_space<semaphore_mem>>)
      %dma_start3A_712 = arith.constant 0 : i32
      %dma_start3A_713 = arith.constant 128 : i32
      %dma_start3A_714 = arith.constant 0 : i32
      %dma_start3A_715 = tpu.memref_slice %arg11[%dma_start3A_713, %dma_start3A_714] : memref<1600x32xf32, #tpu.memory_space<vmem>> -> memref<72x32xf32, #tpu.memory_space<vmem>>
      %dma_start3A_716 = arith.constant 0 : i32
      %dma_start3A_717 = tpu.memref_slice %arg9[%dma_start3A_712, %dma_start3A_716] : memref<8x128xi32, #tpu.memory_space<vmem>> -> memref<1x72xi32, #tpu.memory_space<vmem>>
      %dma_start3A_718 = tpu.memref_squeeze %dma_start3A_717 : memref<1x72xi32, #tpu.memory_space<vmem>> -> memref<72xi32, #tpu.memory_space<vmem>>
      %dma_start3A_719 = arith.constant 0 : i32
      %dma_start3A_720 = arith.constant 0 : i32
      %dma_start3A_721 = tpu.memref_slice %arg4[%dma_start3A_719, %dma_start3A_720] : memref<1015808x32xf32, #tpu.memory_space<hbm>> -> memref<1015808x32xf32, #tpu.memory_space<hbm>>
      tpu.enqueue_indirect_dma source(%dma_start3A_721 : memref<1015808x32xf32, #tpu.memory_space<hbm>>) target(%dma_start3A_715 : memref<72x32xf32, #tpu.memory_space<vmem>>) offsets(%dma_start3A_718 : memref<72xi32, #tpu.memory_space<vmem>>) semaphore(%arg14 : memref<!tpu.dma_semaphore, #tpu.memory_space<semaphore_mem>>)
      %dma_start3A_722 = arith.constant 1 : i32
      %dma_start3A_723 = arith.constant 200 : i32
      %dma_start3A_724 = arith.constant 0 : i32
      %dma_start3A_725 = tpu.memref_slice %arg11[%dma_start3A_723, %dma_start3A_724] : memref<1600x32xf32, #tpu.memory_space<vmem>> -> memref<128x32xf32, #tpu.memory_space<vmem>>
      %dma_start3A_726 = arith.constant 0 : i32
      %dma_start3A_727 = tpu.memref_slice %arg8[%dma_start3A_722, %dma_start3A_726] : memref<8x128xi32, #tpu.memory_space<vmem>> -> memref<1x128xi32, #tpu.memory_space<vmem>>
      %dma_start3A_728 = tpu.memref_squeeze %dma_start3A_727 : memref<1x128xi32, #tpu.memory_space<vmem>> -> memref<128xi32, #tpu.memory_space<vmem>>
      %dma_start3A_729 = arith.constant 0 : i32
      %dma_start3A_730 = arith.constant 0 : i32
      %dma_start3A_731 = tpu.memref_slice %arg4[%dma_start3A_729, %dma_start3A_730] : memref<1015808x32xf32, #tpu.memory_space<hbm>> -> memref<1015808x32xf32, #tpu.memory_space<hbm>>
      tpu.enqueue_indirect_dma source(%dma_start3A_731 : memref<1015808x32xf32, #tpu.memory_space<hbm>>) target(%dma_start3A_725 : memref<128x32xf32, #tpu.memory_space<vmem>>) offsets(%dma_start3A_728 : memref<128xi32, #tpu.memory_space<vmem>>) semaphore(%arg14 : memref<!tpu.dma_semaphore, #tpu.memory_space<semaphore_mem>>)
      %dma_start3A_732 = arith.constant 1 : i32
      %dma_start3A_733 = arith.constant 328 : i32
      %dma_start3A_734 = arith.constant 0 : i32
      %dma_start3A_735 = tpu.memref_slice %arg11[%dma_start3A_733, %dma_start3A_734] : memref<1600x32xf32, #tpu.memory_space<vmem>> -> memref<72x32xf32, #tpu.memory_space<vmem>>
      %dma_start3A_736 = arith.constant 0 : i32
      %dma_start3A_737 = tpu.memref_slice %arg9[%dma_start3A_732, %dma_start3A_736] : memref<8x128xi32, #tpu.memory_space<vmem>> -> memref<1x72xi32, #tpu.memory_space<vmem>>
      %dma_start3A_738 = tpu.memref_squeeze %dma_start3A_737 : memref<1x72xi32, #tpu.memory_space<vmem>> -> memref<72xi32, #tpu.memory_space<vmem>>
      %dma_start3A_739 = arith.constant 0 : i32
      %dma_start3A_740 = arith.constant 0 : i32
      %dma_start3A_741 = tpu.memref_slice %arg4[%dma_start3A_739, %dma_start3A_740] : memref<1015808x32xf32, #tpu.memory_space<hbm>> -> memref<1015808x32xf32, #tpu.memory_space<hbm>>
      tpu.enqueue_indirect_dma source(%dma_start3A_741 : memref<1015808x32xf32, #tpu.memory_space<hbm>>) target(%dma_start3A_735 : memref<72x32xf32, #tpu.memory_space<vmem>>) offsets(%dma_start3A_738 : memref<72xi32, #tpu.memory_space<vmem>>) semaphore(%arg14 : memref<!tpu.dma_semaphore, #tpu.memory_space<semaphore_mem>>)
      %dma_start3A_742 = arith.constant 2 : i32
      %dma_start3A_743 = arith.constant 400 : i32
      %dma_start3A_744 = arith.constant 0 : i32
      %dma_start3A_745 = tpu.memref_slice %arg11[%dma_start3A_743, %dma_start3A_744] : memref<1600x32xf32, #tpu.memory_space<vmem>> -> memref<128x32xf32, #tpu.memory_space<vmem>>
      %dma_start3A_746 = arith.constant 0 : i32
      %dma_start3A_747 = tpu.memref_slice %arg8[%dma_start3A_742, %dma_start3A_746] : memref<8x128xi32, #tpu.memory_space<vmem>> -> memref<1x128xi32, #tpu.memory_space<vmem>>
      %dma_start3A_748 = tpu.memref_squeeze %dma_start3A_747 : memref<1x128xi32, #tpu.memory_space<vmem>> -> memref<128xi32, #tpu.memory_space<vmem>>
      %dma_start3A_749 = arith.constant 0 : i32
      %dma_start3A_750 = arith.constant 0 : i32
      %dma_start3A_751 = tpu.memref_slice %arg4[%dma_start3A_749, %dma_start3A_750] : memref<1015808x32xf32, #tpu.memory_space<hbm>> -> memref<1015808x32xf32, #tpu.memory_space<hbm>>
      tpu.enqueue_indirect_dma source(%dma_start3A_751 : memref<1015808x32xf32, #tpu.memory_space<hbm>>) target(%dma_start3A_745 : memref<128x32xf32, #tpu.memory_space<vmem>>) offsets(%dma_start3A_748 : memref<128xi32, #tpu.memory_space<vmem>>) semaphore(%arg14 : memref<!tpu.dma_semaphore, #tpu.memory_space<semaphore_mem>>)
      %dma_start3A_752 = arith.constant 2 : i32
      %dma_start3A_753 = arith.constant 528 : i32
      %dma_start3A_754 = arith.constant 0 : i32
      %dma_start3A_755 = tpu.memref_slice %arg11[%dma_start3A_753, %dma_start3A_754] : memref<1600x32xf32, #tpu.memory_space<vmem>> -> memref<72x32xf32, #tpu.memory_space<vmem>>
      %dma_start3A_756 = arith.constant 0 : i32
      %dma_start3A_757 = tpu.memref_slice %arg9[%dma_start3A_752, %dma_start3A_756] : memref<8x128xi32, #tpu.memory_space<vmem>> -> memref<1x72xi32, #tpu.memory_space<vmem>>
      %dma_start3A_758 = tpu.memref_squeeze %dma_start3A_757 : memref<1x72xi32, #tpu.memory_space<vmem>> -> memref<72xi32, #tpu.memory_space<vmem>>
      %dma_start3A_759 = arith.constant 0 : i32
      %dma_start3A_760 = arith.constant 0 : i32
      %dma_start3A_761 = tpu.memref_slice %arg4[%dma_start3A_759, %dma_start3A_760] : memref<1015808x32xf32, #tpu.memory_space<hbm>> -> memref<1015808x32xf32, #tpu.memory_space<hbm>>
      tpu.enqueue_indirect_dma source(%dma_start3A_761 : memref<1015808x32xf32, #tpu.memory_space<hbm>>) target(%dma_start3A_755 : memref<72x32xf32, #tpu.memory_space<vmem>>) offsets(%dma_start3A_758 : memref<72xi32, #tpu.memory_space<vmem>>) semaphore(%arg14 : memref<!tpu.dma_semaphore, #tpu.memory_space<semaphore_mem>>)
      %dma_start3A_762 = arith.constant 3 : i32
      %dma_start3A_763 = arith.constant 600 : i32
      %dma_start3A_764 = arith.constant 0 : i32
      %dma_start3A_765 = tpu.memref_slice %arg11[%dma_start3A_763, %dma_start3A_764] : memref<1600x32xf32, #tpu.memory_space<vmem>> -> memref<128x32xf32, #tpu.memory_space<vmem>>
      %dma_start3A_766 = arith.constant 0 : i32
      %dma_start3A_767 = tpu.memref_slice %arg8[%dma_start3A_762, %dma_start3A_766] : memref<8x128xi32, #tpu.memory_space<vmem>> -> memref<1x128xi32, #tpu.memory_space<vmem>>
      %dma_start3A_768 = tpu.memref_squeeze %dma_start3A_767 : memref<1x128xi32, #tpu.memory_space<vmem>> -> memref<128xi32, #tpu.memory_space<vmem>>
      %dma_start3A_769 = arith.constant 0 : i32
      %dma_start3A_770 = arith.constant 0 : i32
      %dma_start3A_771 = tpu.memref_slice %arg4[%dma_start3A_769, %dma_start3A_770] : memref<1015808x32xf32, #tpu.memory_space<hbm>> -> memref<1015808x32xf32, #tpu.memory_space<hbm>>
      tpu.enqueue_indirect_dma source(%dma_start3A_771 : memref<1015808x32xf32, #tpu.memory_space<hbm>>) target(%dma_start3A_765 : memref<128x32xf32, #tpu.memory_space<vmem>>) offsets(%dma_start3A_768 : memref<128xi32, #tpu.memory_space<vmem>>) semaphore(%arg14 : memref<!tpu.dma_semaphore, #tpu.memory_space<semaphore_mem>>)
      %dma_start3A_772 = arith.constant 3 : i32
      %dma_start3A_773 = arith.constant 728 : i32
      %dma_start3A_774 = arith.constant 0 : i32
      %dma_start3A_775 = tpu.memref_slice %arg11[%dma_start3A_773, %dma_start3A_774] : memref<1600x32xf32, #tpu.memory_space<vmem>> -> memref<72x32xf32, #tpu.memory_space<vmem>>
      %dma_start3A_776 = arith.constant 0 : i32
      %dma_start3A_777 = tpu.memref_slice %arg9[%dma_start3A_772, %dma_start3A_776] : memref<8x128xi32, #tpu.memory_space<vmem>> -> memref<1x72xi32, #tpu.memory_space<vmem>>
      %dma_start3A_778 = tpu.memref_squeeze %dma_start3A_777 : memref<1x72xi32, #tpu.memory_space<vmem>> -> memref<72xi32, #tpu.memory_space<vmem>>
      %dma_start3A_779 = arith.constant 0 : i32
      %dma_start3A_780 = arith.constant 0 : i32
      %dma_start3A_781 = tpu.memref_slice %arg4[%dma_start3A_779, %dma_start3A_780] : memref<1015808x32xf32, #tpu.memory_space<hbm>> -> memref<1015808x32xf32, #tpu.memory_space<hbm>>
      tpu.enqueue_indirect_dma source(%dma_start3A_781 : memref<1015808x32xf32, #tpu.memory_space<hbm>>) target(%dma_start3A_775 : memref<72x32xf32, #tpu.memory_space<vmem>>) offsets(%dma_start3A_778 : memref<72xi32, #tpu.memory_space<vmem>>) semaphore(%arg14 : memref<!tpu.dma_semaphore, #tpu.memory_space<semaphore_mem>>)
      %dma_start3A_782 = arith.constant 4 : i32
      %dma_start3A_783 = arith.constant 800 : i32
      %dma_start3A_784 = arith.constant 0 : i32
      %dma_start3A_785 = tpu.memref_slice %arg11[%dma_start3A_783, %dma_start3A_784] : memref<1600x32xf32, #tpu.memory_space<vmem>> -> memref<128x32xf32, #tpu.memory_space<vmem>>
      %dma_start3A_786 = arith.constant 0 : i32
      %dma_start3A_787 = tpu.memref_slice %arg8[%dma_start3A_782, %dma_start3A_786] : memref<8x128xi32, #tpu.memory_space<vmem>> -> memref<1x128xi32, #tpu.memory_space<vmem>>
      %dma_start3A_788 = tpu.memref_squeeze %dma_start3A_787 : memref<1x128xi32, #tpu.memory_space<vmem>> -> memref<128xi32, #tpu.memory_space<vmem>>
      %dma_start3A_789 = arith.constant 0 : i32
      %dma_start3A_790 = arith.constant 0 : i32
      %dma_start3A_791 = tpu.memref_slice %arg4[%dma_start3A_789, %dma_start3A_790] : memref<1015808x32xf32, #tpu.memory_space<hbm>> -> memref<1015808x32xf32, #tpu.memory_space<hbm>>
      tpu.enqueue_indirect_dma source(%dma_start3A_791 : memref<1015808x32xf32, #tpu.memory_space<hbm>>) target(%dma_start3A_785 : memref<128x32xf32, #tpu.memory_space<vmem>>) offsets(%dma_start3A_788 : memref<128xi32, #tpu.memory_space<vmem>>) semaphore(%arg14 : memref<!tpu.dma_semaphore, #tpu.memory_space<semaphore_mem>>)
      %dma_start3A_792 = arith.constant 4 : i32
      %dma_start3A_793 = arith.constant 928 : i32
      %dma_start3A_794 = arith.constant 0 : i32
      %dma_start3A_795 = tpu.memref_slice %arg11[%dma_start3A_793, %dma_start3A_794] : memref<1600x32xf32, #tpu.memory_space<vmem>> -> memref<72x32xf32, #tpu.memory_space<vmem>>
      %dma_start3A_796 = arith.constant 0 : i32
      %dma_start3A_797 = tpu.memref_slice %arg9[%dma_start3A_792, %dma_start3A_796] : memref<8x128xi32, #tpu.memory_space<vmem>> -> memref<1x72xi32, #tpu.memory_space<vmem>>
      %dma_start3A_798 = tpu.memref_squeeze %dma_start3A_797 : memref<1x72xi32, #tpu.memory_space<vmem>> -> memref<72xi32, #tpu.memory_space<vmem>>
      %dma_start3A_799 = arith.constant 0 : i32
      %dma_start3A_800 = arith.constant 0 : i32
      %dma_start3A_801 = tpu.memref_slice %arg4[%dma_start3A_799, %dma_start3A_800] : memref<1015808x32xf32, #tpu.memory_space<hbm>> -> memref<1015808x32xf32, #tpu.memory_space<hbm>>
      tpu.enqueue_indirect_dma source(%dma_start3A_801 : memref<1015808x32xf32, #tpu.memory_space<hbm>>) target(%dma_start3A_795 : memref<72x32xf32, #tpu.memory_space<vmem>>) offsets(%dma_start3A_798 : memref<72xi32, #tpu.memory_space<vmem>>) semaphore(%arg14 : memref<!tpu.dma_semaphore, #tpu.memory_space<semaphore_mem>>)
      %dma_start3A_802 = arith.constant 5 : i32
      %dma_start3A_803 = arith.constant 1000 : i32
      %dma_start3A_804 = arith.constant 0 : i32
      %dma_start3A_805 = tpu.memref_slice %arg11[%dma_start3A_803, %dma_start3A_804] : memref<1600x32xf32, #tpu.memory_space<vmem>> -> memref<128x32xf32, #tpu.memory_space<vmem>>
      %dma_start3A_806 = arith.constant 0 : i32
      %dma_start3A_807 = tpu.memref_slice %arg8[%dma_start3A_802, %dma_start3A_806] : memref<8x128xi32, #tpu.memory_space<vmem>> -> memref<1x128xi32, #tpu.memory_space<vmem>>
      %dma_start3A_808 = tpu.memref_squeeze %dma_start3A_807 : memref<1x128xi32, #tpu.memory_space<vmem>> -> memref<128xi32, #tpu.memory_space<vmem>>
      %dma_start3A_809 = arith.constant 0 : i32
      %dma_start3A_810 = arith.constant 0 : i32
      %dma_start3A_811 = tpu.memref_slice %arg4[%dma_start3A_809, %dma_start3A_810] : memref<1015808x32xf32, #tpu.memory_space<hbm>> -> memref<1015808x32xf32, #tpu.memory_space<hbm>>
      tpu.enqueue_indirect_dma source(%dma_start3A_811 : memref<1015808x32xf32, #tpu.memory_space<hbm>>) target(%dma_start3A_805 : memref<128x32xf32, #tpu.memory_space<vmem>>) offsets(%dma_start3A_808 : memref<128xi32, #tpu.memory_space<vmem>>) semaphore(%arg14 : memref<!tpu.dma_semaphore, #tpu.memory_space<semaphore_mem>>)
      %dma_start3A_812 = arith.constant 5 : i32
      %dma_start3A_813 = arith.constant 1128 : i32
      %dma_start3A_814 = arith.constant 0 : i32
      %dma_start3A_815 = tpu.memref_slice %arg11[%dma_start3A_813, %dma_start3A_814] : memref<1600x32xf32, #tpu.memory_space<vmem>> -> memref<72x32xf32, #tpu.memory_space<vmem>>
      %dma_start3A_816 = arith.constant 0 : i32
      %dma_start3A_817 = tpu.memref_slice %arg9[%dma_start3A_812, %dma_start3A_816] : memref<8x128xi32, #tpu.memory_space<vmem>> -> memref<1x72xi32, #tpu.memory_space<vmem>>
      %dma_start3A_818 = tpu.memref_squeeze %dma_start3A_817 : memref<1x72xi32, #tpu.memory_space<vmem>> -> memref<72xi32, #tpu.memory_space<vmem>>
      %dma_start3A_819 = arith.constant 0 : i32
      %dma_start3A_820 = arith.constant 0 : i32
      %dma_start3A_821 = tpu.memref_slice %arg4[%dma_start3A_819, %dma_start3A_820] : memref<1015808x32xf32, #tpu.memory_space<hbm>> -> memref<1015808x32xf32, #tpu.memory_space<hbm>>
      tpu.enqueue_indirect_dma source(%dma_start3A_821 : memref<1015808x32xf32, #tpu.memory_space<hbm>>) target(%dma_start3A_815 : memref<72x32xf32, #tpu.memory_space<vmem>>) offsets(%dma_start3A_818 : memref<72xi32, #tpu.memory_space<vmem>>) semaphore(%arg14 : memref<!tpu.dma_semaphore, #tpu.memory_space<semaphore_mem>>)
      %dma_start3A_822 = arith.constant 6 : i32
      %dma_start3A_823 = arith.constant 1200 : i32
      %dma_start3A_824 = arith.constant 0 : i32
      %dma_start3A_825 = tpu.memref_slice %arg11[%dma_start3A_823, %dma_start3A_824] : memref<1600x32xf32, #tpu.memory_space<vmem>> -> memref<128x32xf32, #tpu.memory_space<vmem>>
      %dma_start3A_826 = arith.constant 0 : i32
      %dma_start3A_827 = tpu.memref_slice %arg8[%dma_start3A_822, %dma_start3A_826] : memref<8x128xi32, #tpu.memory_space<vmem>> -> memref<1x128xi32, #tpu.memory_space<vmem>>
      %dma_start3A_828 = tpu.memref_squeeze %dma_start3A_827 : memref<1x128xi32, #tpu.memory_space<vmem>> -> memref<128xi32, #tpu.memory_space<vmem>>
      %dma_start3A_829 = arith.constant 0 : i32
      %dma_start3A_830 = arith.constant 0 : i32
      %dma_start3A_831 = tpu.memref_slice %arg4[%dma_start3A_829, %dma_start3A_830] : memref<1015808x32xf32, #tpu.memory_space<hbm>> -> memref<1015808x32xf32, #tpu.memory_space<hbm>>
      tpu.enqueue_indirect_dma source(%dma_start3A_831 : memref<1015808x32xf32, #tpu.memory_space<hbm>>) target(%dma_start3A_825 : memref<128x32xf32, #tpu.memory_space<vmem>>) offsets(%dma_start3A_828 : memref<128xi32, #tpu.memory_space<vmem>>) semaphore(%arg14 : memref<!tpu.dma_semaphore, #tpu.memory_space<semaphore_mem>>)
      %dma_start3A_832 = arith.constant 6 : i32
      %dma_start3A_833 = arith.constant 1328 : i32
      %dma_start3A_834 = arith.constant 0 : i32
      %dma_start3A_835 = tpu.memref_slice %arg11[%dma_start3A_833, %dma_start3A_834] : memref<1600x32xf32, #tpu.memory_space<vmem>> -> memref<72x32xf32, #tpu.memory_space<vmem>>
      %dma_start3A_836 = arith.constant 0 : i32
      %dma_start3A_837 = tpu.memref_slice %arg9[%dma_start3A_832, %dma_start3A_836] : memref<8x128xi32, #tpu.memory_space<vmem>> -> memref<1x72xi32, #tpu.memory_space<vmem>>
      %dma_start3A_838 = tpu.memref_squeeze %dma_start3A_837 : memref<1x72xi32, #tpu.memory_space<vmem>> -> memref<72xi32, #tpu.memory_space<vmem>>
      %dma_start3A_839 = arith.constant 0 : i32
      %dma_start3A_840 = arith.constant 0 : i32
      %dma_start3A_841 = tpu.memref_slice %arg4[%dma_start3A_839, %dma_start3A_840] : memref<1015808x32xf32, #tpu.memory_space<hbm>> -> memref<1015808x32xf32, #tpu.memory_space<hbm>>
      tpu.enqueue_indirect_dma source(%dma_start3A_841 : memref<1015808x32xf32, #tpu.memory_space<hbm>>) target(%dma_start3A_835 : memref<72x32xf32, #tpu.memory_space<vmem>>) offsets(%dma_start3A_838 : memref<72xi32, #tpu.memory_space<vmem>>) semaphore(%arg14 : memref<!tpu.dma_semaphore, #tpu.memory_space<semaphore_mem>>)
      %dma_start3A_842 = arith.constant 7 : i32
      %dma_start3A_843 = arith.constant 1400 : i32
      %dma_start3A_844 = arith.constant 0 : i32
      %dma_start3A_845 = tpu.memref_slice %arg11[%dma_start3A_843, %dma_start3A_844] : memref<1600x32xf32, #tpu.memory_space<vmem>> -> memref<128x32xf32, #tpu.memory_space<vmem>>
      %dma_start3A_846 = arith.constant 0 : i32
      %dma_start3A_847 = tpu.memref_slice %arg8[%dma_start3A_842, %dma_start3A_846] : memref<8x128xi32, #tpu.memory_space<vmem>> -> memref<1x128xi32, #tpu.memory_space<vmem>>
      %dma_start3A_848 = tpu.memref_squeeze %dma_start3A_847 : memref<1x128xi32, #tpu.memory_space<vmem>> -> memref<128xi32, #tpu.memory_space<vmem>>
      %dma_start3A_849 = arith.constant 0 : i32
      %dma_start3A_850 = arith.constant 0 : i32
      %dma_start3A_851 = tpu.memref_slice %arg4[%dma_start3A_849, %dma_start3A_850] : memref<1015808x32xf32, #tpu.memory_space<hbm>> -> memref<1015808x32xf32, #tpu.memory_space<hbm>>
      tpu.enqueue_indirect_dma source(%dma_start3A_851 : memref<1015808x32xf32, #tpu.memory_space<hbm>>) target(%dma_start3A_845 : memref<128x32xf32, #tpu.memory_space<vmem>>) offsets(%dma_start3A_848 : memref<128xi32, #tpu.memory_space<vmem>>) semaphore(%arg14 : memref<!tpu.dma_semaphore, #tpu.memory_space<semaphore_mem>>)
      %dma_start3A_852 = arith.constant 7 : i32
      %dma_start3A_853 = arith.constant 1528 : i32
      %dma_start3A_854 = arith.constant 0 : i32
      %dma_start3A_855 = tpu.memref_slice %arg11[%dma_start3A_853, %dma_start3A_854] : memref<1600x32xf32, #tpu.memory_space<vmem>> -> memref<72x32xf32, #tpu.memory_space<vmem>>
      %dma_start3A_856 = arith.constant 0 : i32
      %dma_start3A_857 = tpu.memref_slice %arg9[%dma_start3A_852, %dma_start3A_856] : memref<8x128xi32, #tpu.memory_space<vmem>> -> memref<1x72xi32, #tpu.memory_space<vmem>>
      %dma_start3A_858 = tpu.memref_squeeze %dma_start3A_857 : memref<1x72xi32, #tpu.memory_space<vmem>> -> memref<72xi32, #tpu.memory_space<vmem>>
      %dma_start3A_859 = arith.constant 0 : i32
      %dma_start3A_860 = arith.constant 0 : i32
      %dma_start3A_861 = tpu.memref_slice %arg4[%dma_start3A_859, %dma_start3A_860] : memref<1015808x32xf32, #tpu.memory_space<hbm>> -> memref<1015808x32xf32, #tpu.memory_space<hbm>>
      tpu.enqueue_indirect_dma source(%dma_start3A_861 : memref<1015808x32xf32, #tpu.memory_space<hbm>>) target(%dma_start3A_855 : memref<72x32xf32, #tpu.memory_space<vmem>>) offsets(%dma_start3A_858 : memref<72xi32, #tpu.memory_space<vmem>>) semaphore(%arg14 : memref<!tpu.dma_semaphore, #tpu.memory_space<semaphore_mem>>)
      %dma_wait3A_862 = arith.constant 0 : i32
      %dma_wait3A_863 = arith.constant 0 : i32
      %dma_wait3A_864 = tpu.memref_slice %arg4[%dma_wait3A_862, %dma_wait3A_863] : memref<1015808x32xf32, #tpu.memory_space<hbm>> -> memref<1600x32xf32, #tpu.memory_space<hbm>>
      %dma_wait3A_865 = arith.constant 0 : i32
      %dma_wait3A_866 = arith.constant 0 : i32
      %dma_wait3A_867 = tpu.memref_slice %arg4[%dma_wait3A_865, %dma_wait3A_866] : memref<1015808x32xf32, #tpu.memory_space<hbm>> -> memref<1600x32xf32, #tpu.memory_space<hbm>>
      tpu.wait_dma2 semaphore(%arg13 : memref<!tpu.dma_semaphore, #tpu.memory_space<semaphore_mem>>) src(%dma_wait3A_867 : memref<1600x32xf32, #tpu.memory_space<hbm>>) dst(%arg10 : memref<1600x32xf32, #tpu.memory_space<vmem>>)
      %broadcast_in_dim3A_868 = arith.constant 0.000000e+00 : f32
      %broadcast_in_dim3A_869 = vector.broadcast %broadcast_in_dim3A_868 : f32 to vector<16xf32>
      %scan3A_870 = arith.constant 0 : i32
      %scan3A_871 = arith.constant 100 : i32
      %scan3A_872 = arith.addi %scan3A_870, %scan3A_871 : i32
      %scan3A_873 = arith.constant 1 : i32
      %scan3A_874:4 = scf.for %scan3A_1425 = %scan3A_870 to %scan3A_872 step %scan3A_873 iter_args(%scan3A_1426 = %broadcast_in_dim3A_869, %scan3A_1427 = %broadcast_in_dim3A_869, %scan3A_1428 = %broadcast_in_dim3A_869, %scan3A_1429 = %broadcast_in_dim3A_869) -> (vector<16xf32>, vector<16xf32>, vector<16xf32>, vector<16xf32>)  : i32 {
        %mul3A_1430 = arith.constant 2 : i32
        %mul3A_1431 = arith.muli %mul3A_1430, %scan3A_1425 : i32
        %add3A_1432 = arith.constant 0 : i32
        %add3A_1433 = arith.addi %add3A_1432, %mul3A_1431 : i32
        %get3A = arith.index_cast %add3A_1433 : i32 to index
        %get3A_1434 = arith.constant 0 : index
        %get3A_1435 = tpu.vector_load %arg10[%get3A, %get3A_1434] {strides = array<i32>} : memref<1600x32xf32, #tpu.memory_space<vmem>>, vector<1x16xf32>,
        %get3A_1436 = vector.shape_cast %get3A_1435 : vector<1x16xf32> to vector<16xf32>
        %add3A_1437 = arith.addf %scan3A_1426, %get3A_1436 : vector<16xf32>
        %get3A_1438 = arith.index_cast %add3A_1433 : i32 to index
        %get3A_1439 = arith.constant 16 : index
        %get3A_1440 = tpu.vector_load %arg10[%get3A_1438, %get3A_1439] {strides = array<i32>} : memref<1600x32xf32, #tpu.memory_space<vmem>>, vector<1x16xf32>,
        %get3A_1441 = vector.shape_cast %get3A_1440 : vector<1x16xf32> to vector<16xf32>
        %add3A_1442 = arith.addf %scan3A_1427, %get3A_1441 : vector<16xf32>
        %add3A_1443 = arith.constant 1 : i32
        %add3A_1444 = arith.addi %add3A_1433, %add3A_1443 : i32
        %get3A_1445 = arith.index_cast %add3A_1444 : i32 to index
        %get3A_1446 = arith.constant 0 : index
        %get3A_1447 = tpu.vector_load %arg10[%get3A_1445, %get3A_1446] {strides = array<i32>} : memref<1600x32xf32, #tpu.memory_space<vmem>>, vector<1x16xf32>,
        %get3A_1448 = vector.shape_cast %get3A_1447 : vector<1x16xf32> to vector<16xf32>
        %add3A_1449 = arith.addf %scan3A_1428, %get3A_1448 : vector<16xf32>
        %add3A_1450 = arith.constant 1 : i32
        %add3A_1451 = arith.addi %add3A_1433, %add3A_1450 : i32
        %get3A_1452 = arith.index_cast %add3A_1451 : i32 to index
        %get3A_1453 = arith.constant 16 : index
        %get3A_1454 = tpu.vector_load %arg10[%get3A_1452, %get3A_1453] {strides = array<i32>} : memref<1600x32xf32, #tpu.memory_space<vmem>>, vector<1x16xf32>,
        %get3A_1455 = vector.shape_cast %get3A_1454 : vector<1x16xf32> to vector<16xf32>
        %add3A_1456 = arith.addf %scan3A_1429, %get3A_1455 : vector<16xf32>
        scf.yield %add3A_1437, %add3A_1442, %add3A_1449, %add3A_1456 : vector<16xf32>, vector<16xf32>, vector<16xf32>, vector<16xf32>
      }
      %scan3A_875 = arith.constant 100 : i32
      %mul3A_876 = arith.constant 8 : i32
      %mul3A_877 = arith.muli %mul3A_696, %mul3A_876 : i32
      %add3A_878 = arith.constant 0 : i32
      %add3A_879 = arith.addi %mul3A_877, %add3A_878 : i32
      %add3A_880 = arith.addf %scan3A_874#0, %scan3A_874#2 : vector<16xf32>
      %swap3A_881 = arith.index_cast %add3A_879 : i32 to index
      %swap3A_882 = arith.constant 0 : index
      %swap3A_883 = tpu.vector_load %arg12[%swap3A_881, %swap3A_882] {strides = array<i32>} : memref<128x128xf32, #tpu.memory_space<vmem>>, vector<1x16xf32>,
      %swap3A_884 = vector.shape_cast %swap3A_883 : vector<1x16xf32> to vector<16xf32>
      %swap3A_885 = vector.shape_cast %add3A_880 : vector<16xf32> to vector<1x16xf32>
      tpu.vector_store %arg12[%swap3A_881, %swap3A_882], %swap3A_885 {strides = array<i32>} : memref<128x128xf32, #tpu.memory_space<vmem>>, vector<1x16xf32>,
      %add3A_886 = arith.addf %scan3A_874#1, %scan3A_874#3 : vector<16xf32>
      %swap3A_887 = arith.index_cast %add3A_879 : i32 to index
      %swap3A_888 = arith.constant 16 : index
      %swap3A_889 = tpu.vector_load %arg12[%swap3A_887, %swap3A_888] {strides = array<i32>} : memref<128x128xf32, #tpu.memory_space<vmem>>, vector<1x16xf32>,
      %swap3A_890 = vector.shape_cast %swap3A_889 : vector<1x16xf32> to vector<16xf32>
      %swap3A_891 = vector.shape_cast %add3A_886 : vector<16xf32> to vector<1x16xf32>
      tpu.vector_store %arg12[%swap3A_887, %swap3A_888], %swap3A_891 {strides = array<i32>} : memref<128x128xf32, #tpu.memory_space<vmem>>, vector<1x16xf32>,
      %broadcast_in_dim3A_892 = arith.constant 0.000000e+00 : f32
      %broadcast_in_dim3A_893 = vector.broadcast %broadcast_in_dim3A_892 : f32 to vector<16xf32>
      %scan3A_894 = arith.constant 0 : i32
      %scan3A_895 = arith.constant 100 : i32
      %scan3A_896 = arith.addi %scan3A_894, %scan3A_895 : i32
      %scan3A_897 = arith.constant 1 : i32
      %scan3A_898:4 = scf.for %scan3A_1425 = %scan3A_894 to %scan3A_896 step %scan3A_897 iter_args(%scan3A_1426 = %broadcast_in_dim3A_893, %scan3A_1427 = %broadcast_in_dim3A_893, %scan3A_1428 = %broadcast_in_dim3A_893, %scan3A_1429 = %broadcast_in_dim3A_893) -> (vector<16xf32>, vector<16xf32>, vector<16xf32>, vector<16xf32>)  : i32 {
        %mul3A_1430 = arith.constant 2 : i32
        %mul3A_1431 = arith.muli %mul3A_1430, %scan3A_1425 : i32
        %add3A_1432 = arith.constant 200 : i32
        %add3A_1433 = arith.addi %add3A_1432, %mul3A_1431 : i32
        %get3A = arith.index_cast %add3A_1433 : i32 to index
        %get3A_1434 = arith.constant 0 : index
        %get3A_1435 = tpu.vector_load %arg10[%get3A, %get3A_1434] {strides = array<i32>} : memref<1600x32xf32, #tpu.memory_space<vmem>>, vector<1x16xf32>,
        %get3A_1436 = vector.shape_cast %get3A_1435 : vector<1x16xf32> to vector<16xf32>
        %add3A_1437 = arith.addf %scan3A_1426, %get3A_1436 : vector<16xf32>
        %get3A_1438 = arith.index_cast %add3A_1433 : i32 to index
        %get3A_1439 = arith.constant 16 : index
        %get3A_1440 = tpu.vector_load %arg10[%get3A_1438, %get3A_1439] {strides = array<i32>} : memref<1600x32xf32, #tpu.memory_space<vmem>>, vector<1x16xf32>,
        %get3A_1441 = vector.shape_cast %get3A_1440 : vector<1x16xf32> to vector<16xf32>
        %add3A_1442 = arith.addf %scan3A_1427, %get3A_1441 : vector<16xf32>
        %add3A_1443 = arith.constant 1 : i32
        %add3A_1444 = arith.addi %add3A_1433, %add3A_1443 : i32
        %get3A_1445 = arith.index_cast %add3A_1444 : i32 to index
        %get3A_1446 = arith.constant 0 : index
        %get3A_1447 = tpu.vector_load %arg10[%get3A_1445, %get3A_1446] {strides = array<i32>} : memref<1600x32xf32, #tpu.memory_space<vmem>>, vector<1x16xf32>,
        %get3A_1448 = vector.shape_cast %get3A_1447 : vector<1x16xf32> to vector<16xf32>
        %add3A_1449 = arith.addf %scan3A_1428, %get3A_1448 : vector<16xf32>
        %add3A_1450 = arith.constant 1 : i32
        %add3A_1451 = arith.addi %add3A_1433, %add3A_1450 : i32
        %get3A_1452 = arith.index_cast %add3A_1451 : i32 to index
        %get3A_1453 = arith.constant 16 : index
        %get3A_1454 = tpu.vector_load %arg10[%get3A_1452, %get3A_1453] {strides = array<i32>} : memref<1600x32xf32, #tpu.memory_space<vmem>>, vector<1x16xf32>,
        %get3A_1455 = vector.shape_cast %get3A_1454 : vector<1x16xf32> to vector<16xf32>
        %add3A_1456 = arith.addf %scan3A_1429, %get3A_1455 : vector<16xf32>
        scf.yield %add3A_1437, %add3A_1442, %add3A_1449, %add3A_1456 : vector<16xf32>, vector<16xf32>, vector<16xf32>, vector<16xf32>
      }
      %scan3A_899 = arith.constant 100 : i32
      %mul3A_900 = arith.constant 8 : i32
      %mul3A_901 = arith.muli %mul3A_696, %mul3A_900 : i32
      %add3A_902 = arith.constant 1 : i32
      %add3A_903 = arith.addi %mul3A_901, %add3A_902 : i32
      %add3A_904 = arith.addf %scan3A_898#0, %scan3A_898#2 : vector<16xf32>
      %swap3A_905 = arith.index_cast %add3A_903 : i32 to index
      %swap3A_906 = arith.constant 0 : index
      %swap3A_907 = tpu.vector_load %arg12[%swap3A_905, %swap3A_906] {strides = array<i32>} : memref<128x128xf32, #tpu.memory_space<vmem>>, vector<1x16xf32>,
      %swap3A_908 = vector.shape_cast %swap3A_907 : vector<1x16xf32> to vector<16xf32>
      %swap3A_909 = vector.shape_cast %add3A_904 : vector<16xf32> to vector<1x16xf32>
      tpu.vector_store %arg12[%swap3A_905, %swap3A_906], %swap3A_909 {strides = array<i32>} : memref<128x128xf32, #tpu.memory_space<vmem>>, vector<1x16xf32>,
      %add3A_910 = arith.addf %scan3A_898#1, %scan3A_898#3 : vector<16xf32>
      %swap3A_911 = arith.index_cast %add3A_903 : i32 to index
      %swap3A_912 = arith.constant 16 : index
      %swap3A_913 = tpu.vector_load %arg12[%swap3A_911, %swap3A_912] {strides = array<i32>} : memref<128x128xf32, #tpu.memory_space<vmem>>, vector<1x16xf32>,
      %swap3A_914 = vector.shape_cast %swap3A_913 : vector<1x16xf32> to vector<16xf32>
      %swap3A_915 = vector.shape_cast %add3A_910 : vector<16xf32> to vector<1x16xf32>
      tpu.vector_store %arg12[%swap3A_911, %swap3A_912], %swap3A_915 {strides = array<i32>} : memref<128x128xf32, #tpu.memory_space<vmem>>, vector<1x16xf32>,
      %broadcast_in_dim3A_916 = arith.constant 0.000000e+00 : f32
      %broadcast_in_dim3A_917 = vector.broadcast %broadcast_in_dim3A_916 : f32 to vector<16xf32>
      %scan3A_918 = arith.constant 0 : i32
      %scan3A_919 = arith.constant 100 : i32
      %scan3A_920 = arith.addi %scan3A_918, %scan3A_919 : i32
      %scan3A_921 = arith.constant 1 : i32
      %scan3A_922:4 = scf.for %scan3A_1425 = %scan3A_918 to %scan3A_920 step %scan3A_921 iter_args(%scan3A_1426 = %broadcast_in_dim3A_917, %scan3A_1427 = %broadcast_in_dim3A_917, %scan3A_1428 = %broadcast_in_dim3A_917, %scan3A_1429 = %broadcast_in_dim3A_917) -> (vector<16xf32>, vector<16xf32>, vector<16xf32>, vector<16xf32>)  : i32 {
        %mul3A_1430 = arith.constant 2 : i32
        %mul3A_1431 = arith.muli %mul3A_1430, %scan3A_1425 : i32
        %add3A_1432 = arith.constant 400 : i32
        %add3A_1433 = arith.addi %add3A_1432, %mul3A_1431 : i32
        %get3A = arith.index_cast %add3A_1433 : i32 to index
        %get3A_1434 = arith.constant 0 : index
        %get3A_1435 = tpu.vector_load %arg10[%get3A, %get3A_1434] {strides = array<i32>} : memref<1600x32xf32, #tpu.memory_space<vmem>>, vector<1x16xf32>,
        %get3A_1436 = vector.shape_cast %get3A_1435 : vector<1x16xf32> to vector<16xf32>
        %add3A_1437 = arith.addf %scan3A_1426, %get3A_1436 : vector<16xf32>
        %get3A_1438 = arith.index_cast %add3A_1433 : i32 to index
        %get3A_1439 = arith.constant 16 : index
        %get3A_1440 = tpu.vector_load %arg10[%get3A_1438, %get3A_1439] {strides = array<i32>} : memref<1600x32xf32, #tpu.memory_space<vmem>>, vector<1x16xf32>,
        %get3A_1441 = vector.shape_cast %get3A_1440 : vector<1x16xf32> to vector<16xf32>
        %add3A_1442 = arith.addf %scan3A_1427, %get3A_1441 : vector<16xf32>
        %add3A_1443 = arith.constant 1 : i32
        %add3A_1444 = arith.addi %add3A_1433, %add3A_1443 : i32
        %get3A_1445 = arith.index_cast %add3A_1444 : i32 to index
        %get3A_1446 = arith.constant 0 : index
        %get3A_1447 = tpu.vector_load %arg10[%get3A_1445, %get3A_1446] {strides = array<i32>} : memref<1600x32xf32, #tpu.memory_space<vmem>>, vector<1x16xf32>,
        %get3A_1448 = vector.shape_cast %get3A_1447 : vector<1x16xf32> to vector<16xf32>
        %add3A_1449 = arith.addf %scan3A_1428, %get3A_1448 : vector<16xf32>
        %add3A_1450 = arith.constant 1 : i32
        %add3A_1451 = arith.addi %add3A_1433, %add3A_1450 : i32
        %get3A_1452 = arith.index_cast %add3A_1451 : i32 to index
        %get3A_1453 = arith.constant 16 : index
        %get3A_1454 = tpu.vector_load %arg10[%get3A_1452, %get3A_1453] {strides = array<i32>} : memref<1600x32xf32, #tpu.memory_space<vmem>>, vector<1x16xf32>,
        %get3A_1455 = vector.shape_cast %get3A_1454 : vector<1x16xf32> to vector<16xf32>
        %add3A_1456 = arith.addf %scan3A_1429, %get3A_1455 : vector<16xf32>
        scf.yield %add3A_1437, %add3A_1442, %add3A_1449, %add3A_1456 : vector<16xf32>, vector<16xf32>, vector<16xf32>, vector<16xf32>
      }
      %scan3A_923 = arith.constant 100 : i32
      %mul3A_924 = arith.constant 8 : i32
      %mul3A_925 = arith.muli %mul3A_696, %mul3A_924 : i32
      %add3A_926 = arith.constant 2 : i32
      %add3A_927 = arith.addi %mul3A_925, %add3A_926 : i32
      %add3A_928 = arith.addf %scan3A_922#0, %scan3A_922#2 : vector<16xf32>
      %swap3A_929 = arith.index_cast %add3A_927 : i32 to index
      %swap3A_930 = arith.constant 0 : index
      %swap3A_931 = tpu.vector_load %arg12[%swap3A_929, %swap3A_930] {strides = array<i32>} : memref<128x128xf32, #tpu.memory_space<vmem>>, vector<1x16xf32>,
      %swap3A_932 = vector.shape_cast %swap3A_931 : vector<1x16xf32> to vector<16xf32>
      %swap3A_933 = vector.shape_cast %add3A_928 : vector<16xf32> to vector<1x16xf32>
      tpu.vector_store %arg12[%swap3A_929, %swap3A_930], %swap3A_933 {strides = array<i32>} : memref<128x128xf32, #tpu.memory_space<vmem>>, vector<1x16xf32>,
      %add3A_934 = arith.addf %scan3A_922#1, %scan3A_922#3 : vector<16xf32>
      %swap3A_935 = arith.index_cast %add3A_927 : i32 to index
      %swap3A_936 = arith.constant 16 : index
      %swap3A_937 = tpu.vector_load %arg12[%swap3A_935, %swap3A_936] {strides = array<i32>} : memref<128x128xf32, #tpu.memory_space<vmem>>, vector<1x16xf32>,
      %swap3A_938 = vector.shape_cast %swap3A_937 : vector<1x16xf32> to vector<16xf32>
      %swap3A_939 = vector.shape_cast %add3A_934 : vector<16xf32> to vector<1x16xf32>
      tpu.vector_store %arg12[%swap3A_935, %swap3A_936], %swap3A_939 {strides = array<i32>} : memref<128x128xf32, #tpu.memory_space<vmem>>, vector<1x16xf32>,
      %broadcast_in_dim3A_940 = arith.constant 0.000000e+00 : f32
      %broadcast_in_dim3A_941 = vector.broadcast %broadcast_in_dim3A_940 : f32 to vector<16xf32>
      %scan3A_942 = arith.constant 0 : i32
      %scan3A_943 = arith.constant 100 : i32
      %scan3A_944 = arith.addi %scan3A_942, %scan3A_943 : i32
      %scan3A_945 = arith.constant 1 : i32
      %scan3A_946:4 = scf.for %scan3A_1425 = %scan3A_942 to %scan3A_944 step %scan3A_945 iter_args(%scan3A_1426 = %broadcast_in_dim3A_941, %scan3A_1427 = %broadcast_in_dim3A_941, %scan3A_1428 = %broadcast_in_dim3A_941, %scan3A_1429 = %broadcast_in_dim3A_941) -> (vector<16xf32>, vector<16xf32>, vector<16xf32>, vector<16xf32>)  : i32 {
        %mul3A_1430 = arith.constant 2 : i32
        %mul3A_1431 = arith.muli %mul3A_1430, %scan3A_1425 : i32
        %add3A_1432 = arith.constant 600 : i32
        %add3A_1433 = arith.addi %add3A_1432, %mul3A_1431 : i32
        %get3A = arith.index_cast %add3A_1433 : i32 to index
        %get3A_1434 = arith.constant 0 : index
        %get3A_1435 = tpu.vector_load %arg10[%get3A, %get3A_1434] {strides = array<i32>} : memref<1600x32xf32, #tpu.memory_space<vmem>>, vector<1x16xf32>,
        %get3A_1436 = vector.shape_cast %get3A_1435 : vector<1x16xf32> to vector<16xf32>
        %add3A_1437 = arith.addf %scan3A_1426, %get3A_1436 : vector<16xf32>
        %get3A_1438 = arith.index_cast %add3A_1433 : i32 to index
        %get3A_1439 = arith.constant 16 : index
        %get3A_1440 = tpu.vector_load %arg10[%get3A_1438, %get3A_1439] {strides = array<i32>} : memref<1600x32xf32, #tpu.memory_space<vmem>>, vector<1x16xf32>,
        %get3A_1441 = vector.shape_cast %get3A_1440 : vector<1x16xf32> to vector<16xf32>
        %add3A_1442 = arith.addf %scan3A_1427, %get3A_1441 : vector<16xf32>
        %add3A_1443 = arith.constant 1 : i32
        %add3A_1444 = arith.addi %add3A_1433, %add3A_1443 : i32
        %get3A_1445 = arith.index_cast %add3A_1444 : i32 to index
        %get3A_1446 = arith.constant 0 : index
        %get3A_1447 = tpu.vector_load %arg10[%get3A_1445, %get3A_1446] {strides = array<i32>} : memref<1600x32xf32, #tpu.memory_space<vmem>>, vector<1x16xf32>,
        %get3A_1448 = vector.shape_cast %get3A_1447 : vector<1x16xf32> to vector<16xf32>
        %add3A_1449 = arith.addf %scan3A_1428, %get3A_1448 : vector<16xf32>
        %add3A_1450 = arith.constant 1 : i32
        %add3A_1451 = arith.addi %add3A_1433, %add3A_1450 : i32
        %get3A_1452 = arith.index_cast %add3A_1451 : i32 to index
        %get3A_1453 = arith.constant 16 : index
        %get3A_1454 = tpu.vector_load %arg10[%get3A_1452, %get3A_1453] {strides = array<i32>} : memref<1600x32xf32, #tpu.memory_space<vmem>>, vector<1x16xf32>,
        %get3A_1455 = vector.shape_cast %get3A_1454 : vector<1x16xf32> to vector<16xf32>
        %add3A_1456 = arith.addf %scan3A_1429, %get3A_1455 : vector<16xf32>
        scf.yield %add3A_1437, %add3A_1442, %add3A_1449, %add3A_1456 : vector<16xf32>, vector<16xf32>, vector<16xf32>, vector<16xf32>
      }
      %scan3A_947 = arith.constant 100 : i32
      %mul3A_948 = arith.constant 8 : i32
      %mul3A_949 = arith.muli %mul3A_696, %mul3A_948 : i32
      %add3A_950 = arith.constant 3 : i32
      %add3A_951 = arith.addi %mul3A_949, %add3A_950 : i32
      %add3A_952 = arith.addf %scan3A_946#0, %scan3A_946#2 : vector<16xf32>
      %swap3A_953 = arith.index_cast %add3A_951 : i32 to index
      %swap3A_954 = arith.constant 0 : index
      %swap3A_955 = tpu.vector_load %arg12[%swap3A_953, %swap3A_954] {strides = array<i32>} : memref<128x128xf32, #tpu.memory_space<vmem>>, vector<1x16xf32>,
      %swap3A_956 = vector.shape_cast %swap3A_955 : vector<1x16xf32> to vector<16xf32>
      %swap3A_957 = vector.shape_cast %add3A_952 : vector<16xf32> to vector<1x16xf32>
      tpu.vector_store %arg12[%swap3A_953, %swap3A_954], %swap3A_957 {strides = array<i32>} : memref<128x128xf32, #tpu.memory_space<vmem>>, vector<1x16xf32>,
      %add3A_958 = arith.addf %scan3A_946#1, %scan3A_946#3 : vector<16xf32>
      %swap3A_959 = arith.index_cast %add3A_951 : i32 to index
      %swap3A_960 = arith.constant 16 : index
      %swap3A_961 = tpu.vector_load %arg12[%swap3A_959, %swap3A_960] {strides = array<i32>} : memref<128x128xf32, #tpu.memory_space<vmem>>, vector<1x16xf32>,
      %swap3A_962 = vector.shape_cast %swap3A_961 : vector<1x16xf32> to vector<16xf32>
      %swap3A_963 = vector.shape_cast %add3A_958 : vector<16xf32> to vector<1x16xf32>
      tpu.vector_store %arg12[%swap3A_959, %swap3A_960], %swap3A_963 {strides = array<i32>} : memref<128x128xf32, #tpu.memory_space<vmem>>, vector<1x16xf32>,
      %broadcast_in_dim3A_964 = arith.constant 0.000000e+00 : f32
      %broadcast_in_dim3A_965 = vector.broadcast %broadcast_in_dim3A_964 : f32 to vector<16xf32>
      %scan3A_966 = arith.constant 0 : i32
      %scan3A_967 = arith.constant 100 : i32
      %scan3A_968 = arith.addi %scan3A_966, %scan3A_967 : i32
      %scan3A_969 = arith.constant 1 : i32
      %scan3A_970:4 = scf.for %scan3A_1425 = %scan3A_966 to %scan3A_968 step %scan3A_969 iter_args(%scan3A_1426 = %broadcast_in_dim3A_965, %scan3A_1427 = %broadcast_in_dim3A_965, %scan3A_1428 = %broadcast_in_dim3A_965, %scan3A_1429 = %broadcast_in_dim3A_965) -> (vector<16xf32>, vector<16xf32>, vector<16xf32>, vector<16xf32>)  : i32 {
        %mul3A_1430 = arith.constant 2 : i32
        %mul3A_1431 = arith.muli %mul3A_1430, %scan3A_1425 : i32
        %add3A_1432 = arith.constant 800 : i32
        %add3A_1433 = arith.addi %add3A_1432, %mul3A_1431 : i32
        %get3A = arith.index_cast %add3A_1433 : i32 to index
        %get3A_1434 = arith.constant 0 : index
        %get3A_1435 = tpu.vector_load %arg10[%get3A, %get3A_1434] {strides = array<i32>} : memref<1600x32xf32, #tpu.memory_space<vmem>>, vector<1x16xf32>,
        %get3A_1436 = vector.shape_cast %get3A_1435 : vector<1x16xf32> to vector<16xf32>
        %add3A_1437 = arith.addf %scan3A_1426, %get3A_1436 : vector<16xf32>
        %get3A_1438 = arith.index_cast %add3A_1433 : i32 to index
        %get3A_1439 = arith.constant 16 : index
        %get3A_1440 = tpu.vector_load %arg10[%get3A_1438, %get3A_1439] {strides = array<i32>} : memref<1600x32xf32, #tpu.memory_space<vmem>>, vector<1x16xf32>,
        %get3A_1441 = vector.shape_cast %get3A_1440 : vector<1x16xf32> to vector<16xf32>
        %add3A_1442 = arith.addf %scan3A_1427, %get3A_1441 : vector<16xf32>
        %add3A_1443 = arith.constant 1 : i32
        %add3A_1444 = arith.addi %add3A_1433, %add3A_1443 : i32
        %get3A_1445 = arith.index_cast %add3A_1444 : i32 to index
        %get3A_1446 = arith.constant 0 : index
        %get3A_1447 = tpu.vector_load %arg10[%get3A_1445, %get3A_1446] {strides = array<i32>} : memref<1600x32xf32, #tpu.memory_space<vmem>>, vector<1x16xf32>,
        %get3A_1448 = vector.shape_cast %get3A_1447 : vector<1x16xf32> to vector<16xf32>
        %add3A_1449 = arith.addf %scan3A_1428, %get3A_1448 : vector<16xf32>
        %add3A_1450 = arith.constant 1 : i32
        %add3A_1451 = arith.addi %add3A_1433, %add3A_1450 : i32
        %get3A_1452 = arith.index_cast %add3A_1451 : i32 to index
        %get3A_1453 = arith.constant 16 : index
        %get3A_1454 = tpu.vector_load %arg10[%get3A_1452, %get3A_1453] {strides = array<i32>} : memref<1600x32xf32, #tpu.memory_space<vmem>>, vector<1x16xf32>,
        %get3A_1455 = vector.shape_cast %get3A_1454 : vector<1x16xf32> to vector<16xf32>
        %add3A_1456 = arith.addf %scan3A_1429, %get3A_1455 : vector<16xf32>
        scf.yield %add3A_1437, %add3A_1442, %add3A_1449, %add3A_1456 : vector<16xf32>, vector<16xf32>, vector<16xf32>, vector<16xf32>
      }
      %scan3A_971 = arith.constant 100 : i32
      %mul3A_972 = arith.constant 8 : i32
      %mul3A_973 = arith.muli %mul3A_696, %mul3A_972 : i32
      %add3A_974 = arith.constant 4 : i32
      %add3A_975 = arith.addi %mul3A_973, %add3A_974 : i32
      %add3A_976 = arith.addf %scan3A_970#0, %scan3A_970#2 : vector<16xf32>
      %swap3A_977 = arith.index_cast %add3A_975 : i32 to index
      %swap3A_978 = arith.constant 0 : index
      %swap3A_979 = tpu.vector_load %arg12[%swap3A_977, %swap3A_978] {strides = array<i32>} : memref<128x128xf32, #tpu.memory_space<vmem>>, vector<1x16xf32>,
      %swap3A_980 = vector.shape_cast %swap3A_979 : vector<1x16xf32> to vector<16xf32>
      %swap3A_981 = vector.shape_cast %add3A_976 : vector<16xf32> to vector<1x16xf32>
      tpu.vector_store %arg12[%swap3A_977, %swap3A_978], %swap3A_981 {strides = array<i32>} : memref<128x128xf32, #tpu.memory_space<vmem>>, vector<1x16xf32>,
      %add3A_982 = arith.addf %scan3A_970#1, %scan3A_970#3 : vector<16xf32>
      %swap3A_983 = arith.index_cast %add3A_975 : i32 to index
      %swap3A_984 = arith.constant 16 : index
      %swap3A_985 = tpu.vector_load %arg12[%swap3A_983, %swap3A_984] {strides = array<i32>} : memref<128x128xf32, #tpu.memory_space<vmem>>, vector<1x16xf32>,
      %swap3A_986 = vector.shape_cast %swap3A_985 : vector<1x16xf32> to vector<16xf32>
      %swap3A_987 = vector.shape_cast %add3A_982 : vector<16xf32> to vector<1x16xf32>
      tpu.vector_store %arg12[%swap3A_983, %swap3A_984], %swap3A_987 {strides = array<i32>} : memref<128x128xf32, #tpu.memory_space<vmem>>, vector<1x16xf32>,
      %broadcast_in_dim3A_988 = arith.constant 0.000000e+00 : f32
      %broadcast_in_dim3A_989 = vector.broadcast %broadcast_in_dim3A_988 : f32 to vector<16xf32>
      %scan3A_990 = arith.constant 0 : i32
      %scan3A_991 = arith.constant 100 : i32
      %scan3A_992 = arith.addi %scan3A_990, %scan3A_991 : i32
      %scan3A_993 = arith.constant 1 : i32
      %scan3A_994:4 = scf.for %scan3A_1425 = %scan3A_990 to %scan3A_992 step %scan3A_993 iter_args(%scan3A_1426 = %broadcast_in_dim3A_989, %scan3A_1427 = %broadcast_in_dim3A_989, %scan3A_1428 = %broadcast_in_dim3A_989, %scan3A_1429 = %broadcast_in_dim3A_989) -> (vector<16xf32>, vector<16xf32>, vector<16xf32>, vector<16xf32>)  : i32 {
        %mul3A_1430 = arith.constant 2 : i32
        %mul3A_1431 = arith.muli %mul3A_1430, %scan3A_1425 : i32
        %add3A_1432 = arith.constant 1000 : i32
        %add3A_1433 = arith.addi %add3A_1432, %mul3A_1431 : i32
        %get3A = arith.index_cast %add3A_1433 : i32 to index
        %get3A_1434 = arith.constant 0 : index
        %get3A_1435 = tpu.vector_load %arg10[%get3A, %get3A_1434] {strides = array<i32>} : memref<1600x32xf32, #tpu.memory_space<vmem>>, vector<1x16xf32>,
        %get3A_1436 = vector.shape_cast %get3A_1435 : vector<1x16xf32> to vector<16xf32>
        %add3A_1437 = arith.addf %scan3A_1426, %get3A_1436 : vector<16xf32>
        %get3A_1438 = arith.index_cast %add3A_1433 : i32 to index
        %get3A_1439 = arith.constant 16 : index
        %get3A_1440 = tpu.vector_load %arg10[%get3A_1438, %get3A_1439] {strides = array<i32>} : memref<1600x32xf32, #tpu.memory_space<vmem>>, vector<1x16xf32>,
        %get3A_1441 = vector.shape_cast %get3A_1440 : vector<1x16xf32> to vector<16xf32>
        %add3A_1442 = arith.addf %scan3A_1427, %get3A_1441 : vector<16xf32>
        %add3A_1443 = arith.constant 1 : i32
        %add3A_1444 = arith.addi %add3A_1433, %add3A_1443 : i32
        %get3A_1445 = arith.index_cast %add3A_1444 : i32 to index
        %get3A_1446 = arith.constant 0 : index
        %get3A_1447 = tpu.vector_load %arg10[%get3A_1445, %get3A_1446] {strides = array<i32>} : memref<1600x32xf32, #tpu.memory_space<vmem>>, vector<1x16xf32>,
        %get3A_1448 = vector.shape_cast %get3A_1447 : vector<1x16xf32> to vector<16xf32>
        %add3A_1449 = arith.addf %scan3A_1428, %get3A_1448 : vector<16xf32>
        %add3A_1450 = arith.constant 1 : i32
        %add3A_1451 = arith.addi %add3A_1433, %add3A_1450 : i32
        %get3A_1452 = arith.index_cast %add3A_1451 : i32 to index
        %get3A_1453 = arith.constant 16 : index
        %get3A_1454 = tpu.vector_load %arg10[%get3A_1452, %get3A_1453] {strides = array<i32>} : memref<1600x32xf32, #tpu.memory_space<vmem>>, vector<1x16xf32>,
        %get3A_1455 = vector.shape_cast %get3A_1454 : vector<1x16xf32> to vector<16xf32>
        %add3A_1456 = arith.addf %scan3A_1429, %get3A_1455 : vector<16xf32>
        scf.yield %add3A_1437, %add3A_1442, %add3A_1449, %add3A_1456 : vector<16xf32>, vector<16xf32>, vector<16xf32>, vector<16xf32>
      }
      %scan3A_995 = arith.constant 100 : i32
      %mul3A_996 = arith.constant 8 : i32
      %mul3A_997 = arith.muli %mul3A_696, %mul3A_996 : i32
      %add3A_998 = arith.constant 5 : i32
      %add3A_999 = arith.addi %mul3A_997, %add3A_998 : i32
      %add3A_1000 = arith.addf %scan3A_994#0, %scan3A_994#2 : vector<16xf32>
      %swap3A_1001 = arith.index_cast %add3A_999 : i32 to index
      %swap3A_1002 = arith.constant 0 : index
      %swap3A_1003 = tpu.vector_load %arg12[%swap3A_1001, %swap3A_1002] {strides = array<i32>} : memref<128x128xf32, #tpu.memory_space<vmem>>, vector<1x16xf32>,
      %swap3A_1004 = vector.shape_cast %swap3A_1003 : vector<1x16xf32> to vector<16xf32>
      %swap3A_1005 = vector.shape_cast %add3A_1000 : vector<16xf32> to vector<1x16xf32>
      tpu.vector_store %arg12[%swap3A_1001, %swap3A_1002], %swap3A_1005 {strides = array<i32>} : memref<128x128xf32, #tpu.memory_space<vmem>>, vector<1x16xf32>,
      %add3A_1006 = arith.addf %scan3A_994#1, %scan3A_994#3 : vector<16xf32>
      %swap3A_1007 = arith.index_cast %add3A_999 : i32 to index
      %swap3A_1008 = arith.constant 16 : index
      %swap3A_1009 = tpu.vector_load %arg12[%swap3A_1007, %swap3A_1008] {strides = array<i32>} : memref<128x128xf32, #tpu.memory_space<vmem>>, vector<1x16xf32>,
      %swap3A_1010 = vector.shape_cast %swap3A_1009 : vector<1x16xf32> to vector<16xf32>
      %swap3A_1011 = vector.shape_cast %add3A_1006 : vector<16xf32> to vector<1x16xf32>
      tpu.vector_store %arg12[%swap3A_1007, %swap3A_1008], %swap3A_1011 {strides = array<i32>} : memref<128x128xf32, #tpu.memory_space<vmem>>, vector<1x16xf32>,
      %broadcast_in_dim3A_1012 = arith.constant 0.000000e+00 : f32
      %broadcast_in_dim3A_1013 = vector.broadcast %broadcast_in_dim3A_1012 : f32 to vector<16xf32>
      %scan3A_1014 = arith.constant 0 : i32
      %scan3A_1015 = arith.constant 100 : i32
      %scan3A_1016 = arith.addi %scan3A_1014, %scan3A_1015 : i32
      %scan3A_1017 = arith.constant 1 : i32
      %scan3A_1018:4 = scf.for %scan3A_1425 = %scan3A_1014 to %scan3A_1016 step %scan3A_1017 iter_args(%scan3A_1426 = %broadcast_in_dim3A_1013, %scan3A_1427 = %broadcast_in_dim3A_1013, %scan3A_1428 = %broadcast_in_dim3A_1013, %scan3A_1429 = %broadcast_in_dim3A_1013) -> (vector<16xf32>, vector<16xf32>, vector<16xf32>, vector<16xf32>)  : i32 {
        %mul3A_1430 = arith.constant 2 : i32
        %mul3A_1431 = arith.muli %mul3A_1430, %scan3A_1425 : i32
        %add3A_1432 = arith.constant 1200 : i32
        %add3A_1433 = arith.addi %add3A_1432, %mul3A_1431 : i32
        %get3A = arith.index_cast %add3A_1433 : i32 to index
        %get3A_1434 = arith.constant 0 : index
        %get3A_1435 = tpu.vector_load %arg10[%get3A, %get3A_1434] {strides = array<i32>} : memref<1600x32xf32, #tpu.memory_space<vmem>>, vector<1x16xf32>,
        %get3A_1436 = vector.shape_cast %get3A_1435 : vector<1x16xf32> to vector<16xf32>
        %add3A_1437 = arith.addf %scan3A_1426, %get3A_1436 : vector<16xf32>
        %get3A_1438 = arith.index_cast %add3A_1433 : i32 to index
        %get3A_1439 = arith.constant 16 : index
        %get3A_1440 = tpu.vector_load %arg10[%get3A_1438, %get3A_1439] {strides = array<i32>} : memref<1600x32xf32, #tpu.memory_space<vmem>>, vector<1x16xf32>,
        %get3A_1441 = vector.shape_cast %get3A_1440 : vector<1x16xf32> to vector<16xf32>
        %add3A_1442 = arith.addf %scan3A_1427, %get3A_1441 : vector<16xf32>
        %add3A_1443 = arith.constant 1 : i32
        %add3A_1444 = arith.addi %add3A_1433, %add3A_1443 : i32
        %get3A_1445 = arith.index_cast %add3A_1444 : i32 to index
        %get3A_1446 = arith.constant 0 : index
        %get3A_1447 = tpu.vector_load %arg10[%get3A_1445, %get3A_1446] {strides = array<i32>} : memref<1600x32xf32, #tpu.memory_space<vmem>>, vector<1x16xf32>,
        %get3A_1448 = vector.shape_cast %get3A_1447 : vector<1x16xf32> to vector<16xf32>
        %add3A_1449 = arith.addf %scan3A_1428, %get3A_1448 : vector<16xf32>
        %add3A_1450 = arith.constant 1 : i32
        %add3A_1451 = arith.addi %add3A_1433, %add3A_1450 : i32
        %get3A_1452 = arith.index_cast %add3A_1451 : i32 to index
        %get3A_1453 = arith.constant 16 : index
        %get3A_1454 = tpu.vector_load %arg10[%get3A_1452, %get3A_1453] {strides = array<i32>} : memref<1600x32xf32, #tpu.memory_space<vmem>>, vector<1x16xf32>,
        %get3A_1455 = vector.shape_cast %get3A_1454 : vector<1x16xf32> to vector<16xf32>
        %add3A_1456 = arith.addf %scan3A_1429, %get3A_1455 : vector<16xf32>
        scf.yield %add3A_1437, %add3A_1442, %add3A_1449, %add3A_1456 : vector<16xf32>, vector<16xf32>, vector<16xf32>, vector<16xf32>
      }
      %scan3A_1019 = arith.constant 100 : i32
      %mul3A_1020 = arith.constant 8 : i32
      %mul3A_1021 = arith.muli %mul3A_696, %mul3A_1020 : i32
      %add3A_1022 = arith.constant 6 : i32
      %add3A_1023 = arith.addi %mul3A_1021, %add3A_1022 : i32
      %add3A_1024 = arith.addf %scan3A_1018#0, %scan3A_1018#2 : vector<16xf32>
      %swap3A_1025 = arith.index_cast %add3A_1023 : i32 to index
      %swap3A_1026 = arith.constant 0 : index
      %swap3A_1027 = tpu.vector_load %arg12[%swap3A_1025, %swap3A_1026] {strides = array<i32>} : memref<128x128xf32, #tpu.memory_space<vmem>>, vector<1x16xf32>,
      %swap3A_1028 = vector.shape_cast %swap3A_1027 : vector<1x16xf32> to vector<16xf32>
      %swap3A_1029 = vector.shape_cast %add3A_1024 : vector<16xf32> to vector<1x16xf32>
      tpu.vector_store %arg12[%swap3A_1025, %swap3A_1026], %swap3A_1029 {strides = array<i32>} : memref<128x128xf32, #tpu.memory_space<vmem>>, vector<1x16xf32>,
      %add3A_1030 = arith.addf %scan3A_1018#1, %scan3A_1018#3 : vector<16xf32>
      %swap3A_1031 = arith.index_cast %add3A_1023 : i32 to index
      %swap3A_1032 = arith.constant 16 : index
      %swap3A_1033 = tpu.vector_load %arg12[%swap3A_1031, %swap3A_1032] {strides = array<i32>} : memref<128x128xf32, #tpu.memory_space<vmem>>, vector<1x16xf32>,
      %swap3A_1034 = vector.shape_cast %swap3A_1033 : vector<1x16xf32> to vector<16xf32>
      %swap3A_1035 = vector.shape_cast %add3A_1030 : vector<16xf32> to vector<1x16xf32>
      tpu.vector_store %arg12[%swap3A_1031, %swap3A_1032], %swap3A_1035 {strides = array<i32>} : memref<128x128xf32, #tpu.memory_space<vmem>>, vector<1x16xf32>,
      %broadcast_in_dim3A_1036 = arith.constant 0.000000e+00 : f32
      %broadcast_in_dim3A_1037 = vector.broadcast %broadcast_in_dim3A_1036 : f32 to vector<16xf32>
      %scan3A_1038 = arith.constant 0 : i32
      %scan3A_1039 = arith.constant 100 : i32
      %scan3A_1040 = arith.addi %scan3A_1038, %scan3A_1039 : i32
      %scan3A_1041 = arith.constant 1 : i32
      %scan3A_1042:4 = scf.for %scan3A_1425 = %scan3A_1038 to %scan3A_1040 step %scan3A_1041 iter_args(%scan3A_1426 = %broadcast_in_dim3A_1037, %scan3A_1427 = %broadcast_in_dim3A_1037, %scan3A_1428 = %broadcast_in_dim3A_1037, %scan3A_1429 = %broadcast_in_dim3A_1037) -> (vector<16xf32>, vector<16xf32>, vector<16xf32>, vector<16xf32>)  : i32 {
        %mul3A_1430 = arith.constant 2 : i32
        %mul3A_1431 = arith.muli %mul3A_1430, %scan3A_1425 : i32
        %add3A_1432 = arith.constant 1400 : i32
        %add3A_1433 = arith.addi %add3A_1432, %mul3A_1431 : i32
        %get3A = arith.index_cast %add3A_1433 : i32 to index
        %get3A_1434 = arith.constant 0 : index
        %get3A_1435 = tpu.vector_load %arg10[%get3A, %get3A_1434] {strides = array<i32>} : memref<1600x32xf32, #tpu.memory_space<vmem>>, vector<1x16xf32>,
        %get3A_1436 = vector.shape_cast %get3A_1435 : vector<1x16xf32> to vector<16xf32>
        %add3A_1437 = arith.addf %scan3A_1426, %get3A_1436 : vector<16xf32>
        %get3A_1438 = arith.index_cast %add3A_1433 : i32 to index
        %get3A_1439 = arith.constant 16 : index
        %get3A_1440 = tpu.vector_load %arg10[%get3A_1438, %get3A_1439] {strides = array<i32>} : memref<1600x32xf32, #tpu.memory_space<vmem>>, vector<1x16xf32>,
        %get3A_1441 = vector.shape_cast %get3A_1440 : vector<1x16xf32> to vector<16xf32>
        %add3A_1442 = arith.addf %scan3A_1427, %get3A_1441 : vector<16xf32>
        %add3A_1443 = arith.constant 1 : i32
        %add3A_1444 = arith.addi %add3A_1433, %add3A_1443 : i32
        %get3A_1445 = arith.index_cast %add3A_1444 : i32 to index
        %get3A_1446 = arith.constant 0 : index
        %get3A_1447 = tpu.vector_load %arg10[%get3A_1445, %get3A_1446] {strides = array<i32>} : memref<1600x32xf32, #tpu.memory_space<vmem>>, vector<1x16xf32>,
        %get3A_1448 = vector.shape_cast %get3A_1447 : vector<1x16xf32> to vector<16xf32>
        %add3A_1449 = arith.addf %scan3A_1428, %get3A_1448 : vector<16xf32>
        %add3A_1450 = arith.constant 1 : i32
        %add3A_1451 = arith.addi %add3A_1433, %add3A_1450 : i32
        %get3A_1452 = arith.index_cast %add3A_1451 : i32 to index
        %get3A_1453 = arith.constant 16 : index
        %get3A_1454 = tpu.vector_load %arg10[%get3A_1452, %get3A_1453] {strides = array<i32>} : memref<1600x32xf32, #tpu.memory_space<vmem>>, vector<1x16xf32>,
        %get3A_1455 = vector.shape_cast %get3A_1454 : vector<1x16xf32> to vector<16xf32>
        %add3A_1456 = arith.addf %scan3A_1429, %get3A_1455 : vector<16xf32>
        scf.yield %add3A_1437, %add3A_1442, %add3A_1449, %add3A_1456 : vector<16xf32>, vector<16xf32>, vector<16xf32>, vector<16xf32>
      }
      %scan3A_1043 = arith.constant 100 : i32
      %mul3A_1044 = arith.constant 8 : i32
      %mul3A_1045 = arith.muli %mul3A_696, %mul3A_1044 : i32
      %add3A_1046 = arith.constant 7 : i32
      %add3A_1047 = arith.addi %mul3A_1045, %add3A_1046 : i32
      %add3A_1048 = arith.addf %scan3A_1042#0, %scan3A_1042#2 : vector<16xf32>
      %swap3A_1049 = arith.index_cast %add3A_1047 : i32 to index
      %swap3A_1050 = arith.constant 0 : index
      %swap3A_1051 = tpu.vector_load %arg12[%swap3A_1049, %swap3A_1050] {strides = array<i32>} : memref<128x128xf32, #tpu.memory_space<vmem>>, vector<1x16xf32>,
      %swap3A_1052 = vector.shape_cast %swap3A_1051 : vector<1x16xf32> to vector<16xf32>
      %swap3A_1053 = vector.shape_cast %add3A_1048 : vector<16xf32> to vector<1x16xf32>
      tpu.vector_store %arg12[%swap3A_1049, %swap3A_1050], %swap3A_1053 {strides = array<i32>} : memref<128x128xf32, #tpu.memory_space<vmem>>, vector<1x16xf32>,
      %add3A_1054 = arith.addf %scan3A_1042#1, %scan3A_1042#3 : vector<16xf32>
      %swap3A_1055 = arith.index_cast %add3A_1047 : i32 to index
      %swap3A_1056 = arith.constant 16 : index
      %swap3A_1057 = tpu.vector_load %arg12[%swap3A_1055, %swap3A_1056] {strides = array<i32>} : memref<128x128xf32, #tpu.memory_space<vmem>>, vector<1x16xf32>,
      %swap3A_1058 = vector.shape_cast %swap3A_1057 : vector<1x16xf32> to vector<16xf32>
      %swap3A_1059 = vector.shape_cast %add3A_1054 : vector<16xf32> to vector<1x16xf32>
      tpu.vector_store %arg12[%swap3A_1055, %swap3A_1056], %swap3A_1059 {strides = array<i32>} : memref<128x128xf32, #tpu.memory_space<vmem>>, vector<1x16xf32>,
      %add3A_1060 = arith.constant 2 : i32
      %add3A_1061 = arith.addi %mul3A_696, %add3A_1060 : i32
      %mul3A_1062 = arith.constant 8 : i32
      %mul3A_1063 = arith.muli %add3A_1061, %mul3A_1062 : i32
      %add3A_1064 = arith.addi %mul3A_2, %mul3A_1063 : i32
      "tpu.region"() ({
        %run_scoped3A = tpu.sem_alloc : memref<!tpu.dma_semaphore, #tpu.memory_space<semaphore_mem>>
        %dma_start3A_1425 = arith.constant 0 : i32
        %dma_start3A_1426 = tpu.memref_slice %arg2[%add3A_1064, %dma_start3A_1425] : memref<4096x128xi32, #tpu.memory_space<hbm>> -> memref<8x128xi32, #tpu.memory_space<hbm>>
        %dma_start3A_1427 = arith.constant 0 : i32
        %dma_start3A_1428 = tpu.memref_slice %arg2[%add3A_1064, %dma_start3A_1427] : memref<4096x128xi32, #tpu.memory_space<hbm>> -> memref<8x128xi32, #tpu.memory_space<hbm>>
        tpu.enqueue_dma source(%dma_start3A_1428 : memref<8x128xi32, #tpu.memory_space<hbm>>) target(%arg6 : memref<8x128xi32, #tpu.memory_space<vmem>>) target_semaphore(%run_scoped3A : memref<!tpu.dma_semaphore, #tpu.memory_space<semaphore_mem>>)
        %dma_wait3A_1429 = arith.constant 0 : i32
        %dma_wait3A_1430 = tpu.memref_slice %arg2[%add3A_1064, %dma_wait3A_1429] : memref<4096x128xi32, #tpu.memory_space<hbm>> -> memref<8x128xi32, #tpu.memory_space<hbm>>
        %dma_wait3A_1431 = arith.constant 0 : i32
        %dma_wait3A_1432 = tpu.memref_slice %arg2[%add3A_1064, %dma_wait3A_1431] : memref<4096x128xi32, #tpu.memory_space<hbm>> -> memref<8x128xi32, #tpu.memory_space<hbm>>
        tpu.wait_dma2 semaphore(%run_scoped3A : memref<!tpu.dma_semaphore, #tpu.memory_space<semaphore_mem>>) src(%dma_wait3A_1432 : memref<8x128xi32, #tpu.memory_space<hbm>>) dst(%arg6 : memref<8x128xi32, #tpu.memory_space<vmem>>)
        tpu.yield
      }) : () -> ()
      "tpu.region"() ({
        %run_scoped3A = tpu.sem_alloc : memref<!tpu.dma_semaphore, #tpu.memory_space<semaphore_mem>>
        %dma_start3A_1425 = arith.constant 0 : i32
        %dma_start3A_1426 = tpu.memref_slice %arg3[%add3A_1064, %dma_start3A_1425] : memref<4096x128xi32, #tpu.memory_space<hbm>> -> memref<8x128xi32, #tpu.memory_space<hbm>>
        %dma_start3A_1427 = arith.constant 0 : i32
        %dma_start3A_1428 = tpu.memref_slice %arg3[%add3A_1064, %dma_start3A_1427] : memref<4096x128xi32, #tpu.memory_space<hbm>> -> memref<8x128xi32, #tpu.memory_space<hbm>>
        tpu.enqueue_dma source(%dma_start3A_1428 : memref<8x128xi32, #tpu.memory_space<hbm>>) target(%arg7 : memref<8x128xi32, #tpu.memory_space<vmem>>) target_semaphore(%run_scoped3A : memref<!tpu.dma_semaphore, #tpu.memory_space<semaphore_mem>>)
        %dma_wait3A_1429 = arith.constant 0 : i32
        %dma_wait3A_1430 = tpu.memref_slice %arg3[%add3A_1064, %dma_wait3A_1429] : memref<4096x128xi32, #tpu.memory_space<hbm>> -> memref<8x128xi32, #tpu.memory_space<hbm>>
        %dma_wait3A_1431 = arith.constant 0 : i32
        %dma_wait3A_1432 = tpu.memref_slice %arg3[%add3A_1064, %dma_wait3A_1431] : memref<4096x128xi32, #tpu.memory_space<hbm>> -> memref<8x128xi32, #tpu.memory_space<hbm>>
        tpu.wait_dma2 semaphore(%run_scoped3A : memref<!tpu.dma_semaphore, #tpu.memory_space<semaphore_mem>>) src(%dma_wait3A_1432 : memref<8x128xi32, #tpu.memory_space<hbm>>) dst(%arg7 : memref<8x128xi32, #tpu.memory_space<vmem>>)
        tpu.yield
      }) : () -> ()
      %dma_start3A_1065 = arith.constant 0 : i32
      %dma_start3A_1066 = arith.constant 0 : i32
      %dma_start3A_1067 = arith.constant 0 : i32
      %dma_start3A_1068 = tpu.memref_slice %arg10[%dma_start3A_1066, %dma_start3A_1067] : memref<1600x32xf32, #tpu.memory_space<vmem>> -> memref<128x32xf32, #tpu.memory_space<vmem>>
      %dma_start3A_1069 = arith.constant 0 : i32
      %dma_start3A_1070 = tpu.memref_slice %arg6[%dma_start3A_1065, %dma_start3A_1069] : memref<8x128xi32, #tpu.memory_space<vmem>> -> memref<1x128xi32, #tpu.memory_space<vmem>>
      %dma_start3A_1071 = tpu.memref_squeeze %dma_start3A_1070 : memref<1x128xi32, #tpu.memory_space<vmem>> -> memref<128xi32, #tpu.memory_space<vmem>>
      %dma_start3A_1072 = arith.constant 0 : i32
      %dma_start3A_1073 = arith.constant 0 : i32
      %dma_start3A_1074 = tpu.memref_slice %arg4[%dma_start3A_1072, %dma_start3A_1073] : memref<1015808x32xf32, #tpu.memory_space<hbm>> -> memref<1015808x32xf32, #tpu.memory_space<hbm>>
      tpu.enqueue_indirect_dma source(%dma_start3A_1074 : memref<1015808x32xf32, #tpu.memory_space<hbm>>) target(%dma_start3A_1068 : memref<128x32xf32, #tpu.memory_space<vmem>>) offsets(%dma_start3A_1071 : memref<128xi32, #tpu.memory_space<vmem>>) semaphore(%arg13 : memref<!tpu.dma_semaphore, #tpu.memory_space<semaphore_mem>>)
      %dma_start3A_1075 = arith.constant 0 : i32
      %dma_start3A_1076 = arith.constant 128 : i32
      %dma_start3A_1077 = arith.constant 0 : i32
      %dma_start3A_1078 = tpu.memref_slice %arg10[%dma_start3A_1076, %dma_start3A_1077] : memref<1600x32xf32, #tpu.memory_space<vmem>> -> memref<72x32xf32, #tpu.memory_space<vmem>>
      %dma_start3A_1079 = arith.constant 0 : i32
      %dma_start3A_1080 = tpu.memref_slice %arg7[%dma_start3A_1075, %dma_start3A_1079] : memref<8x128xi32, #tpu.memory_space<vmem>> -> memref<1x72xi32, #tpu.memory_space<vmem>>
      %dma_start3A_1081 = tpu.memref_squeeze %dma_start3A_1080 : memref<1x72xi32, #tpu.memory_space<vmem>> -> memref<72xi32, #tpu.memory_space<vmem>>
      %dma_start3A_1082 = arith.constant 0 : i32
      %dma_start3A_1083 = arith.constant 0 : i32
      %dma_start3A_1084 = tpu.memref_slice %arg4[%dma_start3A_1082, %dma_start3A_1083] : memref<1015808x32xf32, #tpu.memory_space<hbm>> -> memref<1015808x32xf32, #tpu.memory_space<hbm>>
      tpu.enqueue_indirect_dma source(%dma_start3A_1084 : memref<1015808x32xf32, #tpu.memory_space<hbm>>) target(%dma_start3A_1078 : memref<72x32xf32, #tpu.memory_space<vmem>>) offsets(%dma_start3A_1081 : memref<72xi32, #tpu.memory_space<vmem>>) semaphore(%arg13 : memref<!tpu.dma_semaphore, #tpu.memory_space<semaphore_mem>>)
      %dma_start3A_1085 = arith.constant 1 : i32
      %dma_start3A_1086 = arith.constant 200 : i32
      %dma_start3A_1087 = arith.constant 0 : i32
      %dma_start3A_1088 = tpu.memref_slice %arg10[%dma_start3A_1086, %dma_start3A_1087] : memref<1600x32xf32, #tpu.memory_space<vmem>> -> memref<128x32xf32, #tpu.memory_space<vmem>>
      %dma_start3A_1089 = arith.constant 0 : i32
      %dma_start3A_1090 = tpu.memref_slice %arg6[%dma_start3A_1085, %dma_start3A_1089] : memref<8x128xi32, #tpu.memory_space<vmem>> -> memref<1x128xi32, #tpu.memory_space<vmem>>
      %dma_start3A_1091 = tpu.memref_squeeze %dma_start3A_1090 : memref<1x128xi32, #tpu.memory_space<vmem>> -> memref<128xi32, #tpu.memory_space<vmem>>
      %dma_start3A_1092 = arith.constant 0 : i32
      %dma_start3A_1093 = arith.constant 0 : i32
      %dma_start3A_1094 = tpu.memref_slice %arg4[%dma_start3A_1092, %dma_start3A_1093] : memref<1015808x32xf32, #tpu.memory_space<hbm>> -> memref<1015808x32xf32, #tpu.memory_space<hbm>>
      tpu.enqueue_indirect_dma source(%dma_start3A_1094 : memref<1015808x32xf32, #tpu.memory_space<hbm>>) target(%dma_start3A_1088 : memref<128x32xf32, #tpu.memory_space<vmem>>) offsets(%dma_start3A_1091 : memref<128xi32, #tpu.memory_space<vmem>>) semaphore(%arg13 : memref<!tpu.dma_semaphore, #tpu.memory_space<semaphore_mem>>)
      %dma_start3A_1095 = arith.constant 1 : i32
      %dma_start3A_1096 = arith.constant 328 : i32
      %dma_start3A_1097 = arith.constant 0 : i32
      %dma_start3A_1098 = tpu.memref_slice %arg10[%dma_start3A_1096, %dma_start3A_1097] : memref<1600x32xf32, #tpu.memory_space<vmem>> -> memref<72x32xf32, #tpu.memory_space<vmem>>
      %dma_start3A_1099 = arith.constant 0 : i32
      %dma_start3A_1100 = tpu.memref_slice %arg7[%dma_start3A_1095, %dma_start3A_1099] : memref<8x128xi32, #tpu.memory_space<vmem>> -> memref<1x72xi32, #tpu.memory_space<vmem>>
      %dma_start3A_1101 = tpu.memref_squeeze %dma_start3A_1100 : memref<1x72xi32, #tpu.memory_space<vmem>> -> memref<72xi32, #tpu.memory_space<vmem>>
      %dma_start3A_1102 = arith.constant 0 : i32
      %dma_start3A_1103 = arith.constant 0 : i32
      %dma_start3A_1104 = tpu.memref_slice %arg4[%dma_start3A_1102, %dma_start3A_1103] : memref<1015808x32xf32, #tpu.memory_space<hbm>> -> memref<1015808x32xf32, #tpu.memory_space<hbm>>
      tpu.enqueue_indirect_dma source(%dma_start3A_1104 : memref<1015808x32xf32, #tpu.memory_space<hbm>>) target(%dma_start3A_1098 : memref<72x32xf32, #tpu.memory_space<vmem>>) offsets(%dma_start3A_1101 : memref<72xi32, #tpu.memory_space<vmem>>) semaphore(%arg13 : memref<!tpu.dma_semaphore, #tpu.memory_space<semaphore_mem>>)
      %dma_start3A_1105 = arith.constant 2 : i32
      %dma_start3A_1106 = arith.constant 400 : i32
      %dma_start3A_1107 = arith.constant 0 : i32
      %dma_start3A_1108 = tpu.memref_slice %arg10[%dma_start3A_1106, %dma_start3A_1107] : memref<1600x32xf32, #tpu.memory_space<vmem>> -> memref<128x32xf32, #tpu.memory_space<vmem>>
      %dma_start3A_1109 = arith.constant 0 : i32
      %dma_start3A_1110 = tpu.memref_slice %arg6[%dma_start3A_1105, %dma_start3A_1109] : memref<8x128xi32, #tpu.memory_space<vmem>> -> memref<1x128xi32, #tpu.memory_space<vmem>>
      %dma_start3A_1111 = tpu.memref_squeeze %dma_start3A_1110 : memref<1x128xi32, #tpu.memory_space<vmem>> -> memref<128xi32, #tpu.memory_space<vmem>>
      %dma_start3A_1112 = arith.constant 0 : i32
      %dma_start3A_1113 = arith.constant 0 : i32
      %dma_start3A_1114 = tpu.memref_slice %arg4[%dma_start3A_1112, %dma_start3A_1113] : memref<1015808x32xf32, #tpu.memory_space<hbm>> -> memref<1015808x32xf32, #tpu.memory_space<hbm>>
      tpu.enqueue_indirect_dma source(%dma_start3A_1114 : memref<1015808x32xf32, #tpu.memory_space<hbm>>) target(%dma_start3A_1108 : memref<128x32xf32, #tpu.memory_space<vmem>>) offsets(%dma_start3A_1111 : memref<128xi32, #tpu.memory_space<vmem>>) semaphore(%arg13 : memref<!tpu.dma_semaphore, #tpu.memory_space<semaphore_mem>>)
      %dma_start3A_1115 = arith.constant 2 : i32
      %dma_start3A_1116 = arith.constant 528 : i32
      %dma_start3A_1117 = arith.constant 0 : i32
      %dma_start3A_1118 = tpu.memref_slice %arg10[%dma_start3A_1116, %dma_start3A_1117] : memref<1600x32xf32, #tpu.memory_space<vmem>> -> memref<72x32xf32, #tpu.memory_space<vmem>>
      %dma_start3A_1119 = arith.constant 0 : i32
      %dma_start3A_1120 = tpu.memref_slice %arg7[%dma_start3A_1115, %dma_start3A_1119] : memref<8x128xi32, #tpu.memory_space<vmem>> -> memref<1x72xi32, #tpu.memory_space<vmem>>
      %dma_start3A_1121 = tpu.memref_squeeze %dma_start3A_1120 : memref<1x72xi32, #tpu.memory_space<vmem>> -> memref<72xi32, #tpu.memory_space<vmem>>
      %dma_start3A_1122 = arith.constant 0 : i32
      %dma_start3A_1123 = arith.constant 0 : i32
      %dma_start3A_1124 = tpu.memref_slice %arg4[%dma_start3A_1122, %dma_start3A_1123] : memref<1015808x32xf32, #tpu.memory_space<hbm>> -> memref<1015808x32xf32, #tpu.memory_space<hbm>>
      tpu.enqueue_indirect_dma source(%dma_start3A_1124 : memref<1015808x32xf32, #tpu.memory_space<hbm>>) target(%dma_start3A_1118 : memref<72x32xf32, #tpu.memory_space<vmem>>) offsets(%dma_start3A_1121 : memref<72xi32, #tpu.memory_space<vmem>>) semaphore(%arg13 : memref<!tpu.dma_semaphore, #tpu.memory_space<semaphore_mem>>)
      %dma_start3A_1125 = arith.constant 3 : i32
      %dma_start3A_1126 = arith.constant 600 : i32
      %dma_start3A_1127 = arith.constant 0 : i32
      %dma_start3A_1128 = tpu.memref_slice %arg10[%dma_start3A_1126, %dma_start3A_1127] : memref<1600x32xf32, #tpu.memory_space<vmem>> -> memref<128x32xf32, #tpu.memory_space<vmem>>
      %dma_start3A_1129 = arith.constant 0 : i32
      %dma_start3A_1130 = tpu.memref_slice %arg6[%dma_start3A_1125, %dma_start3A_1129] : memref<8x128xi32, #tpu.memory_space<vmem>> -> memref<1x128xi32, #tpu.memory_space<vmem>>
      %dma_start3A_1131 = tpu.memref_squeeze %dma_start3A_1130 : memref<1x128xi32, #tpu.memory_space<vmem>> -> memref<128xi32, #tpu.memory_space<vmem>>
      %dma_start3A_1132 = arith.constant 0 : i32
      %dma_start3A_1133 = arith.constant 0 : i32
      %dma_start3A_1134 = tpu.memref_slice %arg4[%dma_start3A_1132, %dma_start3A_1133] : memref<1015808x32xf32, #tpu.memory_space<hbm>> -> memref<1015808x32xf32, #tpu.memory_space<hbm>>
      tpu.enqueue_indirect_dma source(%dma_start3A_1134 : memref<1015808x32xf32, #tpu.memory_space<hbm>>) target(%dma_start3A_1128 : memref<128x32xf32, #tpu.memory_space<vmem>>) offsets(%dma_start3A_1131 : memref<128xi32, #tpu.memory_space<vmem>>) semaphore(%arg13 : memref<!tpu.dma_semaphore, #tpu.memory_space<semaphore_mem>>)
      %dma_start3A_1135 = arith.constant 3 : i32
      %dma_start3A_1136 = arith.constant 728 : i32
      %dma_start3A_1137 = arith.constant 0 : i32
      %dma_start3A_1138 = tpu.memref_slice %arg10[%dma_start3A_1136, %dma_start3A_1137] : memref<1600x32xf32, #tpu.memory_space<vmem>> -> memref<72x32xf32, #tpu.memory_space<vmem>>
      %dma_start3A_1139 = arith.constant 0 : i32
      %dma_start3A_1140 = tpu.memref_slice %arg7[%dma_start3A_1135, %dma_start3A_1139] : memref<8x128xi32, #tpu.memory_space<vmem>> -> memref<1x72xi32, #tpu.memory_space<vmem>>
      %dma_start3A_1141 = tpu.memref_squeeze %dma_start3A_1140 : memref<1x72xi32, #tpu.memory_space<vmem>> -> memref<72xi32, #tpu.memory_space<vmem>>
      %dma_start3A_1142 = arith.constant 0 : i32
      %dma_start3A_1143 = arith.constant 0 : i32
      %dma_start3A_1144 = tpu.memref_slice %arg4[%dma_start3A_1142, %dma_start3A_1143] : memref<1015808x32xf32, #tpu.memory_space<hbm>> -> memref<1015808x32xf32, #tpu.memory_space<hbm>>
      tpu.enqueue_indirect_dma source(%dma_start3A_1144 : memref<1015808x32xf32, #tpu.memory_space<hbm>>) target(%dma_start3A_1138 : memref<72x32xf32, #tpu.memory_space<vmem>>) offsets(%dma_start3A_1141 : memref<72xi32, #tpu.memory_space<vmem>>) semaphore(%arg13 : memref<!tpu.dma_semaphore, #tpu.memory_space<semaphore_mem>>)
      %dma_start3A_1145 = arith.constant 4 : i32
      %dma_start3A_1146 = arith.constant 800 : i32
      %dma_start3A_1147 = arith.constant 0 : i32
      %dma_start3A_1148 = tpu.memref_slice %arg10[%dma_start3A_1146, %dma_start3A_1147] : memref<1600x32xf32, #tpu.memory_space<vmem>> -> memref<128x32xf32, #tpu.memory_space<vmem>>
      %dma_start3A_1149 = arith.constant 0 : i32
      %dma_start3A_1150 = tpu.memref_slice %arg6[%dma_start3A_1145, %dma_start3A_1149] : memref<8x128xi32, #tpu.memory_space<vmem>> -> memref<1x128xi32, #tpu.memory_space<vmem>>
      %dma_start3A_1151 = tpu.memref_squeeze %dma_start3A_1150 : memref<1x128xi32, #tpu.memory_space<vmem>> -> memref<128xi32, #tpu.memory_space<vmem>>
      %dma_start3A_1152 = arith.constant 0 : i32
      %dma_start3A_1153 = arith.constant 0 : i32
      %dma_start3A_1154 = tpu.memref_slice %arg4[%dma_start3A_1152, %dma_start3A_1153] : memref<1015808x32xf32, #tpu.memory_space<hbm>> -> memref<1015808x32xf32, #tpu.memory_space<hbm>>
      tpu.enqueue_indirect_dma source(%dma_start3A_1154 : memref<1015808x32xf32, #tpu.memory_space<hbm>>) target(%dma_start3A_1148 : memref<128x32xf32, #tpu.memory_space<vmem>>) offsets(%dma_start3A_1151 : memref<128xi32, #tpu.memory_space<vmem>>) semaphore(%arg13 : memref<!tpu.dma_semaphore, #tpu.memory_space<semaphore_mem>>)
      %dma_start3A_1155 = arith.constant 4 : i32
      %dma_start3A_1156 = arith.constant 928 : i32
      %dma_start3A_1157 = arith.constant 0 : i32
      %dma_start3A_1158 = tpu.memref_slice %arg10[%dma_start3A_1156, %dma_start3A_1157] : memref<1600x32xf32, #tpu.memory_space<vmem>> -> memref<72x32xf32, #tpu.memory_space<vmem>>
      %dma_start3A_1159 = arith.constant 0 : i32
      %dma_start3A_1160 = tpu.memref_slice %arg7[%dma_start3A_1155, %dma_start3A_1159] : memref<8x128xi32, #tpu.memory_space<vmem>> -> memref<1x72xi32, #tpu.memory_space<vmem>>
      %dma_start3A_1161 = tpu.memref_squeeze %dma_start3A_1160 : memref<1x72xi32, #tpu.memory_space<vmem>> -> memref<72xi32, #tpu.memory_space<vmem>>
      %dma_start3A_1162 = arith.constant 0 : i32
      %dma_start3A_1163 = arith.constant 0 : i32
      %dma_start3A_1164 = tpu.memref_slice %arg4[%dma_start3A_1162, %dma_start3A_1163] : memref<1015808x32xf32, #tpu.memory_space<hbm>> -> memref<1015808x32xf32, #tpu.memory_space<hbm>>
      tpu.enqueue_indirect_dma source(%dma_start3A_1164 : memref<1015808x32xf32, #tpu.memory_space<hbm>>) target(%dma_start3A_1158 : memref<72x32xf32, #tpu.memory_space<vmem>>) offsets(%dma_start3A_1161 : memref<72xi32, #tpu.memory_space<vmem>>) semaphore(%arg13 : memref<!tpu.dma_semaphore, #tpu.memory_space<semaphore_mem>>)
      %dma_start3A_1165 = arith.constant 5 : i32
      %dma_start3A_1166 = arith.constant 1000 : i32
      %dma_start3A_1167 = arith.constant 0 : i32
      %dma_start3A_1168 = tpu.memref_slice %arg10[%dma_start3A_1166, %dma_start3A_1167] : memref<1600x32xf32, #tpu.memory_space<vmem>> -> memref<128x32xf32, #tpu.memory_space<vmem>>
      %dma_start3A_1169 = arith.constant 0 : i32
      %dma_start3A_1170 = tpu.memref_slice %arg6[%dma_start3A_1165, %dma_start3A_1169] : memref<8x128xi32, #tpu.memory_space<vmem>> -> memref<1x128xi32, #tpu.memory_space<vmem>>
      %dma_start3A_1171 = tpu.memref_squeeze %dma_start3A_1170 : memref<1x128xi32, #tpu.memory_space<vmem>> -> memref<128xi32, #tpu.memory_space<vmem>>
      %dma_start3A_1172 = arith.constant 0 : i32
      %dma_start3A_1173 = arith.constant 0 : i32
      %dma_start3A_1174 = tpu.memref_slice %arg4[%dma_start3A_1172, %dma_start3A_1173] : memref<1015808x32xf32, #tpu.memory_space<hbm>> -> memref<1015808x32xf32, #tpu.memory_space<hbm>>
      tpu.enqueue_indirect_dma source(%dma_start3A_1174 : memref<1015808x32xf32, #tpu.memory_space<hbm>>) target(%dma_start3A_1168 : memref<128x32xf32, #tpu.memory_space<vmem>>) offsets(%dma_start3A_1171 : memref<128xi32, #tpu.memory_space<vmem>>) semaphore(%arg13 : memref<!tpu.dma_semaphore, #tpu.memory_space<semaphore_mem>>)
      %dma_start3A_1175 = arith.constant 5 : i32
      %dma_start3A_1176 = arith.constant 1128 : i32
      %dma_start3A_1177 = arith.constant 0 : i32
      %dma_start3A_1178 = tpu.memref_slice %arg10[%dma_start3A_1176, %dma_start3A_1177] : memref<1600x32xf32, #tpu.memory_space<vmem>> -> memref<72x32xf32, #tpu.memory_space<vmem>>
      %dma_start3A_1179 = arith.constant 0 : i32
      %dma_start3A_1180 = tpu.memref_slice %arg7[%dma_start3A_1175, %dma_start3A_1179] : memref<8x128xi32, #tpu.memory_space<vmem>> -> memref<1x72xi32, #tpu.memory_space<vmem>>
      %dma_start3A_1181 = tpu.memref_squeeze %dma_start3A_1180 : memref<1x72xi32, #tpu.memory_space<vmem>> -> memref<72xi32, #tpu.memory_space<vmem>>
      %dma_start3A_1182 = arith.constant 0 : i32
      %dma_start3A_1183 = arith.constant 0 : i32
      %dma_start3A_1184 = tpu.memref_slice %arg4[%dma_start3A_1182, %dma_start3A_1183] : memref<1015808x32xf32, #tpu.memory_space<hbm>> -> memref<1015808x32xf32, #tpu.memory_space<hbm>>
      tpu.enqueue_indirect_dma source(%dma_start3A_1184 : memref<1015808x32xf32, #tpu.memory_space<hbm>>) target(%dma_start3A_1178 : memref<72x32xf32, #tpu.memory_space<vmem>>) offsets(%dma_start3A_1181 : memref<72xi32, #tpu.memory_space<vmem>>) semaphore(%arg13 : memref<!tpu.dma_semaphore, #tpu.memory_space<semaphore_mem>>)
      %dma_start3A_1185 = arith.constant 6 : i32
      %dma_start3A_1186 = arith.constant 1200 : i32
      %dma_start3A_1187 = arith.constant 0 : i32
      %dma_start3A_1188 = tpu.memref_slice %arg10[%dma_start3A_1186, %dma_start3A_1187] : memref<1600x32xf32, #tpu.memory_space<vmem>> -> memref<128x32xf32, #tpu.memory_space<vmem>>
      %dma_start3A_1189 = arith.constant 0 : i32
      %dma_start3A_1190 = tpu.memref_slice %arg6[%dma_start3A_1185, %dma_start3A_1189] : memref<8x128xi32, #tpu.memory_space<vmem>> -> memref<1x128xi32, #tpu.memory_space<vmem>>
      %dma_start3A_1191 = tpu.memref_squeeze %dma_start3A_1190 : memref<1x128xi32, #tpu.memory_space<vmem>> -> memref<128xi32, #tpu.memory_space<vmem>>
      %dma_start3A_1192 = arith.constant 0 : i32
      %dma_start3A_1193 = arith.constant 0 : i32
      %dma_start3A_1194 = tpu.memref_slice %arg4[%dma_start3A_1192, %dma_start3A_1193] : memref<1015808x32xf32, #tpu.memory_space<hbm>> -> memref<1015808x32xf32, #tpu.memory_space<hbm>>
      tpu.enqueue_indirect_dma source(%dma_start3A_1194 : memref<1015808x32xf32, #tpu.memory_space<hbm>>) target(%dma_start3A_1188 : memref<128x32xf32, #tpu.memory_space<vmem>>) offsets(%dma_start3A_1191 : memref<128xi32, #tpu.memory_space<vmem>>) semaphore(%arg13 : memref<!tpu.dma_semaphore, #tpu.memory_space<semaphore_mem>>)
      %dma_start3A_1195 = arith.constant 6 : i32
      %dma_start3A_1196 = arith.constant 1328 : i32
      %dma_start3A_1197 = arith.constant 0 : i32
      %dma_start3A_1198 = tpu.memref_slice %arg10[%dma_start3A_1196, %dma_start3A_1197] : memref<1600x32xf32, #tpu.memory_space<vmem>> -> memref<72x32xf32, #tpu.memory_space<vmem>>
      %dma_start3A_1199 = arith.constant 0 : i32
      %dma_start3A_1200 = tpu.memref_slice %arg7[%dma_start3A_1195, %dma_start3A_1199] : memref<8x128xi32, #tpu.memory_space<vmem>> -> memref<1x72xi32, #tpu.memory_space<vmem>>
      %dma_start3A_1201 = tpu.memref_squeeze %dma_start3A_1200 : memref<1x72xi32, #tpu.memory_space<vmem>> -> memref<72xi32, #tpu.memory_space<vmem>>
      %dma_start3A_1202 = arith.constant 0 : i32
      %dma_start3A_1203 = arith.constant 0 : i32
      %dma_start3A_1204 = tpu.memref_slice %arg4[%dma_start3A_1202, %dma_start3A_1203] : memref<1015808x32xf32, #tpu.memory_space<hbm>> -> memref<1015808x32xf32, #tpu.memory_space<hbm>>
      tpu.enqueue_indirect_dma source(%dma_start3A_1204 : memref<1015808x32xf32, #tpu.memory_space<hbm>>) target(%dma_start3A_1198 : memref<72x32xf32, #tpu.memory_space<vmem>>) offsets(%dma_start3A_1201 : memref<72xi32, #tpu.memory_space<vmem>>) semaphore(%arg13 : memref<!tpu.dma_semaphore, #tpu.memory_space<semaphore_mem>>)
      %dma_start3A_1205 = arith.constant 7 : i32
      %dma_start3A_1206 = arith.constant 1400 : i32
      %dma_start3A_1207 = arith.constant 0 : i32
      %dma_start3A_1208 = tpu.memref_slice %arg10[%dma_start3A_1206, %dma_start3A_1207] : memref<1600x32xf32, #tpu.memory_space<vmem>> -> memref<128x32xf32, #tpu.memory_space<vmem>>
      %dma_start3A_1209 = arith.constant 0 : i32
      %dma_start3A_1210 = tpu.memref_slice %arg6[%dma_start3A_1205, %dma_start3A_1209] : memref<8x128xi32, #tpu.memory_space<vmem>> -> memref<1x128xi32, #tpu.memory_space<vmem>>
      %dma_start3A_1211 = tpu.memref_squeeze %dma_start3A_1210 : memref<1x128xi32, #tpu.memory_space<vmem>> -> memref<128xi32, #tpu.memory_space<vmem>>
      %dma_start3A_1212 = arith.constant 0 : i32
      %dma_start3A_1213 = arith.constant 0 : i32
      %dma_start3A_1214 = tpu.memref_slice %arg4[%dma_start3A_1212, %dma_start3A_1213] : memref<1015808x32xf32, #tpu.memory_space<hbm>> -> memref<1015808x32xf32, #tpu.memory_space<hbm>>
      tpu.enqueue_indirect_dma source(%dma_start3A_1214 : memref<1015808x32xf32, #tpu.memory_space<hbm>>) target(%dma_start3A_1208 : memref<128x32xf32, #tpu.memory_space<vmem>>) offsets(%dma_start3A_1211 : memref<128xi32, #tpu.memory_space<vmem>>) semaphore(%arg13 : memref<!tpu.dma_semaphore, #tpu.memory_space<semaphore_mem>>)
      %dma_start3A_1215 = arith.constant 7 : i32
      %dma_start3A_1216 = arith.constant 1528 : i32
      %dma_start3A_1217 = arith.constant 0 : i32
      %dma_start3A_1218 = tpu.memref_slice %arg10[%dma_start3A_1216, %dma_start3A_1217] : memref<1600x32xf32, #tpu.memory_space<vmem>> -> memref<72x32xf32, #tpu.memory_space<vmem>>
      %dma_start3A_1219 = arith.constant 0 : i32
      %dma_start3A_1220 = tpu.memref_slice %arg7[%dma_start3A_1215, %dma_start3A_1219] : memref<8x128xi32, #tpu.memory_space<vmem>> -> memref<1x72xi32, #tpu.memory_space<vmem>>
      %dma_start3A_1221 = tpu.memref_squeeze %dma_start3A_1220 : memref<1x72xi32, #tpu.memory_space<vmem>> -> memref<72xi32, #tpu.memory_space<vmem>>
      %dma_start3A_1222 = arith.constant 0 : i32
      %dma_start3A_1223 = arith.constant 0 : i32
      %dma_start3A_1224 = tpu.memref_slice %arg4[%dma_start3A_1222, %dma_start3A_1223] : memref<1015808x32xf32, #tpu.memory_space<hbm>> -> memref<1015808x32xf32, #tpu.memory_space<hbm>>
      tpu.enqueue_indirect_dma source(%dma_start3A_1224 : memref<1015808x32xf32, #tpu.memory_space<hbm>>) target(%dma_start3A_1218 : memref<72x32xf32, #tpu.memory_space<vmem>>) offsets(%dma_start3A_1221 : memref<72xi32, #tpu.memory_space<vmem>>) semaphore(%arg13 : memref<!tpu.dma_semaphore, #tpu.memory_space<semaphore_mem>>)
      %dma_wait3A_1225 = arith.constant 0 : i32
      %dma_wait3A_1226 = arith.constant 0 : i32
      %dma_wait3A_1227 = tpu.memref_slice %arg4[%dma_wait3A_1225, %dma_wait3A_1226] : memref<1015808x32xf32, #tpu.memory_space<hbm>> -> memref<1600x32xf32, #tpu.memory_space<hbm>>
      %dma_wait3A_1228 = arith.constant 0 : i32
      %dma_wait3A_1229 = arith.constant 0 : i32
      %dma_wait3A_1230 = tpu.memref_slice %arg4[%dma_wait3A_1228, %dma_wait3A_1229] : memref<1015808x32xf32, #tpu.memory_space<hbm>> -> memref<1600x32xf32, #tpu.memory_space<hbm>>
      tpu.wait_dma2 semaphore(%arg14 : memref<!tpu.dma_semaphore, #tpu.memory_space<semaphore_mem>>) src(%dma_wait3A_1230 : memref<1600x32xf32, #tpu.memory_space<hbm>>) dst(%arg11 : memref<1600x32xf32, #tpu.memory_space<vmem>>)
      %add3A_1231 = arith.constant 1 : i32
      %add3A_1232 = arith.addi %mul3A_696, %add3A_1231 : i32
      %broadcast_in_dim3A_1233 = arith.constant 0.000000e+00 : f32
      %broadcast_in_dim3A_1234 = vector.broadcast %broadcast_in_dim3A_1233 : f32 to vector<16xf32>
      %scan3A_1235 = arith.constant 0 : i32
      %scan3A_1236 = arith.constant 100 : i32
      %scan3A_1237 = arith.addi %scan3A_1235, %scan3A_1236 : i32
      %scan3A_1238 = arith.constant 1 : i32
      %scan3A_1239:4 = scf.for %scan3A_1425 = %scan3A_1235 to %scan3A_1237 step %scan3A_1238 iter_args(%scan3A_1426 = %broadcast_in_dim3A_1234, %scan3A_1427 = %broadcast_in_dim3A_1234, %scan3A_1428 = %broadcast_in_dim3A_1234, %scan3A_1429 = %broadcast_in_dim3A_1234) -> (vector<16xf32>, vector<16xf32>, vector<16xf32>, vector<16xf32>)  : i32 {
        %mul3A_1430 = arith.constant 2 : i32
        %mul3A_1431 = arith.muli %mul3A_1430, %scan3A_1425 : i32
        %add3A_1432 = arith.constant 0 : i32
        %add3A_1433 = arith.addi %add3A_1432, %mul3A_1431 : i32
        %get3A = arith.index_cast %add3A_1433 : i32 to index
        %get3A_1434 = arith.constant 0 : index
        %get3A_1435 = tpu.vector_load %arg11[%get3A, %get3A_1434] {strides = array<i32>} : memref<1600x32xf32, #tpu.memory_space<vmem>>, vector<1x16xf32>,
        %get3A_1436 = vector.shape_cast %get3A_1435 : vector<1x16xf32> to vector<16xf32>
        %add3A_1437 = arith.addf %scan3A_1426, %get3A_1436 : vector<16xf32>
        %get3A_1438 = arith.index_cast %add3A_1433 : i32 to index
        %get3A_1439 = arith.constant 16 : index
        %get3A_1440 = tpu.vector_load %arg11[%get3A_1438, %get3A_1439] {strides = array<i32>} : memref<1600x32xf32, #tpu.memory_space<vmem>>, vector<1x16xf32>,
        %get3A_1441 = vector.shape_cast %get3A_1440 : vector<1x16xf32> to vector<16xf32>
        %add3A_1442 = arith.addf %scan3A_1427, %get3A_1441 : vector<16xf32>
        %add3A_1443 = arith.constant 1 : i32
        %add3A_1444 = arith.addi %add3A_1433, %add3A_1443 : i32
        %get3A_1445 = arith.index_cast %add3A_1444 : i32 to index
        %get3A_1446 = arith.constant 0 : index
        %get3A_1447 = tpu.vector_load %arg11[%get3A_1445, %get3A_1446] {strides = array<i32>} : memref<1600x32xf32, #tpu.memory_space<vmem>>, vector<1x16xf32>,
        %get3A_1448 = vector.shape_cast %get3A_1447 : vector<1x16xf32> to vector<16xf32>
        %add3A_1449 = arith.addf %scan3A_1428, %get3A_1448 : vector<16xf32>
        %add3A_1450 = arith.constant 1 : i32
        %add3A_1451 = arith.addi %add3A_1433, %add3A_1450 : i32
        %get3A_1452 = arith.index_cast %add3A_1451 : i32 to index
        %get3A_1453 = arith.constant 16 : index
        %get3A_1454 = tpu.vector_load %arg11[%get3A_1452, %get3A_1453] {strides = array<i32>} : memref<1600x32xf32, #tpu.memory_space<vmem>>, vector<1x16xf32>,
        %get3A_1455 = vector.shape_cast %get3A_1454 : vector<1x16xf32> to vector<16xf32>
        %add3A_1456 = arith.addf %scan3A_1429, %get3A_1455 : vector<16xf32>
        scf.yield %add3A_1437, %add3A_1442, %add3A_1449, %add3A_1456 : vector<16xf32>, vector<16xf32>, vector<16xf32>, vector<16xf32>
      }
      %scan3A_1240 = arith.constant 100 : i32
      %mul3A_1241 = arith.constant 8 : i32
      %mul3A_1242 = arith.muli %add3A_1232, %mul3A_1241 : i32
      %add3A_1243 = arith.constant 0 : i32
      %add3A_1244 = arith.addi %mul3A_1242, %add3A_1243 : i32
      %add3A_1245 = arith.addf %scan3A_1239#0, %scan3A_1239#2 : vector<16xf32>
      %swap3A_1246 = arith.index_cast %add3A_1244 : i32 to index
      %swap3A_1247 = arith.constant 0 : index
      %swap3A_1248 = tpu.vector_load %arg12[%swap3A_1246, %swap3A_1247] {strides = array<i32>} : memref<128x128xf32, #tpu.memory_space<vmem>>, vector<1x16xf32>,
      %swap3A_1249 = vector.shape_cast %swap3A_1248 : vector<1x16xf32> to vector<16xf32>
      %swap3A_1250 = vector.shape_cast %add3A_1245 : vector<16xf32> to vector<1x16xf32>
      tpu.vector_store %arg12[%swap3A_1246, %swap3A_1247], %swap3A_1250 {strides = array<i32>} : memref<128x128xf32, #tpu.memory_space<vmem>>, vector<1x16xf32>,
      %add3A_1251 = arith.addf %scan3A_1239#1, %scan3A_1239#3 : vector<16xf32>
      %swap3A_1252 = arith.index_cast %add3A_1244 : i32 to index
      %swap3A_1253 = arith.constant 16 : index
      %swap3A_1254 = tpu.vector_load %arg12[%swap3A_1252, %swap3A_1253] {strides = array<i32>} : memref<128x128xf32, #tpu.memory_space<vmem>>, vector<1x16xf32>,
      %swap3A_1255 = vector.shape_cast %swap3A_1254 : vector<1x16xf32> to vector<16xf32>
      %swap3A_1256 = vector.shape_cast %add3A_1251 : vector<16xf32> to vector<1x16xf32>
      tpu.vector_store %arg12[%swap3A_1252, %swap3A_1253], %swap3A_1256 {strides = array<i32>} : memref<128x128xf32, #tpu.memory_space<vmem>>, vector<1x16xf32>,
      %broadcast_in_dim3A_1257 = arith.constant 0.000000e+00 : f32
      %broadcast_in_dim3A_1258 = vector.broadcast %broadcast_in_dim3A_1257 : f32 to vector<16xf32>
      %scan3A_1259 = arith.constant 0 : i32
      %scan3A_1260 = arith.constant 100 : i32
      %scan3A_1261 = arith.addi %scan3A_1259, %scan3A_1260 : i32
      %scan3A_1262 = arith.constant 1 : i32
      %scan3A_1263:4 = scf.for %scan3A_1425 = %scan3A_1259 to %scan3A_1261 step %scan3A_1262 iter_args(%scan3A_1426 = %broadcast_in_dim3A_1258, %scan3A_1427 = %broadcast_in_dim3A_1258, %scan3A_1428 = %broadcast_in_dim3A_1258, %scan3A_1429 = %broadcast_in_dim3A_1258) -> (vector<16xf32>, vector<16xf32>, vector<16xf32>, vector<16xf32>)  : i32 {
        %mul3A_1430 = arith.constant 2 : i32
        %mul3A_1431 = arith.muli %mul3A_1430, %scan3A_1425 : i32
        %add3A_1432 = arith.constant 200 : i32
        %add3A_1433 = arith.addi %add3A_1432, %mul3A_1431 : i32
        %get3A = arith.index_cast %add3A_1433 : i32 to index
        %get3A_1434 = arith.constant 0 : index
        %get3A_1435 = tpu.vector_load %arg11[%get3A, %get3A_1434] {strides = array<i32>} : memref<1600x32xf32, #tpu.memory_space<vmem>>, vector<1x16xf32>,
        %get3A_1436 = vector.shape_cast %get3A_1435 : vector<1x16xf32> to vector<16xf32>
        %add3A_1437 = arith.addf %scan3A_1426, %get3A_1436 : vector<16xf32>
        %get3A_1438 = arith.index_cast %add3A_1433 : i32 to index
        %get3A_1439 = arith.constant 16 : index
        %get3A_1440 = tpu.vector_load %arg11[%get3A_1438, %get3A_1439] {strides = array<i32>} : memref<1600x32xf32, #tpu.memory_space<vmem>>, vector<1x16xf32>,
        %get3A_1441 = vector.shape_cast %get3A_1440 : vector<1x16xf32> to vector<16xf32>
        %add3A_1442 = arith.addf %scan3A_1427, %get3A_1441 : vector<16xf32>
        %add3A_1443 = arith.constant 1 : i32
        %add3A_1444 = arith.addi %add3A_1433, %add3A_1443 : i32
        %get3A_1445 = arith.index_cast %add3A_1444 : i32 to index
        %get3A_1446 = arith.constant 0 : index
        %get3A_1447 = tpu.vector_load %arg11[%get3A_1445, %get3A_1446] {strides = array<i32>} : memref<1600x32xf32, #tpu.memory_space<vmem>>, vector<1x16xf32>,
        %get3A_1448 = vector.shape_cast %get3A_1447 : vector<1x16xf32> to vector<16xf32>
        %add3A_1449 = arith.addf %scan3A_1428, %get3A_1448 : vector<16xf32>
        %add3A_1450 = arith.constant 1 : i32
        %add3A_1451 = arith.addi %add3A_1433, %add3A_1450 : i32
        %get3A_1452 = arith.index_cast %add3A_1451 : i32 to index
        %get3A_1453 = arith.constant 16 : index
        %get3A_1454 = tpu.vector_load %arg11[%get3A_1452, %get3A_1453] {strides = array<i32>} : memref<1600x32xf32, #tpu.memory_space<vmem>>, vector<1x16xf32>,
        %get3A_1455 = vector.shape_cast %get3A_1454 : vector<1x16xf32> to vector<16xf32>
        %add3A_1456 = arith.addf %scan3A_1429, %get3A_1455 : vector<16xf32>
        scf.yield %add3A_1437, %add3A_1442, %add3A_1449, %add3A_1456 : vector<16xf32>, vector<16xf32>, vector<16xf32>, vector<16xf32>
      }
      %scan3A_1264 = arith.constant 100 : i32
      %mul3A_1265 = arith.constant 8 : i32
      %mul3A_1266 = arith.muli %add3A_1232, %mul3A_1265 : i32
      %add3A_1267 = arith.constant 1 : i32
      %add3A_1268 = arith.addi %mul3A_1266, %add3A_1267 : i32
      %add3A_1269 = arith.addf %scan3A_1263#0, %scan3A_1263#2 : vector<16xf32>
      %swap3A_1270 = arith.index_cast %add3A_1268 : i32 to index
      %swap3A_1271 = arith.constant 0 : index
      %swap3A_1272 = tpu.vector_load %arg12[%swap3A_1270, %swap3A_1271] {strides = array<i32>} : memref<128x128xf32, #tpu.memory_space<vmem>>, vector<1x16xf32>,
      %swap3A_1273 = vector.shape_cast %swap3A_1272 : vector<1x16xf32> to vector<16xf32>
      %swap3A_1274 = vector.shape_cast %add3A_1269 : vector<16xf32> to vector<1x16xf32>
      tpu.vector_store %arg12[%swap3A_1270, %swap3A_1271], %swap3A_1274 {strides = array<i32>} : memref<128x128xf32, #tpu.memory_space<vmem>>, vector<1x16xf32>,
      %add3A_1275 = arith.addf %scan3A_1263#1, %scan3A_1263#3 : vector<16xf32>
      %swap3A_1276 = arith.index_cast %add3A_1268 : i32 to index
      %swap3A_1277 = arith.constant 16 : index
      %swap3A_1278 = tpu.vector_load %arg12[%swap3A_1276, %swap3A_1277] {strides = array<i32>} : memref<128x128xf32, #tpu.memory_space<vmem>>, vector<1x16xf32>,
      %swap3A_1279 = vector.shape_cast %swap3A_1278 : vector<1x16xf32> to vector<16xf32>
      %swap3A_1280 = vector.shape_cast %add3A_1275 : vector<16xf32> to vector<1x16xf32>
      tpu.vector_store %arg12[%swap3A_1276, %swap3A_1277], %swap3A_1280 {strides = array<i32>} : memref<128x128xf32, #tpu.memory_space<vmem>>, vector<1x16xf32>,
      %broadcast_in_dim3A_1281 = arith.constant 0.000000e+00 : f32
      %broadcast_in_dim3A_1282 = vector.broadcast %broadcast_in_dim3A_1281 : f32 to vector<16xf32>
      %scan3A_1283 = arith.constant 0 : i32
      %scan3A_1284 = arith.constant 100 : i32
      %scan3A_1285 = arith.addi %scan3A_1283, %scan3A_1284 : i32
      %scan3A_1286 = arith.constant 1 : i32
      %scan3A_1287:4 = scf.for %scan3A_1425 = %scan3A_1283 to %scan3A_1285 step %scan3A_1286 iter_args(%scan3A_1426 = %broadcast_in_dim3A_1282, %scan3A_1427 = %broadcast_in_dim3A_1282, %scan3A_1428 = %broadcast_in_dim3A_1282, %scan3A_1429 = %broadcast_in_dim3A_1282) -> (vector<16xf32>, vector<16xf32>, vector<16xf32>, vector<16xf32>)  : i32 {
        %mul3A_1430 = arith.constant 2 : i32
        %mul3A_1431 = arith.muli %mul3A_1430, %scan3A_1425 : i32
        %add3A_1432 = arith.constant 400 : i32
        %add3A_1433 = arith.addi %add3A_1432, %mul3A_1431 : i32
        %get3A = arith.index_cast %add3A_1433 : i32 to index
        %get3A_1434 = arith.constant 0 : index
        %get3A_1435 = tpu.vector_load %arg11[%get3A, %get3A_1434] {strides = array<i32>} : memref<1600x32xf32, #tpu.memory_space<vmem>>, vector<1x16xf32>,
        %get3A_1436 = vector.shape_cast %get3A_1435 : vector<1x16xf32> to vector<16xf32>
        %add3A_1437 = arith.addf %scan3A_1426, %get3A_1436 : vector<16xf32>
        %get3A_1438 = arith.index_cast %add3A_1433 : i32 to index
        %get3A_1439 = arith.constant 16 : index
        %get3A_1440 = tpu.vector_load %arg11[%get3A_1438, %get3A_1439] {strides = array<i32>} : memref<1600x32xf32, #tpu.memory_space<vmem>>, vector<1x16xf32>,
        %get3A_1441 = vector.shape_cast %get3A_1440 : vector<1x16xf32> to vector<16xf32>
        %add3A_1442 = arith.addf %scan3A_1427, %get3A_1441 : vector<16xf32>
        %add3A_1443 = arith.constant 1 : i32
        %add3A_1444 = arith.addi %add3A_1433, %add3A_1443 : i32
        %get3A_1445 = arith.index_cast %add3A_1444 : i32 to index
        %get3A_1446 = arith.constant 0 : index
        %get3A_1447 = tpu.vector_load %arg11[%get3A_1445, %get3A_1446] {strides = array<i32>} : memref<1600x32xf32, #tpu.memory_space<vmem>>, vector<1x16xf32>,
        %get3A_1448 = vector.shape_cast %get3A_1447 : vector<1x16xf32> to vector<16xf32>
        %add3A_1449 = arith.addf %scan3A_1428, %get3A_1448 : vector<16xf32>
        %add3A_1450 = arith.constant 1 : i32
        %add3A_1451 = arith.addi %add3A_1433, %add3A_1450 : i32
        %get3A_1452 = arith.index_cast %add3A_1451 : i32 to index
        %get3A_1453 = arith.constant 16 : index
        %get3A_1454 = tpu.vector_load %arg11[%get3A_1452, %get3A_1453] {strides = array<i32>} : memref<1600x32xf32, #tpu.memory_space<vmem>>, vector<1x16xf32>,
        %get3A_1455 = vector.shape_cast %get3A_1454 : vector<1x16xf32> to vector<16xf32>
        %add3A_1456 = arith.addf %scan3A_1429, %get3A_1455 : vector<16xf32>
        scf.yield %add3A_1437, %add3A_1442, %add3A_1449, %add3A_1456 : vector<16xf32>, vector<16xf32>, vector<16xf32>, vector<16xf32>
      }
      %scan3A_1288 = arith.constant 100 : i32
      %mul3A_1289 = arith.constant 8 : i32
      %mul3A_1290 = arith.muli %add3A_1232, %mul3A_1289 : i32
      %add3A_1291 = arith.constant 2 : i32
      %add3A_1292 = arith.addi %mul3A_1290, %add3A_1291 : i32
      %add3A_1293 = arith.addf %scan3A_1287#0, %scan3A_1287#2 : vector<16xf32>
      %swap3A_1294 = arith.index_cast %add3A_1292 : i32 to index
      %swap3A_1295 = arith.constant 0 : index
      %swap3A_1296 = tpu.vector_load %arg12[%swap3A_1294, %swap3A_1295] {strides = array<i32>} : memref<128x128xf32, #tpu.memory_space<vmem>>, vector<1x16xf32>,
      %swap3A_1297 = vector.shape_cast %swap3A_1296 : vector<1x16xf32> to vector<16xf32>
      %swap3A_1298 = vector.shape_cast %add3A_1293 : vector<16xf32> to vector<1x16xf32>
      tpu.vector_store %arg12[%swap3A_1294, %swap3A_1295], %swap3A_1298 {strides = array<i32>} : memref<128x128xf32, #tpu.memory_space<vmem>>, vector<1x16xf32>,
      %add3A_1299 = arith.addf %scan3A_1287#1, %scan3A_1287#3 : vector<16xf32>
      %swap3A_1300 = arith.index_cast %add3A_1292 : i32 to index
      %swap3A_1301 = arith.constant 16 : index
      %swap3A_1302 = tpu.vector_load %arg12[%swap3A_1300, %swap3A_1301] {strides = array<i32>} : memref<128x128xf32, #tpu.memory_space<vmem>>, vector<1x16xf32>,
      %swap3A_1303 = vector.shape_cast %swap3A_1302 : vector<1x16xf32> to vector<16xf32>
      %swap3A_1304 = vector.shape_cast %add3A_1299 : vector<16xf32> to vector<1x16xf32>
      tpu.vector_store %arg12[%swap3A_1300, %swap3A_1301], %swap3A_1304 {strides = array<i32>} : memref<128x128xf32, #tpu.memory_space<vmem>>, vector<1x16xf32>,
      %broadcast_in_dim3A_1305 = arith.constant 0.000000e+00 : f32
      %broadcast_in_dim3A_1306 = vector.broadcast %broadcast_in_dim3A_1305 : f32 to vector<16xf32>
      %scan3A_1307 = arith.constant 0 : i32
      %scan3A_1308 = arith.constant 100 : i32
      %scan3A_1309 = arith.addi %scan3A_1307, %scan3A_1308 : i32
      %scan3A_1310 = arith.constant 1 : i32
      %scan3A_1311:4 = scf.for %scan3A_1425 = %scan3A_1307 to %scan3A_1309 step %scan3A_1310 iter_args(%scan3A_1426 = %broadcast_in_dim3A_1306, %scan3A_1427 = %broadcast_in_dim3A_1306, %scan3A_1428 = %broadcast_in_dim3A_1306, %scan3A_1429 = %broadcast_in_dim3A_1306) -> (vector<16xf32>, vector<16xf32>, vector<16xf32>, vector<16xf32>)  : i32 {
        %mul3A_1430 = arith.constant 2 : i32
        %mul3A_1431 = arith.muli %mul3A_1430, %scan3A_1425 : i32
        %add3A_1432 = arith.constant 600 : i32
        %add3A_1433 = arith.addi %add3A_1432, %mul3A_1431 : i32
        %get3A = arith.index_cast %add3A_1433 : i32 to index
        %get3A_1434 = arith.constant 0 : index
        %get3A_1435 = tpu.vector_load %arg11[%get3A, %get3A_1434] {strides = array<i32>} : memref<1600x32xf32, #tpu.memory_space<vmem>>, vector<1x16xf32>,
        %get3A_1436 = vector.shape_cast %get3A_1435 : vector<1x16xf32> to vector<16xf32>
        %add3A_1437 = arith.addf %scan3A_1426, %get3A_1436 : vector<16xf32>
        %get3A_1438 = arith.index_cast %add3A_1433 : i32 to index
        %get3A_1439 = arith.constant 16 : index
        %get3A_1440 = tpu.vector_load %arg11[%get3A_1438, %get3A_1439] {strides = array<i32>} : memref<1600x32xf32, #tpu.memory_space<vmem>>, vector<1x16xf32>,
        %get3A_1441 = vector.shape_cast %get3A_1440 : vector<1x16xf32> to vector<16xf32>
        %add3A_1442 = arith.addf %scan3A_1427, %get3A_1441 : vector<16xf32>
        %add3A_1443 = arith.constant 1 : i32
        %add3A_1444 = arith.addi %add3A_1433, %add3A_1443 : i32
        %get3A_1445 = arith.index_cast %add3A_1444 : i32 to index
        %get3A_1446 = arith.constant 0 : index
        %get3A_1447 = tpu.vector_load %arg11[%get3A_1445, %get3A_1446] {strides = array<i32>} : memref<1600x32xf32, #tpu.memory_space<vmem>>, vector<1x16xf32>,
        %get3A_1448 = vector.shape_cast %get3A_1447 : vector<1x16xf32> to vector<16xf32>
        %add3A_1449 = arith.addf %scan3A_1428, %get3A_1448 : vector<16xf32>
        %add3A_1450 = arith.constant 1 : i32
        %add3A_1451 = arith.addi %add3A_1433, %add3A_1450 : i32
        %get3A_1452 = arith.index_cast %add3A_1451 : i32 to index
        %get3A_1453 = arith.constant 16 : index
        %get3A_1454 = tpu.vector_load %arg11[%get3A_1452, %get3A_1453] {strides = array<i32>} : memref<1600x32xf32, #tpu.memory_space<vmem>>, vector<1x16xf32>,
        %get3A_1455 = vector.shape_cast %get3A_1454 : vector<1x16xf32> to vector<16xf32>
        %add3A_1456 = arith.addf %scan3A_1429, %get3A_1455 : vector<16xf32>
        scf.yield %add3A_1437, %add3A_1442, %add3A_1449, %add3A_1456 : vector<16xf32>, vector<16xf32>, vector<16xf32>, vector<16xf32>
      }
      %scan3A_1312 = arith.constant 100 : i32
      %mul3A_1313 = arith.constant 8 : i32
      %mul3A_1314 = arith.muli %add3A_1232, %mul3A_1313 : i32
      %add3A_1315 = arith.constant 3 : i32
      %add3A_1316 = arith.addi %mul3A_1314, %add3A_1315 : i32
      %add3A_1317 = arith.addf %scan3A_1311#0, %scan3A_1311#2 : vector<16xf32>
      %swap3A_1318 = arith.index_cast %add3A_1316 : i32 to index
      %swap3A_1319 = arith.constant 0 : index
      %swap3A_1320 = tpu.vector_load %arg12[%swap3A_1318, %swap3A_1319] {strides = array<i32>} : memref<128x128xf32, #tpu.memory_space<vmem>>, vector<1x16xf32>,
      %swap3A_1321 = vector.shape_cast %swap3A_1320 : vector<1x16xf32> to vector<16xf32>
      %swap3A_1322 = vector.shape_cast %add3A_1317 : vector<16xf32> to vector<1x16xf32>
      tpu.vector_store %arg12[%swap3A_1318, %swap3A_1319], %swap3A_1322 {strides = array<i32>} : memref<128x128xf32, #tpu.memory_space<vmem>>, vector<1x16xf32>,
      %add3A_1323 = arith.addf %scan3A_1311#1, %scan3A_1311#3 : vector<16xf32>
      %swap3A_1324 = arith.index_cast %add3A_1316 : i32 to index
      %swap3A_1325 = arith.constant 16 : index
      %swap3A_1326 = tpu.vector_load %arg12[%swap3A_1324, %swap3A_1325] {strides = array<i32>} : memref<128x128xf32, #tpu.memory_space<vmem>>, vector<1x16xf32>,
      %swap3A_1327 = vector.shape_cast %swap3A_1326 : vector<1x16xf32> to vector<16xf32>
      %swap3A_1328 = vector.shape_cast %add3A_1323 : vector<16xf32> to vector<1x16xf32>
      tpu.vector_store %arg12[%swap3A_1324, %swap3A_1325], %swap3A_1328 {strides = array<i32>} : memref<128x128xf32, #tpu.memory_space<vmem>>, vector<1x16xf32>,
      %broadcast_in_dim3A_1329 = arith.constant 0.000000e+00 : f32
      %broadcast_in_dim3A_1330 = vector.broadcast %broadcast_in_dim3A_1329 : f32 to vector<16xf32>
      %scan3A_1331 = arith.constant 0 : i32
      %scan3A_1332 = arith.constant 100 : i32
      %scan3A_1333 = arith.addi %scan3A_1331, %scan3A_1332 : i32
      %scan3A_1334 = arith.constant 1 : i32
      %scan3A_1335:4 = scf.for %scan3A_1425 = %scan3A_1331 to %scan3A_1333 step %scan3A_1334 iter_args(%scan3A_1426 = %broadcast_in_dim3A_1330, %scan3A_1427 = %broadcast_in_dim3A_1330, %scan3A_1428 = %broadcast_in_dim3A_1330, %scan3A_1429 = %broadcast_in_dim3A_1330) -> (vector<16xf32>, vector<16xf32>, vector<16xf32>, vector<16xf32>)  : i32 {
        %mul3A_1430 = arith.constant 2 : i32
        %mul3A_1431 = arith.muli %mul3A_1430, %scan3A_1425 : i32
        %add3A_1432 = arith.constant 800 : i32
        %add3A_1433 = arith.addi %add3A_1432, %mul3A_1431 : i32
        %get3A = arith.index_cast %add3A_1433 : i32 to index
        %get3A_1434 = arith.constant 0 : index
        %get3A_1435 = tpu.vector_load %arg11[%get3A, %get3A_1434] {strides = array<i32>} : memref<1600x32xf32, #tpu.memory_space<vmem>>, vector<1x16xf32>,
        %get3A_1436 = vector.shape_cast %get3A_1435 : vector<1x16xf32> to vector<16xf32>
        %add3A_1437 = arith.addf %scan3A_1426, %get3A_1436 : vector<16xf32>
        %get3A_1438 = arith.index_cast %add3A_1433 : i32 to index
        %get3A_1439 = arith.constant 16 : index
        %get3A_1440 = tpu.vector_load %arg11[%get3A_1438, %get3A_1439] {strides = array<i32>} : memref<1600x32xf32, #tpu.memory_space<vmem>>, vector<1x16xf32>,
        %get3A_1441 = vector.shape_cast %get3A_1440 : vector<1x16xf32> to vector<16xf32>
        %add3A_1442 = arith.addf %scan3A_1427, %get3A_1441 : vector<16xf32>
        %add3A_1443 = arith.constant 1 : i32
        %add3A_1444 = arith.addi %add3A_1433, %add3A_1443 : i32
        %get3A_1445 = arith.index_cast %add3A_1444 : i32 to index
        %get3A_1446 = arith.constant 0 : index
        %get3A_1447 = tpu.vector_load %arg11[%get3A_1445, %get3A_1446] {strides = array<i32>} : memref<1600x32xf32, #tpu.memory_space<vmem>>, vector<1x16xf32>,
        %get3A_1448 = vector.shape_cast %get3A_1447 : vector<1x16xf32> to vector<16xf32>
        %add3A_1449 = arith.addf %scan3A_1428, %get3A_1448 : vector<16xf32>
        %add3A_1450 = arith.constant 1 : i32
        %add3A_1451 = arith.addi %add3A_1433, %add3A_1450 : i32
        %get3A_1452 = arith.index_cast %add3A_1451 : i32 to index
        %get3A_1453 = arith.constant 16 : index
        %get3A_1454 = tpu.vector_load %arg11[%get3A_1452, %get3A_1453] {strides = array<i32>} : memref<1600x32xf32, #tpu.memory_space<vmem>>, vector<1x16xf32>,
        %get3A_1455 = vector.shape_cast %get3A_1454 : vector<1x16xf32> to vector<16xf32>
        %add3A_1456 = arith.addf %scan3A_1429, %get3A_1455 : vector<16xf32>
        scf.yield %add3A_1437, %add3A_1442, %add3A_1449, %add3A_1456 : vector<16xf32>, vector<16xf32>, vector<16xf32>, vector<16xf32>
      }
      %scan3A_1336 = arith.constant 100 : i32
      %mul3A_1337 = arith.constant 8 : i32
      %mul3A_1338 = arith.muli %add3A_1232, %mul3A_1337 : i32
      %add3A_1339 = arith.constant 4 : i32
      %add3A_1340 = arith.addi %mul3A_1338, %add3A_1339 : i32
      %add3A_1341 = arith.addf %scan3A_1335#0, %scan3A_1335#2 : vector<16xf32>
      %swap3A_1342 = arith.index_cast %add3A_1340 : i32 to index
      %swap3A_1343 = arith.constant 0 : index
      %swap3A_1344 = tpu.vector_load %arg12[%swap3A_1342, %swap3A_1343] {strides = array<i32>} : memref<128x128xf32, #tpu.memory_space<vmem>>, vector<1x16xf32>,
      %swap3A_1345 = vector.shape_cast %swap3A_1344 : vector<1x16xf32> to vector<16xf32>
      %swap3A_1346 = vector.shape_cast %add3A_1341 : vector<16xf32> to vector<1x16xf32>
      tpu.vector_store %arg12[%swap3A_1342, %swap3A_1343], %swap3A_1346 {strides = array<i32>} : memref<128x128xf32, #tpu.memory_space<vmem>>, vector<1x16xf32>,
      %add3A_1347 = arith.addf %scan3A_1335#1, %scan3A_1335#3 : vector<16xf32>
      %swap3A_1348 = arith.index_cast %add3A_1340 : i32 to index
      %swap3A_1349 = arith.constant 16 : index
      %swap3A_1350 = tpu.vector_load %arg12[%swap3A_1348, %swap3A_1349] {strides = array<i32>} : memref<128x128xf32, #tpu.memory_space<vmem>>, vector<1x16xf32>,
      %swap3A_1351 = vector.shape_cast %swap3A_1350 : vector<1x16xf32> to vector<16xf32>
      %swap3A_1352 = vector.shape_cast %add3A_1347 : vector<16xf32> to vector<1x16xf32>
      tpu.vector_store %arg12[%swap3A_1348, %swap3A_1349], %swap3A_1352 {strides = array<i32>} : memref<128x128xf32, #tpu.memory_space<vmem>>, vector<1x16xf32>,
      %broadcast_in_dim3A_1353 = arith.constant 0.000000e+00 : f32
      %broadcast_in_dim3A_1354 = vector.broadcast %broadcast_in_dim3A_1353 : f32 to vector<16xf32>
      %scan3A_1355 = arith.constant 0 : i32
      %scan3A_1356 = arith.constant 100 : i32
      %scan3A_1357 = arith.addi %scan3A_1355, %scan3A_1356 : i32
      %scan3A_1358 = arith.constant 1 : i32
      %scan3A_1359:4 = scf.for %scan3A_1425 = %scan3A_1355 to %scan3A_1357 step %scan3A_1358 iter_args(%scan3A_1426 = %broadcast_in_dim3A_1354, %scan3A_1427 = %broadcast_in_dim3A_1354, %scan3A_1428 = %broadcast_in_dim3A_1354, %scan3A_1429 = %broadcast_in_dim3A_1354) -> (vector<16xf32>, vector<16xf32>, vector<16xf32>, vector<16xf32>)  : i32 {
        %mul3A_1430 = arith.constant 2 : i32
        %mul3A_1431 = arith.muli %mul3A_1430, %scan3A_1425 : i32
        %add3A_1432 = arith.constant 1000 : i32
        %add3A_1433 = arith.addi %add3A_1432, %mul3A_1431 : i32
        %get3A = arith.index_cast %add3A_1433 : i32 to index
        %get3A_1434 = arith.constant 0 : index
        %get3A_1435 = tpu.vector_load %arg11[%get3A, %get3A_1434] {strides = array<i32>} : memref<1600x32xf32, #tpu.memory_space<vmem>>, vector<1x16xf32>,
        %get3A_1436 = vector.shape_cast %get3A_1435 : vector<1x16xf32> to vector<16xf32>
        %add3A_1437 = arith.addf %scan3A_1426, %get3A_1436 : vector<16xf32>
        %get3A_1438 = arith.index_cast %add3A_1433 : i32 to index
        %get3A_1439 = arith.constant 16 : index
        %get3A_1440 = tpu.vector_load %arg11[%get3A_1438, %get3A_1439] {strides = array<i32>} : memref<1600x32xf32, #tpu.memory_space<vmem>>, vector<1x16xf32>,
        %get3A_1441 = vector.shape_cast %get3A_1440 : vector<1x16xf32> to vector<16xf32>
        %add3A_1442 = arith.addf %scan3A_1427, %get3A_1441 : vector<16xf32>
        %add3A_1443 = arith.constant 1 : i32
        %add3A_1444 = arith.addi %add3A_1433, %add3A_1443 : i32
        %get3A_1445 = arith.index_cast %add3A_1444 : i32 to index
        %get3A_1446 = arith.constant 0 : index
        %get3A_1447 = tpu.vector_load %arg11[%get3A_1445, %get3A_1446] {strides = array<i32>} : memref<1600x32xf32, #tpu.memory_space<vmem>>, vector<1x16xf32>,
        %get3A_1448 = vector.shape_cast %get3A_1447 : vector<1x16xf32> to vector<16xf32>
        %add3A_1449 = arith.addf %scan3A_1428, %get3A_1448 : vector<16xf32>
        %add3A_1450 = arith.constant 1 : i32
        %add3A_1451 = arith.addi %add3A_1433, %add3A_1450 : i32
        %get3A_1452 = arith.index_cast %add3A_1451 : i32 to index
        %get3A_1453 = arith.constant 16 : index
        %get3A_1454 = tpu.vector_load %arg11[%get3A_1452, %get3A_1453] {strides = array<i32>} : memref<1600x32xf32, #tpu.memory_space<vmem>>, vector<1x16xf32>,
        %get3A_1455 = vector.shape_cast %get3A_1454 : vector<1x16xf32> to vector<16xf32>
        %add3A_1456 = arith.addf %scan3A_1429, %get3A_1455 : vector<16xf32>
        scf.yield %add3A_1437, %add3A_1442, %add3A_1449, %add3A_1456 : vector<16xf32>, vector<16xf32>, vector<16xf32>, vector<16xf32>
      }
      %scan3A_1360 = arith.constant 100 : i32
      %mul3A_1361 = arith.constant 8 : i32
      %mul3A_1362 = arith.muli %add3A_1232, %mul3A_1361 : i32
      %add3A_1363 = arith.constant 5 : i32
      %add3A_1364 = arith.addi %mul3A_1362, %add3A_1363 : i32
      %add3A_1365 = arith.addf %scan3A_1359#0, %scan3A_1359#2 : vector<16xf32>
      %swap3A_1366 = arith.index_cast %add3A_1364 : i32 to index
      %swap3A_1367 = arith.constant 0 : index
      %swap3A_1368 = tpu.vector_load %arg12[%swap3A_1366, %swap3A_1367] {strides = array<i32>} : memref<128x128xf32, #tpu.memory_space<vmem>>, vector<1x16xf32>,
      %swap3A_1369 = vector.shape_cast %swap3A_1368 : vector<1x16xf32> to vector<16xf32>
      %swap3A_1370 = vector.shape_cast %add3A_1365 : vector<16xf32> to vector<1x16xf32>
      tpu.vector_store %arg12[%swap3A_1366, %swap3A_1367], %swap3A_1370 {strides = array<i32>} : memref<128x128xf32, #tpu.memory_space<vmem>>, vector<1x16xf32>,
      %add3A_1371 = arith.addf %scan3A_1359#1, %scan3A_1359#3 : vector<16xf32>
      %swap3A_1372 = arith.index_cast %add3A_1364 : i32 to index
      %swap3A_1373 = arith.constant 16 : index
      %swap3A_1374 = tpu.vector_load %arg12[%swap3A_1372, %swap3A_1373] {strides = array<i32>} : memref<128x128xf32, #tpu.memory_space<vmem>>, vector<1x16xf32>,
      %swap3A_1375 = vector.shape_cast %swap3A_1374 : vector<1x16xf32> to vector<16xf32>
      %swap3A_1376 = vector.shape_cast %add3A_1371 : vector<16xf32> to vector<1x16xf32>
      tpu.vector_store %arg12[%swap3A_1372, %swap3A_1373], %swap3A_1376 {strides = array<i32>} : memref<128x128xf32, #tpu.memory_space<vmem>>, vector<1x16xf32>,
      %broadcast_in_dim3A_1377 = arith.constant 0.000000e+00 : f32
      %broadcast_in_dim3A_1378 = vector.broadcast %broadcast_in_dim3A_1377 : f32 to vector<16xf32>
      %scan3A_1379 = arith.constant 0 : i32
      %scan3A_1380 = arith.constant 100 : i32
      %scan3A_1381 = arith.addi %scan3A_1379, %scan3A_1380 : i32
      %scan3A_1382 = arith.constant 1 : i32
      %scan3A_1383:4 = scf.for %scan3A_1425 = %scan3A_1379 to %scan3A_1381 step %scan3A_1382 iter_args(%scan3A_1426 = %broadcast_in_dim3A_1378, %scan3A_1427 = %broadcast_in_dim3A_1378, %scan3A_1428 = %broadcast_in_dim3A_1378, %scan3A_1429 = %broadcast_in_dim3A_1378) -> (vector<16xf32>, vector<16xf32>, vector<16xf32>, vector<16xf32>)  : i32 {
        %mul3A_1430 = arith.constant 2 : i32
        %mul3A_1431 = arith.muli %mul3A_1430, %scan3A_1425 : i32
        %add3A_1432 = arith.constant 1200 : i32
        %add3A_1433 = arith.addi %add3A_1432, %mul3A_1431 : i32
        %get3A = arith.index_cast %add3A_1433 : i32 to index
        %get3A_1434 = arith.constant 0 : index
        %get3A_1435 = tpu.vector_load %arg11[%get3A, %get3A_1434] {strides = array<i32>} : memref<1600x32xf32, #tpu.memory_space<vmem>>, vector<1x16xf32>,
        %get3A_1436 = vector.shape_cast %get3A_1435 : vector<1x16xf32> to vector<16xf32>
        %add3A_1437 = arith.addf %scan3A_1426, %get3A_1436 : vector<16xf32>
        %get3A_1438 = arith.index_cast %add3A_1433 : i32 to index
        %get3A_1439 = arith.constant 16 : index
        %get3A_1440 = tpu.vector_load %arg11[%get3A_1438, %get3A_1439] {strides = array<i32>} : memref<1600x32xf32, #tpu.memory_space<vmem>>, vector<1x16xf32>,
        %get3A_1441 = vector.shape_cast %get3A_1440 : vector<1x16xf32> to vector<16xf32>
        %add3A_1442 = arith.addf %scan3A_1427, %get3A_1441 : vector<16xf32>
        %add3A_1443 = arith.constant 1 : i32
        %add3A_1444 = arith.addi %add3A_1433, %add3A_1443 : i32
        %get3A_1445 = arith.index_cast %add3A_1444 : i32 to index
        %get3A_1446 = arith.constant 0 : index
        %get3A_1447 = tpu.vector_load %arg11[%get3A_1445, %get3A_1446] {strides = array<i32>} : memref<1600x32xf32, #tpu.memory_space<vmem>>, vector<1x16xf32>,
        %get3A_1448 = vector.shape_cast %get3A_1447 : vector<1x16xf32> to vector<16xf32>
        %add3A_1449 = arith.addf %scan3A_1428, %get3A_1448 : vector<16xf32>
        %add3A_1450 = arith.constant 1 : i32
        %add3A_1451 = arith.addi %add3A_1433, %add3A_1450 : i32
        %get3A_1452 = arith.index_cast %add3A_1451 : i32 to index
        %get3A_1453 = arith.constant 16 : index
        %get3A_1454 = tpu.vector_load %arg11[%get3A_1452, %get3A_1453] {strides = array<i32>} : memref<1600x32xf32, #tpu.memory_space<vmem>>, vector<1x16xf32>,
        %get3A_1455 = vector.shape_cast %get3A_1454 : vector<1x16xf32> to vector<16xf32>
        %add3A_1456 = arith.addf %scan3A_1429, %get3A_1455 : vector<16xf32>
        scf.yield %add3A_1437, %add3A_1442, %add3A_1449, %add3A_1456 : vector<16xf32>, vector<16xf32>, vector<16xf32>, vector<16xf32>
      }
      %scan3A_1384 = arith.constant 100 : i32
      %mul3A_1385 = arith.constant 8 : i32
      %mul3A_1386 = arith.muli %add3A_1232, %mul3A_1385 : i32
      %add3A_1387 = arith.constant 6 : i32
      %add3A_1388 = arith.addi %mul3A_1386, %add3A_1387 : i32
      %add3A_1389 = arith.addf %scan3A_1383#0, %scan3A_1383#2 : vector<16xf32>
      %swap3A_1390 = arith.index_cast %add3A_1388 : i32 to index
      %swap3A_1391 = arith.constant 0 : index
      %swap3A_1392 = tpu.vector_load %arg12[%swap3A_1390, %swap3A_1391] {strides = array<i32>} : memref<128x128xf32, #tpu.memory_space<vmem>>, vector<1x16xf32>,
      %swap3A_1393 = vector.shape_cast %swap3A_1392 : vector<1x16xf32> to vector<16xf32>
      %swap3A_1394 = vector.shape_cast %add3A_1389 : vector<16xf32> to vector<1x16xf32>
      tpu.vector_store %arg12[%swap3A_1390, %swap3A_1391], %swap3A_1394 {strides = array<i32>} : memref<128x128xf32, #tpu.memory_space<vmem>>, vector<1x16xf32>,
      %add3A_1395 = arith.addf %scan3A_1383#1, %scan3A_1383#3 : vector<16xf32>
      %swap3A_1396 = arith.index_cast %add3A_1388 : i32 to index
      %swap3A_1397 = arith.constant 16 : index
      %swap3A_1398 = tpu.vector_load %arg12[%swap3A_1396, %swap3A_1397] {strides = array<i32>} : memref<128x128xf32, #tpu.memory_space<vmem>>, vector<1x16xf32>,
      %swap3A_1399 = vector.shape_cast %swap3A_1398 : vector<1x16xf32> to vector<16xf32>
      %swap3A_1400 = vector.shape_cast %add3A_1395 : vector<16xf32> to vector<1x16xf32>
      tpu.vector_store %arg12[%swap3A_1396, %swap3A_1397], %swap3A_1400 {strides = array<i32>} : memref<128x128xf32, #tpu.memory_space<vmem>>, vector<1x16xf32>,
      %broadcast_in_dim3A_1401 = arith.constant 0.000000e+00 : f32
      %broadcast_in_dim3A_1402 = vector.broadcast %broadcast_in_dim3A_1401 : f32 to vector<16xf32>
      %scan3A_1403 = arith.constant 0 : i32
      %scan3A_1404 = arith.constant 100 : i32
      %scan3A_1405 = arith.addi %scan3A_1403, %scan3A_1404 : i32
      %scan3A_1406 = arith.constant 1 : i32
      %scan3A_1407:4 = scf.for %scan3A_1425 = %scan3A_1403 to %scan3A_1405 step %scan3A_1406 iter_args(%scan3A_1426 = %broadcast_in_dim3A_1402, %scan3A_1427 = %broadcast_in_dim3A_1402, %scan3A_1428 = %broadcast_in_dim3A_1402, %scan3A_1429 = %broadcast_in_dim3A_1402) -> (vector<16xf32>, vector<16xf32>, vector<16xf32>, vector<16xf32>)  : i32 {
        %mul3A_1430 = arith.constant 2 : i32
        %mul3A_1431 = arith.muli %mul3A_1430, %scan3A_1425 : i32
        %add3A_1432 = arith.constant 1400 : i32
        %add3A_1433 = arith.addi %add3A_1432, %mul3A_1431 : i32
        %get3A = arith.index_cast %add3A_1433 : i32 to index
        %get3A_1434 = arith.constant 0 : index
        %get3A_1435 = tpu.vector_load %arg11[%get3A, %get3A_1434] {strides = array<i32>} : memref<1600x32xf32, #tpu.memory_space<vmem>>, vector<1x16xf32>,
        %get3A_1436 = vector.shape_cast %get3A_1435 : vector<1x16xf32> to vector<16xf32>
        %add3A_1437 = arith.addf %scan3A_1426, %get3A_1436 : vector<16xf32>
        %get3A_1438 = arith.index_cast %add3A_1433 : i32 to index
        %get3A_1439 = arith.constant 16 : index
        %get3A_1440 = tpu.vector_load %arg11[%get3A_1438, %get3A_1439] {strides = array<i32>} : memref<1600x32xf32, #tpu.memory_space<vmem>>, vector<1x16xf32>,
        %get3A_1441 = vector.shape_cast %get3A_1440 : vector<1x16xf32> to vector<16xf32>
        %add3A_1442 = arith.addf %scan3A_1427, %get3A_1441 : vector<16xf32>
        %add3A_1443 = arith.constant 1 : i32
        %add3A_1444 = arith.addi %add3A_1433, %add3A_1443 : i32
        %get3A_1445 = arith.index_cast %add3A_1444 : i32 to index
        %get3A_1446 = arith.constant 0 : index
        %get3A_1447 = tpu.vector_load %arg11[%get3A_1445, %get3A_1446] {strides = array<i32>} : memref<1600x32xf32, #tpu.memory_space<vmem>>, vector<1x16xf32>,
        %get3A_1448 = vector.shape_cast %get3A_1447 : vector<1x16xf32> to vector<16xf32>
        %add3A_1449 = arith.addf %scan3A_1428, %get3A_1448 : vector<16xf32>
        %add3A_1450 = arith.constant 1 : i32
        %add3A_1451 = arith.addi %add3A_1433, %add3A_1450 : i32
        %get3A_1452 = arith.index_cast %add3A_1451 : i32 to index
        %get3A_1453 = arith.constant 16 : index
        %get3A_1454 = tpu.vector_load %arg11[%get3A_1452, %get3A_1453] {strides = array<i32>} : memref<1600x32xf32, #tpu.memory_space<vmem>>, vector<1x16xf32>,
        %get3A_1455 = vector.shape_cast %get3A_1454 : vector<1x16xf32> to vector<16xf32>
        %add3A_1456 = arith.addf %scan3A_1429, %get3A_1455 : vector<16xf32>
        scf.yield %add3A_1437, %add3A_1442, %add3A_1449, %add3A_1456 : vector<16xf32>, vector<16xf32>, vector<16xf32>, vector<16xf32>
      }
      %scan3A_1408 = arith.constant 100 : i32
      %mul3A_1409 = arith.constant 8 : i32
      %mul3A_1410 = arith.muli %add3A_1232, %mul3A_1409 : i32
      %add3A_1411 = arith.constant 7 : i32
      %add3A_1412 = arith.addi %mul3A_1410, %add3A_1411 : i32
      %add3A_1413 = arith.addf %scan3A_1407#0, %scan3A_1407#2 : vector<16xf32>
      %swap3A_1414 = arith.index_cast %add3A_1412 : i32 to index
      %swap3A_1415 = arith.constant 0 : index
      %swap3A_1416 = tpu.vector_load %arg12[%swap3A_1414, %swap3A_1415] {strides = array<i32>} : memref<128x128xf32, #tpu.memory_space<vmem>>, vector<1x16xf32>,
      %swap3A_1417 = vector.shape_cast %swap3A_1416 : vector<1x16xf32> to vector<16xf32>
      %swap3A_1418 = vector.shape_cast %add3A_1413 : vector<16xf32> to vector<1x16xf32>
      tpu.vector_store %arg12[%swap3A_1414, %swap3A_1415], %swap3A_1418 {strides = array<i32>} : memref<128x128xf32, #tpu.memory_space<vmem>>, vector<1x16xf32>,
      %add3A_1419 = arith.addf %scan3A_1407#1, %scan3A_1407#3 : vector<16xf32>
      %swap3A_1420 = arith.index_cast %add3A_1412 : i32 to index
      %swap3A_1421 = arith.constant 16 : index
      %swap3A_1422 = tpu.vector_load %arg12[%swap3A_1420, %swap3A_1421] {strides = array<i32>} : memref<128x128xf32, #tpu.memory_space<vmem>>, vector<1x16xf32>,
      %swap3A_1423 = vector.shape_cast %swap3A_1422 : vector<1x16xf32> to vector<16xf32>
      %swap3A_1424 = vector.shape_cast %add3A_1419 : vector<16xf32> to vector<1x16xf32>
      tpu.vector_store %arg12[%swap3A_1420, %swap3A_1421], %swap3A_1424 {strides = array<i32>} : memref<128x128xf32, #tpu.memory_space<vmem>>, vector<1x16xf32>,
    }
    %scan3A_168 = arith.constant 7 : i32
    %add3A_169 = arith.constant 120 : i32
    %add3A_170 = arith.addi %mul3A_2, %add3A_169 : i32
    "tpu.region"() ({
      %run_scoped3A = tpu.sem_alloc : memref<!tpu.dma_semaphore, #tpu.memory_space<semaphore_mem>>
      %dma_start3A_694 = arith.constant 0 : i32
      %dma_start3A_695 = tpu.memref_slice %arg2[%add3A_170, %dma_start3A_694] : memref<4096x128xi32, #tpu.memory_space<hbm>> -> memref<8x128xi32, #tpu.memory_space<hbm>>
      %dma_start3A_696 = arith.constant 0 : i32
      %dma_start3A_697 = tpu.memref_slice %arg2[%add3A_170, %dma_start3A_696] : memref<4096x128xi32, #tpu.memory_space<hbm>> -> memref<8x128xi32, #tpu.memory_space<hbm>>
      tpu.enqueue_dma source(%dma_start3A_697 : memref<8x128xi32, #tpu.memory_space<hbm>>) target(%arg8 : memref<8x128xi32, #tpu.memory_space<vmem>>) target_semaphore(%run_scoped3A : memref<!tpu.dma_semaphore, #tpu.memory_space<semaphore_mem>>)
      %dma_wait3A_698 = arith.constant 0 : i32
      %dma_wait3A_699 = tpu.memref_slice %arg2[%add3A_170, %dma_wait3A_698] : memref<4096x128xi32, #tpu.memory_space<hbm>> -> memref<8x128xi32, #tpu.memory_space<hbm>>
      %dma_wait3A_700 = arith.constant 0 : i32
      %dma_wait3A_701 = tpu.memref_slice %arg2[%add3A_170, %dma_wait3A_700] : memref<4096x128xi32, #tpu.memory_space<hbm>> -> memref<8x128xi32, #tpu.memory_space<hbm>>
      tpu.wait_dma2 semaphore(%run_scoped3A : memref<!tpu.dma_semaphore, #tpu.memory_space<semaphore_mem>>) src(%dma_wait3A_701 : memref<8x128xi32, #tpu.memory_space<hbm>>) dst(%arg8 : memref<8x128xi32, #tpu.memory_space<vmem>>)
      tpu.yield
    }) : () -> ()
    "tpu.region"() ({
      %run_scoped3A = tpu.sem_alloc : memref<!tpu.dma_semaphore, #tpu.memory_space<semaphore_mem>>
      %dma_start3A_694 = arith.constant 0 : i32
      %dma_start3A_695 = tpu.memref_slice %arg3[%add3A_170, %dma_start3A_694] : memref<4096x128xi32, #tpu.memory_space<hbm>> -> memref<8x128xi32, #tpu.memory_space<hbm>>
      %dma_start3A_696 = arith.constant 0 : i32
      %dma_start3A_697 = tpu.memref_slice %arg3[%add3A_170, %dma_start3A_696] : memref<4096x128xi32, #tpu.memory_space<hbm>> -> memref<8x128xi32, #tpu.memory_space<hbm>>
      tpu.enqueue_dma source(%dma_start3A_697 : memref<8x128xi32, #tpu.memory_space<hbm>>) target(%arg9 : memref<8x128xi32, #tpu.memory_space<vmem>>) target_semaphore(%run_scoped3A : memref<!tpu.dma_semaphore, #tpu.memory_space<semaphore_mem>>)
      %dma_wait3A_698 = arith.constant 0 : i32
      %dma_wait3A_699 = tpu.memref_slice %arg3[%add3A_170, %dma_wait3A_698] : memref<4096x128xi32, #tpu.memory_space<hbm>> -> memref<8x128xi32, #tpu.memory_space<hbm>>
      %dma_wait3A_700 = arith.constant 0 : i32
      %dma_wait3A_701 = tpu.memref_slice %arg3[%add3A_170, %dma_wait3A_700] : memref<4096x128xi32, #tpu.memory_space<hbm>> -> memref<8x128xi32, #tpu.memory_space<hbm>>
      tpu.wait_dma2 semaphore(%run_scoped3A : memref<!tpu.dma_semaphore, #tpu.memory_space<semaphore_mem>>) src(%dma_wait3A_701 : memref<8x128xi32, #tpu.memory_space<hbm>>) dst(%arg9 : memref<8x128xi32, #tpu.memory_space<vmem>>)
      tpu.yield
    }) : () -> ()
    %dma_start3A_171 = arith.constant 0 : i32
    %dma_start3A_172 = arith.constant 0 : i32
    %dma_start3A_173 = arith.constant 0 : i32
    %dma_start3A_174 = tpu.memref_slice %arg11[%dma_start3A_172, %dma_start3A_173] : memref<1600x32xf32, #tpu.memory_space<vmem>> -> memref<128x32xf32, #tpu.memory_space<vmem>>
    %dma_start3A_175 = arith.constant 0 : i32
    %dma_start3A_176 = tpu.memref_slice %arg8[%dma_start3A_171, %dma_start3A_175] : memref<8x128xi32, #tpu.memory_space<vmem>> -> memref<1x128xi32, #tpu.memory_space<vmem>>
    %dma_start3A_177 = tpu.memref_squeeze %dma_start3A_176 : memref<1x128xi32, #tpu.memory_space<vmem>> -> memref<128xi32, #tpu.memory_space<vmem>>
    %dma_start3A_178 = arith.constant 0 : i32
    %dma_start3A_179 = arith.constant 0 : i32
    %dma_start3A_180 = tpu.memref_slice %arg4[%dma_start3A_178, %dma_start3A_179] : memref<1015808x32xf32, #tpu.memory_space<hbm>> -> memref<1015808x32xf32, #tpu.memory_space<hbm>>
    tpu.enqueue_indirect_dma source(%dma_start3A_180 : memref<1015808x32xf32, #tpu.memory_space<hbm>>) target(%dma_start3A_174 : memref<128x32xf32, #tpu.memory_space<vmem>>) offsets(%dma_start3A_177 : memref<128xi32, #tpu.memory_space<vmem>>) semaphore(%arg14 : memref<!tpu.dma_semaphore, #tpu.memory_space<semaphore_mem>>)
    %dma_start3A_181 = arith.constant 0 : i32
    %dma_start3A_182 = arith.constant 128 : i32
    %dma_start3A_183 = arith.constant 0 : i32
    %dma_start3A_184 = tpu.memref_slice %arg11[%dma_start3A_182, %dma_start3A_183] : memref<1600x32xf32, #tpu.memory_space<vmem>> -> memref<72x32xf32, #tpu.memory_space<vmem>>
    %dma_start3A_185 = arith.constant 0 : i32
    %dma_start3A_186 = tpu.memref_slice %arg9[%dma_start3A_181, %dma_start3A_185] : memref<8x128xi32, #tpu.memory_space<vmem>> -> memref<1x72xi32, #tpu.memory_space<vmem>>
    %dma_start3A_187 = tpu.memref_squeeze %dma_start3A_186 : memref<1x72xi32, #tpu.memory_space<vmem>> -> memref<72xi32, #tpu.memory_space<vmem>>
    %dma_start3A_188 = arith.constant 0 : i32
    %dma_start3A_189 = arith.constant 0 : i32
    %dma_start3A_190 = tpu.memref_slice %arg4[%dma_start3A_188, %dma_start3A_189] : memref<1015808x32xf32, #tpu.memory_space<hbm>> -> memref<1015808x32xf32, #tpu.memory_space<hbm>>
    tpu.enqueue_indirect_dma source(%dma_start3A_190 : memref<1015808x32xf32, #tpu.memory_space<hbm>>) target(%dma_start3A_184 : memref<72x32xf32, #tpu.memory_space<vmem>>) offsets(%dma_start3A_187 : memref<72xi32, #tpu.memory_space<vmem>>) semaphore(%arg14 : memref<!tpu.dma_semaphore, #tpu.memory_space<semaphore_mem>>)
    %dma_start3A_191 = arith.constant 1 : i32
    %dma_start3A_192 = arith.constant 200 : i32
    %dma_start3A_193 = arith.constant 0 : i32
    %dma_start3A_194 = tpu.memref_slice %arg11[%dma_start3A_192, %dma_start3A_193] : memref<1600x32xf32, #tpu.memory_space<vmem>> -> memref<128x32xf32, #tpu.memory_space<vmem>>
    %dma_start3A_195 = arith.constant 0 : i32
    %dma_start3A_196 = tpu.memref_slice %arg8[%dma_start3A_191, %dma_start3A_195] : memref<8x128xi32, #tpu.memory_space<vmem>> -> memref<1x128xi32, #tpu.memory_space<vmem>>
    %dma_start3A_197 = tpu.memref_squeeze %dma_start3A_196 : memref<1x128xi32, #tpu.memory_space<vmem>> -> memref<128xi32, #tpu.memory_space<vmem>>
    %dma_start3A_198 = arith.constant 0 : i32
    %dma_start3A_199 = arith.constant 0 : i32
    %dma_start3A_200 = tpu.memref_slice %arg4[%dma_start3A_198, %dma_start3A_199] : memref<1015808x32xf32, #tpu.memory_space<hbm>> -> memref<1015808x32xf32, #tpu.memory_space<hbm>>
    tpu.enqueue_indirect_dma source(%dma_start3A_200 : memref<1015808x32xf32, #tpu.memory_space<hbm>>) target(%dma_start3A_194 : memref<128x32xf32, #tpu.memory_space<vmem>>) offsets(%dma_start3A_197 : memref<128xi32, #tpu.memory_space<vmem>>) semaphore(%arg14 : memref<!tpu.dma_semaphore, #tpu.memory_space<semaphore_mem>>)
    %dma_start3A_201 = arith.constant 1 : i32
    %dma_start3A_202 = arith.constant 328 : i32
    %dma_start3A_203 = arith.constant 0 : i32
    %dma_start3A_204 = tpu.memref_slice %arg11[%dma_start3A_202, %dma_start3A_203] : memref<1600x32xf32, #tpu.memory_space<vmem>> -> memref<72x32xf32, #tpu.memory_space<vmem>>
    %dma_start3A_205 = arith.constant 0 : i32
    %dma_start3A_206 = tpu.memref_slice %arg9[%dma_start3A_201, %dma_start3A_205] : memref<8x128xi32, #tpu.memory_space<vmem>> -> memref<1x72xi32, #tpu.memory_space<vmem>>
    %dma_start3A_207 = tpu.memref_squeeze %dma_start3A_206 : memref<1x72xi32, #tpu.memory_space<vmem>> -> memref<72xi32, #tpu.memory_space<vmem>>
    %dma_start3A_208 = arith.constant 0 : i32
    %dma_start3A_209 = arith.constant 0 : i32
    %dma_start3A_210 = tpu.memref_slice %arg4[%dma_start3A_208, %dma_start3A_209] : memref<1015808x32xf32, #tpu.memory_space<hbm>> -> memref<1015808x32xf32, #tpu.memory_space<hbm>>
    tpu.enqueue_indirect_dma source(%dma_start3A_210 : memref<1015808x32xf32, #tpu.memory_space<hbm>>) target(%dma_start3A_204 : memref<72x32xf32, #tpu.memory_space<vmem>>) offsets(%dma_start3A_207 : memref<72xi32, #tpu.memory_space<vmem>>) semaphore(%arg14 : memref<!tpu.dma_semaphore, #tpu.memory_space<semaphore_mem>>)
    %dma_start3A_211 = arith.constant 2 : i32
    %dma_start3A_212 = arith.constant 400 : i32
    %dma_start3A_213 = arith.constant 0 : i32
    %dma_start3A_214 = tpu.memref_slice %arg11[%dma_start3A_212, %dma_start3A_213] : memref<1600x32xf32, #tpu.memory_space<vmem>> -> memref<128x32xf32, #tpu.memory_space<vmem>>
    %dma_start3A_215 = arith.constant 0 : i32
    %dma_start3A_216 = tpu.memref_slice %arg8[%dma_start3A_211, %dma_start3A_215] : memref<8x128xi32, #tpu.memory_space<vmem>> -> memref<1x128xi32, #tpu.memory_space<vmem>>
    %dma_start3A_217 = tpu.memref_squeeze %dma_start3A_216 : memref<1x128xi32, #tpu.memory_space<vmem>> -> memref<128xi32, #tpu.memory_space<vmem>>
    %dma_start3A_218 = arith.constant 0 : i32
    %dma_start3A_219 = arith.constant 0 : i32
    %dma_start3A_220 = tpu.memref_slice %arg4[%dma_start3A_218, %dma_start3A_219] : memref<1015808x32xf32, #tpu.memory_space<hbm>> -> memref<1015808x32xf32, #tpu.memory_space<hbm>>
    tpu.enqueue_indirect_dma source(%dma_start3A_220 : memref<1015808x32xf32, #tpu.memory_space<hbm>>) target(%dma_start3A_214 : memref<128x32xf32, #tpu.memory_space<vmem>>) offsets(%dma_start3A_217 : memref<128xi32, #tpu.memory_space<vmem>>) semaphore(%arg14 : memref<!tpu.dma_semaphore, #tpu.memory_space<semaphore_mem>>)
    %dma_start3A_221 = arith.constant 2 : i32
    %dma_start3A_222 = arith.constant 528 : i32
    %dma_start3A_223 = arith.constant 0 : i32
    %dma_start3A_224 = tpu.memref_slice %arg11[%dma_start3A_222, %dma_start3A_223] : memref<1600x32xf32, #tpu.memory_space<vmem>> -> memref<72x32xf32, #tpu.memory_space<vmem>>
    %dma_start3A_225 = arith.constant 0 : i32
    %dma_start3A_226 = tpu.memref_slice %arg9[%dma_start3A_221, %dma_start3A_225] : memref<8x128xi32, #tpu.memory_space<vmem>> -> memref<1x72xi32, #tpu.memory_space<vmem>>
    %dma_start3A_227 = tpu.memref_squeeze %dma_start3A_226 : memref<1x72xi32, #tpu.memory_space<vmem>> -> memref<72xi32, #tpu.memory_space<vmem>>
    %dma_start3A_228 = arith.constant 0 : i32
    %dma_start3A_229 = arith.constant 0 : i32
    %dma_start3A_230 = tpu.memref_slice %arg4[%dma_start3A_228, %dma_start3A_229] : memref<1015808x32xf32, #tpu.memory_space<hbm>> -> memref<1015808x32xf32, #tpu.memory_space<hbm>>
    tpu.enqueue_indirect_dma source(%dma_start3A_230 : memref<1015808x32xf32, #tpu.memory_space<hbm>>) target(%dma_start3A_224 : memref<72x32xf32, #tpu.memory_space<vmem>>) offsets(%dma_start3A_227 : memref<72xi32, #tpu.memory_space<vmem>>) semaphore(%arg14 : memref<!tpu.dma_semaphore, #tpu.memory_space<semaphore_mem>>)
    %dma_start3A_231 = arith.constant 3 : i32
    %dma_start3A_232 = arith.constant 600 : i32
    %dma_start3A_233 = arith.constant 0 : i32
    %dma_start3A_234 = tpu.memref_slice %arg11[%dma_start3A_232, %dma_start3A_233] : memref<1600x32xf32, #tpu.memory_space<vmem>> -> memref<128x32xf32, #tpu.memory_space<vmem>>
    %dma_start3A_235 = arith.constant 0 : i32
    %dma_start3A_236 = tpu.memref_slice %arg8[%dma_start3A_231, %dma_start3A_235] : memref<8x128xi32, #tpu.memory_space<vmem>> -> memref<1x128xi32, #tpu.memory_space<vmem>>
    %dma_start3A_237 = tpu.memref_squeeze %dma_start3A_236 : memref<1x128xi32, #tpu.memory_space<vmem>> -> memref<128xi32, #tpu.memory_space<vmem>>
    %dma_start3A_238 = arith.constant 0 : i32
    %dma_start3A_239 = arith.constant 0 : i32
    %dma_start3A_240 = tpu.memref_slice %arg4[%dma_start3A_238, %dma_start3A_239] : memref<1015808x32xf32, #tpu.memory_space<hbm>> -> memref<1015808x32xf32, #tpu.memory_space<hbm>>
    tpu.enqueue_indirect_dma source(%dma_start3A_240 : memref<1015808x32xf32, #tpu.memory_space<hbm>>) target(%dma_start3A_234 : memref<128x32xf32, #tpu.memory_space<vmem>>) offsets(%dma_start3A_237 : memref<128xi32, #tpu.memory_space<vmem>>) semaphore(%arg14 : memref<!tpu.dma_semaphore, #tpu.memory_space<semaphore_mem>>)
    %dma_start3A_241 = arith.constant 3 : i32
    %dma_start3A_242 = arith.constant 728 : i32
    %dma_start3A_243 = arith.constant 0 : i32
    %dma_start3A_244 = tpu.memref_slice %arg11[%dma_start3A_242, %dma_start3A_243] : memref<1600x32xf32, #tpu.memory_space<vmem>> -> memref<72x32xf32, #tpu.memory_space<vmem>>
    %dma_start3A_245 = arith.constant 0 : i32
    %dma_start3A_246 = tpu.memref_slice %arg9[%dma_start3A_241, %dma_start3A_245] : memref<8x128xi32, #tpu.memory_space<vmem>> -> memref<1x72xi32, #tpu.memory_space<vmem>>
    %dma_start3A_247 = tpu.memref_squeeze %dma_start3A_246 : memref<1x72xi32, #tpu.memory_space<vmem>> -> memref<72xi32, #tpu.memory_space<vmem>>
    %dma_start3A_248 = arith.constant 0 : i32
    %dma_start3A_249 = arith.constant 0 : i32
    %dma_start3A_250 = tpu.memref_slice %arg4[%dma_start3A_248, %dma_start3A_249] : memref<1015808x32xf32, #tpu.memory_space<hbm>> -> memref<1015808x32xf32, #tpu.memory_space<hbm>>
    tpu.enqueue_indirect_dma source(%dma_start3A_250 : memref<1015808x32xf32, #tpu.memory_space<hbm>>) target(%dma_start3A_244 : memref<72x32xf32, #tpu.memory_space<vmem>>) offsets(%dma_start3A_247 : memref<72xi32, #tpu.memory_space<vmem>>) semaphore(%arg14 : memref<!tpu.dma_semaphore, #tpu.memory_space<semaphore_mem>>)
    %dma_start3A_251 = arith.constant 4 : i32
    %dma_start3A_252 = arith.constant 800 : i32
    %dma_start3A_253 = arith.constant 0 : i32
    %dma_start3A_254 = tpu.memref_slice %arg11[%dma_start3A_252, %dma_start3A_253] : memref<1600x32xf32, #tpu.memory_space<vmem>> -> memref<128x32xf32, #tpu.memory_space<vmem>>
    %dma_start3A_255 = arith.constant 0 : i32
    %dma_start3A_256 = tpu.memref_slice %arg8[%dma_start3A_251, %dma_start3A_255] : memref<8x128xi32, #tpu.memory_space<vmem>> -> memref<1x128xi32, #tpu.memory_space<vmem>>
    %dma_start3A_257 = tpu.memref_squeeze %dma_start3A_256 : memref<1x128xi32, #tpu.memory_space<vmem>> -> memref<128xi32, #tpu.memory_space<vmem>>
    %dma_start3A_258 = arith.constant 0 : i32
    %dma_start3A_259 = arith.constant 0 : i32
    %dma_start3A_260 = tpu.memref_slice %arg4[%dma_start3A_258, %dma_start3A_259] : memref<1015808x32xf32, #tpu.memory_space<hbm>> -> memref<1015808x32xf32, #tpu.memory_space<hbm>>
    tpu.enqueue_indirect_dma source(%dma_start3A_260 : memref<1015808x32xf32, #tpu.memory_space<hbm>>) target(%dma_start3A_254 : memref<128x32xf32, #tpu.memory_space<vmem>>) offsets(%dma_start3A_257 : memref<128xi32, #tpu.memory_space<vmem>>) semaphore(%arg14 : memref<!tpu.dma_semaphore, #tpu.memory_space<semaphore_mem>>)
    %dma_start3A_261 = arith.constant 4 : i32
    %dma_start3A_262 = arith.constant 928 : i32
    %dma_start3A_263 = arith.constant 0 : i32
    %dma_start3A_264 = tpu.memref_slice %arg11[%dma_start3A_262, %dma_start3A_263] : memref<1600x32xf32, #tpu.memory_space<vmem>> -> memref<72x32xf32, #tpu.memory_space<vmem>>
    %dma_start3A_265 = arith.constant 0 : i32
    %dma_start3A_266 = tpu.memref_slice %arg9[%dma_start3A_261, %dma_start3A_265] : memref<8x128xi32, #tpu.memory_space<vmem>> -> memref<1x72xi32, #tpu.memory_space<vmem>>
    %dma_start3A_267 = tpu.memref_squeeze %dma_start3A_266 : memref<1x72xi32, #tpu.memory_space<vmem>> -> memref<72xi32, #tpu.memory_space<vmem>>
    %dma_start3A_268 = arith.constant 0 : i32
    %dma_start3A_269 = arith.constant 0 : i32
    %dma_start3A_270 = tpu.memref_slice %arg4[%dma_start3A_268, %dma_start3A_269] : memref<1015808x32xf32, #tpu.memory_space<hbm>> -> memref<1015808x32xf32, #tpu.memory_space<hbm>>
    tpu.enqueue_indirect_dma source(%dma_start3A_270 : memref<1015808x32xf32, #tpu.memory_space<hbm>>) target(%dma_start3A_264 : memref<72x32xf32, #tpu.memory_space<vmem>>) offsets(%dma_start3A_267 : memref<72xi32, #tpu.memory_space<vmem>>) semaphore(%arg14 : memref<!tpu.dma_semaphore, #tpu.memory_space<semaphore_mem>>)
    %dma_start3A_271 = arith.constant 5 : i32
    %dma_start3A_272 = arith.constant 1000 : i32
    %dma_start3A_273 = arith.constant 0 : i32
    %dma_start3A_274 = tpu.memref_slice %arg11[%dma_start3A_272, %dma_start3A_273] : memref<1600x32xf32, #tpu.memory_space<vmem>> -> memref<128x32xf32, #tpu.memory_space<vmem>>
    %dma_start3A_275 = arith.constant 0 : i32
    %dma_start3A_276 = tpu.memref_slice %arg8[%dma_start3A_271, %dma_start3A_275] : memref<8x128xi32, #tpu.memory_space<vmem>> -> memref<1x128xi32, #tpu.memory_space<vmem>>
    %dma_start3A_277 = tpu.memref_squeeze %dma_start3A_276 : memref<1x128xi32, #tpu.memory_space<vmem>> -> memref<128xi32, #tpu.memory_space<vmem>>
    %dma_start3A_278 = arith.constant 0 : i32
    %dma_start3A_279 = arith.constant 0 : i32
    %dma_start3A_280 = tpu.memref_slice %arg4[%dma_start3A_278, %dma_start3A_279] : memref<1015808x32xf32, #tpu.memory_space<hbm>> -> memref<1015808x32xf32, #tpu.memory_space<hbm>>
    tpu.enqueue_indirect_dma source(%dma_start3A_280 : memref<1015808x32xf32, #tpu.memory_space<hbm>>) target(%dma_start3A_274 : memref<128x32xf32, #tpu.memory_space<vmem>>) offsets(%dma_start3A_277 : memref<128xi32, #tpu.memory_space<vmem>>) semaphore(%arg14 : memref<!tpu.dma_semaphore, #tpu.memory_space<semaphore_mem>>)
    %dma_start3A_281 = arith.constant 5 : i32
    %dma_start3A_282 = arith.constant 1128 : i32
    %dma_start3A_283 = arith.constant 0 : i32
    %dma_start3A_284 = tpu.memref_slice %arg11[%dma_start3A_282, %dma_start3A_283] : memref<1600x32xf32, #tpu.memory_space<vmem>> -> memref<72x32xf32, #tpu.memory_space<vmem>>
    %dma_start3A_285 = arith.constant 0 : i32
    %dma_start3A_286 = tpu.memref_slice %arg9[%dma_start3A_281, %dma_start3A_285] : memref<8x128xi32, #tpu.memory_space<vmem>> -> memref<1x72xi32, #tpu.memory_space<vmem>>
    %dma_start3A_287 = tpu.memref_squeeze %dma_start3A_286 : memref<1x72xi32, #tpu.memory_space<vmem>> -> memref<72xi32, #tpu.memory_space<vmem>>
    %dma_start3A_288 = arith.constant 0 : i32
    %dma_start3A_289 = arith.constant 0 : i32
    %dma_start3A_290 = tpu.memref_slice %arg4[%dma_start3A_288, %dma_start3A_289] : memref<1015808x32xf32, #tpu.memory_space<hbm>> -> memref<1015808x32xf32, #tpu.memory_space<hbm>>
    tpu.enqueue_indirect_dma source(%dma_start3A_290 : memref<1015808x32xf32, #tpu.memory_space<hbm>>) target(%dma_start3A_284 : memref<72x32xf32, #tpu.memory_space<vmem>>) offsets(%dma_start3A_287 : memref<72xi32, #tpu.memory_space<vmem>>) semaphore(%arg14 : memref<!tpu.dma_semaphore, #tpu.memory_space<semaphore_mem>>)
    %dma_start3A_291 = arith.constant 6 : i32
    %dma_start3A_292 = arith.constant 1200 : i32
    %dma_start3A_293 = arith.constant 0 : i32
    %dma_start3A_294 = tpu.memref_slice %arg11[%dma_start3A_292, %dma_start3A_293] : memref<1600x32xf32, #tpu.memory_space<vmem>> -> memref<128x32xf32, #tpu.memory_space<vmem>>
    %dma_start3A_295 = arith.constant 0 : i32
    %dma_start3A_296 = tpu.memref_slice %arg8[%dma_start3A_291, %dma_start3A_295] : memref<8x128xi32, #tpu.memory_space<vmem>> -> memref<1x128xi32, #tpu.memory_space<vmem>>
    %dma_start3A_297 = tpu.memref_squeeze %dma_start3A_296 : memref<1x128xi32, #tpu.memory_space<vmem>> -> memref<128xi32, #tpu.memory_space<vmem>>
    %dma_start3A_298 = arith.constant 0 : i32
    %dma_start3A_299 = arith.constant 0 : i32
    %dma_start3A_300 = tpu.memref_slice %arg4[%dma_start3A_298, %dma_start3A_299] : memref<1015808x32xf32, #tpu.memory_space<hbm>> -> memref<1015808x32xf32, #tpu.memory_space<hbm>>
    tpu.enqueue_indirect_dma source(%dma_start3A_300 : memref<1015808x32xf32, #tpu.memory_space<hbm>>) target(%dma_start3A_294 : memref<128x32xf32, #tpu.memory_space<vmem>>) offsets(%dma_start3A_297 : memref<128xi32, #tpu.memory_space<vmem>>) semaphore(%arg14 : memref<!tpu.dma_semaphore, #tpu.memory_space<semaphore_mem>>)
    %dma_start3A_301 = arith.constant 6 : i32
    %dma_start3A_302 = arith.constant 1328 : i32
    %dma_start3A_303 = arith.constant 0 : i32
    %dma_start3A_304 = tpu.memref_slice %arg11[%dma_start3A_302, %dma_start3A_303] : memref<1600x32xf32, #tpu.memory_space<vmem>> -> memref<72x32xf32, #tpu.memory_space<vmem>>
    %dma_start3A_305 = arith.constant 0 : i32
    %dma_start3A_306 = tpu.memref_slice %arg9[%dma_start3A_301, %dma_start3A_305] : memref<8x128xi32, #tpu.memory_space<vmem>> -> memref<1x72xi32, #tpu.memory_space<vmem>>
    %dma_start3A_307 = tpu.memref_squeeze %dma_start3A_306 : memref<1x72xi32, #tpu.memory_space<vmem>> -> memref<72xi32, #tpu.memory_space<vmem>>
    %dma_start3A_308 = arith.constant 0 : i32
    %dma_start3A_309 = arith.constant 0 : i32
    %dma_start3A_310 = tpu.memref_slice %arg4[%dma_start3A_308, %dma_start3A_309] : memref<1015808x32xf32, #tpu.memory_space<hbm>> -> memref<1015808x32xf32, #tpu.memory_space<hbm>>
    tpu.enqueue_indirect_dma source(%dma_start3A_310 : memref<1015808x32xf32, #tpu.memory_space<hbm>>) target(%dma_start3A_304 : memref<72x32xf32, #tpu.memory_space<vmem>>) offsets(%dma_start3A_307 : memref<72xi32, #tpu.memory_space<vmem>>) semaphore(%arg14 : memref<!tpu.dma_semaphore, #tpu.memory_space<semaphore_mem>>)
    %dma_start3A_311 = arith.constant 7 : i32
    %dma_start3A_312 = arith.constant 1400 : i32
    %dma_start3A_313 = arith.constant 0 : i32
    %dma_start3A_314 = tpu.memref_slice %arg11[%dma_start3A_312, %dma_start3A_313] : memref<1600x32xf32, #tpu.memory_space<vmem>> -> memref<128x32xf32, #tpu.memory_space<vmem>>
    %dma_start3A_315 = arith.constant 0 : i32
    %dma_start3A_316 = tpu.memref_slice %arg8[%dma_start3A_311, %dma_start3A_315] : memref<8x128xi32, #tpu.memory_space<vmem>> -> memref<1x128xi32, #tpu.memory_space<vmem>>
    %dma_start3A_317 = tpu.memref_squeeze %dma_start3A_316 : memref<1x128xi32, #tpu.memory_space<vmem>> -> memref<128xi32, #tpu.memory_space<vmem>>
    %dma_start3A_318 = arith.constant 0 : i32
    %dma_start3A_319 = arith.constant 0 : i32
    %dma_start3A_320 = tpu.memref_slice %arg4[%dma_start3A_318, %dma_start3A_319] : memref<1015808x32xf32, #tpu.memory_space<hbm>> -> memref<1015808x32xf32, #tpu.memory_space<hbm>>
    tpu.enqueue_indirect_dma source(%dma_start3A_320 : memref<1015808x32xf32, #tpu.memory_space<hbm>>) target(%dma_start3A_314 : memref<128x32xf32, #tpu.memory_space<vmem>>) offsets(%dma_start3A_317 : memref<128xi32, #tpu.memory_space<vmem>>) semaphore(%arg14 : memref<!tpu.dma_semaphore, #tpu.memory_space<semaphore_mem>>)
    %dma_start3A_321 = arith.constant 7 : i32
    %dma_start3A_322 = arith.constant 1528 : i32
    %dma_start3A_323 = arith.constant 0 : i32
    %dma_start3A_324 = tpu.memref_slice %arg11[%dma_start3A_322, %dma_start3A_323] : memref<1600x32xf32, #tpu.memory_space<vmem>> -> memref<72x32xf32, #tpu.memory_space<vmem>>
    %dma_start3A_325 = arith.constant 0 : i32
    %dma_start3A_326 = tpu.memref_slice %arg9[%dma_start3A_321, %dma_start3A_325] : memref<8x128xi32, #tpu.memory_space<vmem>> -> memref<1x72xi32, #tpu.memory_space<vmem>>
    %dma_start3A_327 = tpu.memref_squeeze %dma_start3A_326 : memref<1x72xi32, #tpu.memory_space<vmem>> -> memref<72xi32, #tpu.memory_space<vmem>>
    %dma_start3A_328 = arith.constant 0 : i32
    %dma_start3A_329 = arith.constant 0 : i32
    %dma_start3A_330 = tpu.memref_slice %arg4[%dma_start3A_328, %dma_start3A_329] : memref<1015808x32xf32, #tpu.memory_space<hbm>> -> memref<1015808x32xf32, #tpu.memory_space<hbm>>
    tpu.enqueue_indirect_dma source(%dma_start3A_330 : memref<1015808x32xf32, #tpu.memory_space<hbm>>) target(%dma_start3A_324 : memref<72x32xf32, #tpu.memory_space<vmem>>) offsets(%dma_start3A_327 : memref<72xi32, #tpu.memory_space<vmem>>) semaphore(%arg14 : memref<!tpu.dma_semaphore, #tpu.memory_space<semaphore_mem>>)
    %dma_wait3A = arith.constant 0 : i32
    %dma_wait3A_331 = arith.constant 0 : i32
    %dma_wait3A_332 = tpu.memref_slice %arg4[%dma_wait3A, %dma_wait3A_331] : memref<1015808x32xf32, #tpu.memory_space<hbm>> -> memref<1600x32xf32, #tpu.memory_space<hbm>>
    %dma_wait3A_333 = arith.constant 0 : i32
    %dma_wait3A_334 = arith.constant 0 : i32
    %dma_wait3A_335 = tpu.memref_slice %arg4[%dma_wait3A_333, %dma_wait3A_334] : memref<1015808x32xf32, #tpu.memory_space<hbm>> -> memref<1600x32xf32, #tpu.memory_space<hbm>>
    tpu.wait_dma2 semaphore(%arg13 : memref<!tpu.dma_semaphore, #tpu.memory_space<semaphore_mem>>) src(%dma_wait3A_335 : memref<1600x32xf32, #tpu.memory_space<hbm>>) dst(%arg10 : memref<1600x32xf32, #tpu.memory_space<vmem>>)
    %broadcast_in_dim3A = arith.constant 0.000000e+00 : f32
    %broadcast_in_dim3A_336 = vector.broadcast %broadcast_in_dim3A : f32 to vector<16xf32>
    %scan3A_337 = arith.constant 0 : i32
    %scan3A_338 = arith.constant 100 : i32
    %scan3A_339 = arith.addi %scan3A_337, %scan3A_338 : i32
    %scan3A_340 = arith.constant 1 : i32
    %scan3A_341:4 = scf.for %scan3A_694 = %scan3A_337 to %scan3A_339 step %scan3A_340 iter_args(%scan3A_695 = %broadcast_in_dim3A_336, %scan3A_696 = %broadcast_in_dim3A_336, %scan3A_697 = %broadcast_in_dim3A_336, %scan3A_698 = %broadcast_in_dim3A_336) -> (vector<16xf32>, vector<16xf32>, vector<16xf32>, vector<16xf32>)  : i32 {
      %mul3A_699 = arith.constant 2 : i32
      %mul3A_700 = arith.muli %mul3A_699, %scan3A_694 : i32
      %add3A_701 = arith.constant 0 : i32
      %add3A_702 = arith.addi %add3A_701, %mul3A_700 : i32
      %get3A = arith.index_cast %add3A_702 : i32 to index
      %get3A_703 = arith.constant 0 : index
      %get3A_704 = tpu.vector_load %arg10[%get3A, %get3A_703] {strides = array<i32>} : memref<1600x32xf32, #tpu.memory_space<vmem>>, vector<1x16xf32>,
      %get3A_705 = vector.shape_cast %get3A_704 : vector<1x16xf32> to vector<16xf32>
      %add3A_706 = arith.addf %scan3A_695, %get3A_705 : vector<16xf32>
      %get3A_707 = arith.index_cast %add3A_702 : i32 to index
      %get3A_708 = arith.constant 16 : index
      %get3A_709 = tpu.vector_load %arg10[%get3A_707, %get3A_708] {strides = array<i32>} : memref<1600x32xf32, #tpu.memory_space<vmem>>, vector<1x16xf32>,
      %get3A_710 = vector.shape_cast %get3A_709 : vector<1x16xf32> to vector<16xf32>
      %add3A_711 = arith.addf %scan3A_696, %get3A_710 : vector<16xf32>
      %add3A_712 = arith.constant 1 : i32
      %add3A_713 = arith.addi %add3A_702, %add3A_712 : i32
      %get3A_714 = arith.index_cast %add3A_713 : i32 to index
      %get3A_715 = arith.constant 0 : index
      %get3A_716 = tpu.vector_load %arg10[%get3A_714, %get3A_715] {strides = array<i32>} : memref<1600x32xf32, #tpu.memory_space<vmem>>, vector<1x16xf32>,
      %get3A_717 = vector.shape_cast %get3A_716 : vector<1x16xf32> to vector<16xf32>
      %add3A_718 = arith.addf %scan3A_697, %get3A_717 : vector<16xf32>
      %add3A_719 = arith.constant 1 : i32
      %add3A_720 = arith.addi %add3A_702, %add3A_719 : i32
      %get3A_721 = arith.index_cast %add3A_720 : i32 to index
      %get3A_722 = arith.constant 16 : index
      %get3A_723 = tpu.vector_load %arg10[%get3A_721, %get3A_722] {strides = array<i32>} : memref<1600x32xf32, #tpu.memory_space<vmem>>, vector<1x16xf32>,
      %get3A_724 = vector.shape_cast %get3A_723 : vector<1x16xf32> to vector<16xf32>
      %add3A_725 = arith.addf %scan3A_698, %get3A_724 : vector<16xf32>
      scf.yield %add3A_706, %add3A_711, %add3A_718, %add3A_725 : vector<16xf32>, vector<16xf32>, vector<16xf32>, vector<16xf32>
    }
    %scan3A_342 = arith.constant 100 : i32
    %add3A_343 = arith.addf %scan3A_341#0, %scan3A_341#2 : vector<16xf32>
    %swap3A = arith.constant 112 : i32
    %swap3A_344 = arith.index_cast %swap3A : i32 to index
    %swap3A_345 = arith.constant 0 : index
    %swap3A_346 = tpu.vector_load %arg12[%swap3A_344, %swap3A_345] {strides = array<i32>} : memref<128x128xf32, #tpu.memory_space<vmem>>, vector<1x16xf32>,
    %swap3A_347 = vector.shape_cast %swap3A_346 : vector<1x16xf32> to vector<16xf32>
    %swap3A_348 = vector.shape_cast %add3A_343 : vector<16xf32> to vector<1x16xf32>
    tpu.vector_store %arg12[%swap3A_344, %swap3A_345], %swap3A_348 {strides = array<i32>} : memref<128x128xf32, #tpu.memory_space<vmem>>, vector<1x16xf32>,
    %add3A_349 = arith.addf %scan3A_341#1, %scan3A_341#3 : vector<16xf32>
    %swap3A_350 = arith.constant 112 : i32
    %swap3A_351 = arith.index_cast %swap3A_350 : i32 to index
    %swap3A_352 = arith.constant 16 : index
    %swap3A_353 = tpu.vector_load %arg12[%swap3A_351, %swap3A_352] {strides = array<i32>} : memref<128x128xf32, #tpu.memory_space<vmem>>, vector<1x16xf32>,
    %swap3A_354 = vector.shape_cast %swap3A_353 : vector<1x16xf32> to vector<16xf32>
    %swap3A_355 = vector.shape_cast %add3A_349 : vector<16xf32> to vector<1x16xf32>
    tpu.vector_store %arg12[%swap3A_351, %swap3A_352], %swap3A_355 {strides = array<i32>} : memref<128x128xf32, #tpu.memory_space<vmem>>, vector<1x16xf32>,
    %broadcast_in_dim3A_356 = arith.constant 0.000000e+00 : f32
    %broadcast_in_dim3A_357 = vector.broadcast %broadcast_in_dim3A_356 : f32 to vector<16xf32>
    %scan3A_358 = arith.constant 0 : i32
    %scan3A_359 = arith.constant 100 : i32
    %scan3A_360 = arith.addi %scan3A_358, %scan3A_359 : i32
    %scan3A_361 = arith.constant 1 : i32
    %scan3A_362:4 = scf.for %scan3A_694 = %scan3A_358 to %scan3A_360 step %scan3A_361 iter_args(%scan3A_695 = %broadcast_in_dim3A_357, %scan3A_696 = %broadcast_in_dim3A_357, %scan3A_697 = %broadcast_in_dim3A_357, %scan3A_698 = %broadcast_in_dim3A_357) -> (vector<16xf32>, vector<16xf32>, vector<16xf32>, vector<16xf32>)  : i32 {
      %mul3A_699 = arith.constant 2 : i32
      %mul3A_700 = arith.muli %mul3A_699, %scan3A_694 : i32
      %add3A_701 = arith.constant 200 : i32
      %add3A_702 = arith.addi %add3A_701, %mul3A_700 : i32
      %get3A = arith.index_cast %add3A_702 : i32 to index
      %get3A_703 = arith.constant 0 : index
      %get3A_704 = tpu.vector_load %arg10[%get3A, %get3A_703] {strides = array<i32>} : memref<1600x32xf32, #tpu.memory_space<vmem>>, vector<1x16xf32>,
      %get3A_705 = vector.shape_cast %get3A_704 : vector<1x16xf32> to vector<16xf32>
      %add3A_706 = arith.addf %scan3A_695, %get3A_705 : vector<16xf32>
      %get3A_707 = arith.index_cast %add3A_702 : i32 to index
      %get3A_708 = arith.constant 16 : index
      %get3A_709 = tpu.vector_load %arg10[%get3A_707, %get3A_708] {strides = array<i32>} : memref<1600x32xf32, #tpu.memory_space<vmem>>, vector<1x16xf32>,
      %get3A_710 = vector.shape_cast %get3A_709 : vector<1x16xf32> to vector<16xf32>
      %add3A_711 = arith.addf %scan3A_696, %get3A_710 : vector<16xf32>
      %add3A_712 = arith.constant 1 : i32
      %add3A_713 = arith.addi %add3A_702, %add3A_712 : i32
      %get3A_714 = arith.index_cast %add3A_713 : i32 to index
      %get3A_715 = arith.constant 0 : index
      %get3A_716 = tpu.vector_load %arg10[%get3A_714, %get3A_715] {strides = array<i32>} : memref<1600x32xf32, #tpu.memory_space<vmem>>, vector<1x16xf32>,
      %get3A_717 = vector.shape_cast %get3A_716 : vector<1x16xf32> to vector<16xf32>
      %add3A_718 = arith.addf %scan3A_697, %get3A_717 : vector<16xf32>
      %add3A_719 = arith.constant 1 : i32
      %add3A_720 = arith.addi %add3A_702, %add3A_719 : i32
      %get3A_721 = arith.index_cast %add3A_720 : i32 to index
      %get3A_722 = arith.constant 16 : index
      %get3A_723 = tpu.vector_load %arg10[%get3A_721, %get3A_722] {strides = array<i32>} : memref<1600x32xf32, #tpu.memory_space<vmem>>, vector<1x16xf32>,
      %get3A_724 = vector.shape_cast %get3A_723 : vector<1x16xf32> to vector<16xf32>
      %add3A_725 = arith.addf %scan3A_698, %get3A_724 : vector<16xf32>
      scf.yield %add3A_706, %add3A_711, %add3A_718, %add3A_725 : vector<16xf32>, vector<16xf32>, vector<16xf32>, vector<16xf32>
    }
    %scan3A_363 = arith.constant 100 : i32
    %add3A_364 = arith.addf %scan3A_362#0, %scan3A_362#2 : vector<16xf32>
    %swap3A_365 = arith.constant 113 : i32
    %swap3A_366 = arith.index_cast %swap3A_365 : i32 to index
    %swap3A_367 = arith.constant 0 : index
    %swap3A_368 = tpu.vector_load %arg12[%swap3A_366, %swap3A_367] {strides = array<i32>} : memref<128x128xf32, #tpu.memory_space<vmem>>, vector<1x16xf32>,
    %swap3A_369 = vector.shape_cast %swap3A_368 : vector<1x16xf32> to vector<16xf32>
    %swap3A_370 = vector.shape_cast %add3A_364 : vector<16xf32> to vector<1x16xf32>
    tpu.vector_store %arg12[%swap3A_366, %swap3A_367], %swap3A_370 {strides = array<i32>} : memref<128x128xf32, #tpu.memory_space<vmem>>, vector<1x16xf32>,
    %add3A_371 = arith.addf %scan3A_362#1, %scan3A_362#3 : vector<16xf32>
    %swap3A_372 = arith.constant 113 : i32
    %swap3A_373 = arith.index_cast %swap3A_372 : i32 to index
    %swap3A_374 = arith.constant 16 : index
    %swap3A_375 = tpu.vector_load %arg12[%swap3A_373, %swap3A_374] {strides = array<i32>} : memref<128x128xf32, #tpu.memory_space<vmem>>, vector<1x16xf32>,
    %swap3A_376 = vector.shape_cast %swap3A_375 : vector<1x16xf32> to vector<16xf32>
    %swap3A_377 = vector.shape_cast %add3A_371 : vector<16xf32> to vector<1x16xf32>
    tpu.vector_store %arg12[%swap3A_373, %swap3A_374], %swap3A_377 {strides = array<i32>} : memref<128x128xf32, #tpu.memory_space<vmem>>, vector<1x16xf32>,
    %broadcast_in_dim3A_378 = arith.constant 0.000000e+00 : f32
    %broadcast_in_dim3A_379 = vector.broadcast %broadcast_in_dim3A_378 : f32 to vector<16xf32>
    %scan3A_380 = arith.constant 0 : i32
    %scan3A_381 = arith.constant 100 : i32
    %scan3A_382 = arith.addi %scan3A_380, %scan3A_381 : i32
    %scan3A_383 = arith.constant 1 : i32
    %scan3A_384:4 = scf.for %scan3A_694 = %scan3A_380 to %scan3A_382 step %scan3A_383 iter_args(%scan3A_695 = %broadcast_in_dim3A_379, %scan3A_696 = %broadcast_in_dim3A_379, %scan3A_697 = %broadcast_in_dim3A_379, %scan3A_698 = %broadcast_in_dim3A_379) -> (vector<16xf32>, vector<16xf32>, vector<16xf32>, vector<16xf32>)  : i32 {
      %mul3A_699 = arith.constant 2 : i32
      %mul3A_700 = arith.muli %mul3A_699, %scan3A_694 : i32
      %add3A_701 = arith.constant 400 : i32
      %add3A_702 = arith.addi %add3A_701, %mul3A_700 : i32
      %get3A = arith.index_cast %add3A_702 : i32 to index
      %get3A_703 = arith.constant 0 : index
      %get3A_704 = tpu.vector_load %arg10[%get3A, %get3A_703] {strides = array<i32>} : memref<1600x32xf32, #tpu.memory_space<vmem>>, vector<1x16xf32>,
      %get3A_705 = vector.shape_cast %get3A_704 : vector<1x16xf32> to vector<16xf32>
      %add3A_706 = arith.addf %scan3A_695, %get3A_705 : vector<16xf32>
      %get3A_707 = arith.index_cast %add3A_702 : i32 to index
      %get3A_708 = arith.constant 16 : index
      %get3A_709 = tpu.vector_load %arg10[%get3A_707, %get3A_708] {strides = array<i32>} : memref<1600x32xf32, #tpu.memory_space<vmem>>, vector<1x16xf32>,
      %get3A_710 = vector.shape_cast %get3A_709 : vector<1x16xf32> to vector<16xf32>
      %add3A_711 = arith.addf %scan3A_696, %get3A_710 : vector<16xf32>
      %add3A_712 = arith.constant 1 : i32
      %add3A_713 = arith.addi %add3A_702, %add3A_712 : i32
      %get3A_714 = arith.index_cast %add3A_713 : i32 to index
      %get3A_715 = arith.constant 0 : index
      %get3A_716 = tpu.vector_load %arg10[%get3A_714, %get3A_715] {strides = array<i32>} : memref<1600x32xf32, #tpu.memory_space<vmem>>, vector<1x16xf32>,
      %get3A_717 = vector.shape_cast %get3A_716 : vector<1x16xf32> to vector<16xf32>
      %add3A_718 = arith.addf %scan3A_697, %get3A_717 : vector<16xf32>
      %add3A_719 = arith.constant 1 : i32
      %add3A_720 = arith.addi %add3A_702, %add3A_719 : i32
      %get3A_721 = arith.index_cast %add3A_720 : i32 to index
      %get3A_722 = arith.constant 16 : index
      %get3A_723 = tpu.vector_load %arg10[%get3A_721, %get3A_722] {strides = array<i32>} : memref<1600x32xf32, #tpu.memory_space<vmem>>, vector<1x16xf32>,
      %get3A_724 = vector.shape_cast %get3A_723 : vector<1x16xf32> to vector<16xf32>
      %add3A_725 = arith.addf %scan3A_698, %get3A_724 : vector<16xf32>
      scf.yield %add3A_706, %add3A_711, %add3A_718, %add3A_725 : vector<16xf32>, vector<16xf32>, vector<16xf32>, vector<16xf32>
    }
    %scan3A_385 = arith.constant 100 : i32
    %add3A_386 = arith.addf %scan3A_384#0, %scan3A_384#2 : vector<16xf32>
    %swap3A_387 = arith.constant 114 : i32
    %swap3A_388 = arith.index_cast %swap3A_387 : i32 to index
    %swap3A_389 = arith.constant 0 : index
    %swap3A_390 = tpu.vector_load %arg12[%swap3A_388, %swap3A_389] {strides = array<i32>} : memref<128x128xf32, #tpu.memory_space<vmem>>, vector<1x16xf32>,
    %swap3A_391 = vector.shape_cast %swap3A_390 : vector<1x16xf32> to vector<16xf32>
    %swap3A_392 = vector.shape_cast %add3A_386 : vector<16xf32> to vector<1x16xf32>
    tpu.vector_store %arg12[%swap3A_388, %swap3A_389], %swap3A_392 {strides = array<i32>} : memref<128x128xf32, #tpu.memory_space<vmem>>, vector<1x16xf32>,
    %add3A_393 = arith.addf %scan3A_384#1, %scan3A_384#3 : vector<16xf32>
    %swap3A_394 = arith.constant 114 : i32
    %swap3A_395 = arith.index_cast %swap3A_394 : i32 to index
    %swap3A_396 = arith.constant 16 : index
    %swap3A_397 = tpu.vector_load %arg12[%swap3A_395, %swap3A_396] {strides = array<i32>} : memref<128x128xf32, #tpu.memory_space<vmem>>, vector<1x16xf32>,
    %swap3A_398 = vector.shape_cast %swap3A_397 : vector<1x16xf32> to vector<16xf32>
    %swap3A_399 = vector.shape_cast %add3A_393 : vector<16xf32> to vector<1x16xf32>
    tpu.vector_store %arg12[%swap3A_395, %swap3A_396], %swap3A_399 {strides = array<i32>} : memref<128x128xf32, #tpu.memory_space<vmem>>, vector<1x16xf32>,
    %broadcast_in_dim3A_400 = arith.constant 0.000000e+00 : f32
    %broadcast_in_dim3A_401 = vector.broadcast %broadcast_in_dim3A_400 : f32 to vector<16xf32>
    %scan3A_402 = arith.constant 0 : i32
    %scan3A_403 = arith.constant 100 : i32
    %scan3A_404 = arith.addi %scan3A_402, %scan3A_403 : i32
    %scan3A_405 = arith.constant 1 : i32
    %scan3A_406:4 = scf.for %scan3A_694 = %scan3A_402 to %scan3A_404 step %scan3A_405 iter_args(%scan3A_695 = %broadcast_in_dim3A_401, %scan3A_696 = %broadcast_in_dim3A_401, %scan3A_697 = %broadcast_in_dim3A_401, %scan3A_698 = %broadcast_in_dim3A_401) -> (vector<16xf32>, vector<16xf32>, vector<16xf32>, vector<16xf32>)  : i32 {
      %mul3A_699 = arith.constant 2 : i32
      %mul3A_700 = arith.muli %mul3A_699, %scan3A_694 : i32
      %add3A_701 = arith.constant 600 : i32
      %add3A_702 = arith.addi %add3A_701, %mul3A_700 : i32
      %get3A = arith.index_cast %add3A_702 : i32 to index
      %get3A_703 = arith.constant 0 : index
      %get3A_704 = tpu.vector_load %arg10[%get3A, %get3A_703] {strides = array<i32>} : memref<1600x32xf32, #tpu.memory_space<vmem>>, vector<1x16xf32>,
      %get3A_705 = vector.shape_cast %get3A_704 : vector<1x16xf32> to vector<16xf32>
      %add3A_706 = arith.addf %scan3A_695, %get3A_705 : vector<16xf32>
      %get3A_707 = arith.index_cast %add3A_702 : i32 to index
      %get3A_708 = arith.constant 16 : index
      %get3A_709 = tpu.vector_load %arg10[%get3A_707, %get3A_708] {strides = array<i32>} : memref<1600x32xf32, #tpu.memory_space<vmem>>, vector<1x16xf32>,
      %get3A_710 = vector.shape_cast %get3A_709 : vector<1x16xf32> to vector<16xf32>
      %add3A_711 = arith.addf %scan3A_696, %get3A_710 : vector<16xf32>
      %add3A_712 = arith.constant 1 : i32
      %add3A_713 = arith.addi %add3A_702, %add3A_712 : i32
      %get3A_714 = arith.index_cast %add3A_713 : i32 to index
      %get3A_715 = arith.constant 0 : index
      %get3A_716 = tpu.vector_load %arg10[%get3A_714, %get3A_715] {strides = array<i32>} : memref<1600x32xf32, #tpu.memory_space<vmem>>, vector<1x16xf32>,
      %get3A_717 = vector.shape_cast %get3A_716 : vector<1x16xf32> to vector<16xf32>
      %add3A_718 = arith.addf %scan3A_697, %get3A_717 : vector<16xf32>
      %add3A_719 = arith.constant 1 : i32
      %add3A_720 = arith.addi %add3A_702, %add3A_719 : i32
      %get3A_721 = arith.index_cast %add3A_720 : i32 to index
      %get3A_722 = arith.constant 16 : index
      %get3A_723 = tpu.vector_load %arg10[%get3A_721, %get3A_722] {strides = array<i32>} : memref<1600x32xf32, #tpu.memory_space<vmem>>, vector<1x16xf32>,
      %get3A_724 = vector.shape_cast %get3A_723 : vector<1x16xf32> to vector<16xf32>
      %add3A_725 = arith.addf %scan3A_698, %get3A_724 : vector<16xf32>
      scf.yield %add3A_706, %add3A_711, %add3A_718, %add3A_725 : vector<16xf32>, vector<16xf32>, vector<16xf32>, vector<16xf32>
    }
    %scan3A_407 = arith.constant 100 : i32
    %add3A_408 = arith.addf %scan3A_406#0, %scan3A_406#2 : vector<16xf32>
    %swap3A_409 = arith.constant 115 : i32
    %swap3A_410 = arith.index_cast %swap3A_409 : i32 to index
    %swap3A_411 = arith.constant 0 : index
    %swap3A_412 = tpu.vector_load %arg12[%swap3A_410, %swap3A_411] {strides = array<i32>} : memref<128x128xf32, #tpu.memory_space<vmem>>, vector<1x16xf32>,
    %swap3A_413 = vector.shape_cast %swap3A_412 : vector<1x16xf32> to vector<16xf32>
    %swap3A_414 = vector.shape_cast %add3A_408 : vector<16xf32> to vector<1x16xf32>
    tpu.vector_store %arg12[%swap3A_410, %swap3A_411], %swap3A_414 {strides = array<i32>} : memref<128x128xf32, #tpu.memory_space<vmem>>, vector<1x16xf32>,
    %add3A_415 = arith.addf %scan3A_406#1, %scan3A_406#3 : vector<16xf32>
    %swap3A_416 = arith.constant 115 : i32
    %swap3A_417 = arith.index_cast %swap3A_416 : i32 to index
    %swap3A_418 = arith.constant 16 : index
    %swap3A_419 = tpu.vector_load %arg12[%swap3A_417, %swap3A_418] {strides = array<i32>} : memref<128x128xf32, #tpu.memory_space<vmem>>, vector<1x16xf32>,
    %swap3A_420 = vector.shape_cast %swap3A_419 : vector<1x16xf32> to vector<16xf32>
    %swap3A_421 = vector.shape_cast %add3A_415 : vector<16xf32> to vector<1x16xf32>
    tpu.vector_store %arg12[%swap3A_417, %swap3A_418], %swap3A_421 {strides = array<i32>} : memref<128x128xf32, #tpu.memory_space<vmem>>, vector<1x16xf32>,
    %broadcast_in_dim3A_422 = arith.constant 0.000000e+00 : f32
    %broadcast_in_dim3A_423 = vector.broadcast %broadcast_in_dim3A_422 : f32 to vector<16xf32>
    %scan3A_424 = arith.constant 0 : i32
    %scan3A_425 = arith.constant 100 : i32
    %scan3A_426 = arith.addi %scan3A_424, %scan3A_425 : i32
    %scan3A_427 = arith.constant 1 : i32
    %scan3A_428:4 = scf.for %scan3A_694 = %scan3A_424 to %scan3A_426 step %scan3A_427 iter_args(%scan3A_695 = %broadcast_in_dim3A_423, %scan3A_696 = %broadcast_in_dim3A_423, %scan3A_697 = %broadcast_in_dim3A_423, %scan3A_698 = %broadcast_in_dim3A_423) -> (vector<16xf32>, vector<16xf32>, vector<16xf32>, vector<16xf32>)  : i32 {
      %mul3A_699 = arith.constant 2 : i32
      %mul3A_700 = arith.muli %mul3A_699, %scan3A_694 : i32
      %add3A_701 = arith.constant 800 : i32
      %add3A_702 = arith.addi %add3A_701, %mul3A_700 : i32
      %get3A = arith.index_cast %add3A_702 : i32 to index
      %get3A_703 = arith.constant 0 : index
      %get3A_704 = tpu.vector_load %arg10[%get3A, %get3A_703] {strides = array<i32>} : memref<1600x32xf32, #tpu.memory_space<vmem>>, vector<1x16xf32>,
      %get3A_705 = vector.shape_cast %get3A_704 : vector<1x16xf32> to vector<16xf32>
      %add3A_706 = arith.addf %scan3A_695, %get3A_705 : vector<16xf32>
      %get3A_707 = arith.index_cast %add3A_702 : i32 to index
      %get3A_708 = arith.constant 16 : index
      %get3A_709 = tpu.vector_load %arg10[%get3A_707, %get3A_708] {strides = array<i32>} : memref<1600x32xf32, #tpu.memory_space<vmem>>, vector<1x16xf32>,
      %get3A_710 = vector.shape_cast %get3A_709 : vector<1x16xf32> to vector<16xf32>
      %add3A_711 = arith.addf %scan3A_696, %get3A_710 : vector<16xf32>
      %add3A_712 = arith.constant 1 : i32
      %add3A_713 = arith.addi %add3A_702, %add3A_712 : i32
      %get3A_714 = arith.index_cast %add3A_713 : i32 to index
      %get3A_715 = arith.constant 0 : index
      %get3A_716 = tpu.vector_load %arg10[%get3A_714, %get3A_715] {strides = array<i32>} : memref<1600x32xf32, #tpu.memory_space<vmem>>, vector<1x16xf32>,
      %get3A_717 = vector.shape_cast %get3A_716 : vector<1x16xf32> to vector<16xf32>
      %add3A_718 = arith.addf %scan3A_697, %get3A_717 : vector<16xf32>
      %add3A_719 = arith.constant 1 : i32
      %add3A_720 = arith.addi %add3A_702, %add3A_719 : i32
      %get3A_721 = arith.index_cast %add3A_720 : i32 to index
      %get3A_722 = arith.constant 16 : index
      %get3A_723 = tpu.vector_load %arg10[%get3A_721, %get3A_722] {strides = array<i32>} : memref<1600x32xf32, #tpu.memory_space<vmem>>, vector<1x16xf32>,
      %get3A_724 = vector.shape_cast %get3A_723 : vector<1x16xf32> to vector<16xf32>
      %add3A_725 = arith.addf %scan3A_698, %get3A_724 : vector<16xf32>
      scf.yield %add3A_706, %add3A_711, %add3A_718, %add3A_725 : vector<16xf32>, vector<16xf32>, vector<16xf32>, vector<16xf32>
    }
    %scan3A_429 = arith.constant 100 : i32
    %add3A_430 = arith.addf %scan3A_428#0, %scan3A_428#2 : vector<16xf32>
    %swap3A_431 = arith.constant 116 : i32
    %swap3A_432 = arith.index_cast %swap3A_431 : i32 to index
    %swap3A_433 = arith.constant 0 : index
    %swap3A_434 = tpu.vector_load %arg12[%swap3A_432, %swap3A_433] {strides = array<i32>} : memref<128x128xf32, #tpu.memory_space<vmem>>, vector<1x16xf32>,
    %swap3A_435 = vector.shape_cast %swap3A_434 : vector<1x16xf32> to vector<16xf32>
    %swap3A_436 = vector.shape_cast %add3A_430 : vector<16xf32> to vector<1x16xf32>
    tpu.vector_store %arg12[%swap3A_432, %swap3A_433], %swap3A_436 {strides = array<i32>} : memref<128x128xf32, #tpu.memory_space<vmem>>, vector<1x16xf32>,
    %add3A_437 = arith.addf %scan3A_428#1, %scan3A_428#3 : vector<16xf32>
    %swap3A_438 = arith.constant 116 : i32
    %swap3A_439 = arith.index_cast %swap3A_438 : i32 to index
    %swap3A_440 = arith.constant 16 : index
    %swap3A_441 = tpu.vector_load %arg12[%swap3A_439, %swap3A_440] {strides = array<i32>} : memref<128x128xf32, #tpu.memory_space<vmem>>, vector<1x16xf32>,
    %swap3A_442 = vector.shape_cast %swap3A_441 : vector<1x16xf32> to vector<16xf32>
    %swap3A_443 = vector.shape_cast %add3A_437 : vector<16xf32> to vector<1x16xf32>
    tpu.vector_store %arg12[%swap3A_439, %swap3A_440], %swap3A_443 {strides = array<i32>} : memref<128x128xf32, #tpu.memory_space<vmem>>, vector<1x16xf32>,
    %broadcast_in_dim3A_444 = arith.constant 0.000000e+00 : f32
    %broadcast_in_dim3A_445 = vector.broadcast %broadcast_in_dim3A_444 : f32 to vector<16xf32>
    %scan3A_446 = arith.constant 0 : i32
    %scan3A_447 = arith.constant 100 : i32
    %scan3A_448 = arith.addi %scan3A_446, %scan3A_447 : i32
    %scan3A_449 = arith.constant 1 : i32
    %scan3A_450:4 = scf.for %scan3A_694 = %scan3A_446 to %scan3A_448 step %scan3A_449 iter_args(%scan3A_695 = %broadcast_in_dim3A_445, %scan3A_696 = %broadcast_in_dim3A_445, %scan3A_697 = %broadcast_in_dim3A_445, %scan3A_698 = %broadcast_in_dim3A_445) -> (vector<16xf32>, vector<16xf32>, vector<16xf32>, vector<16xf32>)  : i32 {
      %mul3A_699 = arith.constant 2 : i32
      %mul3A_700 = arith.muli %mul3A_699, %scan3A_694 : i32
      %add3A_701 = arith.constant 1000 : i32
      %add3A_702 = arith.addi %add3A_701, %mul3A_700 : i32
      %get3A = arith.index_cast %add3A_702 : i32 to index
      %get3A_703 = arith.constant 0 : index
      %get3A_704 = tpu.vector_load %arg10[%get3A, %get3A_703] {strides = array<i32>} : memref<1600x32xf32, #tpu.memory_space<vmem>>, vector<1x16xf32>,
      %get3A_705 = vector.shape_cast %get3A_704 : vector<1x16xf32> to vector<16xf32>
      %add3A_706 = arith.addf %scan3A_695, %get3A_705 : vector<16xf32>
      %get3A_707 = arith.index_cast %add3A_702 : i32 to index
      %get3A_708 = arith.constant 16 : index
      %get3A_709 = tpu.vector_load %arg10[%get3A_707, %get3A_708] {strides = array<i32>} : memref<1600x32xf32, #tpu.memory_space<vmem>>, vector<1x16xf32>,
      %get3A_710 = vector.shape_cast %get3A_709 : vector<1x16xf32> to vector<16xf32>
      %add3A_711 = arith.addf %scan3A_696, %get3A_710 : vector<16xf32>
      %add3A_712 = arith.constant 1 : i32
      %add3A_713 = arith.addi %add3A_702, %add3A_712 : i32
      %get3A_714 = arith.index_cast %add3A_713 : i32 to index
      %get3A_715 = arith.constant 0 : index
      %get3A_716 = tpu.vector_load %arg10[%get3A_714, %get3A_715] {strides = array<i32>} : memref<1600x32xf32, #tpu.memory_space<vmem>>, vector<1x16xf32>,
      %get3A_717 = vector.shape_cast %get3A_716 : vector<1x16xf32> to vector<16xf32>
      %add3A_718 = arith.addf %scan3A_697, %get3A_717 : vector<16xf32>
      %add3A_719 = arith.constant 1 : i32
      %add3A_720 = arith.addi %add3A_702, %add3A_719 : i32
      %get3A_721 = arith.index_cast %add3A_720 : i32 to index
      %get3A_722 = arith.constant 16 : index
      %get3A_723 = tpu.vector_load %arg10[%get3A_721, %get3A_722] {strides = array<i32>} : memref<1600x32xf32, #tpu.memory_space<vmem>>, vector<1x16xf32>,
      %get3A_724 = vector.shape_cast %get3A_723 : vector<1x16xf32> to vector<16xf32>
      %add3A_725 = arith.addf %scan3A_698, %get3A_724 : vector<16xf32>
      scf.yield %add3A_706, %add3A_711, %add3A_718, %add3A_725 : vector<16xf32>, vector<16xf32>, vector<16xf32>, vector<16xf32>
    }
    %scan3A_451 = arith.constant 100 : i32
    %add3A_452 = arith.addf %scan3A_450#0, %scan3A_450#2 : vector<16xf32>
    %swap3A_453 = arith.constant 117 : i32
    %swap3A_454 = arith.index_cast %swap3A_453 : i32 to index
    %swap3A_455 = arith.constant 0 : index
    %swap3A_456 = tpu.vector_load %arg12[%swap3A_454, %swap3A_455] {strides = array<i32>} : memref<128x128xf32, #tpu.memory_space<vmem>>, vector<1x16xf32>,
    %swap3A_457 = vector.shape_cast %swap3A_456 : vector<1x16xf32> to vector<16xf32>
    %swap3A_458 = vector.shape_cast %add3A_452 : vector<16xf32> to vector<1x16xf32>
    tpu.vector_store %arg12[%swap3A_454, %swap3A_455], %swap3A_458 {strides = array<i32>} : memref<128x128xf32, #tpu.memory_space<vmem>>, vector<1x16xf32>,
    %add3A_459 = arith.addf %scan3A_450#1, %scan3A_450#3 : vector<16xf32>
    %swap3A_460 = arith.constant 117 : i32
    %swap3A_461 = arith.index_cast %swap3A_460 : i32 to index
    %swap3A_462 = arith.constant 16 : index
    %swap3A_463 = tpu.vector_load %arg12[%swap3A_461, %swap3A_462] {strides = array<i32>} : memref<128x128xf32, #tpu.memory_space<vmem>>, vector<1x16xf32>,
    %swap3A_464 = vector.shape_cast %swap3A_463 : vector<1x16xf32> to vector<16xf32>
    %swap3A_465 = vector.shape_cast %add3A_459 : vector<16xf32> to vector<1x16xf32>
    tpu.vector_store %arg12[%swap3A_461, %swap3A_462], %swap3A_465 {strides = array<i32>} : memref<128x128xf32, #tpu.memory_space<vmem>>, vector<1x16xf32>,
    %broadcast_in_dim3A_466 = arith.constant 0.000000e+00 : f32
    %broadcast_in_dim3A_467 = vector.broadcast %broadcast_in_dim3A_466 : f32 to vector<16xf32>
    %scan3A_468 = arith.constant 0 : i32
    %scan3A_469 = arith.constant 100 : i32
    %scan3A_470 = arith.addi %scan3A_468, %scan3A_469 : i32
    %scan3A_471 = arith.constant 1 : i32
    %scan3A_472:4 = scf.for %scan3A_694 = %scan3A_468 to %scan3A_470 step %scan3A_471 iter_args(%scan3A_695 = %broadcast_in_dim3A_467, %scan3A_696 = %broadcast_in_dim3A_467, %scan3A_697 = %broadcast_in_dim3A_467, %scan3A_698 = %broadcast_in_dim3A_467) -> (vector<16xf32>, vector<16xf32>, vector<16xf32>, vector<16xf32>)  : i32 {
      %mul3A_699 = arith.constant 2 : i32
      %mul3A_700 = arith.muli %mul3A_699, %scan3A_694 : i32
      %add3A_701 = arith.constant 1200 : i32
      %add3A_702 = arith.addi %add3A_701, %mul3A_700 : i32
      %get3A = arith.index_cast %add3A_702 : i32 to index
      %get3A_703 = arith.constant 0 : index
      %get3A_704 = tpu.vector_load %arg10[%get3A, %get3A_703] {strides = array<i32>} : memref<1600x32xf32, #tpu.memory_space<vmem>>, vector<1x16xf32>,
      %get3A_705 = vector.shape_cast %get3A_704 : vector<1x16xf32> to vector<16xf32>
      %add3A_706 = arith.addf %scan3A_695, %get3A_705 : vector<16xf32>
      %get3A_707 = arith.index_cast %add3A_702 : i32 to index
      %get3A_708 = arith.constant 16 : index
      %get3A_709 = tpu.vector_load %arg10[%get3A_707, %get3A_708] {strides = array<i32>} : memref<1600x32xf32, #tpu.memory_space<vmem>>, vector<1x16xf32>,
      %get3A_710 = vector.shape_cast %get3A_709 : vector<1x16xf32> to vector<16xf32>
      %add3A_711 = arith.addf %scan3A_696, %get3A_710 : vector<16xf32>
      %add3A_712 = arith.constant 1 : i32
      %add3A_713 = arith.addi %add3A_702, %add3A_712 : i32
      %get3A_714 = arith.index_cast %add3A_713 : i32 to index
      %get3A_715 = arith.constant 0 : index
      %get3A_716 = tpu.vector_load %arg10[%get3A_714, %get3A_715] {strides = array<i32>} : memref<1600x32xf32, #tpu.memory_space<vmem>>, vector<1x16xf32>,
      %get3A_717 = vector.shape_cast %get3A_716 : vector<1x16xf32> to vector<16xf32>
      %add3A_718 = arith.addf %scan3A_697, %get3A_717 : vector<16xf32>
      %add3A_719 = arith.constant 1 : i32
      %add3A_720 = arith.addi %add3A_702, %add3A_719 : i32
      %get3A_721 = arith.index_cast %add3A_720 : i32 to index
      %get3A_722 = arith.constant 16 : index
      %get3A_723 = tpu.vector_load %arg10[%get3A_721, %get3A_722] {strides = array<i32>} : memref<1600x32xf32, #tpu.memory_space<vmem>>, vector<1x16xf32>,
      %get3A_724 = vector.shape_cast %get3A_723 : vector<1x16xf32> to vector<16xf32>
      %add3A_725 = arith.addf %scan3A_698, %get3A_724 : vector<16xf32>
      scf.yield %add3A_706, %add3A_711, %add3A_718, %add3A_725 : vector<16xf32>, vector<16xf32>, vector<16xf32>, vector<16xf32>
    }
    %scan3A_473 = arith.constant 100 : i32
    %add3A_474 = arith.addf %scan3A_472#0, %scan3A_472#2 : vector<16xf32>
    %swap3A_475 = arith.constant 118 : i32
    %swap3A_476 = arith.index_cast %swap3A_475 : i32 to index
    %swap3A_477 = arith.constant 0 : index
    %swap3A_478 = tpu.vector_load %arg12[%swap3A_476, %swap3A_477] {strides = array<i32>} : memref<128x128xf32, #tpu.memory_space<vmem>>, vector<1x16xf32>,
    %swap3A_479 = vector.shape_cast %swap3A_478 : vector<1x16xf32> to vector<16xf32>
    %swap3A_480 = vector.shape_cast %add3A_474 : vector<16xf32> to vector<1x16xf32>
    tpu.vector_store %arg12[%swap3A_476, %swap3A_477], %swap3A_480 {strides = array<i32>} : memref<128x128xf32, #tpu.memory_space<vmem>>, vector<1x16xf32>,
    %add3A_481 = arith.addf %scan3A_472#1, %scan3A_472#3 : vector<16xf32>
    %swap3A_482 = arith.constant 118 : i32
    %swap3A_483 = arith.index_cast %swap3A_482 : i32 to index
    %swap3A_484 = arith.constant 16 : index
    %swap3A_485 = tpu.vector_load %arg12[%swap3A_483, %swap3A_484] {strides = array<i32>} : memref<128x128xf32, #tpu.memory_space<vmem>>, vector<1x16xf32>,
    %swap3A_486 = vector.shape_cast %swap3A_485 : vector<1x16xf32> to vector<16xf32>
    %swap3A_487 = vector.shape_cast %add3A_481 : vector<16xf32> to vector<1x16xf32>
    tpu.vector_store %arg12[%swap3A_483, %swap3A_484], %swap3A_487 {strides = array<i32>} : memref<128x128xf32, #tpu.memory_space<vmem>>, vector<1x16xf32>,
    %broadcast_in_dim3A_488 = arith.constant 0.000000e+00 : f32
    %broadcast_in_dim3A_489 = vector.broadcast %broadcast_in_dim3A_488 : f32 to vector<16xf32>
    %scan3A_490 = arith.constant 0 : i32
    %scan3A_491 = arith.constant 100 : i32
    %scan3A_492 = arith.addi %scan3A_490, %scan3A_491 : i32
    %scan3A_493 = arith.constant 1 : i32
    %scan3A_494:4 = scf.for %scan3A_694 = %scan3A_490 to %scan3A_492 step %scan3A_493 iter_args(%scan3A_695 = %broadcast_in_dim3A_489, %scan3A_696 = %broadcast_in_dim3A_489, %scan3A_697 = %broadcast_in_dim3A_489, %scan3A_698 = %broadcast_in_dim3A_489) -> (vector<16xf32>, vector<16xf32>, vector<16xf32>, vector<16xf32>)  : i32 {
      %mul3A_699 = arith.constant 2 : i32
      %mul3A_700 = arith.muli %mul3A_699, %scan3A_694 : i32
      %add3A_701 = arith.constant 1400 : i32
      %add3A_702 = arith.addi %add3A_701, %mul3A_700 : i32
      %get3A = arith.index_cast %add3A_702 : i32 to index
      %get3A_703 = arith.constant 0 : index
      %get3A_704 = tpu.vector_load %arg10[%get3A, %get3A_703] {strides = array<i32>} : memref<1600x32xf32, #tpu.memory_space<vmem>>, vector<1x16xf32>,
      %get3A_705 = vector.shape_cast %get3A_704 : vector<1x16xf32> to vector<16xf32>
      %add3A_706 = arith.addf %scan3A_695, %get3A_705 : vector<16xf32>
      %get3A_707 = arith.index_cast %add3A_702 : i32 to index
      %get3A_708 = arith.constant 16 : index
      %get3A_709 = tpu.vector_load %arg10[%get3A_707, %get3A_708] {strides = array<i32>} : memref<1600x32xf32, #tpu.memory_space<vmem>>, vector<1x16xf32>,
      %get3A_710 = vector.shape_cast %get3A_709 : vector<1x16xf32> to vector<16xf32>
      %add3A_711 = arith.addf %scan3A_696, %get3A_710 : vector<16xf32>
      %add3A_712 = arith.constant 1 : i32
      %add3A_713 = arith.addi %add3A_702, %add3A_712 : i32
      %get3A_714 = arith.index_cast %add3A_713 : i32 to index
      %get3A_715 = arith.constant 0 : index
      %get3A_716 = tpu.vector_load %arg10[%get3A_714, %get3A_715] {strides = array<i32>} : memref<1600x32xf32, #tpu.memory_space<vmem>>, vector<1x16xf32>,
      %get3A_717 = vector.shape_cast %get3A_716 : vector<1x16xf32> to vector<16xf32>
      %add3A_718 = arith.addf %scan3A_697, %get3A_717 : vector<16xf32>
      %add3A_719 = arith.constant 1 : i32
      %add3A_720 = arith.addi %add3A_702, %add3A_719 : i32
      %get3A_721 = arith.index_cast %add3A_720 : i32 to index
      %get3A_722 = arith.constant 16 : index
      %get3A_723 = tpu.vector_load %arg10[%get3A_721, %get3A_722] {strides = array<i32>} : memref<1600x32xf32, #tpu.memory_space<vmem>>, vector<1x16xf32>,
      %get3A_724 = vector.shape_cast %get3A_723 : vector<1x16xf32> to vector<16xf32>
      %add3A_725 = arith.addf %scan3A_698, %get3A_724 : vector<16xf32>
      scf.yield %add3A_706, %add3A_711, %add3A_718, %add3A_725 : vector<16xf32>, vector<16xf32>, vector<16xf32>, vector<16xf32>
    }
    %scan3A_495 = arith.constant 100 : i32
    %add3A_496 = arith.addf %scan3A_494#0, %scan3A_494#2 : vector<16xf32>
    %swap3A_497 = arith.constant 119 : i32
    %swap3A_498 = arith.index_cast %swap3A_497 : i32 to index
    %swap3A_499 = arith.constant 0 : index
    %swap3A_500 = tpu.vector_load %arg12[%swap3A_498, %swap3A_499] {strides = array<i32>} : memref<128x128xf32, #tpu.memory_space<vmem>>, vector<1x16xf32>,
    %swap3A_501 = vector.shape_cast %swap3A_500 : vector<1x16xf32> to vector<16xf32>
    %swap3A_502 = vector.shape_cast %add3A_496 : vector<16xf32> to vector<1x16xf32>
    tpu.vector_store %arg12[%swap3A_498, %swap3A_499], %swap3A_502 {strides = array<i32>} : memref<128x128xf32, #tpu.memory_space<vmem>>, vector<1x16xf32>,
    %add3A_503 = arith.addf %scan3A_494#1, %scan3A_494#3 : vector<16xf32>
    %swap3A_504 = arith.constant 119 : i32
    %swap3A_505 = arith.index_cast %swap3A_504 : i32 to index
    %swap3A_506 = arith.constant 16 : index
    %swap3A_507 = tpu.vector_load %arg12[%swap3A_505, %swap3A_506] {strides = array<i32>} : memref<128x128xf32, #tpu.memory_space<vmem>>, vector<1x16xf32>,
    %swap3A_508 = vector.shape_cast %swap3A_507 : vector<1x16xf32> to vector<16xf32>
    %swap3A_509 = vector.shape_cast %add3A_503 : vector<16xf32> to vector<1x16xf32>
    tpu.vector_store %arg12[%swap3A_505, %swap3A_506], %swap3A_509 {strides = array<i32>} : memref<128x128xf32, #tpu.memory_space<vmem>>, vector<1x16xf32>,
    %dma_wait3A_510 = arith.constant 0 : i32
    %dma_wait3A_511 = arith.constant 0 : i32
    %dma_wait3A_512 = tpu.memref_slice %arg4[%dma_wait3A_510, %dma_wait3A_511] : memref<1015808x32xf32, #tpu.memory_space<hbm>> -> memref<1600x32xf32, #tpu.memory_space<hbm>>
    %dma_wait3A_513 = arith.constant 0 : i32
    %dma_wait3A_514 = arith.constant 0 : i32
    %dma_wait3A_515 = tpu.memref_slice %arg4[%dma_wait3A_513, %dma_wait3A_514] : memref<1015808x32xf32, #tpu.memory_space<hbm>> -> memref<1600x32xf32, #tpu.memory_space<hbm>>
    tpu.wait_dma2 semaphore(%arg14 : memref<!tpu.dma_semaphore, #tpu.memory_space<semaphore_mem>>) src(%dma_wait3A_515 : memref<1600x32xf32, #tpu.memory_space<hbm>>) dst(%arg11 : memref<1600x32xf32, #tpu.memory_space<vmem>>)
    %broadcast_in_dim3A_516 = arith.constant 0.000000e+00 : f32
    %broadcast_in_dim3A_517 = vector.broadcast %broadcast_in_dim3A_516 : f32 to vector<16xf32>
    %scan3A_518 = arith.constant 0 : i32
    %scan3A_519 = arith.constant 100 : i32
    %scan3A_520 = arith.addi %scan3A_518, %scan3A_519 : i32
    %scan3A_521 = arith.constant 1 : i32
    %scan3A_522:4 = scf.for %scan3A_694 = %scan3A_518 to %scan3A_520 step %scan3A_521 iter_args(%scan3A_695 = %broadcast_in_dim3A_517, %scan3A_696 = %broadcast_in_dim3A_517, %scan3A_697 = %broadcast_in_dim3A_517, %scan3A_698 = %broadcast_in_dim3A_517) -> (vector<16xf32>, vector<16xf32>, vector<16xf32>, vector<16xf32>)  : i32 {
      %mul3A_699 = arith.constant 2 : i32
      %mul3A_700 = arith.muli %mul3A_699, %scan3A_694 : i32
      %add3A_701 = arith.constant 0 : i32
      %add3A_702 = arith.addi %add3A_701, %mul3A_700 : i32
      %get3A = arith.index_cast %add3A_702 : i32 to index
      %get3A_703 = arith.constant 0 : index
      %get3A_704 = tpu.vector_load %arg11[%get3A, %get3A_703] {strides = array<i32>} : memref<1600x32xf32, #tpu.memory_space<vmem>>, vector<1x16xf32>,
      %get3A_705 = vector.shape_cast %get3A_704 : vector<1x16xf32> to vector<16xf32>
      %add3A_706 = arith.addf %scan3A_695, %get3A_705 : vector<16xf32>
      %get3A_707 = arith.index_cast %add3A_702 : i32 to index
      %get3A_708 = arith.constant 16 : index
      %get3A_709 = tpu.vector_load %arg11[%get3A_707, %get3A_708] {strides = array<i32>} : memref<1600x32xf32, #tpu.memory_space<vmem>>, vector<1x16xf32>,
      %get3A_710 = vector.shape_cast %get3A_709 : vector<1x16xf32> to vector<16xf32>
      %add3A_711 = arith.addf %scan3A_696, %get3A_710 : vector<16xf32>
      %add3A_712 = arith.constant 1 : i32
      %add3A_713 = arith.addi %add3A_702, %add3A_712 : i32
      %get3A_714 = arith.index_cast %add3A_713 : i32 to index
      %get3A_715 = arith.constant 0 : index
      %get3A_716 = tpu.vector_load %arg11[%get3A_714, %get3A_715] {strides = array<i32>} : memref<1600x32xf32, #tpu.memory_space<vmem>>, vector<1x16xf32>,
      %get3A_717 = vector.shape_cast %get3A_716 : vector<1x16xf32> to vector<16xf32>
      %add3A_718 = arith.addf %scan3A_697, %get3A_717 : vector<16xf32>
      %add3A_719 = arith.constant 1 : i32
      %add3A_720 = arith.addi %add3A_702, %add3A_719 : i32
      %get3A_721 = arith.index_cast %add3A_720 : i32 to index
      %get3A_722 = arith.constant 16 : index
      %get3A_723 = tpu.vector_load %arg11[%get3A_721, %get3A_722] {strides = array<i32>} : memref<1600x32xf32, #tpu.memory_space<vmem>>, vector<1x16xf32>,
      %get3A_724 = vector.shape_cast %get3A_723 : vector<1x16xf32> to vector<16xf32>
      %add3A_725 = arith.addf %scan3A_698, %get3A_724 : vector<16xf32>
      scf.yield %add3A_706, %add3A_711, %add3A_718, %add3A_725 : vector<16xf32>, vector<16xf32>, vector<16xf32>, vector<16xf32>
    }
    %scan3A_523 = arith.constant 100 : i32
    %add3A_524 = arith.addf %scan3A_522#0, %scan3A_522#2 : vector<16xf32>
    %swap3A_525 = arith.constant 120 : i32
    %swap3A_526 = arith.index_cast %swap3A_525 : i32 to index
    %swap3A_527 = arith.constant 0 : index
    %swap3A_528 = tpu.vector_load %arg12[%swap3A_526, %swap3A_527] {strides = array<i32>} : memref<128x128xf32, #tpu.memory_space<vmem>>, vector<1x16xf32>,
    %swap3A_529 = vector.shape_cast %swap3A_528 : vector<1x16xf32> to vector<16xf32>
    %swap3A_530 = vector.shape_cast %add3A_524 : vector<16xf32> to vector<1x16xf32>
    tpu.vector_store %arg12[%swap3A_526, %swap3A_527], %swap3A_530 {strides = array<i32>} : memref<128x128xf32, #tpu.memory_space<vmem>>, vector<1x16xf32>,
    %add3A_531 = arith.addf %scan3A_522#1, %scan3A_522#3 : vector<16xf32>
    %swap3A_532 = arith.constant 120 : i32
    %swap3A_533 = arith.index_cast %swap3A_532 : i32 to index
    %swap3A_534 = arith.constant 16 : index
    %swap3A_535 = tpu.vector_load %arg12[%swap3A_533, %swap3A_534] {strides = array<i32>} : memref<128x128xf32, #tpu.memory_space<vmem>>, vector<1x16xf32>,
    %swap3A_536 = vector.shape_cast %swap3A_535 : vector<1x16xf32> to vector<16xf32>
    %swap3A_537 = vector.shape_cast %add3A_531 : vector<16xf32> to vector<1x16xf32>
    tpu.vector_store %arg12[%swap3A_533, %swap3A_534], %swap3A_537 {strides = array<i32>} : memref<128x128xf32, #tpu.memory_space<vmem>>, vector<1x16xf32>,
    %broadcast_in_dim3A_538 = arith.constant 0.000000e+00 : f32
    %broadcast_in_dim3A_539 = vector.broadcast %broadcast_in_dim3A_538 : f32 to vector<16xf32>
    %scan3A_540 = arith.constant 0 : i32
    %scan3A_541 = arith.constant 100 : i32
    %scan3A_542 = arith.addi %scan3A_540, %scan3A_541 : i32
    %scan3A_543 = arith.constant 1 : i32
    %scan3A_544:4 = scf.for %scan3A_694 = %scan3A_540 to %scan3A_542 step %scan3A_543 iter_args(%scan3A_695 = %broadcast_in_dim3A_539, %scan3A_696 = %broadcast_in_dim3A_539, %scan3A_697 = %broadcast_in_dim3A_539, %scan3A_698 = %broadcast_in_dim3A_539) -> (vector<16xf32>, vector<16xf32>, vector<16xf32>, vector<16xf32>)  : i32 {
      %mul3A_699 = arith.constant 2 : i32
      %mul3A_700 = arith.muli %mul3A_699, %scan3A_694 : i32
      %add3A_701 = arith.constant 200 : i32
      %add3A_702 = arith.addi %add3A_701, %mul3A_700 : i32
      %get3A = arith.index_cast %add3A_702 : i32 to index
      %get3A_703 = arith.constant 0 : index
      %get3A_704 = tpu.vector_load %arg11[%get3A, %get3A_703] {strides = array<i32>} : memref<1600x32xf32, #tpu.memory_space<vmem>>, vector<1x16xf32>,
      %get3A_705 = vector.shape_cast %get3A_704 : vector<1x16xf32> to vector<16xf32>
      %add3A_706 = arith.addf %scan3A_695, %get3A_705 : vector<16xf32>
      %get3A_707 = arith.index_cast %add3A_702 : i32 to index
      %get3A_708 = arith.constant 16 : index
      %get3A_709 = tpu.vector_load %arg11[%get3A_707, %get3A_708] {strides = array<i32>} : memref<1600x32xf32, #tpu.memory_space<vmem>>, vector<1x16xf32>,
      %get3A_710 = vector.shape_cast %get3A_709 : vector<1x16xf32> to vector<16xf32>
      %add3A_711 = arith.addf %scan3A_696, %get3A_710 : vector<16xf32>
      %add3A_712 = arith.constant 1 : i32
      %add3A_713 = arith.addi %add3A_702, %add3A_712 : i32
      %get3A_714 = arith.index_cast %add3A_713 : i32 to index
      %get3A_715 = arith.constant 0 : index
      %get3A_716 = tpu.vector_load %arg11[%get3A_714, %get3A_715] {strides = array<i32>} : memref<1600x32xf32, #tpu.memory_space<vmem>>, vector<1x16xf32>,
      %get3A_717 = vector.shape_cast %get3A_716 : vector<1x16xf32> to vector<16xf32>
      %add3A_718 = arith.addf %scan3A_697, %get3A_717 : vector<16xf32>
      %add3A_719 = arith.constant 1 : i32
      %add3A_720 = arith.addi %add3A_702, %add3A_719 : i32
      %get3A_721 = arith.index_cast %add3A_720 : i32 to index
      %get3A_722 = arith.constant 16 : index
      %get3A_723 = tpu.vector_load %arg11[%get3A_721, %get3A_722] {strides = array<i32>} : memref<1600x32xf32, #tpu.memory_space<vmem>>, vector<1x16xf32>,
      %get3A_724 = vector.shape_cast %get3A_723 : vector<1x16xf32> to vector<16xf32>
      %add3A_725 = arith.addf %scan3A_698, %get3A_724 : vector<16xf32>
      scf.yield %add3A_706, %add3A_711, %add3A_718, %add3A_725 : vector<16xf32>, vector<16xf32>, vector<16xf32>, vector<16xf32>
    }
    %scan3A_545 = arith.constant 100 : i32
    %add3A_546 = arith.addf %scan3A_544#0, %scan3A_544#2 : vector<16xf32>
    %swap3A_547 = arith.constant 121 : i32
    %swap3A_548 = arith.index_cast %swap3A_547 : i32 to index
    %swap3A_549 = arith.constant 0 : index
    %swap3A_550 = tpu.vector_load %arg12[%swap3A_548, %swap3A_549] {strides = array<i32>} : memref<128x128xf32, #tpu.memory_space<vmem>>, vector<1x16xf32>,
    %swap3A_551 = vector.shape_cast %swap3A_550 : vector<1x16xf32> to vector<16xf32>
    %swap3A_552 = vector.shape_cast %add3A_546 : vector<16xf32> to vector<1x16xf32>
    tpu.vector_store %arg12[%swap3A_548, %swap3A_549], %swap3A_552 {strides = array<i32>} : memref<128x128xf32, #tpu.memory_space<vmem>>, vector<1x16xf32>,
    %add3A_553 = arith.addf %scan3A_544#1, %scan3A_544#3 : vector<16xf32>
    %swap3A_554 = arith.constant 121 : i32
    %swap3A_555 = arith.index_cast %swap3A_554 : i32 to index
    %swap3A_556 = arith.constant 16 : index
    %swap3A_557 = tpu.vector_load %arg12[%swap3A_555, %swap3A_556] {strides = array<i32>} : memref<128x128xf32, #tpu.memory_space<vmem>>, vector<1x16xf32>,
    %swap3A_558 = vector.shape_cast %swap3A_557 : vector<1x16xf32> to vector<16xf32>
    %swap3A_559 = vector.shape_cast %add3A_553 : vector<16xf32> to vector<1x16xf32>
    tpu.vector_store %arg12[%swap3A_555, %swap3A_556], %swap3A_559 {strides = array<i32>} : memref<128x128xf32, #tpu.memory_space<vmem>>, vector<1x16xf32>,
    %broadcast_in_dim3A_560 = arith.constant 0.000000e+00 : f32
    %broadcast_in_dim3A_561 = vector.broadcast %broadcast_in_dim3A_560 : f32 to vector<16xf32>
    %scan3A_562 = arith.constant 0 : i32
    %scan3A_563 = arith.constant 100 : i32
    %scan3A_564 = arith.addi %scan3A_562, %scan3A_563 : i32
    %scan3A_565 = arith.constant 1 : i32
    %scan3A_566:4 = scf.for %scan3A_694 = %scan3A_562 to %scan3A_564 step %scan3A_565 iter_args(%scan3A_695 = %broadcast_in_dim3A_561, %scan3A_696 = %broadcast_in_dim3A_561, %scan3A_697 = %broadcast_in_dim3A_561, %scan3A_698 = %broadcast_in_dim3A_561) -> (vector<16xf32>, vector<16xf32>, vector<16xf32>, vector<16xf32>)  : i32 {
      %mul3A_699 = arith.constant 2 : i32
      %mul3A_700 = arith.muli %mul3A_699, %scan3A_694 : i32
      %add3A_701 = arith.constant 400 : i32
      %add3A_702 = arith.addi %add3A_701, %mul3A_700 : i32
      %get3A = arith.index_cast %add3A_702 : i32 to index
      %get3A_703 = arith.constant 0 : index
      %get3A_704 = tpu.vector_load %arg11[%get3A, %get3A_703] {strides = array<i32>} : memref<1600x32xf32, #tpu.memory_space<vmem>>, vector<1x16xf32>,
      %get3A_705 = vector.shape_cast %get3A_704 : vector<1x16xf32> to vector<16xf32>
      %add3A_706 = arith.addf %scan3A_695, %get3A_705 : vector<16xf32>
      %get3A_707 = arith.index_cast %add3A_702 : i32 to index
      %get3A_708 = arith.constant 16 : index
      %get3A_709 = tpu.vector_load %arg11[%get3A_707, %get3A_708] {strides = array<i32>} : memref<1600x32xf32, #tpu.memory_space<vmem>>, vector<1x16xf32>,
      %get3A_710 = vector.shape_cast %get3A_709 : vector<1x16xf32> to vector<16xf32>
      %add3A_711 = arith.addf %scan3A_696, %get3A_710 : vector<16xf32>
      %add3A_712 = arith.constant 1 : i32
      %add3A_713 = arith.addi %add3A_702, %add3A_712 : i32
      %get3A_714 = arith.index_cast %add3A_713 : i32 to index
      %get3A_715 = arith.constant 0 : index
      %get3A_716 = tpu.vector_load %arg11[%get3A_714, %get3A_715] {strides = array<i32>} : memref<1600x32xf32, #tpu.memory_space<vmem>>, vector<1x16xf32>,
      %get3A_717 = vector.shape_cast %get3A_716 : vector<1x16xf32> to vector<16xf32>
      %add3A_718 = arith.addf %scan3A_697, %get3A_717 : vector<16xf32>
      %add3A_719 = arith.constant 1 : i32
      %add3A_720 = arith.addi %add3A_702, %add3A_719 : i32
      %get3A_721 = arith.index_cast %add3A_720 : i32 to index
      %get3A_722 = arith.constant 16 : index
      %get3A_723 = tpu.vector_load %arg11[%get3A_721, %get3A_722] {strides = array<i32>} : memref<1600x32xf32, #tpu.memory_space<vmem>>, vector<1x16xf32>,
      %get3A_724 = vector.shape_cast %get3A_723 : vector<1x16xf32> to vector<16xf32>
      %add3A_725 = arith.addf %scan3A_698, %get3A_724 : vector<16xf32>
      scf.yield %add3A_706, %add3A_711, %add3A_718, %add3A_725 : vector<16xf32>, vector<16xf32>, vector<16xf32>, vector<16xf32>
    }
    %scan3A_567 = arith.constant 100 : i32
    %add3A_568 = arith.addf %scan3A_566#0, %scan3A_566#2 : vector<16xf32>
    %swap3A_569 = arith.constant 122 : i32
    %swap3A_570 = arith.index_cast %swap3A_569 : i32 to index
    %swap3A_571 = arith.constant 0 : index
    %swap3A_572 = tpu.vector_load %arg12[%swap3A_570, %swap3A_571] {strides = array<i32>} : memref<128x128xf32, #tpu.memory_space<vmem>>, vector<1x16xf32>,
    %swap3A_573 = vector.shape_cast %swap3A_572 : vector<1x16xf32> to vector<16xf32>
    %swap3A_574 = vector.shape_cast %add3A_568 : vector<16xf32> to vector<1x16xf32>
    tpu.vector_store %arg12[%swap3A_570, %swap3A_571], %swap3A_574 {strides = array<i32>} : memref<128x128xf32, #tpu.memory_space<vmem>>, vector<1x16xf32>,
    %add3A_575 = arith.addf %scan3A_566#1, %scan3A_566#3 : vector<16xf32>
    %swap3A_576 = arith.constant 122 : i32
    %swap3A_577 = arith.index_cast %swap3A_576 : i32 to index
    %swap3A_578 = arith.constant 16 : index
    %swap3A_579 = tpu.vector_load %arg12[%swap3A_577, %swap3A_578] {strides = array<i32>} : memref<128x128xf32, #tpu.memory_space<vmem>>, vector<1x16xf32>,
    %swap3A_580 = vector.shape_cast %swap3A_579 : vector<1x16xf32> to vector<16xf32>
    %swap3A_581 = vector.shape_cast %add3A_575 : vector<16xf32> to vector<1x16xf32>
    tpu.vector_store %arg12[%swap3A_577, %swap3A_578], %swap3A_581 {strides = array<i32>} : memref<128x128xf32, #tpu.memory_space<vmem>>, vector<1x16xf32>,
    %broadcast_in_dim3A_582 = arith.constant 0.000000e+00 : f32
    %broadcast_in_dim3A_583 = vector.broadcast %broadcast_in_dim3A_582 : f32 to vector<16xf32>
    %scan3A_584 = arith.constant 0 : i32
    %scan3A_585 = arith.constant 100 : i32
    %scan3A_586 = arith.addi %scan3A_584, %scan3A_585 : i32
    %scan3A_587 = arith.constant 1 : i32
    %scan3A_588:4 = scf.for %scan3A_694 = %scan3A_584 to %scan3A_586 step %scan3A_587 iter_args(%scan3A_695 = %broadcast_in_dim3A_583, %scan3A_696 = %broadcast_in_dim3A_583, %scan3A_697 = %broadcast_in_dim3A_583, %scan3A_698 = %broadcast_in_dim3A_583) -> (vector<16xf32>, vector<16xf32>, vector<16xf32>, vector<16xf32>)  : i32 {
      %mul3A_699 = arith.constant 2 : i32
      %mul3A_700 = arith.muli %mul3A_699, %scan3A_694 : i32
      %add3A_701 = arith.constant 600 : i32
      %add3A_702 = arith.addi %add3A_701, %mul3A_700 : i32
      %get3A = arith.index_cast %add3A_702 : i32 to index
      %get3A_703 = arith.constant 0 : index
      %get3A_704 = tpu.vector_load %arg11[%get3A, %get3A_703] {strides = array<i32>} : memref<1600x32xf32, #tpu.memory_space<vmem>>, vector<1x16xf32>,
      %get3A_705 = vector.shape_cast %get3A_704 : vector<1x16xf32> to vector<16xf32>
      %add3A_706 = arith.addf %scan3A_695, %get3A_705 : vector<16xf32>
      %get3A_707 = arith.index_cast %add3A_702 : i32 to index
      %get3A_708 = arith.constant 16 : index
      %get3A_709 = tpu.vector_load %arg11[%get3A_707, %get3A_708] {strides = array<i32>} : memref<1600x32xf32, #tpu.memory_space<vmem>>, vector<1x16xf32>,
      %get3A_710 = vector.shape_cast %get3A_709 : vector<1x16xf32> to vector<16xf32>
      %add3A_711 = arith.addf %scan3A_696, %get3A_710 : vector<16xf32>
      %add3A_712 = arith.constant 1 : i32
      %add3A_713 = arith.addi %add3A_702, %add3A_712 : i32
      %get3A_714 = arith.index_cast %add3A_713 : i32 to index
      %get3A_715 = arith.constant 0 : index
      %get3A_716 = tpu.vector_load %arg11[%get3A_714, %get3A_715] {strides = array<i32>} : memref<1600x32xf32, #tpu.memory_space<vmem>>, vector<1x16xf32>,
      %get3A_717 = vector.shape_cast %get3A_716 : vector<1x16xf32> to vector<16xf32>
      %add3A_718 = arith.addf %scan3A_697, %get3A_717 : vector<16xf32>
      %add3A_719 = arith.constant 1 : i32
      %add3A_720 = arith.addi %add3A_702, %add3A_719 : i32
      %get3A_721 = arith.index_cast %add3A_720 : i32 to index
      %get3A_722 = arith.constant 16 : index
      %get3A_723 = tpu.vector_load %arg11[%get3A_721, %get3A_722] {strides = array<i32>} : memref<1600x32xf32, #tpu.memory_space<vmem>>, vector<1x16xf32>,
      %get3A_724 = vector.shape_cast %get3A_723 : vector<1x16xf32> to vector<16xf32>
      %add3A_725 = arith.addf %scan3A_698, %get3A_724 : vector<16xf32>
      scf.yield %add3A_706, %add3A_711, %add3A_718, %add3A_725 : vector<16xf32>, vector<16xf32>, vector<16xf32>, vector<16xf32>
    }
    %scan3A_589 = arith.constant 100 : i32
    %add3A_590 = arith.addf %scan3A_588#0, %scan3A_588#2 : vector<16xf32>
    %swap3A_591 = arith.constant 123 : i32
    %swap3A_592 = arith.index_cast %swap3A_591 : i32 to index
    %swap3A_593 = arith.constant 0 : index
    %swap3A_594 = tpu.vector_load %arg12[%swap3A_592, %swap3A_593] {strides = array<i32>} : memref<128x128xf32, #tpu.memory_space<vmem>>, vector<1x16xf32>,
    %swap3A_595 = vector.shape_cast %swap3A_594 : vector<1x16xf32> to vector<16xf32>
    %swap3A_596 = vector.shape_cast %add3A_590 : vector<16xf32> to vector<1x16xf32>
    tpu.vector_store %arg12[%swap3A_592, %swap3A_593], %swap3A_596 {strides = array<i32>} : memref<128x128xf32, #tpu.memory_space<vmem>>, vector<1x16xf32>,
    %add3A_597 = arith.addf %scan3A_588#1, %scan3A_588#3 : vector<16xf32>
    %swap3A_598 = arith.constant 123 : i32
    %swap3A_599 = arith.index_cast %swap3A_598 : i32 to index
    %swap3A_600 = arith.constant 16 : index
    %swap3A_601 = tpu.vector_load %arg12[%swap3A_599, %swap3A_600] {strides = array<i32>} : memref<128x128xf32, #tpu.memory_space<vmem>>, vector<1x16xf32>,
    %swap3A_602 = vector.shape_cast %swap3A_601 : vector<1x16xf32> to vector<16xf32>
    %swap3A_603 = vector.shape_cast %add3A_597 : vector<16xf32> to vector<1x16xf32>
    tpu.vector_store %arg12[%swap3A_599, %swap3A_600], %swap3A_603 {strides = array<i32>} : memref<128x128xf32, #tpu.memory_space<vmem>>, vector<1x16xf32>,
    %broadcast_in_dim3A_604 = arith.constant 0.000000e+00 : f32
    %broadcast_in_dim3A_605 = vector.broadcast %broadcast_in_dim3A_604 : f32 to vector<16xf32>
    %scan3A_606 = arith.constant 0 : i32
    %scan3A_607 = arith.constant 100 : i32
    %scan3A_608 = arith.addi %scan3A_606, %scan3A_607 : i32
    %scan3A_609 = arith.constant 1 : i32
    %scan3A_610:4 = scf.for %scan3A_694 = %scan3A_606 to %scan3A_608 step %scan3A_609 iter_args(%scan3A_695 = %broadcast_in_dim3A_605, %scan3A_696 = %broadcast_in_dim3A_605, %scan3A_697 = %broadcast_in_dim3A_605, %scan3A_698 = %broadcast_in_dim3A_605) -> (vector<16xf32>, vector<16xf32>, vector<16xf32>, vector<16xf32>)  : i32 {
      %mul3A_699 = arith.constant 2 : i32
      %mul3A_700 = arith.muli %mul3A_699, %scan3A_694 : i32
      %add3A_701 = arith.constant 800 : i32
      %add3A_702 = arith.addi %add3A_701, %mul3A_700 : i32
      %get3A = arith.index_cast %add3A_702 : i32 to index
      %get3A_703 = arith.constant 0 : index
      %get3A_704 = tpu.vector_load %arg11[%get3A, %get3A_703] {strides = array<i32>} : memref<1600x32xf32, #tpu.memory_space<vmem>>, vector<1x16xf32>,
      %get3A_705 = vector.shape_cast %get3A_704 : vector<1x16xf32> to vector<16xf32>
      %add3A_706 = arith.addf %scan3A_695, %get3A_705 : vector<16xf32>
      %get3A_707 = arith.index_cast %add3A_702 : i32 to index
      %get3A_708 = arith.constant 16 : index
      %get3A_709 = tpu.vector_load %arg11[%get3A_707, %get3A_708] {strides = array<i32>} : memref<1600x32xf32, #tpu.memory_space<vmem>>, vector<1x16xf32>,
      %get3A_710 = vector.shape_cast %get3A_709 : vector<1x16xf32> to vector<16xf32>
      %add3A_711 = arith.addf %scan3A_696, %get3A_710 : vector<16xf32>
      %add3A_712 = arith.constant 1 : i32
      %add3A_713 = arith.addi %add3A_702, %add3A_712 : i32
      %get3A_714 = arith.index_cast %add3A_713 : i32 to index
      %get3A_715 = arith.constant 0 : index
      %get3A_716 = tpu.vector_load %arg11[%get3A_714, %get3A_715] {strides = array<i32>} : memref<1600x32xf32, #tpu.memory_space<vmem>>, vector<1x16xf32>,
      %get3A_717 = vector.shape_cast %get3A_716 : vector<1x16xf32> to vector<16xf32>
      %add3A_718 = arith.addf %scan3A_697, %get3A_717 : vector<16xf32>
      %add3A_719 = arith.constant 1 : i32
      %add3A_720 = arith.addi %add3A_702, %add3A_719 : i32
      %get3A_721 = arith.index_cast %add3A_720 : i32 to index
      %get3A_722 = arith.constant 16 : index
      %get3A_723 = tpu.vector_load %arg11[%get3A_721, %get3A_722] {strides = array<i32>} : memref<1600x32xf32, #tpu.memory_space<vmem>>, vector<1x16xf32>,
      %get3A_724 = vector.shape_cast %get3A_723 : vector<1x16xf32> to vector<16xf32>
      %add3A_725 = arith.addf %scan3A_698, %get3A_724 : vector<16xf32>
      scf.yield %add3A_706, %add3A_711, %add3A_718, %add3A_725 : vector<16xf32>, vector<16xf32>, vector<16xf32>, vector<16xf32>
    }
    %scan3A_611 = arith.constant 100 : i32
    %add3A_612 = arith.addf %scan3A_610#0, %scan3A_610#2 : vector<16xf32>
    %swap3A_613 = arith.constant 124 : i32
    %swap3A_614 = arith.index_cast %swap3A_613 : i32 to index
    %swap3A_615 = arith.constant 0 : index
    %swap3A_616 = tpu.vector_load %arg12[%swap3A_614, %swap3A_615] {strides = array<i32>} : memref<128x128xf32, #tpu.memory_space<vmem>>, vector<1x16xf32>,
    %swap3A_617 = vector.shape_cast %swap3A_616 : vector<1x16xf32> to vector<16xf32>
    %swap3A_618 = vector.shape_cast %add3A_612 : vector<16xf32> to vector<1x16xf32>
    tpu.vector_store %arg12[%swap3A_614, %swap3A_615], %swap3A_618 {strides = array<i32>} : memref<128x128xf32, #tpu.memory_space<vmem>>, vector<1x16xf32>,
    %add3A_619 = arith.addf %scan3A_610#1, %scan3A_610#3 : vector<16xf32>
    %swap3A_620 = arith.constant 124 : i32
    %swap3A_621 = arith.index_cast %swap3A_620 : i32 to index
    %swap3A_622 = arith.constant 16 : index
    %swap3A_623 = tpu.vector_load %arg12[%swap3A_621, %swap3A_622] {strides = array<i32>} : memref<128x128xf32, #tpu.memory_space<vmem>>, vector<1x16xf32>,
    %swap3A_624 = vector.shape_cast %swap3A_623 : vector<1x16xf32> to vector<16xf32>
    %swap3A_625 = vector.shape_cast %add3A_619 : vector<16xf32> to vector<1x16xf32>
    tpu.vector_store %arg12[%swap3A_621, %swap3A_622], %swap3A_625 {strides = array<i32>} : memref<128x128xf32, #tpu.memory_space<vmem>>, vector<1x16xf32>,
    %broadcast_in_dim3A_626 = arith.constant 0.000000e+00 : f32
    %broadcast_in_dim3A_627 = vector.broadcast %broadcast_in_dim3A_626 : f32 to vector<16xf32>
    %scan3A_628 = arith.constant 0 : i32
    %scan3A_629 = arith.constant 100 : i32
    %scan3A_630 = arith.addi %scan3A_628, %scan3A_629 : i32
    %scan3A_631 = arith.constant 1 : i32
    %scan3A_632:4 = scf.for %scan3A_694 = %scan3A_628 to %scan3A_630 step %scan3A_631 iter_args(%scan3A_695 = %broadcast_in_dim3A_627, %scan3A_696 = %broadcast_in_dim3A_627, %scan3A_697 = %broadcast_in_dim3A_627, %scan3A_698 = %broadcast_in_dim3A_627) -> (vector<16xf32>, vector<16xf32>, vector<16xf32>, vector<16xf32>)  : i32 {
      %mul3A_699 = arith.constant 2 : i32
      %mul3A_700 = arith.muli %mul3A_699, %scan3A_694 : i32
      %add3A_701 = arith.constant 1000 : i32
      %add3A_702 = arith.addi %add3A_701, %mul3A_700 : i32
      %get3A = arith.index_cast %add3A_702 : i32 to index
      %get3A_703 = arith.constant 0 : index
      %get3A_704 = tpu.vector_load %arg11[%get3A, %get3A_703] {strides = array<i32>} : memref<1600x32xf32, #tpu.memory_space<vmem>>, vector<1x16xf32>,
      %get3A_705 = vector.shape_cast %get3A_704 : vector<1x16xf32> to vector<16xf32>
      %add3A_706 = arith.addf %scan3A_695, %get3A_705 : vector<16xf32>
      %get3A_707 = arith.index_cast %add3A_702 : i32 to index
      %get3A_708 = arith.constant 16 : index
      %get3A_709 = tpu.vector_load %arg11[%get3A_707, %get3A_708] {strides = array<i32>} : memref<1600x32xf32, #tpu.memory_space<vmem>>, vector<1x16xf32>,
      %get3A_710 = vector.shape_cast %get3A_709 : vector<1x16xf32> to vector<16xf32>
      %add3A_711 = arith.addf %scan3A_696, %get3A_710 : vector<16xf32>
      %add3A_712 = arith.constant 1 : i32
      %add3A_713 = arith.addi %add3A_702, %add3A_712 : i32
      %get3A_714 = arith.index_cast %add3A_713 : i32 to index
      %get3A_715 = arith.constant 0 : index
      %get3A_716 = tpu.vector_load %arg11[%get3A_714, %get3A_715] {strides = array<i32>} : memref<1600x32xf32, #tpu.memory_space<vmem>>, vector<1x16xf32>,
      %get3A_717 = vector.shape_cast %get3A_716 : vector<1x16xf32> to vector<16xf32>
      %add3A_718 = arith.addf %scan3A_697, %get3A_717 : vector<16xf32>
      %add3A_719 = arith.constant 1 : i32
      %add3A_720 = arith.addi %add3A_702, %add3A_719 : i32
      %get3A_721 = arith.index_cast %add3A_720 : i32 to index
      %get3A_722 = arith.constant 16 : index
      %get3A_723 = tpu.vector_load %arg11[%get3A_721, %get3A_722] {strides = array<i32>} : memref<1600x32xf32, #tpu.memory_space<vmem>>, vector<1x16xf32>,
      %get3A_724 = vector.shape_cast %get3A_723 : vector<1x16xf32> to vector<16xf32>
      %add3A_725 = arith.addf %scan3A_698, %get3A_724 : vector<16xf32>
      scf.yield %add3A_706, %add3A_711, %add3A_718, %add3A_725 : vector<16xf32>, vector<16xf32>, vector<16xf32>, vector<16xf32>
    }
    %scan3A_633 = arith.constant 100 : i32
    %add3A_634 = arith.addf %scan3A_632#0, %scan3A_632#2 : vector<16xf32>
    %swap3A_635 = arith.constant 125 : i32
    %swap3A_636 = arith.index_cast %swap3A_635 : i32 to index
    %swap3A_637 = arith.constant 0 : index
    %swap3A_638 = tpu.vector_load %arg12[%swap3A_636, %swap3A_637] {strides = array<i32>} : memref<128x128xf32, #tpu.memory_space<vmem>>, vector<1x16xf32>,
    %swap3A_639 = vector.shape_cast %swap3A_638 : vector<1x16xf32> to vector<16xf32>
    %swap3A_640 = vector.shape_cast %add3A_634 : vector<16xf32> to vector<1x16xf32>
    tpu.vector_store %arg12[%swap3A_636, %swap3A_637], %swap3A_640 {strides = array<i32>} : memref<128x128xf32, #tpu.memory_space<vmem>>, vector<1x16xf32>,
    %add3A_641 = arith.addf %scan3A_632#1, %scan3A_632#3 : vector<16xf32>
    %swap3A_642 = arith.constant 125 : i32
    %swap3A_643 = arith.index_cast %swap3A_642 : i32 to index
    %swap3A_644 = arith.constant 16 : index
    %swap3A_645 = tpu.vector_load %arg12[%swap3A_643, %swap3A_644] {strides = array<i32>} : memref<128x128xf32, #tpu.memory_space<vmem>>, vector<1x16xf32>,
    %swap3A_646 = vector.shape_cast %swap3A_645 : vector<1x16xf32> to vector<16xf32>
    %swap3A_647 = vector.shape_cast %add3A_641 : vector<16xf32> to vector<1x16xf32>
    tpu.vector_store %arg12[%swap3A_643, %swap3A_644], %swap3A_647 {strides = array<i32>} : memref<128x128xf32, #tpu.memory_space<vmem>>, vector<1x16xf32>,
    %broadcast_in_dim3A_648 = arith.constant 0.000000e+00 : f32
    %broadcast_in_dim3A_649 = vector.broadcast %broadcast_in_dim3A_648 : f32 to vector<16xf32>
    %scan3A_650 = arith.constant 0 : i32
    %scan3A_651 = arith.constant 100 : i32
    %scan3A_652 = arith.addi %scan3A_650, %scan3A_651 : i32
    %scan3A_653 = arith.constant 1 : i32
    %scan3A_654:4 = scf.for %scan3A_694 = %scan3A_650 to %scan3A_652 step %scan3A_653 iter_args(%scan3A_695 = %broadcast_in_dim3A_649, %scan3A_696 = %broadcast_in_dim3A_649, %scan3A_697 = %broadcast_in_dim3A_649, %scan3A_698 = %broadcast_in_dim3A_649) -> (vector<16xf32>, vector<16xf32>, vector<16xf32>, vector<16xf32>)  : i32 {
      %mul3A_699 = arith.constant 2 : i32
      %mul3A_700 = arith.muli %mul3A_699, %scan3A_694 : i32
      %add3A_701 = arith.constant 1200 : i32
      %add3A_702 = arith.addi %add3A_701, %mul3A_700 : i32
      %get3A = arith.index_cast %add3A_702 : i32 to index
      %get3A_703 = arith.constant 0 : index
      %get3A_704 = tpu.vector_load %arg11[%get3A, %get3A_703] {strides = array<i32>} : memref<1600x32xf32, #tpu.memory_space<vmem>>, vector<1x16xf32>,
      %get3A_705 = vector.shape_cast %get3A_704 : vector<1x16xf32> to vector<16xf32>
      %add3A_706 = arith.addf %scan3A_695, %get3A_705 : vector<16xf32>
      %get3A_707 = arith.index_cast %add3A_702 : i32 to index
      %get3A_708 = arith.constant 16 : index
      %get3A_709 = tpu.vector_load %arg11[%get3A_707, %get3A_708] {strides = array<i32>} : memref<1600x32xf32, #tpu.memory_space<vmem>>, vector<1x16xf32>,
      %get3A_710 = vector.shape_cast %get3A_709 : vector<1x16xf32> to vector<16xf32>
      %add3A_711 = arith.addf %scan3A_696, %get3A_710 : vector<16xf32>
      %add3A_712 = arith.constant 1 : i32
      %add3A_713 = arith.addi %add3A_702, %add3A_712 : i32
      %get3A_714 = arith.index_cast %add3A_713 : i32 to index
      %get3A_715 = arith.constant 0 : index
      %get3A_716 = tpu.vector_load %arg11[%get3A_714, %get3A_715] {strides = array<i32>} : memref<1600x32xf32, #tpu.memory_space<vmem>>, vector<1x16xf32>,
      %get3A_717 = vector.shape_cast %get3A_716 : vector<1x16xf32> to vector<16xf32>
      %add3A_718 = arith.addf %scan3A_697, %get3A_717 : vector<16xf32>
      %add3A_719 = arith.constant 1 : i32
      %add3A_720 = arith.addi %add3A_702, %add3A_719 : i32
      %get3A_721 = arith.index_cast %add3A_720 : i32 to index
      %get3A_722 = arith.constant 16 : index
      %get3A_723 = tpu.vector_load %arg11[%get3A_721, %get3A_722] {strides = array<i32>} : memref<1600x32xf32, #tpu.memory_space<vmem>>, vector<1x16xf32>,
      %get3A_724 = vector.shape_cast %get3A_723 : vector<1x16xf32> to vector<16xf32>
      %add3A_725 = arith.addf %scan3A_698, %get3A_724 : vector<16xf32>
      scf.yield %add3A_706, %add3A_711, %add3A_718, %add3A_725 : vector<16xf32>, vector<16xf32>, vector<16xf32>, vector<16xf32>
    }
    %scan3A_655 = arith.constant 100 : i32
    %add3A_656 = arith.addf %scan3A_654#0, %scan3A_654#2 : vector<16xf32>
    %swap3A_657 = arith.constant 126 : i32
    %swap3A_658 = arith.index_cast %swap3A_657 : i32 to index
    %swap3A_659 = arith.constant 0 : index
    %swap3A_660 = tpu.vector_load %arg12[%swap3A_658, %swap3A_659] {strides = array<i32>} : memref<128x128xf32, #tpu.memory_space<vmem>>, vector<1x16xf32>,
    %swap3A_661 = vector.shape_cast %swap3A_660 : vector<1x16xf32> to vector<16xf32>
    %swap3A_662 = vector.shape_cast %add3A_656 : vector<16xf32> to vector<1x16xf32>
    tpu.vector_store %arg12[%swap3A_658, %swap3A_659], %swap3A_662 {strides = array<i32>} : memref<128x128xf32, #tpu.memory_space<vmem>>, vector<1x16xf32>,
    %add3A_663 = arith.addf %scan3A_654#1, %scan3A_654#3 : vector<16xf32>
    %swap3A_664 = arith.constant 126 : i32
    %swap3A_665 = arith.index_cast %swap3A_664 : i32 to index
    %swap3A_666 = arith.constant 16 : index
    %swap3A_667 = tpu.vector_load %arg12[%swap3A_665, %swap3A_666] {strides = array<i32>} : memref<128x128xf32, #tpu.memory_space<vmem>>, vector<1x16xf32>,
    %swap3A_668 = vector.shape_cast %swap3A_667 : vector<1x16xf32> to vector<16xf32>
    %swap3A_669 = vector.shape_cast %add3A_663 : vector<16xf32> to vector<1x16xf32>
    tpu.vector_store %arg12[%swap3A_665, %swap3A_666], %swap3A_669 {strides = array<i32>} : memref<128x128xf32, #tpu.memory_space<vmem>>, vector<1x16xf32>,
    %broadcast_in_dim3A_670 = arith.constant 0.000000e+00 : f32
    %broadcast_in_dim3A_671 = vector.broadcast %broadcast_in_dim3A_670 : f32 to vector<16xf32>
    %scan3A_672 = arith.constant 0 : i32
    %scan3A_673 = arith.constant 100 : i32
    %scan3A_674 = arith.addi %scan3A_672, %scan3A_673 : i32
    %scan3A_675 = arith.constant 1 : i32
    %scan3A_676:4 = scf.for %scan3A_694 = %scan3A_672 to %scan3A_674 step %scan3A_675 iter_args(%scan3A_695 = %broadcast_in_dim3A_671, %scan3A_696 = %broadcast_in_dim3A_671, %scan3A_697 = %broadcast_in_dim3A_671, %scan3A_698 = %broadcast_in_dim3A_671) -> (vector<16xf32>, vector<16xf32>, vector<16xf32>, vector<16xf32>)  : i32 {
      %mul3A_699 = arith.constant 2 : i32
      %mul3A_700 = arith.muli %mul3A_699, %scan3A_694 : i32
      %add3A_701 = arith.constant 1400 : i32
      %add3A_702 = arith.addi %add3A_701, %mul3A_700 : i32
      %get3A = arith.index_cast %add3A_702 : i32 to index
      %get3A_703 = arith.constant 0 : index
      %get3A_704 = tpu.vector_load %arg11[%get3A, %get3A_703] {strides = array<i32>} : memref<1600x32xf32, #tpu.memory_space<vmem>>, vector<1x16xf32>,
      %get3A_705 = vector.shape_cast %get3A_704 : vector<1x16xf32> to vector<16xf32>
      %add3A_706 = arith.addf %scan3A_695, %get3A_705 : vector<16xf32>
      %get3A_707 = arith.index_cast %add3A_702 : i32 to index
      %get3A_708 = arith.constant 16 : index
      %get3A_709 = tpu.vector_load %arg11[%get3A_707, %get3A_708] {strides = array<i32>} : memref<1600x32xf32, #tpu.memory_space<vmem>>, vector<1x16xf32>,
      %get3A_710 = vector.shape_cast %get3A_709 : vector<1x16xf32> to vector<16xf32>
      %add3A_711 = arith.addf %scan3A_696, %get3A_710 : vector<16xf32>
      %add3A_712 = arith.constant 1 : i32
      %add3A_713 = arith.addi %add3A_702, %add3A_712 : i32
      %get3A_714 = arith.index_cast %add3A_713 : i32 to index
      %get3A_715 = arith.constant 0 : index
      %get3A_716 = tpu.vector_load %arg11[%get3A_714, %get3A_715] {strides = array<i32>} : memref<1600x32xf32, #tpu.memory_space<vmem>>, vector<1x16xf32>,
      %get3A_717 = vector.shape_cast %get3A_716 : vector<1x16xf32> to vector<16xf32>
      %add3A_718 = arith.addf %scan3A_697, %get3A_717 : vector<16xf32>
      %add3A_719 = arith.constant 1 : i32
      %add3A_720 = arith.addi %add3A_702, %add3A_719 : i32
      %get3A_721 = arith.index_cast %add3A_720 : i32 to index
      %get3A_722 = arith.constant 16 : index
      %get3A_723 = tpu.vector_load %arg11[%get3A_721, %get3A_722] {strides = array<i32>} : memref<1600x32xf32, #tpu.memory_space<vmem>>, vector<1x16xf32>,
      %get3A_724 = vector.shape_cast %get3A_723 : vector<1x16xf32> to vector<16xf32>
      %add3A_725 = arith.addf %scan3A_698, %get3A_724 : vector<16xf32>
      scf.yield %add3A_706, %add3A_711, %add3A_718, %add3A_725 : vector<16xf32>, vector<16xf32>, vector<16xf32>, vector<16xf32>
    }
    %scan3A_677 = arith.constant 100 : i32
    %add3A_678 = arith.addf %scan3A_676#0, %scan3A_676#2 : vector<16xf32>
    %swap3A_679 = arith.constant 127 : i32
    %swap3A_680 = arith.index_cast %swap3A_679 : i32 to index
    %swap3A_681 = arith.constant 0 : index
    %swap3A_682 = tpu.vector_load %arg12[%swap3A_680, %swap3A_681] {strides = array<i32>} : memref<128x128xf32, #tpu.memory_space<vmem>>, vector<1x16xf32>,
    %swap3A_683 = vector.shape_cast %swap3A_682 : vector<1x16xf32> to vector<16xf32>
    %swap3A_684 = vector.shape_cast %add3A_678 : vector<16xf32> to vector<1x16xf32>
    tpu.vector_store %arg12[%swap3A_680, %swap3A_681], %swap3A_684 {strides = array<i32>} : memref<128x128xf32, #tpu.memory_space<vmem>>, vector<1x16xf32>,
    %add3A_685 = arith.addf %scan3A_676#1, %scan3A_676#3 : vector<16xf32>
    %swap3A_686 = arith.constant 127 : i32
    %swap3A_687 = arith.index_cast %swap3A_686 : i32 to index
    %swap3A_688 = arith.constant 16 : index
    %swap3A_689 = tpu.vector_load %arg12[%swap3A_687, %swap3A_688] {strides = array<i32>} : memref<128x128xf32, #tpu.memory_space<vmem>>, vector<1x16xf32>,
    %swap3A_690 = vector.shape_cast %swap3A_689 : vector<1x16xf32> to vector<16xf32>
    %swap3A_691 = vector.shape_cast %add3A_685 : vector<16xf32> to vector<1x16xf32>
    tpu.vector_store %arg12[%swap3A_687, %swap3A_688], %swap3A_691 {strides = array<i32>} : memref<128x128xf32, #tpu.memory_space<vmem>>, vector<1x16xf32>,
    %mul3A_692 = arith.constant 128 : i32
    %mul3A_693 = arith.muli %add3A, %mul3A_692 : i32
    "tpu.region"() ({
      %run_scoped3A = tpu.sem_alloc : memref<!tpu.dma_semaphore, #tpu.memory_space<semaphore_mem>>
      %dma_start3A_694 = arith.constant 0 : i32
      %dma_start3A_695 = tpu.memref_slice %arg5[%mul3A_693, %dma_start3A_694] : memref<4096x128xf32, #tpu.memory_space<hbm>> -> memref<128x128xf32, #tpu.memory_space<hbm>>
      %dma_start3A_696 = arith.constant 0 : i32
      %dma_start3A_697 = tpu.memref_slice %arg5[%mul3A_693, %dma_start3A_696] : memref<4096x128xf32, #tpu.memory_space<hbm>> -> memref<128x128xf32, #tpu.memory_space<hbm>>
      tpu.enqueue_dma source(%arg12 : memref<128x128xf32, #tpu.memory_space<vmem>>) target(%dma_start3A_697 : memref<128x128xf32, #tpu.memory_space<hbm>>) target_semaphore(%run_scoped3A : memref<!tpu.dma_semaphore, #tpu.memory_space<semaphore_mem>>)
      %dma_wait3A_698 = arith.constant 0 : i32
      %dma_wait3A_699 = tpu.memref_slice %arg5[%mul3A_693, %dma_wait3A_698] : memref<4096x128xf32, #tpu.memory_space<hbm>> -> memref<128x128xf32, #tpu.memory_space<hbm>>
      %dma_wait3A_700 = arith.constant 0 : i32
      %dma_wait3A_701 = tpu.memref_slice %arg5[%mul3A_693, %dma_wait3A_700] : memref<4096x128xf32, #tpu.memory_space<hbm>> -> memref<128x128xf32, #tpu.memory_space<hbm>>
      tpu.wait_dma2 semaphore(%run_scoped3A : memref<!tpu.dma_semaphore, #tpu.memory_space<semaphore_mem>>) src(%arg12 : memref<128x128xf32, #tpu.memory_space<vmem>>) dst(%dma_wait3A_701 : memref<128x128xf32, #tpu.memory_space<hbm>>)
      tpu.yield
    }) : () -> ()
    return
  }
}

module attributes {stable_mosaic.version = 14 : i64} {
  func.func @_pack_body(%arg0: i32, %arg1: memref<32x32768xf32, #tpu.memory_space<vmem>>, %arg2: memref<8192x128xf32, #tpu.memory_space<vmem>>) attributes {dimension_semantics = [#tpu.dimension_semantics<arbitrary>], iteration_bounds = array<i64: 31>, scalar_prefetch = 0 : i64, scratch_operands = 0 : i64, tpu.core_type = #tpu.core_type<tc>, window_params = [{transform_indices = @transform_0, window_bounds = array<i64: 32, 32768>}, {transform_indices = @transform_1, window_bounds = array<i64: 8192, 128>}]} {
    %iota3A = tpu.iota {dimensions = array<i32: 0>} : vector<32x128xi32>
    %iota3A_0 = tpu.iota {dimensions = array<i32: 1>} : vector<32x128xi32>
    %get3A = arith.constant 0 : index
    %get3A_1 = arith.constant 0 : index
    %get3A_2 = vector.load %arg1[%get3A, %get3A_1] : memref<32x32768xf32, #tpu.memory_space<vmem>>, vector<32x8192xf32>
    %add3A = arith.constant 0 : i32
    %add3A_3 = vector.broadcast %add3A : i32 to vector<32x128xi32>
    %add3A_4 = arith.addi %add3A_3, %iota3A : vector<32x128xi32>
    %eq3A = arith.cmpi eq, %iota3A_0, %add3A_4 : vector<32x128xi32>
    %convert_element_type3A = arith.extui %eq3A : vector<32x128xi1> to vector<32x128xi32>
    %convert_element_type3A_5 = arith.sitofp %convert_element_type3A : vector<32x128xi32> to vector<32x128xf32>
    %dot_general3A = arith.constant dense<0.000000e+00> : vector<8192x128xf32>
    %dot_general3A_6 = tpu.matmul %get3A_2, %convert_element_type3A_5, %dot_general3A {dimension_numbers = #tpu.dot_dimension_numbers<[0], [0], [1], [1], [0, 1, 1, 1], [], []>, transpose_lhs_hint = false} : vector<32x8192xf32>, vector<32x128xf32>, vector<8192x128xf32> -> vector<8192x128xf32>
    %get3A_7 = arith.constant 0 : index
    %get3A_8 = arith.constant 8192 : index
    %get3A_9 = vector.load %arg1[%get3A_7, %get3A_8] : memref<32x32768xf32, #tpu.memory_space<vmem>>, vector<32x8192xf32>
    %add3A_10 = arith.constant 32 : i32
    %add3A_11 = vector.broadcast %add3A_10 : i32 to vector<32x128xi32>
    %add3A_12 = arith.addi %add3A_11, %iota3A : vector<32x128xi32>
    %eq3A_13 = arith.cmpi eq, %iota3A_0, %add3A_12 : vector<32x128xi32>
    %convert_element_type3A_14 = arith.extui %eq3A_13 : vector<32x128xi1> to vector<32x128xi32>
    %convert_element_type3A_15 = arith.sitofp %convert_element_type3A_14 : vector<32x128xi32> to vector<32x128xf32>
    %dot_general3A_16 = arith.constant dense<0.000000e+00> : vector<8192x128xf32>
    %dot_general3A_17 = tpu.matmul %get3A_9, %convert_element_type3A_15, %dot_general3A_16 {dimension_numbers = #tpu.dot_dimension_numbers<[0], [0], [1], [1], [0, 1, 1, 1], [], []>, transpose_lhs_hint = false} : vector<32x8192xf32>, vector<32x128xf32>, vector<8192x128xf32> -> vector<8192x128xf32>
    %add3A_18 = arith.addf %dot_general3A_6, %dot_general3A_17 : vector<8192x128xf32>
    %get3A_19 = arith.constant 0 : index
    %get3A_20 = arith.constant 16384 : index
    %get3A_21 = vector.load %arg1[%get3A_19, %get3A_20] : memref<32x32768xf32, #tpu.memory_space<vmem>>, vector<32x8192xf32>
    %add3A_22 = arith.constant 64 : i32
    %add3A_23 = vector.broadcast %add3A_22 : i32 to vector<32x128xi32>
    %add3A_24 = arith.addi %add3A_23, %iota3A : vector<32x128xi32>
    %eq3A_25 = arith.cmpi eq, %iota3A_0, %add3A_24 : vector<32x128xi32>
    %convert_element_type3A_26 = arith.extui %eq3A_25 : vector<32x128xi1> to vector<32x128xi32>
    %convert_element_type3A_27 = arith.sitofp %convert_element_type3A_26 : vector<32x128xi32> to vector<32x128xf32>
    %dot_general3A_28 = arith.constant dense<0.000000e+00> : vector<8192x128xf32>
    %dot_general3A_29 = tpu.matmul %get3A_21, %convert_element_type3A_27, %dot_general3A_28 {dimension_numbers = #tpu.dot_dimension_numbers<[0], [0], [1], [1], [0, 1, 1, 1], [], []>, transpose_lhs_hint = false} : vector<32x8192xf32>, vector<32x128xf32>, vector<8192x128xf32> -> vector<8192x128xf32>
    %add3A_30 = arith.addf %add3A_18, %dot_general3A_29 : vector<8192x128xf32>
    %get3A_31 = arith.constant 0 : index
    %get3A_32 = arith.constant 24576 : index
    %get3A_33 = vector.load %arg1[%get3A_31, %get3A_32] : memref<32x32768xf32, #tpu.memory_space<vmem>>, vector<32x8192xf32>
    %add3A_34 = arith.constant 96 : i32
    %add3A_35 = vector.broadcast %add3A_34 : i32 to vector<32x128xi32>
    %add3A_36 = arith.addi %add3A_35, %iota3A : vector<32x128xi32>
    %eq3A_37 = arith.cmpi eq, %iota3A_0, %add3A_36 : vector<32x128xi32>
    %convert_element_type3A_38 = arith.extui %eq3A_37 : vector<32x128xi1> to vector<32x128xi32>
    %convert_element_type3A_39 = arith.sitofp %convert_element_type3A_38 : vector<32x128xi32> to vector<32x128xf32>
    %dot_general3A_40 = arith.constant dense<0.000000e+00> : vector<8192x128xf32>
    %dot_general3A_41 = tpu.matmul %get3A_33, %convert_element_type3A_39, %dot_general3A_40 {dimension_numbers = #tpu.dot_dimension_numbers<[0], [0], [1], [1], [0, 1, 1, 1], [], []>, transpose_lhs_hint = false} : vector<32x8192xf32>, vector<32x128xf32>, vector<8192x128xf32> -> vector<8192x128xf32>
    %add3A_42 = arith.addf %add3A_30, %dot_general3A_41 : vector<8192x128xf32>
    %swap3A = arith.constant 0 : index
    %swap3A_43 = arith.constant 0 : index
    %swap3A_44 = vector.load %arg2[%swap3A, %swap3A_43] : memref<8192x128xf32, #tpu.memory_space<vmem>>, vector<8192x128xf32>
    tpu.vector_store %arg2[%swap3A, %swap3A_43], %add3A_42 {strides = array<i32>} : memref<8192x128xf32, #tpu.memory_space<vmem>>, vector<8192x128xf32>,
    return
  }
  func.func @transform_0(%arg0: i32) -> (i32, i32) {
    %c0_i32 = arith.constant 0 : i32
    %c0_i32_0 = arith.constant 0 : i32
    return %c0_i32, %arg0 : i32, i32
  }
  func.func @transform_1(%arg0: i32) -> (i32, i32) {
    %c0_i32 = arith.constant 0 : i32
    %c0_i32_0 = arith.constant 0 : i32
    return %arg0, %c0_i32 : i32, i32
  }
}

module attributes {stable_mosaic.version = 14 : i64} {
  func.func @_mlp_body(%arg0: i32, %arg1: memref<1024x512xf32, #tpu.memory_space<vmem>>, %arg2: memref<1024x128xf32, #tpu.memory_space<vmem>>, %arg3: memref<1024x200xi32, #tpu.memory_space<vmem>>, %arg4: memref<8x32xf32, #tpu.memory_space<vmem>>, %arg5: memref<1000x544xf32, #tpu.memory_space<vmem>>, %arg6: memref<1000xf32, #tpu.memory_space<vmem>>, %arg7: memref<1000x1024xf32, #tpu.memory_space<vmem>>) attributes {dimension_semantics = [#tpu.dimension_semantics<arbitrary>], iteration_bounds = array<i64: 4>, scalar_prefetch = 0 : i64, scratch_operands = 0 : i64, tpu.core_type = #tpu.core_type<tc>, window_params = [{transform_indices = @transform_0, window_bounds = array<i64: 1024, 512>}, {transform_indices = @transform_1, window_bounds = array<i64: 1024, 128>}, {transform_indices = @transform_2, window_bounds = array<i64: 1024, 200>}, {pipeline_mode = #tpu.pipeline_mode<synchronous>, transform_indices = @transform_3, window_bounds = array<i64: 8, 32>}, {pipeline_mode = #tpu.pipeline_mode<synchronous>, transform_indices = @transform_4, window_bounds = array<i64: 1000, 544>}, {pipeline_mode = #tpu.pipeline_mode<synchronous>, transform_indices = @transform_5, window_bounds = array<i64: 1000>}, {transform_indices = @transform_6, window_bounds = array<i64: 1000, 1024>}]} {
    %get3A = arith.constant 0 : index
    %get3A_0 = arith.constant 0 : index
    %get3A_1 = vector.load %arg1[%get3A, %get3A_0] : memref<1024x512xf32, #tpu.memory_space<vmem>>, vector<1024x512xf32>
    %get3A_2 = arith.constant 0 : index
    %get3A_3 = arith.constant 0 : index
    %get3A_4 = vector.load %arg3[%get3A_2, %get3A_3] : memref<1024x200xi32, #tpu.memory_space<vmem>>, vector<1024x200xi32>
    %eq3A = arith.constant 0 : i32
    %eq3A_5 = vector.broadcast %eq3A : i32 to vector<1024x200xi32>
    %eq3A_6 = arith.cmpi eq, %get3A_4, %eq3A_5 : vector<1024x200xi32>
    %convert_element_type3A = arith.extui %eq3A_6 : vector<1024x200xi1> to vector<1024x200xi32>
    %convert_element_type3A_7 = arith.sitofp %convert_element_type3A : vector<1024x200xi32> to vector<1024x200xf32>
    %reduce_sum3A = arith.constant dense<0.000000e+00> : vector<1024xf32>
    %reduce_sum3A_8 = vector.multi_reduction <add>, %convert_element_type3A_7, %reduce_sum3A [1] : vector<1024x200xf32> to vector<1024xf32>
    %broadcast_in_dim3A = vector.shape_cast %reduce_sum3A_8 : vector<1024xf32> to vector<1024x1xf32>
    %get3A_9 = arith.constant 0 : index
    %get3A_10 = arith.constant 0 : index
    %get3A_11 = vector.load %arg2[%get3A_9, %get3A_10] : memref<1024x128xf32, #tpu.memory_space<vmem>>, vector<1024x32xf32>
    %get3A_12 = arith.constant 0 : index
    %get3A_13 = arith.constant 0 : index
    %get3A_14 = vector.load %arg4[%get3A_12, %get3A_13] : memref<8x32xf32, #tpu.memory_space<vmem>>, vector<1x32xf32>
    %mul3A = vector.broadcast %broadcast_in_dim3A : vector<1024x1xf32> to vector<1024x32xf32>
    %mul3A_15 = vector.broadcast %get3A_14 : vector<1x32xf32> to vector<1024x32xf32>
    %mul3A_16 = arith.mulf %mul3A, %mul3A_15 : vector<1024x32xf32>
    %sub3A = arith.subf %get3A_11, %mul3A_16 : vector<1024x32xf32>
    %get3A_17 = arith.constant 0 : index
    %get3A_18 = arith.constant 0 : index
    %get3A_19 = vector.load %arg5[%get3A_17, %get3A_18] : memref<1000x544xf32, #tpu.memory_space<vmem>>, vector<1000x512xf32>
    %get3A_20 = arith.constant 0 : index
    %get3A_21 = arith.constant 512 : index
    %get3A_22 = vector.load %arg5[%get3A_20, %get3A_21] : memref<1000x544xf32, #tpu.memory_space<vmem>>, vector<1000x32xf32>
    %dot_general3A = arith.constant dense<0.000000e+00> : vector<1000x1024xf32>
    %dot_general3A_23 = tpu.matmul %get3A_19, %get3A_1, %dot_general3A {dimension_numbers = #tpu.dot_dimension_numbers<[1], [1], [0], [0], [0, 0, 1, 0], [], []>, transpose_lhs_hint = false} : vector<1000x512xf32>, vector<1024x512xf32>, vector<1000x1024xf32> -> vector<1000x1024xf32>
    %dot_general3A_24 = arith.constant dense<0.000000e+00> : vector<1000x1024xf32>
    %dot_general3A_25 = tpu.matmul %get3A_22, %sub3A, %dot_general3A_24 {dimension_numbers = #tpu.dot_dimension_numbers<[1], [1], [0], [0], [0, 0, 1, 0], [], []>, transpose_lhs_hint = false} : vector<1000x32xf32>, vector<1024x32xf32>, vector<1000x1024xf32> -> vector<1000x1024xf32>
    %add3A = arith.addf %dot_general3A_23, %dot_general3A_25 : vector<1000x1024xf32>
    %get3A_26 = arith.constant 0 : index
    %get3A_27 = vector.load %arg6[%get3A_26] : memref<1000xf32, #tpu.memory_space<vmem>>, vector<1000xf32>
    %broadcast_in_dim3A_28 = vector.shape_cast %get3A_27 : vector<1000xf32> to vector<1000x1xf32>
    %add3A_29 = vector.broadcast %broadcast_in_dim3A_28 : vector<1000x1xf32> to vector<1000x1024xf32>
    %add3A_30 = arith.addf %add3A, %add3A_29 : vector<1000x1024xf32>
    %swap3A = arith.constant 0 : index
    %swap3A_31 = arith.constant 0 : index
    %swap3A_32 = vector.load %arg7[%swap3A, %swap3A_31] : memref<1000x1024xf32, #tpu.memory_space<vmem>>, vector<1000x1024xf32>
    tpu.vector_store %arg7[%swap3A, %swap3A_31], %add3A_30 {strides = array<i32>} : memref<1000x1024xf32, #tpu.memory_space<vmem>>, vector<1000x1024xf32>,
    return
  }
  func.func @transform_0(%arg0: i32) -> (i32, i32) {
    %c0_i32 = arith.constant 0 : i32
    %c0_i32_0 = arith.constant 0 : i32
    return %arg0, %c0_i32 : i32, i32
  }
  func.func @transform_1(%arg0: i32) -> (i32, i32) {
    %c0_i32 = arith.constant 0 : i32
    %c0_i32_0 = arith.constant 0 : i32
    return %arg0, %c0_i32 : i32, i32
  }
  func.func @transform_2(%arg0: i32) -> (i32, i32) {
    %c0_i32 = arith.constant 0 : i32
    %c0_i32_0 = arith.constant 0 : i32
    return %arg0, %c0_i32 : i32, i32
  }
  func.func @transform_3(%arg0: i32) -> (i32, i32) {
    %c0_i32 = arith.constant 0 : i32
    %c0_i32_0 = arith.constant 0 : i32
    %c0_i32_1 = arith.constant 0 : i32
    return %c0_i32, %c0_i32_0 : i32, i32
  }
  func.func @transform_4(%arg0: i32) -> (i32, i32) {
    %c0_i32 = arith.constant 0 : i32
    %c0_i32_0 = arith.constant 0 : i32
    %c0_i32_1 = arith.constant 0 : i32
    return %c0_i32, %c0_i32_0 : i32, i32
  }
  func.func @transform_5(%arg0: i32) -> i32 {
    %c0_i32 = arith.constant 0 : i32
    %c0_i32_0 = arith.constant 0 : i32
    return %c0_i32 : i32
  }
  func.func @transform_6(%arg0: i32) -> (i32, i32) {
    %c0_i32 = arith.constant 0 : i32
    %c0_i32_0 = arith.constant 0 : i32
    return %c0_i32, %arg0 : i32, i32
  }
}

</mosaic_0001>

<sc_bundles>
// kernel: kernel.5.cloned.1.call-start
scs
__scs_entry_jumppad:
0x0: {  	(pc) =	sbr.rel $0x88, $3  }
0x1: {  	(tag) =	ssettag $0x0;
	lr =	simm.s32 $0x1  }
0x2: {  	[smem:$0x3F9C] =	sst lr;
	_ =	strace $0xD0000000  }
0x3: {  	_ = 	snop  }
0x4: {  	_ = 	snop  }
0x5: {  	_ = 	snop  }
0x6: {  	_ = 	snop  }
0x7: {  	_ = 	snop  }
__scs_overlays_trampoline_lowered:
0x8: {  	[smem:$0x3FAB] =	sst s0  }
0x9: {  	[smem:$0x3FAC] =	sst s1  }
0xa: {  	[smem:$0x3FAD] =	sst s2  }
0xb: {  	[smem:$0x3FAE] =	sst s3  }
0xc: {  	[smem:$0x3FAF] =	sst s4  }
0xd: {  	[smem:$0x3FB0] =	sst s5  }
0xe: {  	[smem:$0x3FB1] =	sst s6  }
0xf: {  	[smem:$0x3FB2] =	sst s7  }
0x10: {  	[smem:$0x3FB3] =	sst s8  }
0x11: {  	[smem:$0x3FB4] =	sst s9;
	s0 =	simm.s32 @!p0 $0x0  }
0x12: {  	s1 =	sld [smem:$0x3F9A];
	s0 =	simm.s32 @p0 $0x1  }
0x13: {  	[smem:$0x3FB5] =	sst s0;
	s0 =	simm.s32 @!p1 $0x0  }
0x14: {  	s2 =	sld [smem:$0x3F99];
	s0 =	simm.s32 @p1 $0x1  }
0x15: {  	[smem:$0x3FB6] =	sst s0;
	s0 =	simm.s32 @!p2 $0x0  }
0x16: {  	s3 =	sld [smem:$0x3FDB];
	s0 =	simm.s32 @p2 $0x1  }
0x17: {  	s4 =	simm.s32 $0x1BF5;
	[smem:$0x3FB8] =	sst s0  }
0x18: {  	s0 =	sld [smem:$0x3F9B];
	_ =	swait.ge [sflag:s4], $0x0  }
0x19: {  	s7 =	sld [smem:$0x3F9C]  }
0x1a: {  	s8 =	sadd.s32 $0xFFFFE003, lr  }
0x1b: {  	s9 =	sadd.s32 $0xFFFFFEF7, lr;
	s5 =	simm.s32 $0xFFFFFFFF;
	p2 =	slt.u32 s8, $0xFFFFF086  }
0x1c: {  	p1 =	slt.u32 s9, $0xF7A;
	s5 =	simm.s32 @!p2 $0x0  }
0x1d: {  	s5 =	simm.s32 @p1 $0x1;
	p0 =	seq.s32 s7, s2  }
0x1e: {  	s7 =	smul.u32 @!p0 $0xF7A, s2;
	p2 =	seq.s32 @!p0 s5, $0x0  }
0x1f: {  	s9 =	smul.u32 $0xF7A, s1;
	s8 =	simm.s32 @!p0 $0x1BF5;
	p2 =	por !p2, p0  }
0x20: {  	[sflag:s8] =	ssyncset.s32 @!p0 $0xFFFFF086;
	s6 =	sadd.s32 @!p0 s3, s7;
	s7 =	simm.s32 @!p0 $0x108  }
0x21: {  	s3 =	sadd.s32 s3, s9;
	s6 =	sadd.s32 @!p0 $0x88, s6;
	s7 =	simm.s32 @p2 $0x1082  }
0x22: {  	[simem:s7], [sflag:s8] =	dma.local @!p0 [hbm:s6], $0xF7A  }
0x23: {  	s9 =	sor.u32 $0xD0000000, s2;
	s6 =	simm.s32 $0x108;
	_ =	swait.ge @!p0 [sflag:s8], $0x0  }
0x24: {  	s3 =	sadd.s32 $0x88, s3;
	s6 =	simm.s32 @!p1 $0x1082;
	[sflag:s4] =	ssyncset.s32 $0xFFFFF086  }
0x25: {  	[simem:s6], [sflag:s4] =	dma.local [hbm:s3], $0xF7A  }
0x26: {  	[smem:$0x3F9C] =	sst s1;
	(tag) =	ssettag s2;
	_ =	strace s9  }
0x27: {  	s1 =	sld [smem:$0x3FAC]  }
0x28: {  	s2 =	sld [smem:$0x3FAD]  }
0x29: {  	s4 =	sld [smem:$0x3FAF]  }
0x2a: {  	p0 =	seq.s32 s5, $0x0;
	s5 =	sld [smem:$0x3FB0]  }
0x2b: {  	s6 =	sld [smem:$0x3FB1]  }
0x2c: {  	s7 =	sld [smem:$0x3FB2]  }
0x2d: {  	s3 =	simm.s32 $0x108;
	s8 =	sld [smem:$0x3FB3]  }
0x2e: {  	s3 =	simm.s32 @!p0 $0x1082;
	s9 =	sld [smem:$0x3FB4]  }
0x2f: {  	lr =	sadd.s32 s0, s3;
	s0 =	sld [smem:$0x3FAB]  }
0x30: {  	s3 =	sld [smem:$0x3FAE]  }
0x31: {  	[smem:$0x3FB7] =	sst s10  }
0x32: {  	s10 =	sld [smem:$0x3FB5];
	_ =	sdelay $0x3  }
0x33: {  	p0 =	seq.s32 s10, $0x1;
	s10 =	sld [smem:$0x3FB7];
	_ =	sdelay $0x3  }
0x34: {  	[smem:$0x3FB7] =	sst s10  }
0x35: {  	s10 =	sld [smem:$0x3FB6];
	_ =	sdelay $0x3  }
0x36: {  	p1 =	seq.s32 s10, $0x1;
	s10 =	sld [smem:$0x3FB7];
	_ =	sdelay $0x3  }
0x37: {  	[smem:$0x3FB7] =	sst s10  }
0x38: {  	s10 =	sld [smem:$0x3FB8]  }
0x39: {  	_ = 	snop;
	(pc) =	sbr.ind lr, $3  }
0x3a: {  	_ = 	snop  }
0x3b: {  	_ = 	snop  }
0x3c: {  	p2 =	seq.s32 s10, $0x1;
	s10 =	sld [smem:$0x3FB7]  }
0x3d: {  	_ =	shalt  }
0x3e: {  	_ =	shalt  }
0x3f: {  	_ =	shalt  }
0x40: {  	_ =	shalt  }
0x41: {  	_ =	shalt  }
0x42: {  	_ =	shalt  }
0x43: {  	_ =	shalt  }
0x44: {  	_ =	shalt  }
0x45: {  	_ =	shalt  }
0x46: {  	_ =	shalt  }
0x47: {  	_ =	shalt  }
0x48: {  	_ =	shalt  }
0x49: {  	_ =	shalt  }
0x4a: {  	_ =	shalt  }
0x4b: {  	_ =	shalt  }
0x4c: {  	_ =	shalt  }
0x4d: {  	_ =	shalt  }
0x4e: {  	_ =	shalt  }
0x4f: {  	_ =	shalt  }
0x50: {  	_ =	shalt  }
0x51: {  	_ =	shalt  }
0x52: {  	_ =	shalt  }
0x53: {  	_ =	shalt  }
0x54: {  	_ =	shalt  }
0x55: {  	_ =	shalt  }
0x56: {  	_ =	shalt  }
0x57: {  	_ =	shalt  }
0x58: {  	_ =	shalt  }
0x59: {  	_ =	shalt  }
0x5a: {  	_ =	shalt  }
0x5b: {  	_ =	shalt  }
0x5c: {  	_ =	shalt  }
0x5d: {  	_ =	shalt  }
0x5e: {  	_ =	shalt  }
0x5f: {  	_ =	shalt  }
0x60: {  	_ =	shalt  }
0x61: {  	_ =	shalt  }
0x62: {  	_ =	shalt  }
0x63: {  	_ =	shalt  }
0x64: {  	_ =	shalt  }
0x65: {  	_ =	shalt  }
0x66: {  	_ =	shalt  }
0x67: {  	_ =	shalt  }
0x68: {  	_ =	shalt  }
0x69: {  	_ =	shalt  }
0x6a: {  	_ =	shalt  }
0x6b: {  	_ =	shalt  }
0x6c: {  	_ =	shalt  }
0x6d: {  	_ =	shalt  }
0x6e: {  	_ =	shalt  }
0x6f: {  	_ =	shalt  }
0x70: {  	_ =	shalt  }
0x71: {  	_ =	shalt  }
0x72: {  	_ =	shalt  }
0x73: {  	_ =	shalt  }
0x74: {  	_ =	shalt  }
0x75: {  	_ =	shalt  }
0x76: {  	_ =	shalt  }
0x77: {  	_ =	shalt  }
0x78: {  	_ =	shalt  }
0x79: {  	_ =	shalt  }
0x7a: {  	_ =	shalt  }
0x7b: {  	_ =	shalt  }
0x7c: {  	_ =	shalt  }
0x7d: {  	_ =	shalt  }
0x7e: {  	_ =	shalt  }
0x7f: {  	_ =	shalt  }
0x80: {  	_ =	shalt  }
0x81: {  	_ =	shalt  }
0x82: {  	_ =	shalt  }
0x83: {  	_ =	shalt  }
0x84: {  	_ =	shalt  }
0x85: {  	_ =	shalt  }
0x86: {  	_ =	shalt  }
0x87: {  	_ =	shalt  }
.Lfunc_end0:
.L_simem_size_0:
called_computation_lowered:
.L_overlay_start_0:
0x88: {  	s2 =	sld [smem:$0x3FD9]  }
0x89: {  	s3 =	sld [smem:$0x3FFE];
	_ =	sdelay $0x1  }
0x8a: {  	s1 =	srdreg.scid  }
0x8b: {  	s0 =	sand.u32 $0x1, s1  }
0x8c: {  	s16 =	sshll.u32 s0, $0xA;
	s2 =	sadd.s32 s3, s2  }
0x8d: {  	s2 =	sadd.s32 s2, s16  }
0x8e: {  	[smem:$0x3FC3] =	sst s2  }
0x8f: {  	_ = 	snop  }
0x90: {  	(tm) =	ssettm $0x1  }
0x91: {  	s17 =	sld [smem:$0x3FFB];
	_ =	sdelay $0x3  }
0x92: {  	_ =	strace s17  }
0x93: {  	s2 =	sld [smem:$0x3FFC];
	_ =	sdelay $0x3  }
0x94: {  	_ =	strace s2  }
0x95: {  	s2 =	sld [smem:$0x3FFD];
	_ =	sdelay $0x3  }
0x96: {  	_ =	strace s2  }
0x97: {  	_ =	strace $0x8FFFFFFF  }
0x98: {  	s18 =	sld [smem:$0x3FDB];
	_ =	sdelay $0x1  }
0x99: {  	s19 =	simm.s32 $_scs_section_size  }
0x9a: {  	s4 =	simm.s32 $_size__tile_overlayer_lowered;
	s5 =	simm.s32 $_tile_overlayer_lowered  }
0x9b: {  	s22 =	simm.s32 $0x1BFF;
	s21 =	sshll.u32 s5, $0x1;
	s2 =	sadd.s32 s19, s18  }
0x9c: {  	s6 =	simm.s32 $0x0;
	s20 =	sshll.u32 s4, $0x1;
	s4 =	sadd.s32 s21, s2  }
0x9d: {  	[timem:s6], [sflag:s22] =	dma.local [hbm:s4], s20  }
0x9e: {  	_ =	swait.ge [sflag:s22], s20  }
0x9f: {  	s3 =	ssub.s32 $0x0, s20;
	[sflag:s22] =	ssyncset.done $0x0  }
0xa0: {  	[sflag:s22] =	ssyncadd.s32 s3;
	_ =	sdelay $0x1  }
0xa1: {  	s23 =	simm.s32 $0x1B8B  }
0xa2: {  	_ =	swait.ge [sflag:s23], $0x1  }
0xa3: {  	[sflag:s23] =	ssyncset.done $0x0  }
0xa4: {  	s25 =	simm.s32 $0x1B8E;
	s24 =	sld [smem:$0x3FFE];
	[sflag:s23] =	ssyncadd.s32 $0xFFFFFFFF  }
0xa5: {  	s26 =	simm.s32 $execute0_lowered;
	[smem:$0x3FD2] =	sst s25  }
0xa6: {  	s4 =	sshll.u32 s26, $0x1;
	_ =	strace $0x80000046;
	[dreg:$0x1] =	wrdreg $0xFFFFFFFF  }
0xa7: {  	s28 =	simm.s32 $_size_execute0_lowered;
	s2 =	sadd.s32 s2, s4;
	[dreg:$0x0] =	wrdreg $0x0  }
0xa8: {  	s4 =	sshll.u32 s28, $0x1;
	[dreg:$0x2] =	wrdreg s2  }
0xa9: {  	[dreg:$0x3] =	wrdreg s4  }
0xaa: {  	[dreg:$0x4] =	wrdreg $0xC0  }
0xab: {  	_ =	task [dreg:s6], $0x5FFFF  }
0xac: {  	[dreg:$0x1] =	wrdreg $0xFFFFFFFF  }
0xad: {  	[dreg:$0x0] =	wrdreg $0x60  }
0xae: {  	[dreg:$0x2] =	wrdreg s24  }
0xaf: {  	[dreg:$0x3] =	wrdreg $0x9  }
0xb0: {  	_ =	task.clear_ibuf [dreg:s6], $0x4FFFF;
	_ =	strace $0x90000046  }
0xb1: {  	s29 =	simm.s32 $0x9;
	_ =	strace $0x80000048  }
0xb2: {  	_ =	swait.ge [sflag:s29], $0x1  }
0xb3: {  	[sflag:s29] =	ssyncadd.s32 $0xFFFFFFFF  }
0xb4: {  	_ =	strace $0x90000048  }
0xb5: {  	_ =	sfence  }
0xb6: {  	s30 =	sld [smem:$0x0];
	_ =	sdelay $0x2  }
0xb7: {  	s31 =	sshll.u32 s1, $0xD;
	s1 =	sshrl.u32 s1, $0x2  }
0xb8: {  	s3 =	sand.u32 $0x4000, s31;
	s1 =	sadd.s32 s1, s30  }
0xb9: {  	s0 =	sor.u32 s3, s0;
	s1 =	sshll.u32 s1, $0x11  }
0xba: {  	s0 =	sor.u32 s1, s0  }
0xbb: {  	s0 =	sadd.s32 $0x8F2B, s0  }
0xbc: {  	[sflag:s0] =	ssyncadd.remote.s32 $0x1  }
0xbd: {  	_ =	sfence.sel $0xFFFF  }
0xbe: {  	[dreg:$0x0] =	wrdreg $0xFFFFFFFF;
	(pc) =	sbr.abs _section_cstart, $3  }
0xbf: {  	[dreg:$0x1] =	wrdreg $0xFFFFFFFF  }
0xc0: {  	_ =	task.clear_ibuf [dreg:s6], $0x2FFFF;
	_ =	strace $0x9FFFFFFF  }
0xc1: {  	(tm) =	ssettm $0x7FFFFFFF  }
tec
execute0_lowered:
.L_overlay_start_1:
0x0: {  	(tag) =	ssettag $0x1  }
0x1: {  	s0 =	rddreg [dreg:$0x0];
	s1 =	srdreg.scid  }
0x2: {  	s17 =	simm.s32 $0x0;
	s2 =	stileid.u32;
	s14 =	simm.s32 $0x3  }
0x3: {  	s15 =	simm.s32 $0x400;
	s16 =	simm.s32 $0x80;
	s18 =	simm.s32 $0x48  }
0x4: {  	s28 =	simm.s32 $0xE80;
	s29 =	simm.s32 $0x16500;
	s30 =	simm.s32 $0xB00  }
0x5: {  	s31 =	simm.s32 $0x16E00;
	s8 =	simm.s32 $0x18700;
	s10 =	simm.s32 $0xF80  }
0x6: {  	s11 =	simm.s32 $0x19700;
	s12 =	simm.s32 $0x1;
	s13 =	simm.s32 $0x2  }
0x7: {  	s1 =	sand.u32 $0x1, s1;
	[smem:$0x7FF] =	sst s17;
	s2 =	sshll.u32 s2, $0x8  }
0x8: {  	s3 =	sadd.s32 $0x1600, s0;
	s5 =	sadd.s32 $0x3F1600, s0;
	s4 =	sshll.u32 s1, $0x7  }
0x9: {  	s6 =	sadd.s32 $0x11600, s0;
	s1 =	ssub.s32 $0x2, s1;
	s4 =	sor.u32 s4, s2  }
0xa: {  	_ =	strace $0x80000047;
	s7 =	sshrl.u32 s1, $0x1;
	s2 =	sshll.u32 s4, $0x4  }
0xb: {  	s1 =	ssub.s32 s1, s7;
	s0 =	sadd.s32 s2, s0;
	s22 =	sadd.s32 s3, s2  }
0xc: {  	s23 =	sor.u32 $0x780, s2;
	s2 =	sadd.s32 s5, s2;
	[dreg:$0x2] =	wrdreg s22  }
0xd: {  	s19 =	simm.s32 $0x0;
	s26 =	smax.u32 s1, $0x1;
	[dreg:$0x3] =	wrdreg s2  }
0xe: {  	s9 =	sor.u32 $0x10, s4;
	s24 =	sadd.s32 s3, s23;
	[dreg:$0x7] =	wrdreg s26  }
0xf: {  	s7 =	simm.s32 $0xB80;
	s25 =	sadd.s32 s5, s23;
	[dreg:$0x4] =	wrdreg s24  }
0x10: {  	s1 =	simm.s32 $0x17E00;
	s0 =	sadd.s32 $0x401600, s0;
	[dreg:$0x5] =	wrdreg s25  }
0x11: {  	s26 =	simm.s32 $0xC00;
	s23 =	simm.s32 $0xA80;
	[dreg:$0x6] =	wrdreg s0  }
0x12: {  	s25 =	simm.s32 $0x800;
	s24 =	simm.s32 $0x15500;
	s0 =	simm.s32 $0xF00  }
.LBB2_1:
0x13: {  	[dreg:$0x8] =	wrdreg s19  }
0x14: {  	s2 =	rddreg [dreg:$0x2]  }
0x15: {  	[tilespmem:s17], [sflag:$0x3] =	stream.linear.gather [hbm4b:s2+s17], $0x400, $0x38;
	[tilespmem:$0x1E000] =	vst v63  }
0x16: {  	_ =	swait.ge [sflag:s14], $0x400  }
0x17: {  	[sflag:s14] =	ssyncset.done $0x0  }
0x18: {  	s21 =	rddreg [dreg:$0x3];
	[sflag:s14] =	ssyncadd.s32 $0xFFFFFC00  }
0x19: {  	[tilespmem:s15], [sflag:$0x3] =	stream.linear.gather [hbm4b:s21+s17], $0x400, $0x38;
	[tilespmem:$0x1E000] =	vst v63  }
0x1a: {  	_ =	swait.ge [sflag:s14], $0x400  }
0x1b: {  	[sflag:s14] =	ssyncset.done $0x0  }
0x1c: {  	s22 =	simm.s32 $0x1000;
	[sflag:s14] =	ssyncadd.s32 $0xFFFFFC00  }
0x1d: {  	[tilespmem:s22], [sflag:$0x1] =	stream.indirect.gather [hbm4b:s6+s16], $0x20, s17, s16, $0xb8;
	[tilespmem:$0x1E000] =	vst v63  }
0x1e: {  	s19 =	simm.s32 $0x2000  }
0x1f: {  	[tilespmem:s19], [sflag:$0x1] =	stream.indirect.gather [hbm4b:s6+s18], $0x20, s15, s18, $0xb8;
	[tilespmem:$0x1E000] =	vst v63  }
0x20: {  	s20 =	simm.s32 $0x2900  }
0x21: {  	[tilespmem:s20], [sflag:$0x1] =	stream.indirect.gather [hbm4b:s6+s16], $0x20, s16, s16, $0xb8;
	[tilespmem:$0x1E000] =	vst v63  }
0x22: {  	s21 =	simm.s32 $0x480;
	s22 =	simm.s32 $0x3900  }
0x23: {  	[tilespmem:s22], [sflag:$0x1] =	stream.indirect.gather [hbm4b:s6+s18], $0x20, s21, s18, $0xb8;
	[tilespmem:$0x1E000] =	vst v63  }
0x24: {  	s19 =	simm.s32 $0x100;
	s20 =	simm.s32 $0x4200  }
0x25: {  	[tilespmem:s20], [sflag:$0x1] =	stream.indirect.gather [hbm4b:s6+s16], $0x20, s19, s16, $0xb8;
	[tilespmem:$0x1E000] =	vst v63  }
0x26: {  	s21 =	simm.s32 $0x500;
	s22 =	simm.s32 $0x5200  }
0x27: {  	[tilespmem:s22], [sflag:$0x1] =	stream.indirect.gather [hbm4b:s6+s18], $0x20, s21, s18, $0xb8;
	[tilespmem:$0x1E000] =	vst v63  }
0x28: {  	s19 =	simm.s32 $0x180;
	s20 =	simm.s32 $0x5B00  }
0x29: {  	[tilespmem:s20], [sflag:$0x1] =	stream.indirect.gather [hbm4b:s6+s16], $0x20, s19, s16, $0xb8;
	[tilespmem:$0x1E000] =	vst v63  }
0x2a: {  	s21 =	simm.s32 $0x580;
	s22 =	simm.s32 $0x6B00  }
0x2b: {  	[tilespmem:s22], [sflag:$0x1] =	stream.indirect.gather [hbm4b:s6+s18], $0x20, s21, s18, $0xb8;
	[tilespmem:$0x1E000] =	vst v63  }
0x2c: {  	s19 =	simm.s32 $0x200;
	s20 =	simm.s32 $0x7400  }
0x2d: {  	[tilespmem:s20], [sflag:$0x1] =	stream.indirect.gather [hbm4b:s6+s16], $0x20, s19, s16, $0xb8;
	[tilespmem:$0x1E000] =	vst v63  }
0x2e: {  	s21 =	simm.s32 $0x600;
	s22 =	simm.s32 $0x8400  }
0x2f: {  	[tilespmem:s22], [sflag:$0x1] =	stream.indirect.gather [hbm4b:s6+s18], $0x20, s21, s18, $0xb8;
	[tilespmem:$0x1E000] =	vst v63  }
0x30: {  	s19 =	simm.s32 $0x280;
	s20 =	simm.s32 $0x8D00  }
0x31: {  	[tilespmem:s20], [sflag:$0x1] =	stream.indirect.gather [hbm4b:s6+s16], $0x20, s19, s16, $0xb8;
	[tilespmem:$0x1E000] =	vst v63  }
0x32: {  	s21 =	simm.s32 $0x680;
	s22 =	simm.s32 $0x9D00  }
0x33: {  	[tilespmem:s22], [sflag:$0x1] =	stream.indirect.gather [hbm4b:s6+s18], $0x20, s21, s18, $0xb8;
	[tilespmem:$0x1E000] =	vst v63  }
0x34: {  	s19 =	simm.s32 $0x300;
	s20 =	simm.s32 $0xA600  }
0x35: {  	[tilespmem:s20], [sflag:$0x1] =	stream.indirect.gather [hbm4b:s6+s16], $0x20, s19, s16, $0xb8;
	[tilespmem:$0x1E000] =	vst v63  }
0x36: {  	s21 =	simm.s32 $0x700;
	s22 =	simm.s32 $0xB600  }
0x37: {  	[tilespmem:s22], [sflag:$0x1] =	stream.indirect.gather [hbm4b:s6+s18], $0x20, s21, s18, $0xb8;
	[tilespmem:$0x1E000] =	vst v63  }
0x38: {  	s19 =	simm.s32 $0x380;
	s20 =	simm.s32 $0xBF00  }
0x39: {  	[tilespmem:s20], [sflag:$0x1] =	stream.indirect.gather [hbm4b:s6+s16], $0x20, s19, s16, $0xb8;
	[tilespmem:$0x1E000] =	vst v63  }
0x3a: {  	s2 =	simm.s32 $0x0;
	s21 =	simm.s32 $0x780;
	s22 =	simm.s32 $0xCF00  }
0x3b: {  	[tilespmem:s22], [sflag:$0x1] =	stream.indirect.gather [hbm4b:s6+s18], $0x20, s21, s18, $0xb8;
	[tilespmem:$0x1E000] =	vst v63  }
.LBB2_2:
0x3c: {  	s20 =	sshll.u32 s2, $0x4  }
0x3d: {  	s19 =	sor.u32 $0x8, s20  }
0x3e: {  	s17 =	sor.u32 s4, s19  }
0x3f: {  	s17 =	sshll.u32 s17, $0x4  }
0x40: {  	s22 =	simm.s32 $0x0;
	s21 =	sadd.s32 s3, s17  }
0x41: {  	[tilespmem:s25], [sflag:$0x3] =	stream.linear.gather [hbm4b:s21+s22], $0x400, $0x38;
	[tilespmem:$0x1E000] =	vst v63  }
0x42: {  	_ =	swait.ge [sflag:s14], $0x400  }
0x43: {  	[sflag:s14] =	ssyncset.done $0x0  }
0x44: {  	s17 =	sadd.s32 s5, s17;
	[sflag:s14] =	ssyncadd.s32 $0xFFFFFC00  }
0x45: {  	[tilespmem:s26], [sflag:$0x3] =	stream.linear.gather [hbm4b:s17+s22], $0x400, $0x38;
	[tilespmem:$0x1E000] =	vst v63  }
0x46: {  	_ =	swait.ge [sflag:s14], $0x400  }
0x47: {  	[sflag:s14] =	ssyncset.done $0x0  }
0x48: {  	s21 =	simm.s32 $0xD800;
	[sflag:s14] =	ssyncadd.s32 $0xFFFFFC00  }
0x49: {  	[tilespmem:s21], [sflag:$0x2] =	stream.indirect.gather [hbm4b:s6+s16], $0x20, s25, s16, $0xb8;
	[tilespmem:$0x1E000] =	vst v63  }
0x4a: {  	s22 =	simm.s32 $0xE800  }
0x4b: {  	[tilespmem:s22], [sflag:$0x2] =	stream.indirect.gather [hbm4b:s6+s18], $0x20, s26, s18, $0xb8;
	[tilespmem:$0x1E000] =	vst v63  }
0x4c: {  	s21 =	simm.s32 $0x880;
	s22 =	simm.s32 $0xF100  }
0x4d: {  	[tilespmem:s22], [sflag:$0x2] =	stream.indirect.gather [hbm4b:s6+s16], $0x20, s21, s16, $0xb8;
	[tilespmem:$0x1E000] =	vst v63  }
0x4e: {  	s21 =	simm.s32 $0xC80;
	s22 =	simm.s32 $0x10100  }
0x4f: {  	[tilespmem:s22], [sflag:$0x2] =	stream.indirect.gather [hbm4b:s6+s18], $0x20, s21, s18, $0xb8;
	[tilespmem:$0x1E000] =	vst v63  }
0x50: {  	s21 =	simm.s32 $0x900;
	s22 =	simm.s32 $0x10A00  }
0x51: {  	[tilespmem:s22], [sflag:$0x2] =	stream.indirect.gather [hbm4b:s6+s16], $0x20, s21, s16, $0xb8;
	[tilespmem:$0x1E000] =	vst v63  }
0x52: {  	s21 =	simm.s32 $0xD00;
	s22 =	simm.s32 $0x11A00  }
0x53: {  	[tilespmem:s22], [sflag:$0x2] =	stream.indirect.gather [hbm4b:s6+s18], $0x20, s21, s18, $0xb8;
	[tilespmem:$0x1E000] =	vst v63  }
0x54: {  	s21 =	simm.s32 $0x980;
	s22 =	simm.s32 $0x12300  }
0x55: {  	[tilespmem:s22], [sflag:$0x2] =	stream.indirect.gather [hbm4b:s6+s16], $0x20, s21, s16, $0xb8;
	[tilespmem:$0x1E000] =	vst v63  }
0x56: {  	s21 =	simm.s32 $0xD80;
	s22 =	simm.s32 $0x13300  }
0x57: {  	[tilespmem:s22], [sflag:$0x2] =	stream.indirect.gather [hbm4b:s6+s18], $0x20, s21, s18, $0xb8;
	[tilespmem:$0x1E000] =	vst v63  }
0x58: {  	s21 =	simm.s32 $0xA00;
	s22 =	simm.s32 $0x13C00  }
0x59: {  	[tilespmem:s22], [sflag:$0x2] =	stream.indirect.gather [hbm4b:s6+s16], $0x20, s21, s16, $0xb8;
	[tilespmem:$0x1E000] =	vst v63  }
0x5a: {  	s21 =	simm.s32 $0xE00;
	s22 =	simm.s32 $0x14C00  }
0x5b: {  	[tilespmem:s22], [sflag:$0x2] =	stream.indirect.gather [hbm4b:s6+s18], $0x20, s21, s18, $0xb8;
	[tilespmem:$0x1E000] =	vst v63  }
0x5c: {  	_ = 	snop  }
0x5d: {  	[tilespmem:s24], [sflag:$0x2] =	stream.indirect.gather [hbm4b:s6+s16], $0x20, s23, s16, $0xb8;
	[tilespmem:$0x1E000] =	vst v63  }
0x5e: {  	_ = 	snop  }
0x5f: {  	[tilespmem:s29], [sflag:$0x2] =	stream.indirect.gather [hbm4b:s6+s18], $0x20, s28, s18, $0xb8;
	[tilespmem:$0x1E000] =	vst v63  }
0x60: {  	_ = 	snop  }
0x61: {  	[tilespmem:s31], [sflag:$0x2] =	stream.indirect.gather [hbm4b:s6+s16], $0x20, s30, s16, $0xb8;
	[tilespmem:$0x1E000] =	vst v63  }
0x62: {  	_ = 	snop  }
0x63: {  	[tilespmem:s1], [sflag:$0x2] =	stream.indirect.gather [hbm4b:s6+s18], $0x20, s0, s18, $0xb8;
	[tilespmem:$0x1E000] =	vst v63  }
0x64: {  	_ = 	snop  }
0x65: {  	[tilespmem:s8], [sflag:$0x2] =	stream.indirect.gather [hbm4b:s6+s16], $0x20, s7, s16, $0xb8;
	[tilespmem:$0x1E000] =	vst v63  }
0x66: {  	_ = 	snop  }
0x67: {  	[tilespmem:s11], [sflag:$0x2] =	stream.indirect.gather [hbm4b:s6+s18], $0x20, s10, s18, $0xb8;
	[tilespmem:$0x1E000] =	vst v63  }
0x68: {  	_ =	swait.ge [sflag:s12], $0xC800  }
0x69: {  	[sflag:s12] =	ssyncset.done $0x0  }
0x6a: {  	s22 =	simm.s32 $0x0;
	[sflag:s12] =	ssyncadd.s32 $0xFFFF3800  }
0x6b: {  	v1 =	vld [tilespmem:s22+$0x1030]  }
0x6c: {  	v3 =	vld [tilespmem:s22+$0x1000]  }
0x6d: {  	v0 =	vimm.f32 $0.0e+00;
	v2 =	vld [tilespmem:s22+$0x1010]  }
0x6e: {  	v6 =	vimm.f32 $0.0e+00;
	v4 =	vimm.f32 $0.0e+00;
	v7 =	vimm.f32 $0.0e+00;
	s17 =	simm.s32 $0x100;
	v5 =	vld [tilespmem:s22+$0x1020]  }
.LBB2_3:
0x6f: {  	p0 =	sne.s32 s17, $0x6300  }
.Ltmp0:
0x70: {  	s21 =	sshra.s32 s17, $0x2;
	s17 =	sadd.s32 $0x100, s17;
	v0 =	vadd.f32 v1, v0;
	(pc) =	sbr.rel @p0 .LBB2_3-.Ltmp0, $4  }
0x71: {  	v1 =	vld [tilespmem:s21+$0x1030];
	v6 =	vadd.f32 v3, v6  }
0x72: {  	v3 =	vld [tilespmem:s21+$0x1000];
	v4 =	vadd.f32 v2, v4  }
0x73: {  	v2 =	vld [tilespmem:s21+$0x1010];
	v7 =	vadd.f32 v5, v7  }
0x74: {  	v5 =	vld [tilespmem:s21+$0x1020]  }
0x75: {  	_ =	sdelay $0x2  }
0x76: {  	v0 =	vadd.f32 v1, v0;
	v1 =	vadd.f32 v2, v4  }
0x77: {  	v3 =	vadd.f32 v3, v6;
	v5 =	vadd.f32 v5, v7  }
0x78: {  	s17 =	sshll.u32 s2, $0xB;
	v0 =	vadd.f32 v0, v1  }
0x79: {  	s17 =	sand.u32 $0x3FFFF800, s17;
	v2 =	vadd.f32 v5, v3  }
0x7a: {  	[tilespmem:s17+$0x1A010] =	vst v0  }
0x7b: {  	s22 =	simm.s32 $0x0;
	[tilespmem:s17+$0x1A000] =	vst v2  }
0x7c: {  	v1 =	vld [tilespmem:s22+$0x2930]  }
0x7d: {  	v3 =	vld [tilespmem:s22+$0x2900]  }
0x7e: {  	v4 =	vimm.f32 $0.0e+00;
	v2 =	vld [tilespmem:s22+$0x2910]  }
0x7f: {  	s21 =	simm.s32 $0x100;
	v7 =	vimm.f32 $0.0e+00;
	v5 =	vimm.f32 $0.0e+00;
	v0 =	vimm.f32 $0.0e+00;
	v6 =	vld [tilespmem:s22+$0x2920]  }
.LBB2_5:
0x80: {  	p0 =	sne.s32 s21, $0x6300  }
.Ltmp1:
0x81: {  	s22 =	sshra.s32 s21, $0x2;
	s21 =	sadd.s32 $0x100, s21;
	v0 =	vadd.f32 v1, v0;
	(pc) =	sbr.rel @p0 .LBB2_5-.Ltmp1, $4  }
0x82: {  	v1 =	vld [tilespmem:s22+$0x2930];
	v5 =	vadd.f32 v3, v5  }
0x83: {  	v3 =	vld [tilespmem:s22+$0x2900];
	v4 =	vadd.f32 v2, v4  }
0x84: {  	v2 =	vld [tilespmem:s22+$0x2910];
	v7 =	vadd.f32 v6, v7  }
0x85: {  	v6 =	vld [tilespmem:s22+$0x2920]  }
0x86: {  	_ =	sdelay $0x2  }
0x87: {  	v0 =	vadd.f32 v1, v0;
	v1 =	vadd.f32 v2, v4  }
0x88: {  	v3 =	vadd.f32 v3, v5;
	v5 =	vadd.f32 v6, v7  }
0x89: {  	v0 =	vadd.f32 v0, v1  }
0x8a: {  	v2 =	vadd.f32 v5, v3  }
0x8b: {  	[tilespmem:s17+$0x1A090] =	vst v0  }
0x8c: {  	s22 =	simm.s32 $0x0;
	[tilespmem:s17+$0x1A080] =	vst v2  }
0x8d: {  	v1 =	vld [tilespmem:s22+$0x4230]  }
0x8e: {  	v3 =	vld [tilespmem:s22+$0x4200]  }
0x8f: {  	v4 =	vimm.f32 $0.0e+00;
	v2 =	vld [tilespmem:s22+$0x4210]  }
0x90: {  	s21 =	simm.s32 $0x100;
	v7 =	vimm.f32 $0.0e+00;
	v5 =	vimm.f32 $0.0e+00;
	v0 =	vimm.f32 $0.0e+00;
	v6 =	vld [tilespmem:s22+$0x4220]  }
.LBB2_7:
0x91: {  	p0 =	sne.s32 s21, $0x6300  }
.Ltmp2:
0x92: {  	s22 =	sshra.s32 s21, $0x2;
	s21 =	sadd.s32 $0x100, s21;
	v0 =	vadd.f32 v1, v0;
	(pc) =	sbr.rel @p0 .LBB2_7-.Ltmp2, $4  }
0x93: {  	v1 =	vld [tilespmem:s22+$0x4230];
	v5 =	vadd.f32 v3, v5  }
0x94: {  	v3 =	vld [tilespmem:s22+$0x4200];
	v4 =	vadd.f32 v2, v4  }
0x95: {  	v2 =	vld [tilespmem:s22+$0x4210];
	v7 =	vadd.f32 v6, v7  }
0x96: {  	v6 =	vld [tilespmem:s22+$0x4220]  }
0x97: {  	_ =	sdelay $0x2  }
0x98: {  	v0 =	vadd.f32 v1, v0;
	v1 =	vadd.f32 v2, v4  }
0x99: {  	v3 =	vadd.f32 v3, v5;
	v5 =	vadd.f32 v6, v7  }
0x9a: {  	v0 =	vadd.f32 v0, v1  }
0x9b: {  	v2 =	vadd.f32 v5, v3  }
0x9c: {  	[tilespmem:s17+$0x1A110] =	vst v0  }
0x9d: {  	s22 =	simm.s32 $0x0;
	[tilespmem:s17+$0x1A100] =	vst v2  }
0x9e: {  	v1 =	vld [tilespmem:s22+$0x5B30]  }
0x9f: {  	v3 =	vld [tilespmem:s22+$0x5B00]  }
0xa0: {  	v4 =	vimm.f32 $0.0e+00;
	v2 =	vld [tilespmem:s22+$0x5B10]  }
0xa1: {  	s21 =	simm.s32 $0x100;
	v7 =	vimm.f32 $0.0e+00;
	v5 =	vimm.f32 $0.0e+00;
	v0 =	vimm.f32 $0.0e+00;
	v6 =	vld [tilespmem:s22+$0x5B20]  }
.LBB2_9:
0xa2: {  	p0 =	sne.s32 s21, $0x6300  }
.Ltmp3:
0xa3: {  	s22 =	sshra.s32 s21, $0x2;
	s21 =	sadd.s32 $0x100, s21;
	v0 =	vadd.f32 v1, v0;
	(pc) =	sbr.rel @p0 .LBB2_9-.Ltmp3, $4  }
0xa4: {  	v1 =	vld [tilespmem:s22+$0x5B30];
	v5 =	vadd.f32 v3, v5  }
0xa5: {  	v3 =	vld [tilespmem:s22+$0x5B00];
	v4 =	vadd.f32 v2, v4  }
0xa6: {  	v2 =	vld [tilespmem:s22+$0x5B10];
	v7 =	vadd.f32 v6, v7  }
0xa7: {  	v6 =	vld [tilespmem:s22+$0x5B20]  }
0xa8: {  	_ =	sdelay $0x2  }
0xa9: {  	v0 =	vadd.f32 v1, v0;
	v1 =	vadd.f32 v2, v4  }
0xaa: {  	v3 =	vadd.f32 v3, v5;
	v5 =	vadd.f32 v6, v7  }
0xab: {  	v0 =	vadd.f32 v0, v1  }
0xac: {  	v2 =	vadd.f32 v5, v3  }
0xad: {  	[tilespmem:s17+$0x1A190] =	vst v0  }
0xae: {  	s22 =	simm.s32 $0x0;
	[tilespmem:s17+$0x1A180] =	vst v2  }
0xaf: {  	v1 =	vld [tilespmem:s22+$0x7430]  }
0xb0: {  	v3 =	vld [tilespmem:s22+$0x7400]  }
0xb1: {  	v4 =	vimm.f32 $0.0e+00;
	v2 =	vld [tilespmem:s22+$0x7410]  }
0xb2: {  	s21 =	simm.s32 $0x100;
	v7 =	vimm.f32 $0.0e+00;
	v5 =	vimm.f32 $0.0e+00;
	v0 =	vimm.f32 $0.0e+00;
	v6 =	vld [tilespmem:s22+$0x7420]  }
.LBB2_11:
0xb3: {  	p0 =	sne.s32 s21, $0x6300  }
.Ltmp4:
0xb4: {  	s22 =	sshra.s32 s21, $0x2;
	s21 =	sadd.s32 $0x100, s21;
	v0 =	vadd.f32 v1, v0;
	(pc) =	sbr.rel @p0 .LBB2_11-.Ltmp4, $4  }
0xb5: {  	v1 =	vld [tilespmem:s22+$0x7430];
	v5 =	vadd.f32 v3, v5  }
0xb6: {  	v3 =	vld [tilespmem:s22+$0x7400];
	v4 =	vadd.f32 v2, v4  }
0xb7: {  	v2 =	vld [tilespmem:s22+$0x7410];
	v7 =	vadd.f32 v6, v7  }
0xb8: {  	v6 =	vld [tilespmem:s22+$0x7420]  }
0xb9: {  	_ =	sdelay $0x2  }
0xba: {  	v0 =	vadd.f32 v1, v0;
	v1 =	vadd.f32 v2, v4  }
0xbb: {  	v3 =	vadd.f32 v3, v5;
	v5 =	vadd.f32 v6, v7  }
0xbc: {  	v0 =	vadd.f32 v0, v1  }
0xbd: {  	v2 =	vadd.f32 v5, v3  }
0xbe: {  	[tilespmem:s17+$0x1A210] =	vst v0  }
0xbf: {  	s22 =	simm.s32 $0x0;
	[tilespmem:s17+$0x1A200] =	vst v2  }
0xc0: {  	v1 =	vld [tilespmem:s22+$0x8D30]  }
0xc1: {  	v3 =	vld [tilespmem:s22+$0x8D00]  }
0xc2: {  	v4 =	vimm.f32 $0.0e+00;
	v2 =	vld [tilespmem:s22+$0x8D10]  }
0xc3: {  	s21 =	simm.s32 $0x100;
	v7 =	vimm.f32 $0.0e+00;
	v5 =	vimm.f32 $0.0e+00;
	v0 =	vimm.f32 $0.0e+00;
	v6 =	vld [tilespmem:s22+$0x8D20]  }
.LBB2_13:
0xc4: {  	p0 =	sne.s32 s21, $0x6300  }
.Ltmp5:
0xc5: {  	s22 =	sshra.s32 s21, $0x2;
	s21 =	sadd.s32 $0x100, s21;
	v0 =	vadd.f32 v1, v0;
	(pc) =	sbr.rel @p0 .LBB2_13-.Ltmp5, $4  }
0xc6: {  	v1 =	vld [tilespmem:s22+$0x8D30];
	v5 =	vadd.f32 v3, v5  }
0xc7: {  	v3 =	vld [tilespmem:s22+$0x8D00];
	v4 =	vadd.f32 v2, v4  }
0xc8: {  	v2 =	vld [tilespmem:s22+$0x8D10];
	v7 =	vadd.f32 v6, v7  }
0xc9: {  	v6 =	vld [tilespmem:s22+$0x8D20]  }
0xca: {  	_ =	sdelay $0x2  }
0xcb: {  	v0 =	vadd.f32 v1, v0;
	v1 =	vadd.f32 v2, v4  }
0xcc: {  	v3 =	vadd.f32 v3, v5;
	v5 =	vadd.f32 v6, v7  }
0xcd: {  	v0 =	vadd.f32 v0, v1  }
0xce: {  	v2 =	vadd.f32 v5, v3  }
0xcf: {  	[tilespmem:s17+$0x1A290] =	vst v0  }
0xd0: {  	s22 =	simm.s32 $0x0;
	[tilespmem:s17+$0x1A280] =	vst v2  }
0xd1: {  	v1 =	vld [tilespmem:s22+$0xA630]  }
0xd2: {  	v3 =	vld [tilespmem:s22+$0xA600]  }
0xd3: {  	v4 =	vimm.f32 $0.0e+00;
	v2 =	vld [tilespmem:s22+$0xA610]  }
0xd4: {  	s21 =	simm.s32 $0x100;
	v7 =	vimm.f32 $0.0e+00;
	v5 =	vimm.f32 $0.0e+00;
	v0 =	vimm.f32 $0.0e+00;
	v6 =	vld [tilespmem:s22+$0xA620]  }
.LBB2_15:
0xd5: {  	p0 =	sne.s32 s21, $0x6300  }
.Ltmp6:
0xd6: {  	s22 =	sshra.s32 s21, $0x2;
	s21 =	sadd.s32 $0x100, s21;
	v0 =	vadd.f32 v1, v0;
	(pc) =	sbr.rel @p0 .LBB2_15-.Ltmp6, $4  }
0xd7: {  	v1 =	vld [tilespmem:s22+$0xA630];
	v5 =	vadd.f32 v3, v5  }
0xd8: {  	v3 =	vld [tilespmem:s22+$0xA600];
	v4 =	vadd.f32 v2, v4  }
0xd9: {  	v2 =	vld [tilespmem:s22+$0xA610];
	v7 =	vadd.f32 v6, v7  }
0xda: {  	v6 =	vld [tilespmem:s22+$0xA620]  }
0xdb: {  	_ =	sdelay $0x2  }
0xdc: {  	v0 =	vadd.f32 v1, v0;
	v1 =	vadd.f32 v2, v4  }
0xdd: {  	v3 =	vadd.f32 v3, v5;
	v5 =	vadd.f32 v6, v7  }
0xde: {  	v0 =	vadd.f32 v0, v1  }
0xdf: {  	v2 =	vadd.f32 v5, v3  }
0xe0: {  	[tilespmem:s17+$0x1A310] =	vst v0  }
0xe1: {  	s22 =	simm.s32 $0x0;
	[tilespmem:s17+$0x1A300] =	vst v2  }
0xe2: {  	v1 =	vld [tilespmem:s22+$0xBF30]  }
0xe3: {  	v3 =	vld [tilespmem:s22+$0xBF00]  }
0xe4: {  	v4 =	vimm.f32 $0.0e+00;
	v2 =	vld [tilespmem:s22+$0xBF10]  }
0xe5: {  	s21 =	simm.s32 $0x100;
	v7 =	vimm.f32 $0.0e+00;
	v5 =	vimm.f32 $0.0e+00;
	v0 =	vimm.f32 $0.0e+00;
	v6 =	vld [tilespmem:s22+$0xBF20]  }
.LBB2_17:
0xe6: {  	p0 =	sne.s32 s21, $0x6300  }
.Ltmp7:
0xe7: {  	s22 =	sshra.s32 s21, $0x2;
	s21 =	sadd.s32 $0x100, s21;
	v0 =	vadd.f32 v1, v0;
	(pc) =	sbr.rel @p0 .LBB2_17-.Ltmp7, $4  }
0xe8: {  	v1 =	vld [tilespmem:s22+$0xBF30];
	v5 =	vadd.f32 v3, v5  }
0xe9: {  	v3 =	vld [tilespmem:s22+$0xBF00];
	v4 =	vadd.f32 v2, v4  }
0xea: {  	v2 =	vld [tilespmem:s22+$0xBF10];
	v7 =	vadd.f32 v6, v7  }
0xeb: {  	v6 =	vld [tilespmem:s22+$0xBF20]  }
0xec: {  	_ =	sdelay $0x2  }
0xed: {  	v0 =	vadd.f32 v1, v0;
	v1 =	vadd.f32 v2, v4  }
0xee: {  	v3 =	vadd.f32 v3, v5;
	v5 =	vadd.f32 v6, v7  }
0xef: {  	v0 =	vadd.f32 v0, v1  }
0xf0: {  	s20 =	sadd.s32 s20, s9;
	v2 =	vadd.f32 v5, v3  }
0xf1: {  	s20 =	sshll.u32 s20, $0x4;
	[tilespmem:s17+$0x1A390] =	vst v0  }
0xf2: {  	s22 =	simm.s32 $0x0;
	s21 =	sadd.s32 s3, s20;
	[tilespmem:s17+$0x1A380] =	vst v2  }
0xf3: {  	[tilespmem:s22], [sflag:$0x3] =	stream.linear.gather [hbm4b:s21+s22], $0x400, $0x38;
	[tilespmem:$0x1E000] =	vst v63  }
0xf4: {  	_ =	swait.ge [sflag:s14], $0x400  }
0xf5: {  	[sflag:s14] =	ssyncset.done $0x0  }
0xf6: {  	s20 =	sadd.s32 s5, s20;
	[sflag:s14] =	ssyncadd.s32 $0xFFFFFC00  }
0xf7: {  	[tilespmem:s15], [sflag:$0x3] =	stream.linear.gather [hbm4b:s20+s22], $0x400, $0x38;
	[tilespmem:$0x1E000] =	vst v63  }
0xf8: {  	_ =	swait.ge [sflag:s14], $0x400  }
0xf9: {  	[sflag:s14] =	ssyncset.done $0x0  }
0xfa: {  	s21 =	simm.s32 $0x1000;
	[sflag:s14] =	ssyncadd.s32 $0xFFFFFC00  }
0xfb: {  	[tilespmem:s21], [sflag:$0x1] =	stream.indirect.gather [hbm4b:s6+s16], $0x20, s22, s16, $0xb8;
	[tilespmem:$0x1E000] =	vst v63  }
0xfc: {  	s21 =	simm.s32 $0x2000  }
0xfd: {  	[tilespmem:s21], [sflag:$0x1] =	stream.indirect.gather [hbm4b:s6+s18], $0x20, s15, s18, $0xb8;
	[tilespmem:$0x1E000] =	vst v63  }
0xfe: {  	s22 =	simm.s32 $0x2900  }
0xff: {  	[tilespmem:s22], [sflag:$0x1] =	stream.indirect.gather [hbm4b:s6+s16], $0x20, s16, s16, $0xb8;
	[tilespmem:$0x1E000] =	vst v63  }
0x100: {  	s21 =	simm.s32 $0x480;
	s22 =	simm.s32 $0x3900  }
0x101: {  	[tilespmem:s22], [sflag:$0x1] =	stream.indirect.gather [hbm4b:s6+s18], $0x20, s21, s18, $0xb8;
	[tilespmem:$0x1E000] =	vst v63  }
0x102: {  	s21 =	simm.s32 $0x100;
	s22 =	simm.s32 $0x4200  }
0x103: {  	[tilespmem:s22], [sflag:$0x1] =	stream.indirect.gather [hbm4b:s6+s16], $0x20, s21, s16, $0xb8;
	[tilespmem:$0x1E000] =	vst v63  }
0x104: {  	s21 =	simm.s32 $0x500;
	s22 =	simm.s32 $0x5200  }
0x105: {  	[tilespmem:s22], [sflag:$0x1] =	stream.indirect.gather [hbm4b:s6+s18], $0x20, s21, s18, $0xb8;
	[tilespmem:$0x1E000] =	vst v63  }
0x106: {  	s21 =	simm.s32 $0x180;
	s22 =	simm.s32 $0x5B00  }
0x107: {  	[tilespmem:s22], [sflag:$0x1] =	stream.indirect.gather [hbm4b:s6+s16], $0x20, s21, s16, $0xb8;
	[tilespmem:$0x1E000] =	vst v63  }
0x108: {  	s21 =	simm.s32 $0x580;
	s22 =	simm.s32 $0x6B00  }
0x109: {  	[tilespmem:s22], [sflag:$0x1] =	stream.indirect.gather [hbm4b:s6+s18], $0x20, s21, s18, $0xb8;
	[tilespmem:$0x1E000] =	vst v63  }
0x10a: {  	s21 =	simm.s32 $0x200;
	s22 =	simm.s32 $0x7400  }
0x10b: {  	[tilespmem:s22], [sflag:$0x1] =	stream.indirect.gather [hbm4b:s6+s16], $0x20, s21, s16, $0xb8;
	[tilespmem:$0x1E000] =	vst v63  }
0x10c: {  	s21 =	simm.s32 $0x600;
	s22 =	simm.s32 $0x8400  }
0x10d: {  	[tilespmem:s22], [sflag:$0x1] =	stream.indirect.gather [hbm4b:s6+s18], $0x20, s21, s18, $0xb8;
	[tilespmem:$0x1E000] =	vst v63  }
0x10e: {  	s21 =	simm.s32 $0x280;
	s22 =	simm.s32 $0x8D00  }
0x10f: {  	[tilespmem:s22], [sflag:$0x1] =	stream.indirect.gather [hbm4b:s6+s16], $0x20, s21, s16, $0xb8;
	[tilespmem:$0x1E000] =	vst v63  }
0x110: {  	s21 =	simm.s32 $0x680;
	s22 =	simm.s32 $0x9D00  }
0x111: {  	[tilespmem:s22], [sflag:$0x1] =	stream.indirect.gather [hbm4b:s6+s18], $0x20, s21, s18, $0xb8;
	[tilespmem:$0x1E000] =	vst v63  }
0x112: {  	s21 =	simm.s32 $0x300;
	s22 =	simm.s32 $0xA600  }
0x113: {  	[tilespmem:s22], [sflag:$0x1] =	stream.indirect.gather [hbm4b:s6+s16], $0x20, s21, s16, $0xb8;
	[tilespmem:$0x1E000] =	vst v63  }
0x114: {  	s21 =	simm.s32 $0x700;
	s22 =	simm.s32 $0xB600  }
0x115: {  	[tilespmem:s22], [sflag:$0x1] =	stream.indirect.gather [hbm4b:s6+s18], $0x20, s21, s18, $0xb8;
	[tilespmem:$0x1E000] =	vst v63  }
0x116: {  	s21 =	simm.s32 $0x380;
	s22 =	simm.s32 $0xBF00  }
0x117: {  	[tilespmem:s22], [sflag:$0x1] =	stream.indirect.gather [hbm4b:s6+s16], $0x20, s21, s16, $0xb8;
	[tilespmem:$0x1E000] =	vst v63  }
0x118: {  	s21 =	simm.s32 $0x780;
	s22 =	simm.s32 $0xCF00  }
0x119: {  	[tilespmem:s22], [sflag:$0x1] =	stream.indirect.gather [hbm4b:s6+s18], $0x20, s21, s18, $0xb8;
	[tilespmem:$0x1E000] =	vst v63  }
0x11a: {  	_ =	swait.ge [sflag:s13], $0xC800  }
0x11b: {  	[sflag:s13] =	ssyncset.done $0x0  }
0x11c: {  	s22 =	simm.s32 $0x0;
	[sflag:s13] =	ssyncadd.s32 $0xFFFF3800  }
0x11d: {  	v1 =	vld [tilespmem:s22+$0xD830]  }
0x11e: {  	v3 =	vld [tilespmem:s22+$0xD800]  }
0x11f: {  	v4 =	vimm.f32 $0.0e+00;
	v2 =	vld [tilespmem:s22+$0xD810]  }
0x120: {  	v6 =	vimm.f32 $0.0e+00;
	v7 =	vimm.f32 $0.0e+00;
	v0 =	vimm.f32 $0.0e+00;
	s20 =	simm.s32 $0x100;
	v5 =	vld [tilespmem:s22+$0xD820]  }
.LBB2_19:
0x121: {  	p0 =	sne.s32 s20, $0x6300  }
.Ltmp8:
0x122: {  	s21 =	sshra.s32 s20, $0x2;
	s20 =	sadd.s32 $0x100, s20;
	v0 =	vadd.f32 v1, v0;
	(pc) =	sbr.rel @p0 .LBB2_19-.Ltmp8, $4  }
0x123: {  	v1 =	vld [tilespmem:s21+$0xD830];
	v6 =	vadd.f32 v3, v6  }
0x124: {  	v3 =	vld [tilespmem:s21+$0xD800];
	v4 =	vadd.f32 v2, v4  }
0x125: {  	v2 =	vld [tilespmem:s21+$0xD810];
	v7 =	vadd.f32 v5, v7  }
0x126: {  	v5 =	vld [tilespmem:s21+$0xD820]  }
0x127: {  	_ =	sdelay $0x2  }
0x128: {  	v0 =	vadd.f32 v1, v0;
	v1 =	vadd.f32 v2, v4  }
0x129: {  	v3 =	vadd.f32 v3, v6;
	v5 =	vadd.f32 v5, v7  }
0x12a: {  	s19 =	sshll.u32 s19, $0x7;
	v0 =	vadd.f32 v0, v1  }
0x12b: {  	s19 =	sand.u32 $0x3FFFFF80, s19;
	v2 =	vadd.f32 v5, v3  }
0x12c: {  	[tilespmem:s19+$0x1A010] =	vst v0  }
0x12d: {  	s20 =	simm.s32 $0x0;
	[tilespmem:s19+$0x1A000] =	vst v2  }
0x12e: {  	v1 =	vld [tilespmem:s20+$0xF130]  }
0x12f: {  	v3 =	vld [tilespmem:s20+$0xF100]  }
0x130: {  	v4 =	vimm.f32 $0.0e+00;
	v2 =	vld [tilespmem:s20+$0xF110]  }
0x131: {  	v7 =	vimm.f32 $0.0e+00;
	v5 =	vimm.f32 $0.0e+00;
	v0 =	vimm.f32 $0.0e+00;
	s19 =	simm.s32 $0x100;
	v6 =	vld [tilespmem:s20+$0xF120]  }
.LBB2_21:
0x132: {  	p0 =	sne.s32 s19, $0x6300  }
.Ltmp9:
0x133: {  	s20 =	sshra.s32 s19, $0x2;
	s19 =	sadd.s32 $0x100, s19;
	v0 =	vadd.f32 v1, v0;
	(pc) =	sbr.rel @p0 .LBB2_21-.Ltmp9, $4  }
0x134: {  	v1 =	vld [tilespmem:s20+$0xF130];
	v5 =	vadd.f32 v3, v5  }
0x135: {  	v3 =	vld [tilespmem:s20+$0xF100];
	v4 =	vadd.f32 v2, v4  }
0x136: {  	v2 =	vld [tilespmem:s20+$0xF110];
	v7 =	vadd.f32 v6, v7  }
0x137: {  	v6 =	vld [tilespmem:s20+$0xF120]  }
0x138: {  	_ =	sdelay $0x2  }
0x139: {  	v0 =	vadd.f32 v1, v0;
	v1 =	vadd.f32 v2, v4  }
0x13a: {  	v3 =	vadd.f32 v3, v5;
	v5 =	vadd.f32 v6, v7  }
0x13b: {  	v0 =	vadd.f32 v0, v1  }
0x13c: {  	v2 =	vadd.f32 v5, v3  }
0x13d: {  	[tilespmem:s17+$0x1A490] =	vst v0  }
0x13e: {  	s20 =	simm.s32 $0x0;
	[tilespmem:s17+$0x1A480] =	vst v2  }
0x13f: {  	v1 =	vld [tilespmem:s20+$0x10A30]  }
0x140: {  	v3 =	vld [tilespmem:s20+$0x10A00]  }
0x141: {  	v4 =	vimm.f32 $0.0e+00;
	v2 =	vld [tilespmem:s20+$0x10A10]  }
0x142: {  	s19 =	simm.s32 $0x100;
	v7 =	vimm.f32 $0.0e+00;
	v5 =	vimm.f32 $0.0e+00;
	v0 =	vimm.f32 $0.0e+00;
	v6 =	vld [tilespmem:s20+$0x10A20]  }
.LBB2_23:
0x143: {  	p0 =	sne.s32 s19, $0x6300  }
.Ltmp10:
0x144: {  	s20 =	sshra.s32 s19, $0x2;
	s19 =	sadd.s32 $0x100, s19;
	v0 =	vadd.f32 v1, v0;
	(pc) =	sbr.rel @p0 .LBB2_23-.Ltmp10, $4  }
0x145: {  	v1 =	vld [tilespmem:s20+$0x10A30];
	v5 =	vadd.f32 v3, v5  }
0x146: {  	v3 =	vld [tilespmem:s20+$0x10A00];
	v4 =	vadd.f32 v2, v4  }
0x147: {  	v2 =	vld [tilespmem:s20+$0x10A10];
	v7 =	vadd.f32 v6, v7  }
0x148: {  	v6 =	vld [tilespmem:s20+$0x10A20]  }
0x149: {  	_ =	sdelay $0x2  }
0x14a: {  	v0 =	vadd.f32 v1, v0;
	v1 =	vadd.f32 v2, v4  }
0x14b: {  	v3 =	vadd.f32 v3, v5;
	v5 =	vadd.f32 v6, v7  }
0x14c: {  	v0 =	vadd.f32 v0, v1  }
0x14d: {  	v2 =	vadd.f32 v5, v3  }
0x14e: {  	[tilespmem:s17+$0x1A510] =	vst v0  }
0x14f: {  	s20 =	simm.s32 $0x0;
	[tilespmem:s17+$0x1A500] =	vst v2  }
0x150: {  	v1 =	vld [tilespmem:s20+$0x12330]  }
0x151: {  	v3 =	vld [tilespmem:s20+$0x12300]  }
0x152: {  	v4 =	vimm.f32 $0.0e+00;
	v2 =	vld [tilespmem:s20+$0x12310]  }
0x153: {  	s19 =	simm.s32 $0x100;
	v7 =	vimm.f32 $0.0e+00;
	v5 =	vimm.f32 $0.0e+00;
	v0 =	vimm.f32 $0.0e+00;
	v6 =	vld [tilespmem:s20+$0x12320]  }
.LBB2_25:
0x154: {  	p0 =	sne.s32 s19, $0x6300  }
.Ltmp11:
0x155: {  	s20 =	sshra.s32 s19, $0x2;
	s19 =	sadd.s32 $0x100, s19;
	v0 =	vadd.f32 v1, v0;
	(pc) =	sbr.rel @p0 .LBB2_25-.Ltmp11, $4  }
0x156: {  	v1 =	vld [tilespmem:s20+$0x12330];
	v5 =	vadd.f32 v3, v5  }
0x157: {  	v3 =	vld [tilespmem:s20+$0x12300];
	v4 =	vadd.f32 v2, v4  }
0x158: {  	v2 =	vld [tilespmem:s20+$0x12310];
	v7 =	vadd.f32 v6, v7  }
0x159: {  	v6 =	vld [tilespmem:s20+$0x12320]  }
0x15a: {  	_ =	sdelay $0x2  }
0x15b: {  	v0 =	vadd.f32 v1, v0;
	v1 =	vadd.f32 v2, v4  }
0x15c: {  	v3 =	vadd.f32 v3, v5;
	v5 =	vadd.f32 v6, v7  }
0x15d: {  	v0 =	vadd.f32 v0, v1  }
0x15e: {  	v2 =	vadd.f32 v5, v3  }
0x15f: {  	[tilespmem:s17+$0x1A590] =	vst v0  }
0x160: {  	s20 =	simm.s32 $0x0;
	[tilespmem:s17+$0x1A580] =	vst v2  }
0x161: {  	v1 =	vld [tilespmem:s20+$0x13C30]  }
0x162: {  	v3 =	vld [tilespmem:s20+$0x13C00]  }
0x163: {  	v4 =	vimm.f32 $0.0e+00;
	v2 =	vld [tilespmem:s20+$0x13C10]  }
0x164: {  	s19 =	simm.s32 $0x100;
	v7 =	vimm.f32 $0.0e+00;
	v5 =	vimm.f32 $0.0e+00;
	v0 =	vimm.f32 $0.0e+00;
	v6 =	vld [tilespmem:s20+$0x13C20]  }
.LBB2_27:
0x165: {  	p0 =	sne.s32 s19, $0x6300  }
.Ltmp12:
0x166: {  	s20 =	sshra.s32 s19, $0x2;
	s19 =	sadd.s32 $0x100, s19;
	v0 =	vadd.f32 v1, v0;
	(pc) =	sbr.rel @p0 .LBB2_27-.Ltmp12, $4  }
0x167: {  	v1 =	vld [tilespmem:s20+$0x13C30];
	v5 =	vadd.f32 v3, v5  }
0x168: {  	v3 =	vld [tilespmem:s20+$0x13C00];
	v4 =	vadd.f32 v2, v4  }
0x169: {  	v2 =	vld [tilespmem:s20+$0x13C10];
	v7 =	vadd.f32 v6, v7  }
0x16a: {  	v6 =	vld [tilespmem:s20+$0x13C20]  }
0x16b: {  	_ =	sdelay $0x2  }
0x16c: {  	v0 =	vadd.f32 v1, v0;
	v1 =	vadd.f32 v2, v4  }
0x16d: {  	v3 =	vadd.f32 v3, v5;
	v5 =	vadd.f32 v6, v7  }
0x16e: {  	v0 =	vadd.f32 v0, v1  }
0x16f: {  	v2 =	vadd.f32 v5, v3  }
0x170: {  	[tilespmem:s17+$0x1A610] =	vst v0  }
0x171: {  	s20 =	simm.s32 $0x0;
	[tilespmem:s17+$0x1A600] =	vst v2  }
0x172: {  	v1 =	vld [tilespmem:s20+$0x15530]  }
0x173: {  	v3 =	vld [tilespmem:s20+$0x15500]  }
0x174: {  	v4 =	vimm.f32 $0.0e+00;
	v2 =	vld [tilespmem:s20+$0x15510]  }
0x175: {  	s19 =	simm.s32 $0x100;
	v7 =	vimm.f32 $0.0e+00;
	v5 =	vimm.f32 $0.0e+00;
	v0 =	vimm.f32 $0.0e+00;
	v6 =	vld [tilespmem:s20+$0x15520]  }
.LBB2_29:
0x176: {  	p0 =	sne.s32 s19, $0x6300  }
.Ltmp13:
0x177: {  	s20 =	sshra.s32 s19, $0x2;
	s19 =	sadd.s32 $0x100, s19;
	v0 =	vadd.f32 v1, v0;
	(pc) =	sbr.rel @p0 .LBB2_29-.Ltmp13, $4  }
0x178: {  	v1 =	vld [tilespmem:s20+$0x15530];
	v5 =	vadd.f32 v3, v5  }
0x179: {  	v3 =	vld [tilespmem:s20+$0x15500];
	v4 =	vadd.f32 v2, v4  }
0x17a: {  	v2 =	vld [tilespmem:s20+$0x15510];
	v7 =	vadd.f32 v6, v7  }
0x17b: {  	v6 =	vld [tilespmem:s20+$0x15520]  }
0x17c: {  	_ =	sdelay $0x2  }
0x17d: {  	v0 =	vadd.f32 v1, v0;
	v1 =	vadd.f32 v2, v4  }
0x17e: {  	v3 =	vadd.f32 v3, v5;
	v5 =	vadd.f32 v6, v7  }
0x17f: {  	v0 =	vadd.f32 v0, v1  }
0x180: {  	v2 =	vadd.f32 v5, v3  }
0x181: {  	[tilespmem:s17+$0x1A690] =	vst v0  }
0x182: {  	s20 =	simm.s32 $0x0;
	[tilespmem:s17+$0x1A680] =	vst v2  }
0x183: {  	v1 =	vld [tilespmem:s20+$0x16E30]  }
0x184: {  	v3 =	vld [tilespmem:s20+$0x16E00]  }
0x185: {  	v4 =	vimm.f32 $0.0e+00;
	v2 =	vld [tilespmem:s20+$0x16E10]  }
0x186: {  	s19 =	simm.s32 $0x100;
	v7 =	vimm.f32 $0.0e+00;
	v5 =	vimm.f32 $0.0e+00;
	v0 =	vimm.f32 $0.0e+00;
	v6 =	vld [tilespmem:s20+$0x16E20]  }
.LBB2_31:
0x187: {  	p0 =	sne.s32 s19, $0x6300  }
.Ltmp14:
0x188: {  	s20 =	sshra.s32 s19, $0x2;
	s19 =	sadd.s32 $0x100, s19;
	v0 =	vadd.f32 v1, v0;
	(pc) =	sbr.rel @p0 .LBB2_31-.Ltmp14, $4  }
0x189: {  	v1 =	vld [tilespmem:s20+$0x16E30];
	v5 =	vadd.f32 v3, v5  }
0x18a: {  	v3 =	vld [tilespmem:s20+$0x16E00];
	v4 =	vadd.f32 v2, v4  }
0x18b: {  	v2 =	vld [tilespmem:s20+$0x16E10];
	v7 =	vadd.f32 v6, v7  }
0x18c: {  	v6 =	vld [tilespmem:s20+$0x16E20]  }
0x18d: {  	_ =	sdelay $0x2  }
0x18e: {  	v0 =	vadd.f32 v1, v0;
	v1 =	vadd.f32 v2, v4  }
0x18f: {  	v3 =	vadd.f32 v3, v5;
	v5 =	vadd.f32 v6, v7  }
0x190: {  	v0 =	vadd.f32 v0, v1  }
0x191: {  	v2 =	vadd.f32 v5, v3  }
0x192: {  	[tilespmem:s17+$0x1A710] =	vst v0  }
0x193: {  	s20 =	simm.s32 $0x0;
	[tilespmem:s17+$0x1A700] =	vst v2  }
0x194: {  	v1 =	vld [tilespmem:s20+$0x18730]  }
0x195: {  	v3 =	vld [tilespmem:s20+$0x18700]  }
0x196: {  	v4 =	vimm.f32 $0.0e+00;
	v2 =	vld [tilespmem:s20+$0x18710]  }
0x197: {  	s19 =	simm.s32 $0x100;
	v7 =	vimm.f32 $0.0e+00;
	v5 =	vimm.f32 $0.0e+00;
	v0 =	vimm.f32 $0.0e+00;
	v6 =	vld [tilespmem:s20+$0x18720]  }
.LBB2_33:
0x198: {  	p0 =	sne.s32 s19, $0x6300  }
.Ltmp15:
0x199: {  	s20 =	sshra.s32 s19, $0x2;
	s19 =	sadd.s32 $0x100, s19;
	v0 =	vadd.f32 v1, v0;
	(pc) =	sbr.rel @p0 .LBB2_33-.Ltmp15, $4  }
0x19a: {  	v1 =	vld [tilespmem:s20+$0x18730];
	v5 =	vadd.f32 v3, v5  }
0x19b: {  	v3 =	vld [tilespmem:s20+$0x18700];
	v4 =	vadd.f32 v2, v4  }
0x19c: {  	v2 =	vld [tilespmem:s20+$0x18710];
	v7 =	vadd.f32 v6, v7  }
0x19d: {  	v6 =	vld [tilespmem:s20+$0x18720]  }
0x19e: {  	_ =	sdelay $0x1  }
0x19f: {  	s2 =	sadd.s32 $0x1, s2  }
0x1a0: {  	v0 =	vadd.f32 v1, v0;
	p0 =	sne.s32 s2, $0x7;
	v62 =	vadd.f32 v2, v4  }
.Ltmp16:
0x1a1: {  	v3 =	vadd.f32 v3, v5;
	v61 =	vadd.f32 v6, v7;
	(pc) =	sbr.rel @p0 .LBB2_2-.Ltmp16, $4  }
0x1a2: {  	v0 =	vadd.f32 v0, v62  }
0x1a3: {  	v63 =	vadd.f32 v61, v3  }
0x1a4: {  	[tilespmem:s17+$0x1A790] =	vst v0  }
0x1a5: {  	[tilespmem:s17+$0x1A780] =	vst v63  }
0x1a6: {  	s2 =	simm.s32 $0x0;
	s17 =	rddreg [dreg:$0x4]  }
0x1a7: {  	[tilespmem:s25], [sflag:$0x3] =	stream.linear.gather [hbm4b:s17+s2], $0x400, $0x38;
	[tilespmem:$0x1E000] =	vst v63  }
0x1a8: {  	_ =	swait.ge [sflag:s14], $0x400  }
0x1a9: {  	[sflag:s14] =	ssyncset.done $0x0  }
0x1aa: {  	s21 =	rddreg [dreg:$0x5];
	[sflag:s14] =	ssyncadd.s32 $0xFFFFFC00  }
0x1ab: {  	[tilespmem:s26], [sflag:$0x3] =	stream.linear.gather [hbm4b:s21+s2], $0x400, $0x38;
	[tilespmem:$0x1E000] =	vst v63  }
0x1ac: {  	_ =	swait.ge [sflag:s14], $0x400  }
0x1ad: {  	[sflag:s14] =	ssyncset.done $0x0  }
0x1ae: {  	s22 =	simm.s32 $0xD800;
	[sflag:s14] =	ssyncadd.s32 $0xFFFFFC00  }
0x1af: {  	[tilespmem:s22], [sflag:$0x2] =	stream.indirect.gather [hbm4b:s6+s16], $0x20, s25, s16, $0xb8;
	[tilespmem:$0x1E000] =	vst v63  }
0x1b0: {  	s17 =	simm.s32 $0xE800  }
0x1b1: {  	[tilespmem:s17], [sflag:$0x2] =	stream.indirect.gather [hbm4b:s6+s18], $0x20, s26, s18, $0xb8;
	[tilespmem:$0x1E000] =	vst v63  }
0x1b2: {  	s19 =	simm.s32 $0x880;
	s20 =	simm.s32 $0xF100  }
0x1b3: {  	[tilespmem:s20], [sflag:$0x2] =	stream.indirect.gather [hbm4b:s6+s16], $0x20, s19, s16, $0xb8;
	[tilespmem:$0x1E000] =	vst v63  }
0x1b4: {  	s21 =	simm.s32 $0xC80;
	s22 =	simm.s32 $0x10100  }
0x1b5: {  	[tilespmem:s22], [sflag:$0x2] =	stream.indirect.gather [hbm4b:s6+s18], $0x20, s21, s18, $0xb8;
	[tilespmem:$0x1E000] =	vst v63  }
0x1b6: {  	s19 =	simm.s32 $0x900;
	s20 =	simm.s32 $0x10A00  }
0x1b7: {  	[tilespmem:s20], [sflag:$0x2] =	stream.indirect.gather [hbm4b:s6+s16], $0x20, s19, s16, $0xb8;
	[tilespmem:$0x1E000] =	vst v63  }
0x1b8: {  	s21 =	simm.s32 $0xD00;
	s22 =	simm.s32 $0x11A00  }
0x1b9: {  	[tilespmem:s22], [sflag:$0x2] =	stream.indirect.gather [hbm4b:s6+s18], $0x20, s21, s18, $0xb8;
	[tilespmem:$0x1E000] =	vst v63  }
0x1ba: {  	s19 =	simm.s32 $0x980;
	s20 =	simm.s32 $0x12300  }
0x1bb: {  	[tilespmem:s20], [sflag:$0x2] =	stream.indirect.gather [hbm4b:s6+s16], $0x20, s19, s16, $0xb8;
	[tilespmem:$0x1E000] =	vst v63  }
0x1bc: {  	s21 =	simm.s32 $0xD80;
	s22 =	simm.s32 $0x13300  }
0x1bd: {  	[tilespmem:s22], [sflag:$0x2] =	stream.indirect.gather [hbm4b:s6+s18], $0x20, s21, s18, $0xb8;
	[tilespmem:$0x1E000] =	vst v63  }
0x1be: {  	s17 =	simm.s32 $0xA00;
	s19 =	simm.s32 $0x13C00  }
0x1bf: {  	[tilespmem:s19], [sflag:$0x2] =	stream.indirect.gather [hbm4b:s6+s16], $0x20, s17, s16, $0xb8;
	[tilespmem:$0x1E000] =	vst v63  }
0x1c0: {  	s20 =	simm.s32 $0xE00;
	s21 =	simm.s32 $0x14C00  }
0x1c1: {  	[tilespmem:s21], [sflag:$0x2] =	stream.indirect.gather [hbm4b:s6+s18], $0x20, s20, s18, $0xb8;
	[tilespmem:$0x1E000] =	vst v63  }
0x1c2: {  	_ = 	snop  }
0x1c3: {  	[tilespmem:s24], [sflag:$0x2] =	stream.indirect.gather [hbm4b:s6+s16], $0x20, s23, s16, $0xb8;
	[tilespmem:$0x1E000] =	vst v63  }
0x1c4: {  	_ = 	snop  }
0x1c5: {  	[tilespmem:s29], [sflag:$0x2] =	stream.indirect.gather [hbm4b:s6+s18], $0x20, s28, s18, $0xb8;
	[tilespmem:$0x1E000] =	vst v63  }
0x1c6: {  	_ = 	snop  }
0x1c7: {  	[tilespmem:s31], [sflag:$0x2] =	stream.indirect.gather [hbm4b:s6+s16], $0x20, s30, s16, $0xb8;
	[tilespmem:$0x1E000] =	vst v63  }
0x1c8: {  	_ = 	snop  }
0x1c9: {  	[tilespmem:s1], [sflag:$0x2] =	stream.indirect.gather [hbm4b:s6+s18], $0x20, s0, s18, $0xb8;
	[tilespmem:$0x1E000] =	vst v63  }
0x1ca: {  	_ = 	snop  }
0x1cb: {  	[tilespmem:s8], [sflag:$0x2] =	stream.indirect.gather [hbm4b:s6+s16], $0x20, s7, s16, $0xb8;
	[tilespmem:$0x1E000] =	vst v63  }
0x1cc: {  	_ = 	snop  }
0x1cd: {  	[tilespmem:s11], [sflag:$0x2] =	stream.indirect.gather [hbm4b:s6+s18], $0x20, s10, s18, $0xb8;
	[tilespmem:$0x1E000] =	vst v63  }
0x1ce: {  	_ =	swait.ge [sflag:s12], $0xC800  }
0x1cf: {  	[sflag:s12] =	ssyncset.done $0x0  }
0x1d0: {  	s22 =	simm.s32 $0x0;
	[sflag:s12] =	ssyncadd.s32 $0xFFFF3800  }
0x1d1: {  	v1 =	vld [tilespmem:s22+$0x1030]  }
0x1d2: {  	v3 =	vld [tilespmem:s22+$0x1000]  }
0x1d3: {  	v0 =	vimm.f32 $0.0e+00;
	v2 =	vld [tilespmem:s22+$0x1010]  }
0x1d4: {  	v6 =	vimm.f32 $0.0e+00;
	v4 =	vimm.f32 $0.0e+00;
	v7 =	vimm.f32 $0.0e+00;
	s2 =	simm.s32 $0x100;
	v5 =	vld [tilespmem:s22+$0x1020]  }
.LBB2_36:
0x1d5: {  	p0 =	sne.s32 s2, $0x6300  }
.Ltmp17:
0x1d6: {  	s17 =	sshra.s32 s2, $0x2;
	s2 =	sadd.s32 $0x100, s2;
	v0 =	vadd.f32 v1, v0;
	(pc) =	sbr.rel @p0 .LBB2_36-.Ltmp17, $4  }
0x1d7: {  	v1 =	vld [tilespmem:s17+$0x1030];
	v6 =	vadd.f32 v3, v6  }
0x1d8: {  	v3 =	vld [tilespmem:s17+$0x1000];
	v4 =	vadd.f32 v2, v4  }
0x1d9: {  	v2 =	vld [tilespmem:s17+$0x1010];
	v7 =	vadd.f32 v5, v7  }
0x1da: {  	v5 =	vld [tilespmem:s17+$0x1020]  }
0x1db: {  	_ =	sdelay $0x2  }
0x1dc: {  	v0 =	vadd.f32 v1, v0;
	v1 =	vadd.f32 v2, v4  }
0x1dd: {  	v3 =	vadd.f32 v3, v6;
	v5 =	vadd.f32 v5, v7  }
0x1de: {  	v0 =	vadd.f32 v0, v1  }
0x1df: {  	v2 =	vadd.f32 v5, v3  }
0x1e0: {  	[tilespmem:$0x1D810] =	vst v0  }
0x1e1: {  	s17 =	simm.s32 $0x0;
	[tilespmem:$0x1D800] =	vst v2  }
0x1e2: {  	v1 =	vld [tilespmem:s17+$0x2930]  }
0x1e3: {  	v3 =	vld [tilespmem:s17+$0x2900]  }
0x1e4: {  	v4 =	vimm.f32 $0.0e+00;
	v2 =	vld [tilespmem:s17+$0x2910]  }
0x1e5: {  	s2 =	simm.s32 $0x100;
	v7 =	vimm.f32 $0.0e+00;
	v5 =	vimm.f32 $0.0e+00;
	v0 =	vimm.f32 $0.0e+00;
	v6 =	vld [tilespmem:s17+$0x2920]  }
.LBB2_38:
0x1e6: {  	p0 =	sne.s32 s2, $0x6300  }
.Ltmp18:
0x1e7: {  	s17 =	sshra.s32 s2, $0x2;
	s2 =	sadd.s32 $0x100, s2;
	v0 =	vadd.f32 v1, v0;
	(pc) =	sbr.rel @p0 .LBB2_38-.Ltmp18, $4  }
0x1e8: {  	v1 =	vld [tilespmem:s17+$0x2930];
	v5 =	vadd.f32 v3, v5  }
0x1e9: {  	v3 =	vld [tilespmem:s17+$0x2900];
	v4 =	vadd.f32 v2, v4  }
0x1ea: {  	v2 =	vld [tilespmem:s17+$0x2910];
	v7 =	vadd.f32 v6, v7  }
0x1eb: {  	v6 =	vld [tilespmem:s17+$0x2920]  }
0x1ec: {  	_ =	sdelay $0x2  }
0x1ed: {  	v0 =	vadd.f32 v1, v0;
	v1 =	vadd.f32 v2, v4  }
0x1ee: {  	v3 =	vadd.f32 v3, v5;
	v5 =	vadd.f32 v6, v7  }
0x1ef: {  	v0 =	vadd.f32 v0, v1  }
0x1f0: {  	v2 =	vadd.f32 v5, v3  }
0x1f1: {  	[tilespmem:$0x1D890] =	vst v0  }
0x1f2: {  	s17 =	simm.s32 $0x0;
	[tilespmem:$0x1D880] =	vst v2  }
0x1f3: {  	v1 =	vld [tilespmem:s17+$0x4230]  }
0x1f4: {  	v3 =	vld [tilespmem:s17+$0x4200]  }
0x1f5: {  	v4 =	vimm.f32 $0.0e+00;
	v2 =	vld [tilespmem:s17+$0x4210]  }
0x1f6: {  	s2 =	simm.s32 $0x100;
	v7 =	vimm.f32 $0.0e+00;
	v5 =	vimm.f32 $0.0e+00;
	v0 =	vimm.f32 $0.0e+00;
	v6 =	vld [tilespmem:s17+$0x4220]  }
.LBB2_40:
0x1f7: {  	p0 =	sne.s32 s2, $0x6300  }
.Ltmp19:
0x1f8: {  	s17 =	sshra.s32 s2, $0x2;
	s2 =	sadd.s32 $0x100, s2;
	v0 =	vadd.f32 v1, v0;
	(pc) =	sbr.rel @p0 .LBB2_40-.Ltmp19, $4  }
0x1f9: {  	v1 =	vld [tilespmem:s17+$0x4230];
	v5 =	vadd.f32 v3, v5  }
0x1fa: {  	v3 =	vld [tilespmem:s17+$0x4200];
	v4 =	vadd.f32 v2, v4  }
0x1fb: {  	v2 =	vld [tilespmem:s17+$0x4210];
	v7 =	vadd.f32 v6, v7  }
0x1fc: {  	v6 =	vld [tilespmem:s17+$0x4220]  }
0x1fd: {  	_ =	sdelay $0x2  }
0x1fe: {  	v0 =	vadd.f32 v1, v0;
	v1 =	vadd.f32 v2, v4  }
0x1ff: {  	v3 =	vadd.f32 v3, v5;
	v5 =	vadd.f32 v6, v7  }
0x200: {  	v0 =	vadd.f32 v0, v1  }
0x201: {  	v2 =	vadd.f32 v5, v3  }
0x202: {  	[tilespmem:$0x1D910] =	vst v0  }
0x203: {  	s17 =	simm.s32 $0x0;
	[tilespmem:$0x1D900] =	vst v2  }
0x204: {  	v1 =	vld [tilespmem:s17+$0x5B30]  }
0x205: {  	v3 =	vld [tilespmem:s17+$0x5B00]  }
0x206: {  	v4 =	vimm.f32 $0.0e+00;
	v2 =	vld [tilespmem:s17+$0x5B10]  }
0x207: {  	s2 =	simm.s32 $0x100;
	v7 =	vimm.f32 $0.0e+00;
	v5 =	vimm.f32 $0.0e+00;
	v0 =	vimm.f32 $0.0e+00;
	v6 =	vld [tilespmem:s17+$0x5B20]  }
.LBB2_42:
0x208: {  	p0 =	sne.s32 s2, $0x6300  }
.Ltmp20:
0x209: {  	s17 =	sshra.s32 s2, $0x2;
	s2 =	sadd.s32 $0x100, s2;
	v0 =	vadd.f32 v1, v0;
	(pc) =	sbr.rel @p0 .LBB2_42-.Ltmp20, $4  }
0x20a: {  	v1 =	vld [tilespmem:s17+$0x5B30];
	v5 =	vadd.f32 v3, v5  }
0x20b: {  	v3 =	vld [tilespmem:s17+$0x5B00];
	v4 =	vadd.f32 v2, v4  }
0x20c: {  	v2 =	vld [tilespmem:s17+$0x5B10];
	v7 =	vadd.f32 v6, v7  }
0x20d: {  	v6 =	vld [tilespmem:s17+$0x5B20]  }
0x20e: {  	_ =	sdelay $0x2  }
0x20f: {  	v0 =	vadd.f32 v1, v0;
	v1 =	vadd.f32 v2, v4  }
0x210: {  	v3 =	vadd.f32 v3, v5;
	v5 =	vadd.f32 v6, v7  }
0x211: {  	v0 =	vadd.f32 v0, v1  }
0x212: {  	v2 =	vadd.f32 v5, v3  }
0x213: {  	[tilespmem:$0x1D990] =	vst v0  }
0x214: {  	s17 =	simm.s32 $0x0;
	[tilespmem:$0x1D980] =	vst v2  }
0x215: {  	v1 =	vld [tilespmem:s17+$0x7430]  }
0x216: {  	v3 =	vld [tilespmem:s17+$0x7400]  }
0x217: {  	v4 =	vimm.f32 $0.0e+00;
	v2 =	vld [tilespmem:s17+$0x7410]  }
0x218: {  	s2 =	simm.s32 $0x100;
	v7 =	vimm.f32 $0.0e+00;
	v5 =	vimm.f32 $0.0e+00;
	v0 =	vimm.f32 $0.0e+00;
	v6 =	vld [tilespmem:s17+$0x7420]  }
.LBB2_44:
0x219: {  	p0 =	sne.s32 s2, $0x6300  }
.Ltmp21:
0x21a: {  	s17 =	sshra.s32 s2, $0x2;
	s2 =	sadd.s32 $0x100, s2;
	v0 =	vadd.f32 v1, v0;
	(pc) =	sbr.rel @p0 .LBB2_44-.Ltmp21, $4  }
0x21b: {  	v1 =	vld [tilespmem:s17+$0x7430];
	v5 =	vadd.f32 v3, v5  }
0x21c: {  	v3 =	vld [tilespmem:s17+$0x7400];
	v4 =	vadd.f32 v2, v4  }
0x21d: {  	v2 =	vld [tilespmem:s17+$0x7410];
	v7 =	vadd.f32 v6, v7  }
0x21e: {  	v6 =	vld [tilespmem:s17+$0x7420]  }
0x21f: {  	_ =	sdelay $0x2  }
0x220: {  	v0 =	vadd.f32 v1, v0;
	v1 =	vadd.f32 v2, v4  }
0x221: {  	v3 =	vadd.f32 v3, v5;
	v5 =	vadd.f32 v6, v7  }
0x222: {  	v0 =	vadd.f32 v0, v1  }
0x223: {  	v2 =	vadd.f32 v5, v3  }
0x224: {  	[tilespmem:$0x1DA10] =	vst v0  }
0x225: {  	s17 =	simm.s32 $0x0;
	[tilespmem:$0x1DA00] =	vst v2  }
0x226: {  	v1 =	vld [tilespmem:s17+$0x8D30]  }
0x227: {  	v3 =	vld [tilespmem:s17+$0x8D00]  }
0x228: {  	v4 =	vimm.f32 $0.0e+00;
	v2 =	vld [tilespmem:s17+$0x8D10]  }
0x229: {  	s2 =	simm.s32 $0x100;
	v7 =	vimm.f32 $0.0e+00;
	v5 =	vimm.f32 $0.0e+00;
	v0 =	vimm.f32 $0.0e+00;
	v6 =	vld [tilespmem:s17+$0x8D20]  }
.LBB2_46:
0x22a: {  	p0 =	sne.s32 s2, $0x6300  }
.Ltmp22:
0x22b: {  	s17 =	sshra.s32 s2, $0x2;
	s2 =	sadd.s32 $0x100, s2;
	v0 =	vadd.f32 v1, v0;
	(pc) =	sbr.rel @p0 .LBB2_46-.Ltmp22, $4  }
0x22c: {  	v1 =	vld [tilespmem:s17+$0x8D30];
	v5 =	vadd.f32 v3, v5  }
0x22d: {  	v3 =	vld [tilespmem:s17+$0x8D00];
	v4 =	vadd.f32 v2, v4  }
0x22e: {  	v2 =	vld [tilespmem:s17+$0x8D10];
	v7 =	vadd.f32 v6, v7  }
0x22f: {  	v6 =	vld [tilespmem:s17+$0x8D20]  }
0x230: {  	_ =	sdelay $0x2  }
0x231: {  	v0 =	vadd.f32 v1, v0;
	v1 =	vadd.f32 v2, v4  }
0x232: {  	v3 =	vadd.f32 v3, v5;
	v5 =	vadd.f32 v6, v7  }
0x233: {  	v0 =	vadd.f32 v0, v1  }
0x234: {  	v2 =	vadd.f32 v5, v3  }
0x235: {  	[tilespmem:$0x1DA90] =	vst v0  }
0x236: {  	s17 =	simm.s32 $0x0;
	[tilespmem:$0x1DA80] =	vst v2  }
0x237: {  	v1 =	vld [tilespmem:s17+$0xA630]  }
0x238: {  	v3 =	vld [tilespmem:s17+$0xA600]  }
0x239: {  	v4 =	vimm.f32 $0.0e+00;
	v2 =	vld [tilespmem:s17+$0xA610]  }
0x23a: {  	s2 =	simm.s32 $0x100;
	v7 =	vimm.f32 $0.0e+00;
	v5 =	vimm.f32 $0.0e+00;
	v0 =	vimm.f32 $0.0e+00;
	v6 =	vld [tilespmem:s17+$0xA620]  }
.LBB2_48:
0x23b: {  	p0 =	sne.s32 s2, $0x6300  }
.Ltmp23:
0x23c: {  	s17 =	sshra.s32 s2, $0x2;
	s2 =	sadd.s32 $0x100, s2;
	v0 =	vadd.f32 v1, v0;
	(pc) =	sbr.rel @p0 .LBB2_48-.Ltmp23, $4  }
0x23d: {  	v1 =	vld [tilespmem:s17+$0xA630];
	v5 =	vadd.f32 v3, v5  }
0x23e: {  	v3 =	vld [tilespmem:s17+$0xA600];
	v4 =	vadd.f32 v2, v4  }
0x23f: {  	v2 =	vld [tilespmem:s17+$0xA610];
	v7 =	vadd.f32 v6, v7  }
0x240: {  	v6 =	vld [tilespmem:s17+$0xA620]  }
0x241: {  	_ =	sdelay $0x2  }
0x242: {  	v0 =	vadd.f32 v1, v0;
	v1 =	vadd.f32 v2, v4  }
0x243: {  	v3 =	vadd.f32 v3, v5;
	v5 =	vadd.f32 v6, v7  }
0x244: {  	v0 =	vadd.f32 v0, v1  }
0x245: {  	v2 =	vadd.f32 v5, v3  }
0x246: {  	[tilespmem:$0x1DB10] =	vst v0  }
0x247: {  	s17 =	simm.s32 $0x0;
	[tilespmem:$0x1DB00] =	vst v2  }
0x248: {  	v1 =	vld [tilespmem:s17+$0xBF30]  }
0x249: {  	v3 =	vld [tilespmem:s17+$0xBF00]  }
0x24a: {  	v4 =	vimm.f32 $0.0e+00;
	v2 =	vld [tilespmem:s17+$0xBF10]  }
0x24b: {  	s2 =	simm.s32 $0x100;
	v7 =	vimm.f32 $0.0e+00;
	v5 =	vimm.f32 $0.0e+00;
	v0 =	vimm.f32 $0.0e+00;
	v6 =	vld [tilespmem:s17+$0xBF20]  }
.LBB2_50:
0x24c: {  	p0 =	sne.s32 s2, $0x6300  }
.Ltmp24:
0x24d: {  	s17 =	sshra.s32 s2, $0x2;
	s2 =	sadd.s32 $0x100, s2;
	v0 =	vadd.f32 v1, v0;
	(pc) =	sbr.rel @p0 .LBB2_50-.Ltmp24, $4  }
0x24e: {  	v1 =	vld [tilespmem:s17+$0xBF30];
	v5 =	vadd.f32 v3, v5  }
0x24f: {  	v3 =	vld [tilespmem:s17+$0xBF00];
	v4 =	vadd.f32 v2, v4  }
0x250: {  	v2 =	vld [tilespmem:s17+$0xBF10];
	v7 =	vadd.f32 v6, v7  }
0x251: {  	v6 =	vld [tilespmem:s17+$0xBF20]  }
0x252: {  	_ =	sdelay $0x2  }
0x253: {  	v0 =	vadd.f32 v1, v0;
	v1 =	vadd.f32 v2, v4  }
0x254: {  	v3 =	vadd.f32 v3, v5;
	v5 =	vadd.f32 v6, v7  }
0x255: {  	v0 =	vadd.f32 v0, v1  }
0x256: {  	v2 =	vadd.f32 v5, v3  }
0x257: {  	[tilespmem:$0x1DB90] =	vst v0  }
0x258: {  	[tilespmem:$0x1DB80] =	vst v2  }
0x259: {  	_ =	swait.ge [sflag:s13], $0xC800  }
0x25a: {  	[sflag:s13] =	ssyncset.done $0x0  }
0x25b: {  	s17 =	simm.s32 $0x0;
	[sflag:s13] =	ssyncadd.s32 $0xFFFF3800  }
0x25c: {  	v1 =	vld [tilespmem:s17+$0xD830]  }
0x25d: {  	v3 =	vld [tilespmem:s17+$0xD800]  }
0x25e: {  	v4 =	vimm.f32 $0.0e+00;
	v2 =	vld [tilespmem:s17+$0xD810]  }
0x25f: {  	s2 =	simm.s32 $0x100;
	v7 =	vimm.f32 $0.0e+00;
	v5 =	vimm.f32 $0.0e+00;
	v0 =	vimm.f32 $0.0e+00;
	v6 =	vld [tilespmem:s17+$0xD820]  }
.LBB2_52:
0x260: {  	p0 =	sne.s32 s2, $0x6300  }
.Ltmp25:
0x261: {  	s17 =	sshra.s32 s2, $0x2;
	s2 =	sadd.s32 $0x100, s2;
	v0 =	vadd.f32 v1, v0;
	(pc) =	sbr.rel @p0 .LBB2_52-.Ltmp25, $4  }
0x262: {  	v1 =	vld [tilespmem:s17+$0xD830];
	v5 =	vadd.f32 v3, v5  }
0x263: {  	v3 =	vld [tilespmem:s17+$0xD800];
	v4 =	vadd.f32 v2, v4  }
0x264: {  	v2 =	vld [tilespmem:s17+$0xD810];
	v7 =	vadd.f32 v6, v7  }
0x265: {  	v6 =	vld [tilespmem:s17+$0xD820]  }
0x266: {  	_ =	sdelay $0x2  }
0x267: {  	v0 =	vadd.f32 v1, v0;
	v1 =	vadd.f32 v2, v4  }
0x268: {  	v3 =	vadd.f32 v3, v5;
	v5 =	vadd.f32 v6, v7  }
0x269: {  	v0 =	vadd.f32 v0, v1  }
0x26a: {  	v2 =	vadd.f32 v5, v3  }
0x26b: {  	[tilespmem:$0x1DC10] =	vst v0  }
0x26c: {  	s17 =	simm.s32 $0x0;
	[tilespmem:$0x1DC00] =	vst v2  }
0x26d: {  	v1 =	vld [tilespmem:s17+$0xF130]  }
0x26e: {  	v3 =	vld [tilespmem:s17+$0xF100]  }
0x26f: {  	v4 =	vimm.f32 $0.0e+00;
	v2 =	vld [tilespmem:s17+$0xF110]  }
0x270: {  	s2 =	simm.s32 $0x100;
	v7 =	vimm.f32 $0.0e+00;
	v5 =	vimm.f32 $0.0e+00;
	v0 =	vimm.f32 $0.0e+00;
	v6 =	vld [tilespmem:s17+$0xF120]  }
.LBB2_54:
0x271: {  	p0 =	sne.s32 s2, $0x6300  }
.Ltmp26:
0x272: {  	s17 =	sshra.s32 s2, $0x2;
	s2 =	sadd.s32 $0x100, s2;
	v0 =	vadd.f32 v1, v0;
	(pc) =	sbr.rel @p0 .LBB2_54-.Ltmp26, $4  }
0x273: {  	v1 =	vld [tilespmem:s17+$0xF130];
	v5 =	vadd.f32 v3, v5  }
0x274: {  	v3 =	vld [tilespmem:s17+$0xF100];
	v4 =	vadd.f32 v2, v4  }
0x275: {  	v2 =	vld [tilespmem:s17+$0xF110];
	v7 =	vadd.f32 v6, v7  }
0x276: {  	v6 =	vld [tilespmem:s17+$0xF120]  }
0x277: {  	_ =	sdelay $0x2  }
0x278: {  	v0 =	vadd.f32 v1, v0;
	v1 =	vadd.f32 v2, v4  }
0x279: {  	v3 =	vadd.f32 v3, v5;
	v5 =	vadd.f32 v6, v7  }
0x27a: {  	v0 =	vadd.f32 v0, v1  }
0x27b: {  	v2 =	vadd.f32 v5, v3  }
0x27c: {  	[tilespmem:$0x1DC90] =	vst v0  }
0x27d: {  	s17 =	simm.s32 $0x0;
	[tilespmem:$0x1DC80] =	vst v2  }
0x27e: {  	v1 =	vld [tilespmem:s17+$0x10A30]  }
0x27f: {  	v3 =	vld [tilespmem:s17+$0x10A00]  }
0x280: {  	v4 =	vimm.f32 $0.0e+00;
	v2 =	vld [tilespmem:s17+$0x10A10]  }
0x281: {  	s2 =	simm.s32 $0x100;
	v7 =	vimm.f32 $0.0e+00;
	v5 =	vimm.f32 $0.0e+00;
	v0 =	vimm.f32 $0.0e+00;
	v6 =	vld [tilespmem:s17+$0x10A20]  }
.LBB2_56:
0x282: {  	p0 =	sne.s32 s2, $0x6300  }
.Ltmp27:
0x283: {  	s17 =	sshra.s32 s2, $0x2;
	s2 =	sadd.s32 $0x100, s2;
	v0 =	vadd.f32 v1, v0;
	(pc) =	sbr.rel @p0 .LBB2_56-.Ltmp27, $4  }
0x284: {  	v1 =	vld [tilespmem:s17+$0x10A30];
	v5 =	vadd.f32 v3, v5  }
0x285: {  	v3 =	vld [tilespmem:s17+$0x10A00];
	v4 =	vadd.f32 v2, v4  }
0x286: {  	v2 =	vld [tilespmem:s17+$0x10A10];
	v7 =	vadd.f32 v6, v7  }
0x287: {  	v6 =	vld [tilespmem:s17+$0x10A20]  }
0x288: {  	_ =	sdelay $0x2  }
0x289: {  	v0 =	vadd.f32 v1, v0;
	v1 =	vadd.f32 v2, v4  }
0x28a: {  	v3 =	vadd.f32 v3, v5;
	v5 =	vadd.f32 v6, v7  }
0x28b: {  	v0 =	vadd.f32 v0, v1  }
0x28c: {  	v2 =	vadd.f32 v5, v3  }
0x28d: {  	[tilespmem:$0x1DD10] =	vst v0  }
0x28e: {  	s17 =	simm.s32 $0x0;
	[tilespmem:$0x1DD00] =	vst v2  }
0x28f: {  	v1 =	vld [tilespmem:s17+$0x12330]  }
0x290: {  	v3 =	vld [tilespmem:s17+$0x12300]  }
0x291: {  	v4 =	vimm.f32 $0.0e+00;
	v2 =	vld [tilespmem:s17+$0x12310]  }
0x292: {  	s2 =	simm.s32 $0x100;
	v7 =	vimm.f32 $0.0e+00;
	v5 =	vimm.f32 $0.0e+00;
	v0 =	vimm.f32 $0.0e+00;
	v6 =	vld [tilespmem:s17+$0x12320]  }
.LBB2_58:
0x293: {  	p0 =	sne.s32 s2, $0x6300  }
.Ltmp28:
0x294: {  	s17 =	sshra.s32 s2, $0x2;
	s2 =	sadd.s32 $0x100, s2;
	v0 =	vadd.f32 v1, v0;
	(pc) =	sbr.rel @p0 .LBB2_58-.Ltmp28, $4  }
0x295: {  	v1 =	vld [tilespmem:s17+$0x12330];
	v5 =	vadd.f32 v3, v5  }
0x296: {  	v3 =	vld [tilespmem:s17+$0x12300];
	v4 =	vadd.f32 v2, v4  }
0x297: {  	v2 =	vld [tilespmem:s17+$0x12310];
	v7 =	vadd.f32 v6, v7  }
0x298: {  	v6 =	vld [tilespmem:s17+$0x12320]  }
0x299: {  	_ =	sdelay $0x2  }
0x29a: {  	v0 =	vadd.f32 v1, v0;
	v1 =	vadd.f32 v2, v4  }
0x29b: {  	v3 =	vadd.f32 v3, v5;
	v5 =	vadd.f32 v6, v7  }
0x29c: {  	v0 =	vadd.f32 v0, v1  }
0x29d: {  	v2 =	vadd.f32 v5, v3  }
0x29e: {  	[tilespmem:$0x1DD90] =	vst v0  }
0x29f: {  	s17 =	simm.s32 $0x0;
	[tilespmem:$0x1DD80] =	vst v2  }
0x2a0: {  	v1 =	vld [tilespmem:s17+$0x13C30]  }
0x2a1: {  	v3 =	vld [tilespmem:s17+$0x13C00]  }
0x2a2: {  	v4 =	vimm.f32 $0.0e+00;
	v2 =	vld [tilespmem:s17+$0x13C10]  }
0x2a3: {  	s2 =	simm.s32 $0x100;
	v7 =	vimm.f32 $0.0e+00;
	v5 =	vimm.f32 $0.0e+00;
	v0 =	vimm.f32 $0.0e+00;
	v6 =	vld [tilespmem:s17+$0x13C20]  }
.LBB2_60:
0x2a4: {  	p0 =	sne.s32 s2, $0x6300  }
.Ltmp29:
0x2a5: {  	s17 =	sshra.s32 s2, $0x2;
	s2 =	sadd.s32 $0x100, s2;
	v0 =	vadd.f32 v1, v0;
	(pc) =	sbr.rel @p0 .LBB2_60-.Ltmp29, $4  }
0x2a6: {  	v1 =	vld [tilespmem:s17+$0x13C30];
	v5 =	vadd.f32 v3, v5  }
0x2a7: {  	v3 =	vld [tilespmem:s17+$0x13C00];
	v4 =	vadd.f32 v2, v4  }
0x2a8: {  	v2 =	vld [tilespmem:s17+$0x13C10];
	v7 =	vadd.f32 v6, v7  }
0x2a9: {  	v6 =	vld [tilespmem:s17+$0x13C20]  }
0x2aa: {  	_ =	sdelay $0x2  }
0x2ab: {  	v0 =	vadd.f32 v1, v0;
	v1 =	vadd.f32 v2, v4  }
0x2ac: {  	v3 =	vadd.f32 v3, v5;
	v5 =	vadd.f32 v6, v7  }
0x2ad: {  	v0 =	vadd.f32 v0, v1  }
0x2ae: {  	v2 =	vadd.f32 v5, v3  }
0x2af: {  	[tilespmem:$0x1DE10] =	vst v0  }
0x2b0: {  	s17 =	simm.s32 $0x0;
	[tilespmem:$0x1DE00] =	vst v2  }
0x2b1: {  	v1 =	vld [tilespmem:s17+$0x15530]  }
0x2b2: {  	v3 =	vld [tilespmem:s17+$0x15500]  }
0x2b3: {  	v4 =	vimm.f32 $0.0e+00;
	v2 =	vld [tilespmem:s17+$0x15510]  }
0x2b4: {  	s2 =	simm.s32 $0x100;
	v7 =	vimm.f32 $0.0e+00;
	v5 =	vimm.f32 $0.0e+00;
	v0 =	vimm.f32 $0.0e+00;
	v6 =	vld [tilespmem:s17+$0x15520]  }
.LBB2_62:
0x2b5: {  	p0 =	sne.s32 s2, $0x6300  }
.Ltmp30:
0x2b6: {  	s17 =	sshra.s32 s2, $0x2;
	s2 =	sadd.s32 $0x100, s2;
	v0 =	vadd.f32 v1, v0;
	(pc) =	sbr.rel @p0 .LBB2_62-.Ltmp30, $4  }
0x2b7: {  	v1 =	vld [tilespmem:s17+$0x15530];
	v5 =	vadd.f32 v3, v5  }
0x2b8: {  	v3 =	vld [tilespmem:s17+$0x15500];
	v4 =	vadd.f32 v2, v4  }
0x2b9: {  	v2 =	vld [tilespmem:s17+$0x15510];
	v7 =	vadd.f32 v6, v7  }
0x2ba: {  	v6 =	vld [tilespmem:s17+$0x15520]  }
0x2bb: {  	_ =	sdelay $0x2  }
0x2bc: {  	v0 =	vadd.f32 v1, v0;
	v1 =	vadd.f32 v2, v4  }
0x2bd: {  	v3 =	vadd.f32 v3, v5;
	v5 =	vadd.f32 v6, v7  }
0x2be: {  	v0 =	vadd.f32 v0, v1  }
0x2bf: {  	v2 =	vadd.f32 v5, v3  }
0x2c0: {  	[tilespmem:$0x1DE90] =	vst v0  }
0x2c1: {  	s17 =	simm.s32 $0x0;
	[tilespmem:$0x1DE80] =	vst v2  }
0x2c2: {  	v1 =	vld [tilespmem:s17+$0x16E30]  }
0x2c3: {  	v3 =	vld [tilespmem:s17+$0x16E00]  }
0x2c4: {  	v4 =	vimm.f32 $0.0e+00;
	v2 =	vld [tilespmem:s17+$0x16E10]  }
0x2c5: {  	s2 =	simm.s32 $0x100;
	v7 =	vimm.f32 $0.0e+00;
	v5 =	vimm.f32 $0.0e+00;
	v0 =	vimm.f32 $0.0e+00;
	v6 =	vld [tilespmem:s17+$0x16E20]  }
.LBB2_64:
0x2c6: {  	p0 =	sne.s32 s2, $0x6300  }
.Ltmp31:
0x2c7: {  	s17 =	sshra.s32 s2, $0x2;
	s2 =	sadd.s32 $0x100, s2;
	v0 =	vadd.f32 v1, v0;
	(pc) =	sbr.rel @p0 .LBB2_64-.Ltmp31, $4  }
0x2c8: {  	v1 =	vld [tilespmem:s17+$0x16E30];
	v5 =	vadd.f32 v3, v5  }
0x2c9: {  	v3 =	vld [tilespmem:s17+$0x16E00];
	v4 =	vadd.f32 v2, v4  }
0x2ca: {  	v2 =	vld [tilespmem:s17+$0x16E10];
	v7 =	vadd.f32 v6, v7  }
0x2cb: {  	v6 =	vld [tilespmem:s17+$0x16E20]  }
0x2cc: {  	_ =	sdelay $0x2  }
0x2cd: {  	v0 =	vadd.f32 v1, v0;
	v1 =	vadd.f32 v2, v4  }
0x2ce: {  	v3 =	vadd.f32 v3, v5;
	v5 =	vadd.f32 v6, v7  }
0x2cf: {  	v0 =	vadd.f32 v0, v1  }
0x2d0: {  	v2 =	vadd.f32 v5, v3  }
0x2d1: {  	[tilespmem:$0x1DF10] =	vst v0  }
0x2d2: {  	s17 =	simm.s32 $0x0;
	[tilespmem:$0x1DF00] =	vst v2  }
0x2d3: {  	v1 =	vld [tilespmem:s17+$0x18730]  }
0x2d4: {  	v3 =	vld [tilespmem:s17+$0x18700]  }
0x2d5: {  	v4 =	vimm.f32 $0.0e+00;
	v2 =	vld [tilespmem:s17+$0x18710]  }
0x2d6: {  	s2 =	simm.s32 $0x100;
	v7 =	vimm.f32 $0.0e+00;
	v5 =	vimm.f32 $0.0e+00;
	v0 =	vimm.f32 $0.0e+00;
	v6 =	vld [tilespmem:s17+$0x18720]  }
.LBB2_66:
0x2d7: {  	p0 =	sne.s32 s2, $0x6300  }
.Ltmp32:
0x2d8: {  	s17 =	sshra.s32 s2, $0x2;
	s2 =	sadd.s32 $0x100, s2;
	v0 =	vadd.f32 v1, v0;
	(pc) =	sbr.rel @p0 .LBB2_66-.Ltmp32, $4  }
0x2d9: {  	v1 =	vld [tilespmem:s17+$0x18730];
	v5 =	vadd.f32 v3, v5  }
0x2da: {  	v3 =	vld [tilespmem:s17+$0x18700];
	v4 =	vadd.f32 v2, v4  }
0x2db: {  	v2 =	vld [tilespmem:s17+$0x18710];
	v7 =	vadd.f32 v6, v7  }
0x2dc: {  	v6 =	vld [tilespmem:s17+$0x18720]  }
0x2dd: {  	_ =	sdelay $0x2  }
0x2de: {  	v0 =	vadd.f32 v1, v0;
	v62 =	vadd.f32 v2, v4  }
0x2df: {  	v3 =	vadd.f32 v3, v5;
	v61 =	vadd.f32 v6, v7  }
0x2e0: {  	v0 =	vadd.f32 v0, v62  }
0x2e1: {  	v63 =	vadd.f32 v61, v3  }
0x2e2: {  	[tilespmem:$0x1DF90] =	vst v0  }
0x2e3: {  	s17 =	simm.s32 $0x0;
	s2 =	rddreg [dreg:$0x6];
	s19 =	simm.s32 $0x1A000;
	[tilespmem:$0x1DF80] =	vst v63  }
0x2e4: {  	[hbm4b:s2+s17] =	stream.linear.scatter [tilespmem:s19], [sflag:$0x3], $0x4000, $0x38;
	[tilespmem:$0x1E000] =	vst v63  }
0x2e5: {  	_ =	swait.ge [sflag:s14], $0x4000  }
0x2e6: {  	s21 =	rddreg [dreg:$0x8]  }
0x2e7: {  	s22 =	rddreg [dreg:$0x7];
	s19 =	sadd.s32 $0x1, s21  }
0x2e8: {  	p0 =	sne.s32 s19, s22  }
.Ltmp33:
0x2e9: {  	_ = 	snop;
	(pc) =	sbr.rel @p0 .LBB2_1-.Ltmp33, $3  }
0x2ea: {  	_ =	sdelay $0x1  }
0x2eb: {  	[sflag:s14] =	ssyncset.done $0x0  }
0x2ec: {  	[sflag:s14] =	ssyncadd.s32 $0xFFFFC000  }
0x2ed: {  	_ =	sfence.sel $0x180000  }
0x2ee: {  	[bflag:$0x0] =	sbarrier.arrive $0xFFFF  }
0x2ef: {  	_ =	strace $0x90000047  }
0x2f0: {  	s0 =	stileid.u32;
	[bflag:$0x2] =	sbarrier.arrive $0xFFFF  }
0x2f1: {  	p0 =	sne.s32 s0, $0x0;
	s0 =	rddreg [dreg:$0x1]  }
0x2f2: {  	s0 =	sadd.s32 @!p0 $0x100000, s0  }
0x2f3: {  	[sflag:s0] =	ssyncadd.tile.s32 @!p0 $0x1;
	_ =	shalt  }
.Lfunc_end2:
_tile_overlayer_lowered:
.L_overlay_start_2:
0x2f4: {  	(tag) =	ssettag $0x2  }
0x2f5: {  	s0 =	rddreg [dreg:$0x0];
	s2 =	stileid.u32  }
0x2f6: {  	s1 =	rddreg [dreg:$0x1];
	p0 =	sne.s32 s2, $0x0  }
0x2f7: {  	s3 =	rddreg [dreg:$0x2];
	[bflag:$0x3] =	sbarrier.arrive $0xFFFF;
	s2 =	simm.s32 @!p0 $0x1C03  }
0x2f8: {  	[timem:s3], [sflag:s2] =	dma.local @!p0 [hbm:s0], s1  }
0x2f9: {  	s0 =	simm.s32 @!p0 $0x3  }
0x2fa: {  	_ =	swait.ge @!p0 [sflag:s0], s1  }
0x2fb: {  	s1 =	ssub.s32 @!p0 $0x0, s1;
	[sflag:s0] =	ssyncset.done @!p0 $0x0  }
0x2fc: {  	[sflag:s0] =	ssyncadd.s32 @!p0 s1  }
0x2fd: {  	[bflag:$0x3] =	sbarrier.arrive $0xFFFF  }
0x2fe: {  	_ =	shalt  }

</sc_bundles>
